<compile_context>
chip_gen: v7x
topology: tpu7x:2x2x1
jax: 0.10.2.dev20260603
libtpu: 0.0.44.dev20260713+nightly
codegen_flags: <defaults>
</compile_context>

<pallas_src>
import jax
import jax.numpy as jnp
from jax import lax
from jax.experimental import pallas as pl
from jax.experimental.pallas import tpu as pltpu
from jax.experimental.pallas import tpu_sc as plsc

NN = 100000
EE = 3200000
NC, NS = 2, 16
NW = NC * NS
ROW = 128
KI = 16
TROWS = 784
EPROWS = NW * TROWS
EPAD = EPROWS * ROW
NPAD = 100352
NZ = NPAD // NS
OUTER = TROWS // KI

_mesh = plsc.VectorSubcoreMesh(
    core_axis_name="c", subcore_axis_name="s", num_cores=NC, num_subcores=NS
)


def _deg_body(dst_hbm, zeros_hbm, ones_hbm, out_hbm, idx_v, ones_v, acc_sh, sem):
    c = lax.axis_index("c")
    s = lax.axis_index("s")
    off = s * NZ
    pltpu.sync_copy(zeros_hbm, acc_sh.at[pl.ds(off, NZ)])
    pltpu.sync_copy(ones_hbm, ones_v)
    plsc.subcore_barrier()
    row0 = (c * NS + s) * TROWS

    def step(i, carry):
        pltpu.sync_copy(dst_hbm.at[pl.ds(row0 + i * KI, KI)], idx_v)
        hs = [
            pltpu.async_copy(ones_v, acc_sh.at[idx_v.at[j]], sem, add=True)
            for j in range(KI)
        ]
        for h in hs:
            h.wait()
        return carry

    lax.fori_loop(0, OUTER, step, 0)
    plsc.subcore_barrier()
    pltpu.sync_copy(acc_sh.at[pl.ds(off, NZ)], out_hbm.at[c, pl.ds(off, NZ)])


KG = 8


def _passa_body(src_hbm, dst_hbm, u_hbm, zeros_hbm, out_hbm,
                si_v, di_v, val_v, u_sh, acc_sh, semg, sems, semi):
    c = lax.axis_index("c")
    s = lax.axis_index("s")
    off = s * NZ
    pltpu.sync_copy(zeros_hbm, acc_sh.at[pl.ds(off, NZ)])
    pltpu.sync_copy(u_hbm.at[pl.ds(off, NZ)], u_sh.at[pl.ds(off, NZ)])
    plsc.subcore_barrier()
    row0 = (c * NS + s) * TROWS

    def step(i, carry):
        b = row0 + i * KI
        hd = pltpu.async_copy(dst_hbm.at[pl.ds(b, KI)], di_v, semi)
        pltpu.sync_copy(src_hbm.at[pl.ds(b, KI)], si_v)
        ga = [
            pltpu.async_copy(u_sh.at[si_v.at[k]], val_v.at[k], semg)
            for k in range(KG)
        ]
        for h in ga:
            h.wait()
        hd.wait()
        sa = [
            pltpu.async_copy(val_v.at[k], acc_sh.at[di_v.at[k]], sems, add=True)
            for k in range(KG)
        ]
        gb = [
            pltpu.async_copy(u_sh.at[si_v.at[KG + k]], val_v.at[KG + k], semg)
            for k in range(KG)
        ]
        for h in sa:
            h.wait()
        for h in gb:
            h.wait()
        sb = [
            pltpu.async_copy(val_v.at[KG + k], acc_sh.at[di_v.at[KG + k]],
                             sems, add=True)
            for k in range(KG)
        ]
        for h in sb:
            h.wait()
        return carry

    lax.fori_loop(0, OUTER, step, 0)
    plsc.subcore_barrier()
    pltpu.sync_copy(acc_sh.at[pl.ds(off, NZ)], out_hbm.at[c, pl.ds(off, NZ)])


KB = 4


def _passb_body(src_hbm, dst_hbm, a_hbm, c_hbm, zeros_hbm, out_hbm,
                si_v, di_v, vala_v, valc_v, a_sh, c_sh, acca_sh, accc_sh,
                semg, sems, semi):
    c = lax.axis_index("c")
    s = lax.axis_index("s")
    off = s * NZ
    pltpu.sync_copy(zeros_hbm, acca_sh.at[pl.ds(off, NZ)])
    pltpu.sync_copy(zeros_hbm, accc_sh.at[pl.ds(off, NZ)])
    pltpu.sync_copy(a_hbm.at[pl.ds(off, NZ)], a_sh.at[pl.ds(off, NZ)])
    pltpu.sync_copy(c_hbm.at[pl.ds(off, NZ)], c_sh.at[pl.ds(off, NZ)])
    plsc.subcore_barrier()
    row0 = (c * NS + s) * TROWS

    def step(i, carry):
        b = row0 + i * KI
        hd = pltpu.async_copy(dst_hbm.at[pl.ds(b, KI)], di_v, semi)
        pltpu.sync_copy(src_hbm.at[pl.ds(b, KI)], si_v)
        hd.wait()

        def chunk(q, cc):
            jb = q * (2 * KB)
            ga = []
            for k in range(KB):
                ga.append(pltpu.async_copy(
                    a_sh.at[si_v.at[jb + k]], vala_v.at[k], semg))
                ga.append(pltpu.async_copy(
                    c_sh.at[si_v.at[jb + k]], valc_v.at[k], semg))
            for h in ga:
                h.wait()
            sa = []
            for k in range(KB):
                sa.append(pltpu.async_copy(
                    vala_v.at[k], acca_sh.at[di_v.at[jb + k]], sems, add=True))
                sa.append(pltpu.async_copy(
                    valc_v.at[k], accc_sh.at[di_v.at[jb + k]], sems, add=True))
            gb = []
            for k in range(KB):
                gb.append(pltpu.async_copy(
                    a_sh.at[si_v.at[jb + KB + k]], vala_v.at[KB + k], semg))
                gb.append(pltpu.async_copy(
                    c_sh.at[si_v.at[jb + KB + k]], valc_v.at[KB + k], semg))
            for h in sa:
                h.wait()
            for h in gb:
                h.wait()
            sb = []
            for k in range(KB):
                sb.append(pltpu.async_copy(
                    vala_v.at[KB + k], acca_sh.at[di_v.at[jb + KB + k]],
                    sems, add=True))
                sb.append(pltpu.async_copy(
                    valc_v.at[KB + k], accc_sh.at[di_v.at[jb + KB + k]],
                    sems, add=True))
            for h in sb:
                h.wait()
            return cc

        lax.fori_loop(0, KI // (2 * KB), chunk, 0)
        return carry

    lax.fori_loop(0, OUTER, step, 0)
    plsc.subcore_barrier()
    pltpu.sync_copy(acca_sh.at[pl.ds(off, NZ)], out_hbm.at[c, 0, pl.ds(off, NZ)])
    pltpu.sync_copy(accc_sh.at[pl.ds(off, NZ)], out_hbm.at[c, 1, pl.ds(off, NZ)])


_deg_call = pl.kernel(
    _deg_body,
    out_type=jax.ShapeDtypeStruct((NC, NPAD), jnp.float32),
    mesh=_mesh,
    scratch_types=[
        pltpu.VMEM((KI, ROW), jnp.int32),
        pltpu.VMEM((ROW,), jnp.float32),
        pltpu.VMEM_SHARED((NPAD,), jnp.float32),
        pltpu.SemaphoreType.DMA,
    ],
)

_passa_call = pl.kernel(
    _passa_body,
    out_type=jax.ShapeDtypeStruct((NC, NPAD), jnp.float32),
    mesh=_mesh,
    scratch_types=[
        pltpu.VMEM((KI, ROW), jnp.int32),
        pltpu.VMEM((KI, ROW), jnp.int32),
        pltpu.VMEM((2 * KG, ROW), jnp.float32),
        pltpu.VMEM_SHARED((NPAD,), jnp.float32),
        pltpu.VMEM_SHARED((NPAD,), jnp.float32),
        pltpu.SemaphoreType.DMA,
        pltpu.SemaphoreType.DMA,
        pltpu.SemaphoreType.DMA,
    ],
)

_passb_call = pl.kernel(
    _passb_body,
    out_type=jax.ShapeDtypeStruct((NC, 2, NPAD), jnp.float32),
    mesh=_mesh,
    scratch_types=[
        pltpu.VMEM((KI, ROW), jnp.int32),
        pltpu.VMEM((KI, ROW), jnp.int32),
        pltpu.VMEM((2 * KB, ROW), jnp.float32),
        pltpu.VMEM((2 * KB, ROW), jnp.float32),
        pltpu.VMEM_SHARED((NPAD,), jnp.float32),
        pltpu.VMEM_SHARED((NPAD,), jnp.float32),
        pltpu.VMEM_SHARED((NPAD,), jnp.float32),
        pltpu.VMEM_SHARED((NPAD,), jnp.float32),
        pltpu.SemaphoreType.DMA,
        pltpu.SemaphoreType.DMA,
        pltpu.SemaphoreType.DMA,
    ],
)



def _tc1_body(degp_ref, x_ref, dis_ref, u_ref):
    d = degp_ref[0] + degp_ref[1] + 1.0
    dis = lax.rsqrt(d)
    dis_ref[...] = dis
    u_ref[...] = dis * x_ref[...]


def _tc2_body(ap_ref, u_ref, dis_ref, a_ref, c_ref):
    dis = dis_ref[...]
    t = dis * (ap_ref[0] + ap_ref[1] + u_ref[...])
    a_ref[...] = dis * jnp.maximum(t, 0.0)
    c_ref[...] = dis * jnp.maximum(-t, 0.0)


def _tc3_body(bp_ref, a_ref, c_ref, dis_ref, w1t_ref, w2t_ref, b2_ref, out_ref):
    dis = dis_ref[...]
    sa = (dis * (bp_ref[0, 0] + bp_ref[1, 0] + a_ref[...])).reshape(1, NPAD)
    sc = (dis * (bp_ref[0, 1] + bp_ref[1, 1] + c_ref[...])).reshape(1, NPAD)
    w1row = w1t_ref[...].reshape(1, 16)
    v1 = jnp.sum(w2t_ref[...] * jnp.maximum(w1row, 0.0), axis=1, keepdims=True)
    v2 = jnp.sum(w2t_ref[...] * jnp.maximum(-w1row, 0.0), axis=1, keepdims=True)
    out_ref[...] = v1 * sa + v2 * sc + b2_ref[...]


def _tc1(degp, xpad):
    return pl.pallas_call(
        _tc1_body,
        out_shape=[
            jax.ShapeDtypeStruct((NPAD,), jnp.float32),
            jax.ShapeDtypeStruct((NPAD,), jnp.float32),
        ],
    )(degp, xpad)


def _tc2(ap, u, dis):
    return pl.pallas_call(
        _tc2_body,
        out_shape=[
            jax.ShapeDtypeStruct((NPAD,), jnp.float32),
            jax.ShapeDtypeStruct((NPAD,), jnp.float32),
        ],
    )(ap, u, dis)


def _tc3(bp, a, c, dis, w1t, w2t, b2):
    return pl.pallas_call(
        _tc3_body,
        out_shape=jax.ShapeDtypeStruct((8, NPAD), jnp.float32),
    )(bp, a, c, dis, w1t, w2t, b2)


def kernel(x, edge_index, W1, b1, W2, b2):
    src = edge_index[0]
    dst = edge_index[1]
    pad = jnp.full((EPAD - EE,), NN, dtype=jnp.int32)
    src2d = jnp.concatenate([src, pad]).reshape(EPROWS, ROW)
    dst2d = jnp.concatenate([dst, pad]).reshape(EPROWS, ROW)
    xpad = jnp.pad(x[:, 0], (0, NPAD - NN))

    zeros_nz = jnp.zeros((NZ,), jnp.float32)
    ones_row = jnp.ones((ROW,), jnp.float32)

    degp = _deg_call(dst2d, zeros_nz, ones_row)
    dis, u = _tc1(degp, xpad)

    accap = _passa_call(src2d, dst2d, u, zeros_nz)
    a, c = _tc2(accap, u, dis)

    accbp = _passb_call(src2d, dst2d, a, c, zeros_nz)
    out_t = _tc3(accbp, a, c, dis, W1.reshape(16, 1), W2.T, b2.reshape(8, 1))
    return out_t.T[:NN]

# --- scband reference (transcript-rebuilt; emitter-appended) ---
"""Pipeline reference for scband-gcn-36979668418674 (READ-ONLY COPY).

The authoritative reference and input builder live on the scoring server;
editing this copy changes nothing except your own understanding.
"""

import jax, jax.numpy as jnp
import numpy as np

N = 100000
E = 3200000


def gcn_conv(x, edge_index, W, b):
    # PyG GCNConv: linear transform, add self-loops, symmetric normalization,
    # scatter-add aggregation to destination nodes, then bias.
    src = edge_index[0]
    dst = edge_index[1]
    loop = jnp.arange(N, dtype=edge_index.dtype)
    src = jnp.concatenate([src, loop])
    dst = jnp.concatenate([dst, loop])
    deg = jnp.zeros((N,), x.dtype).at[dst].add(1.0)
    deg_inv_sqrt = jnp.where(deg > 0, jax.lax.rsqrt(jnp.maximum(deg, 1e-12)), 0.0)
    norm = deg_inv_sqrt[src] * deg_inv_sqrt[dst]
    h = x @ W
    msg = h[src] * norm[:, None]
    out = jnp.zeros((N, W.shape[1]), x.dtype).at[dst].add(msg)
    return out + b


def setup_inputs(seed: int = 0) -> dict:
    key = jax.random.key(seed)
    k1, k2, k3, k4, k5, k6 = jax.random.split(key, 6)
    x = jax.random.normal(k1, (N, 1), dtype=jnp.float32)
    edge_index = jax.random.randint(k2, (2, E), 0, N, dtype=jnp.int32)
    W1 = jax.random.normal(k3, (1, 16), dtype=jnp.float32) * (1.0 / np.sqrt(1))
    b1 = jnp.zeros((16,), dtype=jnp.float32)
    W2 = jax.random.normal(k4, (16, 8), dtype=jnp.float32) * (1.0 / np.sqrt(16))
    b2 = jnp.zeros((8,), dtype=jnp.float32)
    return {"x": x, "edge_index": edge_index, "W1": W1, "b1": b1, "W2": W2, "b2": b2}


def reference(x, edge_index, W1, b1, W2, b2):
    h = gcn_conv(x, edge_index, W1, b1)
    h = jax.nn.relu(h)
    out = gcn_conv(h, edge_index, W2, b2)
    return out

if __name__ == "__main__":
    import jax
    _d = setup_inputs()
    print(jax.jit(kernel)(*tuple(_d.values())))

</pallas_src>

<mosaic_0001>
#map = affine_map<(d0, d1) -> (0, 0)>
#map1 = affine_map<(d0, d1) -> (0)>
module attributes {stable_mosaic.version = 14 : i64} {
  func.func @_passa_body(%arg0: i32, %arg1: i32, %arg2: memref<25088x128xi32, #tpu.memory_space<hbm>>, %arg3: memref<25088x128xi32, #tpu.memory_space<hbm>>, %arg4: memref<100352xf32, #tpu.memory_space<hbm>>, %arg5: memref<6272xf32, #tpu.memory_space<hbm>>, %arg6: memref<2x100352xf32, #tpu.memory_space<hbm>>, %arg7: memref<16x128xi32, #tpu.memory_space<vmem>>, %arg8: memref<16x128xi32, #tpu.memory_space<vmem>>, %arg9: memref<16x128xf32, #tpu.memory_space<vmem>>, %arg10: memref<100352xf32, #tpu.memory_space<vmem_shared>>, %arg11: memref<100352xf32, #tpu.memory_space<vmem_shared>>, %arg12: memref<!tpu.dma_semaphore, #tpu.memory_space<semaphore_mem>>, %arg13: memref<!tpu.dma_semaphore, #tpu.memory_space<semaphore_mem>>, %arg14: memref<!tpu.dma_semaphore, #tpu.memory_space<semaphore_mem>>) attributes {dimension_semantics = [#tpu.dimension_semantics<core_parallel>, #tpu.dimension_semantics<subcore_parallel>], iteration_bounds = array<i64: 2, 16>, scalar_prefetch = 0 : i64, scratch_operands = 8 : i64, tpu.core_type = #tpu.core_type<sc_vector_subcore>, window_params = [{transform_indices = #map}, {transform_indices = #map}, {transform_indices = #map1}, {transform_indices = #map1}, {transform_indices = #map}]} {
    %mul3A = arith.constant 6272 : i32
    %mul3A_0 = arith.muli %arg1, %mul3A : i32
    "tpu.region"() ({
      %run_scoped3A = tpu.sem_alloc : memref<!tpu.dma_semaphore, #tpu.memory_space<semaphore_mem>>
      %dma_start3A = tpu.memref_slice %arg11[%mul3A_0] : memref<100352xf32, #tpu.memory_space<vmem_shared>> -> memref<6272xf32, #tpu.memory_space<vmem_shared>>
      tpu.enqueue_dma source(%arg5 : memref<6272xf32, #tpu.memory_space<hbm>>) target(%dma_start3A : memref<6272xf32, #tpu.memory_space<vmem_shared>>) target_semaphore(%run_scoped3A : memref<!tpu.dma_semaphore, #tpu.memory_space<semaphore_mem>>)
      %dma_wait3A = tpu.memref_slice %arg11[%mul3A_0] : memref<100352xf32, #tpu.memory_space<vmem_shared>> -> memref<6272xf32, #tpu.memory_space<vmem_shared>>
      tpu.wait_dma2 semaphore(%run_scoped3A : memref<!tpu.dma_semaphore, #tpu.memory_space<semaphore_mem>>) src(%arg5 : memref<6272xf32, #tpu.memory_space<hbm>>) dst(%dma_wait3A : memref<6272xf32, #tpu.memory_space<vmem_shared>>)
      tpu.yield
    }) : () -> ()
    "tpu.region"() ({
      %run_scoped3A = tpu.sem_alloc : memref<!tpu.dma_semaphore, #tpu.memory_space<semaphore_mem>>
      %dma_start3A = tpu.memref_slice %arg10[%mul3A_0] : memref<100352xf32, #tpu.memory_space<vmem_shared>> -> memref<6272xf32, #tpu.memory_space<vmem_shared>>
      %dma_start3A_11 = tpu.memref_slice %arg4[%mul3A_0] : memref<100352xf32, #tpu.memory_space<hbm>> -> memref<6272xf32, #tpu.memory_space<hbm>>
      tpu.enqueue_dma source(%dma_start3A_11 : memref<6272xf32, #tpu.memory_space<hbm>>) target(%dma_start3A : memref<6272xf32, #tpu.memory_space<vmem_shared>>) target_semaphore(%run_scoped3A : memref<!tpu.dma_semaphore, #tpu.memory_space<semaphore_mem>>)
      %dma_wait3A = tpu.memref_slice %arg10[%mul3A_0] : memref<100352xf32, #tpu.memory_space<vmem_shared>> -> memref<6272xf32, #tpu.memory_space<vmem_shared>>
      %dma_wait3A_12 = tpu.memref_slice %arg4[%mul3A_0] : memref<100352xf32, #tpu.memory_space<hbm>> -> memref<6272xf32, #tpu.memory_space<hbm>>
      tpu.wait_dma2 semaphore(%run_scoped3A : memref<!tpu.dma_semaphore, #tpu.memory_space<semaphore_mem>>) src(%dma_wait3A_12 : memref<6272xf32, #tpu.memory_space<hbm>>) dst(%dma_wait3A : memref<6272xf32, #tpu.memory_space<vmem_shared>>)
      tpu.yield
    }) : () -> ()
    %barrier3A = arith.constant 0 : index
    tpu.barrier barrier_id(%barrier3A)
    %mul3A_1 = arith.constant 16 : i32
    %mul3A_2 = arith.muli %arg0, %mul3A_1 : i32
    %add3A = arith.addi %mul3A_2, %arg1 : i32
    %mul3A_3 = arith.constant 784 : i32
    %mul3A_4 = arith.muli %add3A, %mul3A_3 : i32
    %scan3A = arith.constant 0 : i32
    %scan3A_5 = arith.constant 0 : i32
    %scan3A_6 = arith.constant 49 : i32
    %scan3A_7 = arith.addi %scan3A_5, %scan3A_6 : i32
    %scan3A_8 = arith.constant 1 : i32
    scf.for %scan3A_11 = %scan3A_5 to %scan3A_7 step %scan3A_8  : i32 {
      %mul3A_12 = arith.constant 16 : i32
      %mul3A_13 = arith.muli %scan3A_11, %mul3A_12 : i32
      %add3A_14 = arith.addi %mul3A_4, %mul3A_13 : i32
      %dma_start3A = arith.constant 0 : i32
      %dma_start3A_15 = tpu.memref_slice %arg3[%add3A_14, %dma_start3A] : memref<25088x128xi32, #tpu.memory_space<hbm>> -> memref<16x128xi32, #tpu.memory_space<hbm>>
      %dma_start3A_16 = arith.constant 0 : i32
      %dma_start3A_17 = tpu.memref_slice %arg3[%add3A_14, %dma_start3A_16] : memref<25088x128xi32, #tpu.memory_space<hbm>> -> memref<16x128xi32, #tpu.memory_space<hbm>>
      tpu.enqueue_dma source(%dma_start3A_17 : memref<16x128xi32, #tpu.memory_space<hbm>>) target(%arg8 : memref<16x128xi32, #tpu.memory_space<vmem>>) target_semaphore(%arg14 : memref<!tpu.dma_semaphore, #tpu.memory_space<semaphore_mem>>)
      "tpu.region"() ({
        %run_scoped3A = tpu.sem_alloc : memref<!tpu.dma_semaphore, #tpu.memory_space<semaphore_mem>>
        %dma_start3A_661 = arith.constant 0 : i32
        %dma_start3A_662 = tpu.memref_slice %arg2[%add3A_14, %dma_start3A_661] : memref<25088x128xi32, #tpu.memory_space<hbm>> -> memref<16x128xi32, #tpu.memory_space<hbm>>
        %dma_start3A_663 = arith.constant 0 : i32
        %dma_start3A_664 = tpu.memref_slice %arg2[%add3A_14, %dma_start3A_663] : memref<25088x128xi32, #tpu.memory_space<hbm>> -> memref<16x128xi32, #tpu.memory_space<hbm>>
        tpu.enqueue_dma source(%dma_start3A_664 : memref<16x128xi32, #tpu.memory_space<hbm>>) target(%arg7 : memref<16x128xi32, #tpu.memory_space<vmem>>) target_semaphore(%run_scoped3A : memref<!tpu.dma_semaphore, #tpu.memory_space<semaphore_mem>>)
        %dma_wait3A_665 = arith.constant 0 : i32
        %dma_wait3A_666 = tpu.memref_slice %arg2[%add3A_14, %dma_wait3A_665] : memref<25088x128xi32, #tpu.memory_space<hbm>> -> memref<16x128xi32, #tpu.memory_space<hbm>>
        %dma_wait3A_667 = arith.constant 0 : i32
        %dma_wait3A_668 = tpu.memref_slice %arg2[%add3A_14, %dma_wait3A_667] : memref<25088x128xi32, #tpu.memory_space<hbm>> -> memref<16x128xi32, #tpu.memory_space<hbm>>
        tpu.wait_dma2 semaphore(%run_scoped3A : memref<!tpu.dma_semaphore, #tpu.memory_space<semaphore_mem>>) src(%dma_wait3A_668 : memref<16x128xi32, #tpu.memory_space<hbm>>) dst(%arg7 : memref<16x128xi32, #tpu.memory_space<vmem>>)
        tpu.yield
      }) : () -> ()
      %dma_start3A_18 = arith.constant 0 : i32
      %dma_start3A_19 = arith.constant 0 : i32
      %dma_start3A_20 = arith.constant 0 : i32
      %dma_start3A_21 = tpu.memref_slice %arg9[%dma_start3A_19, %dma_start3A_20] : memref<16x128xf32, #tpu.memory_space<vmem>> -> memref<1x128xf32, #tpu.memory_space<vmem>>
      %dma_start3A_22 = tpu.memref_squeeze %dma_start3A_21 : memref<1x128xf32, #tpu.memory_space<vmem>> -> memref<128xf32, #tpu.memory_space<vmem>>
      %dma_start3A_23 = arith.constant 0 : i32
      %dma_start3A_24 = tpu.memref_slice %arg7[%dma_start3A_18, %dma_start3A_23] : memref<16x128xi32, #tpu.memory_space<vmem>> -> memref<1x128xi32, #tpu.memory_space<vmem>>
      %dma_start3A_25 = tpu.memref_squeeze %dma_start3A_24 : memref<1x128xi32, #tpu.memory_space<vmem>> -> memref<128xi32, #tpu.memory_space<vmem>>
      %dma_start3A_26 = arith.constant 0 : i32
      %dma_start3A_27 = tpu.memref_slice %arg10[%dma_start3A_26] : memref<100352xf32, #tpu.memory_space<vmem_shared>> -> memref<100352xf32, #tpu.memory_space<vmem_shared>>
      tpu.enqueue_indirect_dma source(%dma_start3A_27 : memref<100352xf32, #tpu.memory_space<vmem_shared>>) target(%dma_start3A_22 : memref<128xf32, #tpu.memory_space<vmem>>) offsets(%dma_start3A_25 : memref<128xi32, #tpu.memory_space<vmem>>) semaphore(%arg12 : memref<!tpu.dma_semaphore, #tpu.memory_space<semaphore_mem>>)
      %dma_start3A_28 = arith.constant 1 : i32
      %dma_start3A_29 = arith.constant 1 : i32
      %dma_start3A_30 = arith.constant 0 : i32
      %dma_start3A_31 = tpu.memref_slice %arg9[%dma_start3A_29, %dma_start3A_30] : memref<16x128xf32, #tpu.memory_space<vmem>> -> memref<1x128xf32, #tpu.memory_space<vmem>>
      %dma_start3A_32 = tpu.memref_squeeze %dma_start3A_31 : memref<1x128xf32, #tpu.memory_space<vmem>> -> memref<128xf32, #tpu.memory_space<vmem>>
      %dma_start3A_33 = arith.constant 0 : i32
      %dma_start3A_34 = tpu.memref_slice %arg7[%dma_start3A_28, %dma_start3A_33] : memref<16x128xi32, #tpu.memory_space<vmem>> -> memref<1x128xi32, #tpu.memory_space<vmem>>
      %dma_start3A_35 = tpu.memref_squeeze %dma_start3A_34 : memref<1x128xi32, #tpu.memory_space<vmem>> -> memref<128xi32, #tpu.memory_space<vmem>>
      %dma_start3A_36 = arith.constant 0 : i32
      %dma_start3A_37 = tpu.memref_slice %arg10[%dma_start3A_36] : memref<100352xf32, #tpu.memory_space<vmem_shared>> -> memref<100352xf32, #tpu.memory_space<vmem_shared>>
      tpu.enqueue_indirect_dma source(%dma_start3A_37 : memref<100352xf32, #tpu.memory_space<vmem_shared>>) target(%dma_start3A_32 : memref<128xf32, #tpu.memory_space<vmem>>) offsets(%dma_start3A_35 : memref<128xi32, #tpu.memory_space<vmem>>) semaphore(%arg12 : memref<!tpu.dma_semaphore, #tpu.memory_space<semaphore_mem>>)
      %dma_start3A_38 = arith.constant 2 : i32
      %dma_start3A_39 = arith.constant 2 : i32
      %dma_start3A_40 = arith.constant 0 : i32
      %dma_start3A_41 = tpu.memref_slice %arg9[%dma_start3A_39, %dma_start3A_40] : memref<16x128xf32, #tpu.memory_space<vmem>> -> memref<1x128xf32, #tpu.memory_space<vmem>>
      %dma_start3A_42 = tpu.memref_squeeze %dma_start3A_41 : memref<1x128xf32, #tpu.memory_space<vmem>> -> memref<128xf32, #tpu.memory_space<vmem>>
      %dma_start3A_43 = arith.constant 0 : i32
      %dma_start3A_44 = tpu.memref_slice %arg7[%dma_start3A_38, %dma_start3A_43] : memref<16x128xi32, #tpu.memory_space<vmem>> -> memref<1x128xi32, #tpu.memory_space<vmem>>
      %dma_start3A_45 = tpu.memref_squeeze %dma_start3A_44 : memref<1x128xi32, #tpu.memory_space<vmem>> -> memref<128xi32, #tpu.memory_space<vmem>>
      %dma_start3A_46 = arith.constant 0 : i32
      %dma_start3A_47 = tpu.memref_slice %arg10[%dma_start3A_46] : memref<100352xf32, #tpu.memory_space<vmem_shared>> -> memref<100352xf32, #tpu.memory_space<vmem_shared>>
      tpu.enqueue_indirect_dma source(%dma_start3A_47 : memref<100352xf32, #tpu.memory_space<vmem_shared>>) target(%dma_start3A_42 : memref<128xf32, #tpu.memory_space<vmem>>) offsets(%dma_start3A_45 : memref<128xi32, #tpu.memory_space<vmem>>) semaphore(%arg12 : memref<!tpu.dma_semaphore, #tpu.memory_space<semaphore_mem>>)
      %dma_start3A_48 = arith.constant 3 : i32
      %dma_start3A_49 = arith.constant 3 : i32
      %dma_start3A_50 = arith.constant 0 : i32
      %dma_start3A_51 = tpu.memref_slice %arg9[%dma_start3A_49, %dma_start3A_50] : memref<16x128xf32, #tpu.memory_space<vmem>> -> memref<1x128xf32, #tpu.memory_space<vmem>>
      %dma_start3A_52 = tpu.memref_squeeze %dma_start3A_51 : memref<1x128xf32, #tpu.memory_space<vmem>> -> memref<128xf32, #tpu.memory_space<vmem>>
      %dma_start3A_53 = arith.constant 0 : i32
      %dma_start3A_54 = tpu.memref_slice %arg7[%dma_start3A_48, %dma_start3A_53] : memref<16x128xi32, #tpu.memory_space<vmem>> -> memref<1x128xi32, #tpu.memory_space<vmem>>
      %dma_start3A_55 = tpu.memref_squeeze %dma_start3A_54 : memref<1x128xi32, #tpu.memory_space<vmem>> -> memref<128xi32, #tpu.memory_space<vmem>>
      %dma_start3A_56 = arith.constant 0 : i32
      %dma_start3A_57 = tpu.memref_slice %arg10[%dma_start3A_56] : memref<100352xf32, #tpu.memory_space<vmem_shared>> -> memref<100352xf32, #tpu.memory_space<vmem_shared>>
      tpu.enqueue_indirect_dma source(%dma_start3A_57 : memref<100352xf32, #tpu.memory_space<vmem_shared>>) target(%dma_start3A_52 : memref<128xf32, #tpu.memory_space<vmem>>) offsets(%dma_start3A_55 : memref<128xi32, #tpu.memory_space<vmem>>) semaphore(%arg12 : memref<!tpu.dma_semaphore, #tpu.memory_space<semaphore_mem>>)
      %dma_start3A_58 = arith.constant 4 : i32
      %dma_start3A_59 = arith.constant 4 : i32
      %dma_start3A_60 = arith.constant 0 : i32
      %dma_start3A_61 = tpu.memref_slice %arg9[%dma_start3A_59, %dma_start3A_60] : memref<16x128xf32, #tpu.memory_space<vmem>> -> memref<1x128xf32, #tpu.memory_space<vmem>>
      %dma_start3A_62 = tpu.memref_squeeze %dma_start3A_61 : memref<1x128xf32, #tpu.memory_space<vmem>> -> memref<128xf32, #tpu.memory_space<vmem>>
      %dma_start3A_63 = arith.constant 0 : i32
      %dma_start3A_64 = tpu.memref_slice %arg7[%dma_start3A_58, %dma_start3A_63] : memref<16x128xi32, #tpu.memory_space<vmem>> -> memref<1x128xi32, #tpu.memory_space<vmem>>
      %dma_start3A_65 = tpu.memref_squeeze %dma_start3A_64 : memref<1x128xi32, #tpu.memory_space<vmem>> -> memref<128xi32, #tpu.memory_space<vmem>>
      %dma_start3A_66 = arith.constant 0 : i32
      %dma_start3A_67 = tpu.memref_slice %arg10[%dma_start3A_66] : memref<100352xf32, #tpu.memory_space<vmem_shared>> -> memref<100352xf32, #tpu.memory_space<vmem_shared>>
      tpu.enqueue_indirect_dma source(%dma_start3A_67 : memref<100352xf32, #tpu.memory_space<vmem_shared>>) target(%dma_start3A_62 : memref<128xf32, #tpu.memory_space<vmem>>) offsets(%dma_start3A_65 : memref<128xi32, #tpu.memory_space<vmem>>) semaphore(%arg12 : memref<!tpu.dma_semaphore, #tpu.memory_space<semaphore_mem>>)
      %dma_start3A_68 = arith.constant 5 : i32
      %dma_start3A_69 = arith.constant 5 : i32
      %dma_start3A_70 = arith.constant 0 : i32
      %dma_start3A_71 = tpu.memref_slice %arg9[%dma_start3A_69, %dma_start3A_70] : memref<16x128xf32, #tpu.memory_space<vmem>> -> memref<1x128xf32, #tpu.memory_space<vmem>>
      %dma_start3A_72 = tpu.memref_squeeze %dma_start3A_71 : memref<1x128xf32, #tpu.memory_space<vmem>> -> memref<128xf32, #tpu.memory_space<vmem>>
      %dma_start3A_73 = arith.constant 0 : i32
      %dma_start3A_74 = tpu.memref_slice %arg7[%dma_start3A_68, %dma_start3A_73] : memref<16x128xi32, #tpu.memory_space<vmem>> -> memref<1x128xi32, #tpu.memory_space<vmem>>
      %dma_start3A_75 = tpu.memref_squeeze %dma_start3A_74 : memref<1x128xi32, #tpu.memory_space<vmem>> -> memref<128xi32, #tpu.memory_space<vmem>>
      %dma_start3A_76 = arith.constant 0 : i32
      %dma_start3A_77 = tpu.memref_slice %arg10[%dma_start3A_76] : memref<100352xf32, #tpu.memory_space<vmem_shared>> -> memref<100352xf32, #tpu.memory_space<vmem_shared>>
      tpu.enqueue_indirect_dma source(%dma_start3A_77 : memref<100352xf32, #tpu.memory_space<vmem_shared>>) target(%dma_start3A_72 : memref<128xf32, #tpu.memory_space<vmem>>) offsets(%dma_start3A_75 : memref<128xi32, #tpu.memory_space<vmem>>) semaphore(%arg12 : memref<!tpu.dma_semaphore, #tpu.memory_space<semaphore_mem>>)
      %dma_start3A_78 = arith.constant 6 : i32
      %dma_start3A_79 = arith.constant 6 : i32
      %dma_start3A_80 = arith.constant 0 : i32
      %dma_start3A_81 = tpu.memref_slice %arg9[%dma_start3A_79, %dma_start3A_80] : memref<16x128xf32, #tpu.memory_space<vmem>> -> memref<1x128xf32, #tpu.memory_space<vmem>>
      %dma_start3A_82 = tpu.memref_squeeze %dma_start3A_81 : memref<1x128xf32, #tpu.memory_space<vmem>> -> memref<128xf32, #tpu.memory_space<vmem>>
      %dma_start3A_83 = arith.constant 0 : i32
      %dma_start3A_84 = tpu.memref_slice %arg7[%dma_start3A_78, %dma_start3A_83] : memref<16x128xi32, #tpu.memory_space<vmem>> -> memref<1x128xi32, #tpu.memory_space<vmem>>
      %dma_start3A_85 = tpu.memref_squeeze %dma_start3A_84 : memref<1x128xi32, #tpu.memory_space<vmem>> -> memref<128xi32, #tpu.memory_space<vmem>>
      %dma_start3A_86 = arith.constant 0 : i32
      %dma_start3A_87 = tpu.memref_slice %arg10[%dma_start3A_86] : memref<100352xf32, #tpu.memory_space<vmem_shared>> -> memref<100352xf32, #tpu.memory_space<vmem_shared>>
      tpu.enqueue_indirect_dma source(%dma_start3A_87 : memref<100352xf32, #tpu.memory_space<vmem_shared>>) target(%dma_start3A_82 : memref<128xf32, #tpu.memory_space<vmem>>) offsets(%dma_start3A_85 : memref<128xi32, #tpu.memory_space<vmem>>) semaphore(%arg12 : memref<!tpu.dma_semaphore, #tpu.memory_space<semaphore_mem>>)
      %dma_start3A_88 = arith.constant 7 : i32
      %dma_start3A_89 = arith.constant 7 : i32
      %dma_start3A_90 = arith.constant 0 : i32
      %dma_start3A_91 = tpu.memref_slice %arg9[%dma_start3A_89, %dma_start3A_90] : memref<16x128xf32, #tpu.memory_space<vmem>> -> memref<1x128xf32, #tpu.memory_space<vmem>>
      %dma_start3A_92 = tpu.memref_squeeze %dma_start3A_91 : memref<1x128xf32, #tpu.memory_space<vmem>> -> memref<128xf32, #tpu.memory_space<vmem>>
      %dma_start3A_93 = arith.constant 0 : i32
      %dma_start3A_94 = tpu.memref_slice %arg7[%dma_start3A_88, %dma_start3A_93] : memref<16x128xi32, #tpu.memory_space<vmem>> -> memref<1x128xi32, #tpu.memory_space<vmem>>
      %dma_start3A_95 = tpu.memref_squeeze %dma_start3A_94 : memref<1x128xi32, #tpu.memory_space<vmem>> -> memref<128xi32, #tpu.memory_space<vmem>>
      %dma_start3A_96 = arith.constant 0 : i32
      %dma_start3A_97 = tpu.memref_slice %arg10[%dma_start3A_96] : memref<100352xf32, #tpu.memory_space<vmem_shared>> -> memref<100352xf32, #tpu.memory_space<vmem_shared>>
      tpu.enqueue_indirect_dma source(%dma_start3A_97 : memref<100352xf32, #tpu.memory_space<vmem_shared>>) target(%dma_start3A_92 : memref<128xf32, #tpu.memory_space<vmem>>) offsets(%dma_start3A_95 : memref<128xi32, #tpu.memory_space<vmem>>) semaphore(%arg12 : memref<!tpu.dma_semaphore, #tpu.memory_space<semaphore_mem>>)
      %dma_wait3A = arith.constant 0 : i32
      %dma_wait3A_98 = arith.constant 0 : i32
      %dma_wait3A_99 = arith.constant 0 : i32
      %dma_wait3A_100 = tpu.memref_slice %arg9[%dma_wait3A_98, %dma_wait3A_99] : memref<16x128xf32, #tpu.memory_space<vmem>> -> memref<1x128xf32, #tpu.memory_space<vmem>>
      %dma_wait3A_101 = tpu.memref_squeeze %dma_wait3A_100 : memref<1x128xf32, #tpu.memory_space<vmem>> -> memref<128xf32, #tpu.memory_space<vmem>>
      %dma_wait3A_102 = arith.constant 0 : i32
      %dma_wait3A_103 = tpu.memref_slice %arg7[%dma_wait3A, %dma_wait3A_102] : memref<16x128xi32, #tpu.memory_space<vmem>> -> memref<1x128xi32, #tpu.memory_space<vmem>>
      %dma_wait3A_104 = tpu.memref_squeeze %dma_wait3A_103 : memref<1x128xi32, #tpu.memory_space<vmem>> -> memref<128xi32, #tpu.memory_space<vmem>>
      %dma_wait3A_105 = arith.constant 0 : i32
      %dma_wait3A_106 = tpu.memref_slice %arg10[%dma_wait3A_105] : memref<100352xf32, #tpu.memory_space<vmem_shared>> -> memref<100352xf32, #tpu.memory_space<vmem_shared>>
      tpu.wait_indirect_dma semaphore(%arg12 : memref<!tpu.dma_semaphore, #tpu.memory_space<semaphore_mem>>) src(%dma_wait3A_106 : memref<100352xf32, #tpu.memory_space<vmem_shared>>) dst(%dma_wait3A_101 : memref<128xf32, #tpu.memory_space<vmem>>)
      %dma_wait3A_107 = arith.constant 1 : i32
      %dma_wait3A_108 = arith.constant 1 : i32
      %dma_wait3A_109 = arith.constant 0 : i32
      %dma_wait3A_110 = tpu.memref_slice %arg9[%dma_wait3A_108, %dma_wait3A_109] : memref<16x128xf32, #tpu.memory_space<vmem>> -> memref<1x128xf32, #tpu.memory_space<vmem>>
      %dma_wait3A_111 = tpu.memref_squeeze %dma_wait3A_110 : memref<1x128xf32, #tpu.memory_space<vmem>> -> memref<128xf32, #tpu.memory_space<vmem>>
      %dma_wait3A_112 = arith.constant 0 : i32
      %dma_wait3A_113 = tpu.memref_slice %arg7[%dma_wait3A_107, %dma_wait3A_112] : memref<16x128xi32, #tpu.memory_space<vmem>> -> memref<1x128xi32, #tpu.memory_space<vmem>>
      %dma_wait3A_114 = tpu.memref_squeeze %dma_wait3A_113 : memref<1x128xi32, #tpu.memory_space<vmem>> -> memref<128xi32, #tpu.memory_space<vmem>>
      %dma_wait3A_115 = arith.constant 0 : i32
      %dma_wait3A_116 = tpu.memref_slice %arg10[%dma_wait3A_115] : memref<100352xf32, #tpu.memory_space<vmem_shared>> -> memref<100352xf32, #tpu.memory_space<vmem_shared>>
      tpu.wait_indirect_dma semaphore(%arg12 : memref<!tpu.dma_semaphore, #tpu.memory_space<semaphore_mem>>) src(%dma_wait3A_116 : memref<100352xf32, #tpu.memory_space<vmem_shared>>) dst(%dma_wait3A_111 : memref<128xf32, #tpu.memory_space<vmem>>)
      %dma_wait3A_117 = arith.constant 2 : i32
      %dma_wait3A_118 = arith.constant 2 : i32
      %dma_wait3A_119 = arith.constant 0 : i32
      %dma_wait3A_120 = tpu.memref_slice %arg9[%dma_wait3A_118, %dma_wait3A_119] : memref<16x128xf32, #tpu.memory_space<vmem>> -> memref<1x128xf32, #tpu.memory_space<vmem>>
      %dma_wait3A_121 = tpu.memref_squeeze %dma_wait3A_120 : memref<1x128xf32, #tpu.memory_space<vmem>> -> memref<128xf32, #tpu.memory_space<vmem>>
      %dma_wait3A_122 = arith.constant 0 : i32
      %dma_wait3A_123 = tpu.memref_slice %arg7[%dma_wait3A_117, %dma_wait3A_122] : memref<16x128xi32, #tpu.memory_space<vmem>> -> memref<1x128xi32, #tpu.memory_space<vmem>>
      %dma_wait3A_124 = tpu.memref_squeeze %dma_wait3A_123 : memref<1x128xi32, #tpu.memory_space<vmem>> -> memref<128xi32, #tpu.memory_space<vmem>>
      %dma_wait3A_125 = arith.constant 0 : i32
      %dma_wait3A_126 = tpu.memref_slice %arg10[%dma_wait3A_125] : memref<100352xf32, #tpu.memory_space<vmem_shared>> -> memref<100352xf32, #tpu.memory_space<vmem_shared>>
      tpu.wait_indirect_dma semaphore(%arg12 : memref<!tpu.dma_semaphore, #tpu.memory_space<semaphore_mem>>) src(%dma_wait3A_126 : memref<100352xf32, #tpu.memory_space<vmem_shared>>) dst(%dma_wait3A_121 : memref<128xf32, #tpu.memory_space<vmem>>)
      %dma_wait3A_127 = arith.constant 3 : i32
      %dma_wait3A_128 = arith.constant 3 : i32
      %dma_wait3A_129 = arith.constant 0 : i32
      %dma_wait3A_130 = tpu.memref_slice %arg9[%dma_wait3A_128, %dma_wait3A_129] : memref<16x128xf32, #tpu.memory_space<vmem>> -> memref<1x128xf32, #tpu.memory_space<vmem>>
      %dma_wait3A_131 = tpu.memref_squeeze %dma_wait3A_130 : memref<1x128xf32, #tpu.memory_space<vmem>> -> memref<128xf32, #tpu.memory_space<vmem>>
      %dma_wait3A_132 = arith.constant 0 : i32
      %dma_wait3A_133 = tpu.memref_slice %arg7[%dma_wait3A_127, %dma_wait3A_132] : memref<16x128xi32, #tpu.memory_space<vmem>> -> memref<1x128xi32, #tpu.memory_space<vmem>>
      %dma_wait3A_134 = tpu.memref_squeeze %dma_wait3A_133 : memref<1x128xi32, #tpu.memory_space<vmem>> -> memref<128xi32, #tpu.memory_space<vmem>>
      %dma_wait3A_135 = arith.constant 0 : i32
      %dma_wait3A_136 = tpu.memref_slice %arg10[%dma_wait3A_135] : memref<100352xf32, #tpu.memory_space<vmem_shared>> -> memref<100352xf32, #tpu.memory_space<vmem_shared>>
      tpu.wait_indirect_dma semaphore(%arg12 : memref<!tpu.dma_semaphore, #tpu.memory_space<semaphore_mem>>) src(%dma_wait3A_136 : memref<100352xf32, #tpu.memory_space<vmem_shared>>) dst(%dma_wait3A_131 : memref<128xf32, #tpu.memory_space<vmem>>)
      %dma_wait3A_137 = arith.constant 4 : i32
      %dma_wait3A_138 = arith.constant 4 : i32
      %dma_wait3A_139 = arith.constant 0 : i32
      %dma_wait3A_140 = tpu.memref_slice %arg9[%dma_wait3A_138, %dma_wait3A_139] : memref<16x128xf32, #tpu.memory_space<vmem>> -> memref<1x128xf32, #tpu.memory_space<vmem>>
      %dma_wait3A_141 = tpu.memref_squeeze %dma_wait3A_140 : memref<1x128xf32, #tpu.memory_space<vmem>> -> memref<128xf32, #tpu.memory_space<vmem>>
      %dma_wait3A_142 = arith.constant 0 : i32
      %dma_wait3A_143 = tpu.memref_slice %arg7[%dma_wait3A_137, %dma_wait3A_142] : memref<16x128xi32, #tpu.memory_space<vmem>> -> memref<1x128xi32, #tpu.memory_space<vmem>>
      %dma_wait3A_144 = tpu.memref_squeeze %dma_wait3A_143 : memref<1x128xi32, #tpu.memory_space<vmem>> -> memref<128xi32, #tpu.memory_space<vmem>>
      %dma_wait3A_145 = arith.constant 0 : i32
      %dma_wait3A_146 = tpu.memref_slice %arg10[%dma_wait3A_145] : memref<100352xf32, #tpu.memory_space<vmem_shared>> -> memref<100352xf32, #tpu.memory_space<vmem_shared>>
      tpu.wait_indirect_dma semaphore(%arg12 : memref<!tpu.dma_semaphore, #tpu.memory_space<semaphore_mem>>) src(%dma_wait3A_146 : memref<100352xf32, #tpu.memory_space<vmem_shared>>) dst(%dma_wait3A_141 : memref<128xf32, #tpu.memory_space<vmem>>)
      %dma_wait3A_147 = arith.constant 5 : i32
      %dma_wait3A_148 = arith.constant 5 : i32
      %dma_wait3A_149 = arith.constant 0 : i32
      %dma_wait3A_150 = tpu.memref_slice %arg9[%dma_wait3A_148, %dma_wait3A_149] : memref<16x128xf32, #tpu.memory_space<vmem>> -> memref<1x128xf32, #tpu.memory_space<vmem>>
      %dma_wait3A_151 = tpu.memref_squeeze %dma_wait3A_150 : memref<1x128xf32, #tpu.memory_space<vmem>> -> memref<128xf32, #tpu.memory_space<vmem>>
      %dma_wait3A_152 = arith.constant 0 : i32
      %dma_wait3A_153 = tpu.memref_slice %arg7[%dma_wait3A_147, %dma_wait3A_152] : memref<16x128xi32, #tpu.memory_space<vmem>> -> memref<1x128xi32, #tpu.memory_space<vmem>>
      %dma_wait3A_154 = tpu.memref_squeeze %dma_wait3A_153 : memref<1x128xi32, #tpu.memory_space<vmem>> -> memref<128xi32, #tpu.memory_space<vmem>>
      %dma_wait3A_155 = arith.constant 0 : i32
      %dma_wait3A_156 = tpu.memref_slice %arg10[%dma_wait3A_155] : memref<100352xf32, #tpu.memory_space<vmem_shared>> -> memref<100352xf32, #tpu.memory_space<vmem_shared>>
      tpu.wait_indirect_dma semaphore(%arg12 : memref<!tpu.dma_semaphore, #tpu.memory_space<semaphore_mem>>) src(%dma_wait3A_156 : memref<100352xf32, #tpu.memory_space<vmem_shared>>) dst(%dma_wait3A_151 : memref<128xf32, #tpu.memory_space<vmem>>)
      %dma_wait3A_157 = arith.constant 6 : i32
      %dma_wait3A_158 = arith.constant 6 : i32
      %dma_wait3A_159 = arith.constant 0 : i32
      %dma_wait3A_160 = tpu.memref_slice %arg9[%dma_wait3A_158, %dma_wait3A_159] : memref<16x128xf32, #tpu.memory_space<vmem>> -> memref<1x128xf32, #tpu.memory_space<vmem>>
      %dma_wait3A_161 = tpu.memref_squeeze %dma_wait3A_160 : memref<1x128xf32, #tpu.memory_space<vmem>> -> memref<128xf32, #tpu.memory_space<vmem>>
      %dma_wait3A_162 = arith.constant 0 : i32
      %dma_wait3A_163 = tpu.memref_slice %arg7[%dma_wait3A_157, %dma_wait3A_162] : memref<16x128xi32, #tpu.memory_space<vmem>> -> memref<1x128xi32, #tpu.memory_space<vmem>>
      %dma_wait3A_164 = tpu.memref_squeeze %dma_wait3A_163 : memref<1x128xi32, #tpu.memory_space<vmem>> -> memref<128xi32, #tpu.memory_space<vmem>>
      %dma_wait3A_165 = arith.constant 0 : i32
      %dma_wait3A_166 = tpu.memref_slice %arg10[%dma_wait3A_165] : memref<100352xf32, #tpu.memory_space<vmem_shared>> -> memref<100352xf32, #tpu.memory_space<vmem_shared>>
      tpu.wait_indirect_dma semaphore(%arg12 : memref<!tpu.dma_semaphore, #tpu.memory_space<semaphore_mem>>) src(%dma_wait3A_166 : memref<100352xf32, #tpu.memory_space<vmem_shared>>) dst(%dma_wait3A_161 : memref<128xf32, #tpu.memory_space<vmem>>)
      %dma_wait3A_167 = arith.constant 7 : i32
      %dma_wait3A_168 = arith.constant 7 : i32
      %dma_wait3A_169 = arith.constant 0 : i32
      %dma_wait3A_170 = tpu.memref_slice %arg9[%dma_wait3A_168, %dma_wait3A_169] : memref<16x128xf32, #tpu.memory_space<vmem>> -> memref<1x128xf32, #tpu.memory_space<vmem>>
      %dma_wait3A_171 = tpu.memref_squeeze %dma_wait3A_170 : memref<1x128xf32, #tpu.memory_space<vmem>> -> memref<128xf32, #tpu.memory_space<vmem>>
      %dma_wait3A_172 = arith.constant 0 : i32
      %dma_wait3A_173 = tpu.memref_slice %arg7[%dma_wait3A_167, %dma_wait3A_172] : memref<16x128xi32, #tpu.memory_space<vmem>> -> memref<1x128xi32, #tpu.memory_space<vmem>>
      %dma_wait3A_174 = tpu.memref_squeeze %dma_wait3A_173 : memref<1x128xi32, #tpu.memory_space<vmem>> -> memref<128xi32, #tpu.memory_space<vmem>>
      %dma_wait3A_175 = arith.constant 0 : i32
      %dma_wait3A_176 = tpu.memref_slice %arg10[%dma_wait3A_175] : memref<100352xf32, #tpu.memory_space<vmem_shared>> -> memref<100352xf32, #tpu.memory_space<vmem_shared>>
      tpu.wait_indirect_dma semaphore(%arg12 : memref<!tpu.dma_semaphore, #tpu.memory_space<semaphore_mem>>) src(%dma_wait3A_176 : memref<100352xf32, #tpu.memory_space<vmem_shared>>) dst(%dma_wait3A_171 : memref<128xf32, #tpu.memory_space<vmem>>)
      %dma_wait3A_177 = arith.constant 0 : i32
      %dma_wait3A_178 = tpu.memref_slice %arg3[%add3A_14, %dma_wait3A_177] : memref<25088x128xi32, #tpu.memory_space<hbm>> -> memref<16x128xi32, #tpu.memory_space<hbm>>
      %dma_wait3A_179 = arith.constant 0 : i32
      %dma_wait3A_180 = tpu.memref_slice %arg3[%add3A_14, %dma_wait3A_179] : memref<25088x128xi32, #tpu.memory_space<hbm>> -> memref<16x128xi32, #tpu.memory_space<hbm>>
      tpu.wait_dma2 semaphore(%arg14 : memref<!tpu.dma_semaphore, #tpu.memory_space<semaphore_mem>>) src(%dma_wait3A_180 : memref<16x128xi32, #tpu.memory_space<hbm>>) dst(%arg8 : memref<16x128xi32, #tpu.memory_space<vmem>>)
      %dma_start3A_181 = arith.constant 0 : i32
      %dma_start3A_182 = arith.constant 0 : i32
      %dma_start3A_183 = arith.constant 0 : i32
      %dma_start3A_184 = tpu.memref_slice %arg9[%dma_start3A_181, %dma_start3A_183] : memref<16x128xf32, #tpu.memory_space<vmem>> -> memref<1x128xf32, #tpu.memory_space<vmem>>
      %dma_start3A_185 = tpu.memref_squeeze %dma_start3A_184 : memref<1x128xf32, #tpu.memory_space<vmem>> -> memref<128xf32, #tpu.memory_space<vmem>>
      %dma_start3A_186 = arith.constant 0 : i32
      %dma_start3A_187 = tpu.memref_slice %arg8[%dma_start3A_182, %dma_start3A_186] : memref<16x128xi32, #tpu.memory_space<vmem>> -> memref<1x128xi32, #tpu.memory_space<vmem>>
      %dma_start3A_188 = tpu.memref_squeeze %dma_start3A_187 : memref<1x128xi32, #tpu.memory_space<vmem>> -> memref<128xi32, #tpu.memory_space<vmem>>
      %dma_start3A_189 = arith.constant 0 : i32
      %dma_start3A_190 = tpu.memref_slice %arg11[%dma_start3A_189] : memref<100352xf32, #tpu.memory_space<vmem_shared>> -> memref<100352xf32, #tpu.memory_space<vmem_shared>>
      tpu.enqueue_indirect_dma source(%dma_start3A_185 : memref<128xf32, #tpu.memory_space<vmem>>) target(%dma_start3A_190 : memref<100352xf32, #tpu.memory_space<vmem_shared>>) offsets(%dma_start3A_188 : memref<128xi32, #tpu.memory_space<vmem>>) semaphore(%arg13 : memref<!tpu.dma_semaphore, #tpu.memory_space<semaphore_mem>>) {add = true}
      %dma_start3A_191 = arith.constant 1 : i32
      %dma_start3A_192 = arith.constant 1 : i32
      %dma_start3A_193 = arith.constant 0 : i32
      %dma_start3A_194 = tpu.memref_slice %arg9[%dma_start3A_191, %dma_start3A_193] : memref<16x128xf32, #tpu.memory_space<vmem>> -> memref<1x128xf32, #tpu.memory_space<vmem>>
      %dma_start3A_195 = tpu.memref_squeeze %dma_start3A_194 : memref<1x128xf32, #tpu.memory_space<vmem>> -> memref<128xf32, #tpu.memory_space<vmem>>
      %dma_start3A_196 = arith.constant 0 : i32
      %dma_start3A_197 = tpu.memref_slice %arg8[%dma_start3A_192, %dma_start3A_196] : memref<16x128xi32, #tpu.memory_space<vmem>> -> memref<1x128xi32, #tpu.memory_space<vmem>>
      %dma_start3A_198 = tpu.memref_squeeze %dma_start3A_197 : memref<1x128xi32, #tpu.memory_space<vmem>> -> memref<128xi32, #tpu.memory_space<vmem>>
      %dma_start3A_199 = arith.constant 0 : i32
      %dma_start3A_200 = tpu.memref_slice %arg11[%dma_start3A_199] : memref<100352xf32, #tpu.memory_space<vmem_shared>> -> memref<100352xf32, #tpu.memory_space<vmem_shared>>
      tpu.enqueue_indirect_dma source(%dma_start3A_195 : memref<128xf32, #tpu.memory_space<vmem>>) target(%dma_start3A_200 : memref<100352xf32, #tpu.memory_space<vmem_shared>>) offsets(%dma_start3A_198 : memref<128xi32, #tpu.memory_space<vmem>>) semaphore(%arg13 : memref<!tpu.dma_semaphore, #tpu.memory_space<semaphore_mem>>) {add = true}
      %dma_start3A_201 = arith.constant 2 : i32
      %dma_start3A_202 = arith.constant 2 : i32
      %dma_start3A_203 = arith.constant 0 : i32
      %dma_start3A_204 = tpu.memref_slice %arg9[%dma_start3A_201, %dma_start3A_203] : memref<16x128xf32, #tpu.memory_space<vmem>> -> memref<1x128xf32, #tpu.memory_space<vmem>>
      %dma_start3A_205 = tpu.memref_squeeze %dma_start3A_204 : memref<1x128xf32, #tpu.memory_space<vmem>> -> memref<128xf32, #tpu.memory_space<vmem>>
      %dma_start3A_206 = arith.constant 0 : i32
      %dma_start3A_207 = tpu.memref_slice %arg8[%dma_start3A_202, %dma_start3A_206] : memref<16x128xi32, #tpu.memory_space<vmem>> -> memref<1x128xi32, #tpu.memory_space<vmem>>
      %dma_start3A_208 = tpu.memref_squeeze %dma_start3A_207 : memref<1x128xi32, #tpu.memory_space<vmem>> -> memref<128xi32, #tpu.memory_space<vmem>>
      %dma_start3A_209 = arith.constant 0 : i32
      %dma_start3A_210 = tpu.memref_slice %arg11[%dma_start3A_209] : memref<100352xf32, #tpu.memory_space<vmem_shared>> -> memref<100352xf32, #tpu.memory_space<vmem_shared>>
      tpu.enqueue_indirect_dma source(%dma_start3A_205 : memref<128xf32, #tpu.memory_space<vmem>>) target(%dma_start3A_210 : memref<100352xf32, #tpu.memory_space<vmem_shared>>) offsets(%dma_start3A_208 : memref<128xi32, #tpu.memory_space<vmem>>) semaphore(%arg13 : memref<!tpu.dma_semaphore, #tpu.memory_space<semaphore_mem>>) {add = true}
      %dma_start3A_211 = arith.constant 3 : i32
      %dma_start3A_212 = arith.constant 3 : i32
      %dma_start3A_213 = arith.constant 0 : i32
      %dma_start3A_214 = tpu.memref_slice %arg9[%dma_start3A_211, %dma_start3A_213] : memref<16x128xf32, #tpu.memory_space<vmem>> -> memref<1x128xf32, #tpu.memory_space<vmem>>
      %dma_start3A_215 = tpu.memref_squeeze %dma_start3A_214 : memref<1x128xf32, #tpu.memory_space<vmem>> -> memref<128xf32, #tpu.memory_space<vmem>>
      %dma_start3A_216 = arith.constant 0 : i32
      %dma_start3A_217 = tpu.memref_slice %arg8[%dma_start3A_212, %dma_start3A_216] : memref<16x128xi32, #tpu.memory_space<vmem>> -> memref<1x128xi32, #tpu.memory_space<vmem>>
      %dma_start3A_218 = tpu.memref_squeeze %dma_start3A_217 : memref<1x128xi32, #tpu.memory_space<vmem>> -> memref<128xi32, #tpu.memory_space<vmem>>
      %dma_start3A_219 = arith.constant 0 : i32
      %dma_start3A_220 = tpu.memref_slice %arg11[%dma_start3A_219] : memref<100352xf32, #tpu.memory_space<vmem_shared>> -> memref<100352xf32, #tpu.memory_space<vmem_shared>>
      tpu.enqueue_indirect_dma source(%dma_start3A_215 : memref<128xf32, #tpu.memory_space<vmem>>) target(%dma_start3A_220 : memref<100352xf32, #tpu.memory_space<vmem_shared>>) offsets(%dma_start3A_218 : memref<128xi32, #tpu.memory_space<vmem>>) semaphore(%arg13 : memref<!tpu.dma_semaphore, #tpu.memory_space<semaphore_mem>>) {add = true}
      %dma_start3A_221 = arith.constant 4 : i32
      %dma_start3A_222 = arith.constant 4 : i32
      %dma_start3A_223 = arith.constant 0 : i32
      %dma_start3A_224 = tpu.memref_slice %arg9[%dma_start3A_221, %dma_start3A_223] : memref<16x128xf32, #tpu.memory_space<vmem>> -> memref<1x128xf32, #tpu.memory_space<vmem>>
      %dma_start3A_225 = tpu.memref_squeeze %dma_start3A_224 : memref<1x128xf32, #tpu.memory_space<vmem>> -> memref<128xf32, #tpu.memory_space<vmem>>
      %dma_start3A_226 = arith.constant 0 : i32
      %dma_start3A_227 = tpu.memref_slice %arg8[%dma_start3A_222, %dma_start3A_226] : memref<16x128xi32, #tpu.memory_space<vmem>> -> memref<1x128xi32, #tpu.memory_space<vmem>>
      %dma_start3A_228 = tpu.memref_squeeze %dma_start3A_227 : memref<1x128xi32, #tpu.memory_space<vmem>> -> memref<128xi32, #tpu.memory_space<vmem>>
      %dma_start3A_229 = arith.constant 0 : i32
      %dma_start3A_230 = tpu.memref_slice %arg11[%dma_start3A_229] : memref<100352xf32, #tpu.memory_space<vmem_shared>> -> memref<100352xf32, #tpu.memory_space<vmem_shared>>
      tpu.enqueue_indirect_dma source(%dma_start3A_225 : memref<128xf32, #tpu.memory_space<vmem>>) target(%dma_start3A_230 : memref<100352xf32, #tpu.memory_space<vmem_shared>>) offsets(%dma_start3A_228 : memref<128xi32, #tpu.memory_space<vmem>>) semaphore(%arg13 : memref<!tpu.dma_semaphore, #tpu.memory_space<semaphore_mem>>) {add = true}
      %dma_start3A_231 = arith.constant 5 : i32
      %dma_start3A_232 = arith.constant 5 : i32
      %dma_start3A_233 = arith.constant 0 : i32
      %dma_start3A_234 = tpu.memref_slice %arg9[%dma_start3A_231, %dma_start3A_233] : memref<16x128xf32, #tpu.memory_space<vmem>> -> memref<1x128xf32, #tpu.memory_space<vmem>>
      %dma_start3A_235 = tpu.memref_squeeze %dma_start3A_234 : memref<1x128xf32, #tpu.memory_space<vmem>> -> memref<128xf32, #tpu.memory_space<vmem>>
      %dma_start3A_236 = arith.constant 0 : i32
      %dma_start3A_237 = tpu.memref_slice %arg8[%dma_start3A_232, %dma_start3A_236] : memref<16x128xi32, #tpu.memory_space<vmem>> -> memref<1x128xi32, #tpu.memory_space<vmem>>
      %dma_start3A_238 = tpu.memref_squeeze %dma_start3A_237 : memref<1x128xi32, #tpu.memory_space<vmem>> -> memref<128xi32, #tpu.memory_space<vmem>>
      %dma_start3A_239 = arith.constant 0 : i32
      %dma_start3A_240 = tpu.memref_slice %arg11[%dma_start3A_239] : memref<100352xf32, #tpu.memory_space<vmem_shared>> -> memref<100352xf32, #tpu.memory_space<vmem_shared>>
      tpu.enqueue_indirect_dma source(%dma_start3A_235 : memref<128xf32, #tpu.memory_space<vmem>>) target(%dma_start3A_240 : memref<100352xf32, #tpu.memory_space<vmem_shared>>) offsets(%dma_start3A_238 : memref<128xi32, #tpu.memory_space<vmem>>) semaphore(%arg13 : memref<!tpu.dma_semaphore, #tpu.memory_space<semaphore_mem>>) {add = true}
      %dma_start3A_241 = arith.constant 6 : i32
      %dma_start3A_242 = arith.constant 6 : i32
      %dma_start3A_243 = arith.constant 0 : i32
      %dma_start3A_244 = tpu.memref_slice %arg9[%dma_start3A_241, %dma_start3A_243] : memref<16x128xf32, #tpu.memory_space<vmem>> -> memref<1x128xf32, #tpu.memory_space<vmem>>
      %dma_start3A_245 = tpu.memref_squeeze %dma_start3A_244 : memref<1x128xf32, #tpu.memory_space<vmem>> -> memref<128xf32, #tpu.memory_space<vmem>>
      %dma_start3A_246 = arith.constant 0 : i32
      %dma_start3A_247 = tpu.memref_slice %arg8[%dma_start3A_242, %dma_start3A_246] : memref<16x128xi32, #tpu.memory_space<vmem>> -> memref<1x128xi32, #tpu.memory_space<vmem>>
      %dma_start3A_248 = tpu.memref_squeeze %dma_start3A_247 : memref<1x128xi32, #tpu.memory_space<vmem>> -> memref<128xi32, #tpu.memory_space<vmem>>
      %dma_start3A_249 = arith.constant 0 : i32
      %dma_start3A_250 = tpu.memref_slice %arg11[%dma_start3A_249] : memref<100352xf32, #tpu.memory_space<vmem_shared>> -> memref<100352xf32, #tpu.memory_space<vmem_shared>>
      tpu.enqueue_indirect_dma source(%dma_start3A_245 : memref<128xf32, #tpu.memory_space<vmem>>) target(%dma_start3A_250 : memref<100352xf32, #tpu.memory_space<vmem_shared>>) offsets(%dma_start3A_248 : memref<128xi32, #tpu.memory_space<vmem>>) semaphore(%arg13 : memref<!tpu.dma_semaphore, #tpu.memory_space<semaphore_mem>>) {add = true}
      %dma_start3A_251 = arith.constant 7 : i32
      %dma_start3A_252 = arith.constant 7 : i32
      %dma_start3A_253 = arith.constant 0 : i32
      %dma_start3A_254 = tpu.memref_slice %arg9[%dma_start3A_251, %dma_start3A_253] : memref<16x128xf32, #tpu.memory_space<vmem>> -> memref<1x128xf32, #tpu.memory_space<vmem>>
      %dma_start3A_255 = tpu.memref_squeeze %dma_start3A_254 : memref<1x128xf32, #tpu.memory_space<vmem>> -> memref<128xf32, #tpu.memory_space<vmem>>
      %dma_start3A_256 = arith.constant 0 : i32
      %dma_start3A_257 = tpu.memref_slice %arg8[%dma_start3A_252, %dma_start3A_256] : memref<16x128xi32, #tpu.memory_space<vmem>> -> memref<1x128xi32, #tpu.memory_space<vmem>>
      %dma_start3A_258 = tpu.memref_squeeze %dma_start3A_257 : memref<1x128xi32, #tpu.memory_space<vmem>> -> memref<128xi32, #tpu.memory_space<vmem>>
      %dma_start3A_259 = arith.constant 0 : i32
      %dma_start3A_260 = tpu.memref_slice %arg11[%dma_start3A_259] : memref<100352xf32, #tpu.memory_space<vmem_shared>> -> memref<100352xf32, #tpu.memory_space<vmem_shared>>
      tpu.enqueue_indirect_dma source(%dma_start3A_255 : memref<128xf32, #tpu.memory_space<vmem>>) target(%dma_start3A_260 : memref<100352xf32, #tpu.memory_space<vmem_shared>>) offsets(%dma_start3A_258 : memref<128xi32, #tpu.memory_space<vmem>>) semaphore(%arg13 : memref<!tpu.dma_semaphore, #tpu.memory_space<semaphore_mem>>) {add = true}
      %dma_start3A_261 = arith.constant 8 : i32
      %dma_start3A_262 = arith.constant 8 : i32
      %dma_start3A_263 = arith.constant 0 : i32
      %dma_start3A_264 = tpu.memref_slice %arg9[%dma_start3A_262, %dma_start3A_263] : memref<16x128xf32, #tpu.memory_space<vmem>> -> memref<1x128xf32, #tpu.memory_space<vmem>>
      %dma_start3A_265 = tpu.memref_squeeze %dma_start3A_264 : memref<1x128xf32, #tpu.memory_space<vmem>> -> memref<128xf32, #tpu.memory_space<vmem>>
      %dma_start3A_266 = arith.constant 0 : i32
      %dma_start3A_267 = tpu.memref_slice %arg7[%dma_start3A_261, %dma_start3A_266] : memref<16x128xi32, #tpu.memory_space<vmem>> -> memref<1x128xi32, #tpu.memory_space<vmem>>
      %dma_start3A_268 = tpu.memref_squeeze %dma_start3A_267 : memref<1x128xi32, #tpu.memory_space<vmem>> -> memref<128xi32, #tpu.memory_space<vmem>>
      %dma_start3A_269 = arith.constant 0 : i32
      %dma_start3A_270 = tpu.memref_slice %arg10[%dma_start3A_269] : memref<100352xf32, #tpu.memory_space<vmem_shared>> -> memref<100352xf32, #tpu.memory_space<vmem_shared>>
      tpu.enqueue_indirect_dma source(%dma_start3A_270 : memref<100352xf32, #tpu.memory_space<vmem_shared>>) target(%dma_start3A_265 : memref<128xf32, #tpu.memory_space<vmem>>) offsets(%dma_start3A_268 : memref<128xi32, #tpu.memory_space<vmem>>) semaphore(%arg12 : memref<!tpu.dma_semaphore, #tpu.memory_space<semaphore_mem>>)
      %dma_start3A_271 = arith.constant 9 : i32
      %dma_start3A_272 = arith.constant 9 : i32
      %dma_start3A_273 = arith.constant 0 : i32
      %dma_start3A_274 = tpu.memref_slice %arg9[%dma_start3A_272, %dma_start3A_273] : memref<16x128xf32, #tpu.memory_space<vmem>> -> memref<1x128xf32, #tpu.memory_space<vmem>>
      %dma_start3A_275 = tpu.memref_squeeze %dma_start3A_274 : memref<1x128xf32, #tpu.memory_space<vmem>> -> memref<128xf32, #tpu.memory_space<vmem>>
      %dma_start3A_276 = arith.constant 0 : i32
      %dma_start3A_277 = tpu.memref_slice %arg7[%dma_start3A_271, %dma_start3A_276] : memref<16x128xi32, #tpu.memory_space<vmem>> -> memref<1x128xi32, #tpu.memory_space<vmem>>
      %dma_start3A_278 = tpu.memref_squeeze %dma_start3A_277 : memref<1x128xi32, #tpu.memory_space<vmem>> -> memref<128xi32, #tpu.memory_space<vmem>>
      %dma_start3A_279 = arith.constant 0 : i32
      %dma_start3A_280 = tpu.memref_slice %arg10[%dma_start3A_279] : memref<100352xf32, #tpu.memory_space<vmem_shared>> -> memref<100352xf32, #tpu.memory_space<vmem_shared>>
      tpu.enqueue_indirect_dma source(%dma_start3A_280 : memref<100352xf32, #tpu.memory_space<vmem_shared>>) target(%dma_start3A_275 : memref<128xf32, #tpu.memory_space<vmem>>) offsets(%dma_start3A_278 : memref<128xi32, #tpu.memory_space<vmem>>) semaphore(%arg12 : memref<!tpu.dma_semaphore, #tpu.memory_space<semaphore_mem>>)
      %dma_start3A_281 = arith.constant 10 : i32
      %dma_start3A_282 = arith.constant 10 : i32
      %dma_start3A_283 = arith.constant 0 : i32
      %dma_start3A_284 = tpu.memref_slice %arg9[%dma_start3A_282, %dma_start3A_283] : memref<16x128xf32, #tpu.memory_space<vmem>> -> memref<1x128xf32, #tpu.memory_space<vmem>>
      %dma_start3A_285 = tpu.memref_squeeze %dma_start3A_284 : memref<1x128xf32, #tpu.memory_space<vmem>> -> memref<128xf32, #tpu.memory_space<vmem>>
      %dma_start3A_286 = arith.constant 0 : i32
      %dma_start3A_287 = tpu.memref_slice %arg7[%dma_start3A_281, %dma_start3A_286] : memref<16x128xi32, #tpu.memory_space<vmem>> -> memref<1x128xi32, #tpu.memory_space<vmem>>
      %dma_start3A_288 = tpu.memref_squeeze %dma_start3A_287 : memref<1x128xi32, #tpu.memory_space<vmem>> -> memref<128xi32, #tpu.memory_space<vmem>>
      %dma_start3A_289 = arith.constant 0 : i32
      %dma_start3A_290 = tpu.memref_slice %arg10[%dma_start3A_289] : memref<100352xf32, #tpu.memory_space<vmem_shared>> -> memref<100352xf32, #tpu.memory_space<vmem_shared>>
      tpu.enqueue_indirect_dma source(%dma_start3A_290 : memref<100352xf32, #tpu.memory_space<vmem_shared>>) target(%dma_start3A_285 : memref<128xf32, #tpu.memory_space<vmem>>) offsets(%dma_start3A_288 : memref<128xi32, #tpu.memory_space<vmem>>) semaphore(%arg12 : memref<!tpu.dma_semaphore, #tpu.memory_space<semaphore_mem>>)
      %dma_start3A_291 = arith.constant 11 : i32
      %dma_start3A_292 = arith.constant 11 : i32
      %dma_start3A_293 = arith.constant 0 : i32
      %dma_start3A_294 = tpu.memref_slice %arg9[%dma_start3A_292, %dma_start3A_293] : memref<16x128xf32, #tpu.memory_space<vmem>> -> memref<1x128xf32, #tpu.memory_space<vmem>>
      %dma_start3A_295 = tpu.memref_squeeze %dma_start3A_294 : memref<1x128xf32, #tpu.memory_space<vmem>> -> memref<128xf32, #tpu.memory_space<vmem>>
      %dma_start3A_296 = arith.constant 0 : i32
      %dma_start3A_297 = tpu.memref_slice %arg7[%dma_start3A_291, %dma_start3A_296] : memref<16x128xi32, #tpu.memory_space<vmem>> -> memref<1x128xi32, #tpu.memory_space<vmem>>
      %dma_start3A_298 = tpu.memref_squeeze %dma_start3A_297 : memref<1x128xi32, #tpu.memory_space<vmem>> -> memref<128xi32, #tpu.memory_space<vmem>>
      %dma_start3A_299 = arith.constant 0 : i32
      %dma_start3A_300 = tpu.memref_slice %arg10[%dma_start3A_299] : memref<100352xf32, #tpu.memory_space<vmem_shared>> -> memref<100352xf32, #tpu.memory_space<vmem_shared>>
      tpu.enqueue_indirect_dma source(%dma_start3A_300 : memref<100352xf32, #tpu.memory_space<vmem_shared>>) target(%dma_start3A_295 : memref<128xf32, #tpu.memory_space<vmem>>) offsets(%dma_start3A_298 : memref<128xi32, #tpu.memory_space<vmem>>) semaphore(%arg12 : memref<!tpu.dma_semaphore, #tpu.memory_space<semaphore_mem>>)
      %dma_start3A_301 = arith.constant 12 : i32
      %dma_start3A_302 = arith.constant 12 : i32
      %dma_start3A_303 = arith.constant 0 : i32
      %dma_start3A_304 = tpu.memref_slice %arg9[%dma_start3A_302, %dma_start3A_303] : memref<16x128xf32, #tpu.memory_space<vmem>> -> memref<1x128xf32, #tpu.memory_space<vmem>>
      %dma_start3A_305 = tpu.memref_squeeze %dma_start3A_304 : memref<1x128xf32, #tpu.memory_space<vmem>> -> memref<128xf32, #tpu.memory_space<vmem>>
      %dma_start3A_306 = arith.constant 0 : i32
      %dma_start3A_307 = tpu.memref_slice %arg7[%dma_start3A_301, %dma_start3A_306] : memref<16x128xi32, #tpu.memory_space<vmem>> -> memref<1x128xi32, #tpu.memory_space<vmem>>
      %dma_start3A_308 = tpu.memref_squeeze %dma_start3A_307 : memref<1x128xi32, #tpu.memory_space<vmem>> -> memref<128xi32, #tpu.memory_space<vmem>>
      %dma_start3A_309 = arith.constant 0 : i32
      %dma_start3A_310 = tpu.memref_slice %arg10[%dma_start3A_309] : memref<100352xf32, #tpu.memory_space<vmem_shared>> -> memref<100352xf32, #tpu.memory_space<vmem_shared>>
      tpu.enqueue_indirect_dma source(%dma_start3A_310 : memref<100352xf32, #tpu.memory_space<vmem_shared>>) target(%dma_start3A_305 : memref<128xf32, #tpu.memory_space<vmem>>) offsets(%dma_start3A_308 : memref<128xi32, #tpu.memory_space<vmem>>) semaphore(%arg12 : memref<!tpu.dma_semaphore, #tpu.memory_space<semaphore_mem>>)
      %dma_start3A_311 = arith.constant 13 : i32
      %dma_start3A_312 = arith.constant 13 : i32
      %dma_start3A_313 = arith.constant 0 : i32
      %dma_start3A_314 = tpu.memref_slice %arg9[%dma_start3A_312, %dma_start3A_313] : memref<16x128xf32, #tpu.memory_space<vmem>> -> memref<1x128xf32, #tpu.memory_space<vmem>>
      %dma_start3A_315 = tpu.memref_squeeze %dma_start3A_314 : memref<1x128xf32, #tpu.memory_space<vmem>> -> memref<128xf32, #tpu.memory_space<vmem>>
      %dma_start3A_316 = arith.constant 0 : i32
      %dma_start3A_317 = tpu.memref_slice %arg7[%dma_start3A_311, %dma_start3A_316] : memref<16x128xi32, #tpu.memory_space<vmem>> -> memref<1x128xi32, #tpu.memory_space<vmem>>
      %dma_start3A_318 = tpu.memref_squeeze %dma_start3A_317 : memref<1x128xi32, #tpu.memory_space<vmem>> -> memref<128xi32, #tpu.memory_space<vmem>>
      %dma_start3A_319 = arith.constant 0 : i32
      %dma_start3A_320 = tpu.memref_slice %arg10[%dma_start3A_319] : memref<100352xf32, #tpu.memory_space<vmem_shared>> -> memref<100352xf32, #tpu.memory_space<vmem_shared>>
      tpu.enqueue_indirect_dma source(%dma_start3A_320 : memref<100352xf32, #tpu.memory_space<vmem_shared>>) target(%dma_start3A_315 : memref<128xf32, #tpu.memory_space<vmem>>) offsets(%dma_start3A_318 : memref<128xi32, #tpu.memory_space<vmem>>) semaphore(%arg12 : memref<!tpu.dma_semaphore, #tpu.memory_space<semaphore_mem>>)
      %dma_start3A_321 = arith.constant 14 : i32
      %dma_start3A_322 = arith.constant 14 : i32
      %dma_start3A_323 = arith.constant 0 : i32
      %dma_start3A_324 = tpu.memref_slice %arg9[%dma_start3A_322, %dma_start3A_323] : memref<16x128xf32, #tpu.memory_space<vmem>> -> memref<1x128xf32, #tpu.memory_space<vmem>>
      %dma_start3A_325 = tpu.memref_squeeze %dma_start3A_324 : memref<1x128xf32, #tpu.memory_space<vmem>> -> memref<128xf32, #tpu.memory_space<vmem>>
      %dma_start3A_326 = arith.constant 0 : i32
      %dma_start3A_327 = tpu.memref_slice %arg7[%dma_start3A_321, %dma_start3A_326] : memref<16x128xi32, #tpu.memory_space<vmem>> -> memref<1x128xi32, #tpu.memory_space<vmem>>
      %dma_start3A_328 = tpu.memref_squeeze %dma_start3A_327 : memref<1x128xi32, #tpu.memory_space<vmem>> -> memref<128xi32, #tpu.memory_space<vmem>>
      %dma_start3A_329 = arith.constant 0 : i32
      %dma_start3A_330 = tpu.memref_slice %arg10[%dma_start3A_329] : memref<100352xf32, #tpu.memory_space<vmem_shared>> -> memref<100352xf32, #tpu.memory_space<vmem_shared>>
      tpu.enqueue_indirect_dma source(%dma_start3A_330 : memref<100352xf32, #tpu.memory_space<vmem_shared>>) target(%dma_start3A_325 : memref<128xf32, #tpu.memory_space<vmem>>) offsets(%dma_start3A_328 : memref<128xi32, #tpu.memory_space<vmem>>) semaphore(%arg12 : memref<!tpu.dma_semaphore, #tpu.memory_space<semaphore_mem>>)
      %dma_start3A_331 = arith.constant 15 : i32
      %dma_start3A_332 = arith.constant 15 : i32
      %dma_start3A_333 = arith.constant 0 : i32
      %dma_start3A_334 = tpu.memref_slice %arg9[%dma_start3A_332, %dma_start3A_333] : memref<16x128xf32, #tpu.memory_space<vmem>> -> memref<1x128xf32, #tpu.memory_space<vmem>>
      %dma_start3A_335 = tpu.memref_squeeze %dma_start3A_334 : memref<1x128xf32, #tpu.memory_space<vmem>> -> memref<128xf32, #tpu.memory_space<vmem>>
      %dma_start3A_336 = arith.constant 0 : i32
      %dma_start3A_337 = tpu.memref_slice %arg7[%dma_start3A_331, %dma_start3A_336] : memref<16x128xi32, #tpu.memory_space<vmem>> -> memref<1x128xi32, #tpu.memory_space<vmem>>
      %dma_start3A_338 = tpu.memref_squeeze %dma_start3A_337 : memref<1x128xi32, #tpu.memory_space<vmem>> -> memref<128xi32, #tpu.memory_space<vmem>>
      %dma_start3A_339 = arith.constant 0 : i32
      %dma_start3A_340 = tpu.memref_slice %arg10[%dma_start3A_339] : memref<100352xf32, #tpu.memory_space<vmem_shared>> -> memref<100352xf32, #tpu.memory_space<vmem_shared>>
      tpu.enqueue_indirect_dma source(%dma_start3A_340 : memref<100352xf32, #tpu.memory_space<vmem_shared>>) target(%dma_start3A_335 : memref<128xf32, #tpu.memory_space<vmem>>) offsets(%dma_start3A_338 : memref<128xi32, #tpu.memory_space<vmem>>) semaphore(%arg12 : memref<!tpu.dma_semaphore, #tpu.memory_space<semaphore_mem>>)
      %dma_wait3A_341 = arith.constant 0 : i32
      %dma_wait3A_342 = arith.constant 0 : i32
      %dma_wait3A_343 = arith.constant 0 : i32
      %dma_wait3A_344 = tpu.memref_slice %arg9[%dma_wait3A_341, %dma_wait3A_343] : memref<16x128xf32, #tpu.memory_space<vmem>> -> memref<1x128xf32, #tpu.memory_space<vmem>>
      %dma_wait3A_345 = tpu.memref_squeeze %dma_wait3A_344 : memref<1x128xf32, #tpu.memory_space<vmem>> -> memref<128xf32, #tpu.memory_space<vmem>>
      %dma_wait3A_346 = arith.constant 0 : i32
      %dma_wait3A_347 = tpu.memref_slice %arg8[%dma_wait3A_342, %dma_wait3A_346] : memref<16x128xi32, #tpu.memory_space<vmem>> -> memref<1x128xi32, #tpu.memory_space<vmem>>
      %dma_wait3A_348 = tpu.memref_squeeze %dma_wait3A_347 : memref<1x128xi32, #tpu.memory_space<vmem>> -> memref<128xi32, #tpu.memory_space<vmem>>
      %dma_wait3A_349 = arith.constant 0 : i32
      %dma_wait3A_350 = tpu.memref_slice %arg11[%dma_wait3A_349] : memref<100352xf32, #tpu.memory_space<vmem_shared>> -> memref<100352xf32, #tpu.memory_space<vmem_shared>>
      tpu.wait_indirect_dma semaphore(%arg13 : memref<!tpu.dma_semaphore, #tpu.memory_space<semaphore_mem>>) src(%dma_wait3A_345 : memref<128xf32, #tpu.memory_space<vmem>>) dst(%dma_wait3A_350 : memref<100352xf32, #tpu.memory_space<vmem_shared>>)
      %dma_wait3A_351 = arith.constant 1 : i32
      %dma_wait3A_352 = arith.constant 1 : i32
      %dma_wait3A_353 = arith.constant 0 : i32
      %dma_wait3A_354 = tpu.memref_slice %arg9[%dma_wait3A_351, %dma_wait3A_353] : memref<16x128xf32, #tpu.memory_space<vmem>> -> memref<1x128xf32, #tpu.memory_space<vmem>>
      %dma_wait3A_355 = tpu.memref_squeeze %dma_wait3A_354 : memref<1x128xf32, #tpu.memory_space<vmem>> -> memref<128xf32, #tpu.memory_space<vmem>>
      %dma_wait3A_356 = arith.constant 0 : i32
      %dma_wait3A_357 = tpu.memref_slice %arg8[%dma_wait3A_352, %dma_wait3A_356] : memref<16x128xi32, #tpu.memory_space<vmem>> -> memref<1x128xi32, #tpu.memory_space<vmem>>
      %dma_wait3A_358 = tpu.memref_squeeze %dma_wait3A_357 : memref<1x128xi32, #tpu.memory_space<vmem>> -> memref<128xi32, #tpu.memory_space<vmem>>
      %dma_wait3A_359 = arith.constant 0 : i32
      %dma_wait3A_360 = tpu.memref_slice %arg11[%dma_wait3A_359] : memref<100352xf32, #tpu.memory_space<vmem_shared>> -> memref<100352xf32, #tpu.memory_space<vmem_shared>>
      tpu.wait_indirect_dma semaphore(%arg13 : memref<!tpu.dma_semaphore, #tpu.memory_space<semaphore_mem>>) src(%dma_wait3A_355 : memref<128xf32, #tpu.memory_space<vmem>>) dst(%dma_wait3A_360 : memref<100352xf32, #tpu.memory_space<vmem_shared>>)
      %dma_wait3A_361 = arith.constant 2 : i32
      %dma_wait3A_362 = arith.constant 2 : i32
      %dma_wait3A_363 = arith.constant 0 : i32
      %dma_wait3A_364 = tpu.memref_slice %arg9[%dma_wait3A_361, %dma_wait3A_363] : memref<16x128xf32, #tpu.memory_space<vmem>> -> memref<1x128xf32, #tpu.memory_space<vmem>>
      %dma_wait3A_365 = tpu.memref_squeeze %dma_wait3A_364 : memref<1x128xf32, #tpu.memory_space<vmem>> -> memref<128xf32, #tpu.memory_space<vmem>>
      %dma_wait3A_366 = arith.constant 0 : i32
      %dma_wait3A_367 = tpu.memref_slice %arg8[%dma_wait3A_362, %dma_wait3A_366] : memref<16x128xi32, #tpu.memory_space<vmem>> -> memref<1x128xi32, #tpu.memory_space<vmem>>
      %dma_wait3A_368 = tpu.memref_squeeze %dma_wait3A_367 : memref<1x128xi32, #tpu.memory_space<vmem>> -> memref<128xi32, #tpu.memory_space<vmem>>
      %dma_wait3A_369 = arith.constant 0 : i32
      %dma_wait3A_370 = tpu.memref_slice %arg11[%dma_wait3A_369] : memref<100352xf32, #tpu.memory_space<vmem_shared>> -> memref<100352xf32, #tpu.memory_space<vmem_shared>>
      tpu.wait_indirect_dma semaphore(%arg13 : memref<!tpu.dma_semaphore, #tpu.memory_space<semaphore_mem>>) src(%dma_wait3A_365 : memref<128xf32, #tpu.memory_space<vmem>>) dst(%dma_wait3A_370 : memref<100352xf32, #tpu.memory_space<vmem_shared>>)
      %dma_wait3A_371 = arith.constant 3 : i32
      %dma_wait3A_372 = arith.constant 3 : i32
      %dma_wait3A_373 = arith.constant 0 : i32
      %dma_wait3A_374 = tpu.memref_slice %arg9[%dma_wait3A_371, %dma_wait3A_373] : memref<16x128xf32, #tpu.memory_space<vmem>> -> memref<1x128xf32, #tpu.memory_space<vmem>>
      %dma_wait3A_375 = tpu.memref_squeeze %dma_wait3A_374 : memref<1x128xf32, #tpu.memory_space<vmem>> -> memref<128xf32, #tpu.memory_space<vmem>>
      %dma_wait3A_376 = arith.constant 0 : i32
      %dma_wait3A_377 = tpu.memref_slice %arg8[%dma_wait3A_372, %dma_wait3A_376] : memref<16x128xi32, #tpu.memory_space<vmem>> -> memref<1x128xi32, #tpu.memory_space<vmem>>
      %dma_wait3A_378 = tpu.memref_squeeze %dma_wait3A_377 : memref<1x128xi32, #tpu.memory_space<vmem>> -> memref<128xi32, #tpu.memory_space<vmem>>
      %dma_wait3A_379 = arith.constant 0 : i32
      %dma_wait3A_380 = tpu.memref_slice %arg11[%dma_wait3A_379] : memref<100352xf32, #tpu.memory_space<vmem_shared>> -> memref<100352xf32, #tpu.memory_space<vmem_shared>>
      tpu.wait_indirect_dma semaphore(%arg13 : memref<!tpu.dma_semaphore, #tpu.memory_space<semaphore_mem>>) src(%dma_wait3A_375 : memref<128xf32, #tpu.memory_space<vmem>>) dst(%dma_wait3A_380 : memref<100352xf32, #tpu.memory_space<vmem_shared>>)
      %dma_wait3A_381 = arith.constant 4 : i32
      %dma_wait3A_382 = arith.constant 4 : i32
      %dma_wait3A_383 = arith.constant 0 : i32
      %dma_wait3A_384 = tpu.memref_slice %arg9[%dma_wait3A_381, %dma_wait3A_383] : memref<16x128xf32, #tpu.memory_space<vmem>> -> memref<1x128xf32, #tpu.memory_space<vmem>>
      %dma_wait3A_385 = tpu.memref_squeeze %dma_wait3A_384 : memref<1x128xf32, #tpu.memory_space<vmem>> -> memref<128xf32, #tpu.memory_space<vmem>>
      %dma_wait3A_386 = arith.constant 0 : i32
      %dma_wait3A_387 = tpu.memref_slice %arg8[%dma_wait3A_382, %dma_wait3A_386] : memref<16x128xi32, #tpu.memory_space<vmem>> -> memref<1x128xi32, #tpu.memory_space<vmem>>
      %dma_wait3A_388 = tpu.memref_squeeze %dma_wait3A_387 : memref<1x128xi32, #tpu.memory_space<vmem>> -> memref<128xi32, #tpu.memory_space<vmem>>
      %dma_wait3A_389 = arith.constant 0 : i32
      %dma_wait3A_390 = tpu.memref_slice %arg11[%dma_wait3A_389] : memref<100352xf32, #tpu.memory_space<vmem_shared>> -> memref<100352xf32, #tpu.memory_space<vmem_shared>>
      tpu.wait_indirect_dma semaphore(%arg13 : memref<!tpu.dma_semaphore, #tpu.memory_space<semaphore_mem>>) src(%dma_wait3A_385 : memref<128xf32, #tpu.memory_space<vmem>>) dst(%dma_wait3A_390 : memref<100352xf32, #tpu.memory_space<vmem_shared>>)
      %dma_wait3A_391 = arith.constant 5 : i32
      %dma_wait3A_392 = arith.constant 5 : i32
      %dma_wait3A_393 = arith.constant 0 : i32
      %dma_wait3A_394 = tpu.memref_slice %arg9[%dma_wait3A_391, %dma_wait3A_393] : memref<16x128xf32, #tpu.memory_space<vmem>> -> memref<1x128xf32, #tpu.memory_space<vmem>>
      %dma_wait3A_395 = tpu.memref_squeeze %dma_wait3A_394 : memref<1x128xf32, #tpu.memory_space<vmem>> -> memref<128xf32, #tpu.memory_space<vmem>>
      %dma_wait3A_396 = arith.constant 0 : i32
      %dma_wait3A_397 = tpu.memref_slice %arg8[%dma_wait3A_392, %dma_wait3A_396] : memref<16x128xi32, #tpu.memory_space<vmem>> -> memref<1x128xi32, #tpu.memory_space<vmem>>
      %dma_wait3A_398 = tpu.memref_squeeze %dma_wait3A_397 : memref<1x128xi32, #tpu.memory_space<vmem>> -> memref<128xi32, #tpu.memory_space<vmem>>
      %dma_wait3A_399 = arith.constant 0 : i32
      %dma_wait3A_400 = tpu.memref_slice %arg11[%dma_wait3A_399] : memref<100352xf32, #tpu.memory_space<vmem_shared>> -> memref<100352xf32, #tpu.memory_space<vmem_shared>>
      tpu.wait_indirect_dma semaphore(%arg13 : memref<!tpu.dma_semaphore, #tpu.memory_space<semaphore_mem>>) src(%dma_wait3A_395 : memref<128xf32, #tpu.memory_space<vmem>>) dst(%dma_wait3A_400 : memref<100352xf32, #tpu.memory_space<vmem_shared>>)
      %dma_wait3A_401 = arith.constant 6 : i32
      %dma_wait3A_402 = arith.constant 6 : i32
      %dma_wait3A_403 = arith.constant 0 : i32
      %dma_wait3A_404 = tpu.memref_slice %arg9[%dma_wait3A_401, %dma_wait3A_403] : memref<16x128xf32, #tpu.memory_space<vmem>> -> memref<1x128xf32, #tpu.memory_space<vmem>>
      %dma_wait3A_405 = tpu.memref_squeeze %dma_wait3A_404 : memref<1x128xf32, #tpu.memory_space<vmem>> -> memref<128xf32, #tpu.memory_space<vmem>>
      %dma_wait3A_406 = arith.constant 0 : i32
      %dma_wait3A_407 = tpu.memref_slice %arg8[%dma_wait3A_402, %dma_wait3A_406] : memref<16x128xi32, #tpu.memory_space<vmem>> -> memref<1x128xi32, #tpu.memory_space<vmem>>
      %dma_wait3A_408 = tpu.memref_squeeze %dma_wait3A_407 : memref<1x128xi32, #tpu.memory_space<vmem>> -> memref<128xi32, #tpu.memory_space<vmem>>
      %dma_wait3A_409 = arith.constant 0 : i32
      %dma_wait3A_410 = tpu.memref_slice %arg11[%dma_wait3A_409] : memref<100352xf32, #tpu.memory_space<vmem_shared>> -> memref<100352xf32, #tpu.memory_space<vmem_shared>>
      tpu.wait_indirect_dma semaphore(%arg13 : memref<!tpu.dma_semaphore, #tpu.memory_space<semaphore_mem>>) src(%dma_wait3A_405 : memref<128xf32, #tpu.memory_space<vmem>>) dst(%dma_wait3A_410 : memref<100352xf32, #tpu.memory_space<vmem_shared>>)
      %dma_wait3A_411 = arith.constant 7 : i32
      %dma_wait3A_412 = arith.constant 7 : i32
      %dma_wait3A_413 = arith.constant 0 : i32
      %dma_wait3A_414 = tpu.memref_slice %arg9[%dma_wait3A_411, %dma_wait3A_413] : memref<16x128xf32, #tpu.memory_space<vmem>> -> memref<1x128xf32, #tpu.memory_space<vmem>>
      %dma_wait3A_415 = tpu.memref_squeeze %dma_wait3A_414 : memref<1x128xf32, #tpu.memory_space<vmem>> -> memref<128xf32, #tpu.memory_space<vmem>>
      %dma_wait3A_416 = arith.constant 0 : i32
      %dma_wait3A_417 = tpu.memref_slice %arg8[%dma_wait3A_412, %dma_wait3A_416] : memref<16x128xi32, #tpu.memory_space<vmem>> -> memref<1x128xi32, #tpu.memory_space<vmem>>
      %dma_wait3A_418 = tpu.memref_squeeze %dma_wait3A_417 : memref<1x128xi32, #tpu.memory_space<vmem>> -> memref<128xi32, #tpu.memory_space<vmem>>
      %dma_wait3A_419 = arith.constant 0 : i32
      %dma_wait3A_420 = tpu.memref_slice %arg11[%dma_wait3A_419] : memref<100352xf32, #tpu.memory_space<vmem_shared>> -> memref<100352xf32, #tpu.memory_space<vmem_shared>>
      tpu.wait_indirect_dma semaphore(%arg13 : memref<!tpu.dma_semaphore, #tpu.memory_space<semaphore_mem>>) src(%dma_wait3A_415 : memref<128xf32, #tpu.memory_space<vmem>>) dst(%dma_wait3A_420 : memref<100352xf32, #tpu.memory_space<vmem_shared>>)
      %dma_wait3A_421 = arith.constant 8 : i32
      %dma_wait3A_422 = arith.constant 8 : i32
      %dma_wait3A_423 = arith.constant 0 : i32
      %dma_wait3A_424 = tpu.memref_slice %arg9[%dma_wait3A_422, %dma_wait3A_423] : memref<16x128xf32, #tpu.memory_space<vmem>> -> memref<1x128xf32, #tpu.memory_space<vmem>>
      %dma_wait3A_425 = tpu.memref_squeeze %dma_wait3A_424 : memref<1x128xf32, #tpu.memory_space<vmem>> -> memref<128xf32, #tpu.memory_space<vmem>>
      %dma_wait3A_426 = arith.constant 0 : i32
      %dma_wait3A_427 = tpu.memref_slice %arg7[%dma_wait3A_421, %dma_wait3A_426] : memref<16x128xi32, #tpu.memory_space<vmem>> -> memref<1x128xi32, #tpu.memory_space<vmem>>
      %dma_wait3A_428 = tpu.memref_squeeze %dma_wait3A_427 : memref<1x128xi32, #tpu.memory_space<vmem>> -> memref<128xi32, #tpu.memory_space<vmem>>
      %dma_wait3A_429 = arith.constant 0 : i32
      %dma_wait3A_430 = tpu.memref_slice %arg10[%dma_wait3A_429] : memref<100352xf32, #tpu.memory_space<vmem_shared>> -> memref<100352xf32, #tpu.memory_space<vmem_shared>>
      tpu.wait_indirect_dma semaphore(%arg12 : memref<!tpu.dma_semaphore, #tpu.memory_space<semaphore_mem>>) src(%dma_wait3A_430 : memref<100352xf32, #tpu.memory_space<vmem_shared>>) dst(%dma_wait3A_425 : memref<128xf32, #tpu.memory_space<vmem>>)
      %dma_wait3A_431 = arith.constant 9 : i32
      %dma_wait3A_432 = arith.constant 9 : i32
      %dma_wait3A_433 = arith.constant 0 : i32
      %dma_wait3A_434 = tpu.memref_slice %arg9[%dma_wait3A_432, %dma_wait3A_433] : memref<16x128xf32, #tpu.memory_space<vmem>> -> memref<1x128xf32, #tpu.memory_space<vmem>>
      %dma_wait3A_435 = tpu.memref_squeeze %dma_wait3A_434 : memref<1x128xf32, #tpu.memory_space<vmem>> -> memref<128xf32, #tpu.memory_space<vmem>>
      %dma_wait3A_436 = arith.constant 0 : i32
      %dma_wait3A_437 = tpu.memref_slice %arg7[%dma_wait3A_431, %dma_wait3A_436] : memref<16x128xi32, #tpu.memory_space<vmem>> -> memref<1x128xi32, #tpu.memory_space<vmem>>
      %dma_wait3A_438 = tpu.memref_squeeze %dma_wait3A_437 : memref<1x128xi32, #tpu.memory_space<vmem>> -> memref<128xi32, #tpu.memory_space<vmem>>
      %dma_wait3A_439 = arith.constant 0 : i32
      %dma_wait3A_440 = tpu.memref_slice %arg10[%dma_wait3A_439] : memref<100352xf32, #tpu.memory_space<vmem_shared>> -> memref<100352xf32, #tpu.memory_space<vmem_shared>>
      tpu.wait_indirect_dma semaphore(%arg12 : memref<!tpu.dma_semaphore, #tpu.memory_space<semaphore_mem>>) src(%dma_wait3A_440 : memref<100352xf32, #tpu.memory_space<vmem_shared>>) dst(%dma_wait3A_435 : memref<128xf32, #tpu.memory_space<vmem>>)
      %dma_wait3A_441 = arith.constant 10 : i32
      %dma_wait3A_442 = arith.constant 10 : i32
      %dma_wait3A_443 = arith.constant 0 : i32
      %dma_wait3A_444 = tpu.memref_slice %arg9[%dma_wait3A_442, %dma_wait3A_443] : memref<16x128xf32, #tpu.memory_space<vmem>> -> memref<1x128xf32, #tpu.memory_space<vmem>>
      %dma_wait3A_445 = tpu.memref_squeeze %dma_wait3A_444 : memref<1x128xf32, #tpu.memory_space<vmem>> -> memref<128xf32, #tpu.memory_space<vmem>>
      %dma_wait3A_446 = arith.constant 0 : i32
      %dma_wait3A_447 = tpu.memref_slice %arg7[%dma_wait3A_441, %dma_wait3A_446] : memref<16x128xi32, #tpu.memory_space<vmem>> -> memref<1x128xi32, #tpu.memory_space<vmem>>
      %dma_wait3A_448 = tpu.memref_squeeze %dma_wait3A_447 : memref<1x128xi32, #tpu.memory_space<vmem>> -> memref<128xi32, #tpu.memory_space<vmem>>
      %dma_wait3A_449 = arith.constant 0 : i32
      %dma_wait3A_450 = tpu.memref_slice %arg10[%dma_wait3A_449] : memref<100352xf32, #tpu.memory_space<vmem_shared>> -> memref<100352xf32, #tpu.memory_space<vmem_shared>>
      tpu.wait_indirect_dma semaphore(%arg12 : memref<!tpu.dma_semaphore, #tpu.memory_space<semaphore_mem>>) src(%dma_wait3A_450 : memref<100352xf32, #tpu.memory_space<vmem_shared>>) dst(%dma_wait3A_445 : memref<128xf32, #tpu.memory_space<vmem>>)
      %dma_wait3A_451 = arith.constant 11 : i32
      %dma_wait3A_452 = arith.constant 11 : i32
      %dma_wait3A_453 = arith.constant 0 : i32
      %dma_wait3A_454 = tpu.memref_slice %arg9[%dma_wait3A_452, %dma_wait3A_453] : memref<16x128xf32, #tpu.memory_space<vmem>> -> memref<1x128xf32, #tpu.memory_space<vmem>>
      %dma_wait3A_455 = tpu.memref_squeeze %dma_wait3A_454 : memref<1x128xf32, #tpu.memory_space<vmem>> -> memref<128xf32, #tpu.memory_space<vmem>>
      %dma_wait3A_456 = arith.constant 0 : i32
      %dma_wait3A_457 = tpu.memref_slice %arg7[%dma_wait3A_451, %dma_wait3A_456] : memref<16x128xi32, #tpu.memory_space<vmem>> -> memref<1x128xi32, #tpu.memory_space<vmem>>
      %dma_wait3A_458 = tpu.memref_squeeze %dma_wait3A_457 : memref<1x128xi32, #tpu.memory_space<vmem>> -> memref<128xi32, #tpu.memory_space<vmem>>
      %dma_wait3A_459 = arith.constant 0 : i32
      %dma_wait3A_460 = tpu.memref_slice %arg10[%dma_wait3A_459] : memref<100352xf32, #tpu.memory_space<vmem_shared>> -> memref<100352xf32, #tpu.memory_space<vmem_shared>>
      tpu.wait_indirect_dma semaphore(%arg12 : memref<!tpu.dma_semaphore, #tpu.memory_space<semaphore_mem>>) src(%dma_wait3A_460 : memref<100352xf32, #tpu.memory_space<vmem_shared>>) dst(%dma_wait3A_455 : memref<128xf32, #tpu.memory_space<vmem>>)
      %dma_wait3A_461 = arith.constant 12 : i32
      %dma_wait3A_462 = arith.constant 12 : i32
      %dma_wait3A_463 = arith.constant 0 : i32
      %dma_wait3A_464 = tpu.memref_slice %arg9[%dma_wait3A_462, %dma_wait3A_463] : memref<16x128xf32, #tpu.memory_space<vmem>> -> memref<1x128xf32, #tpu.memory_space<vmem>>
      %dma_wait3A_465 = tpu.memref_squeeze %dma_wait3A_464 : memref<1x128xf32, #tpu.memory_space<vmem>> -> memref<128xf32, #tpu.memory_space<vmem>>
      %dma_wait3A_466 = arith.constant 0 : i32
      %dma_wait3A_467 = tpu.memref_slice %arg7[%dma_wait3A_461, %dma_wait3A_466] : memref<16x128xi32, #tpu.memory_space<vmem>> -> memref<1x128xi32, #tpu.memory_space<vmem>>
      %dma_wait3A_468 = tpu.memref_squeeze %dma_wait3A_467 : memref<1x128xi32, #tpu.memory_space<vmem>> -> memref<128xi32, #tpu.memory_space<vmem>>
      %dma_wait3A_469 = arith.constant 0 : i32
      %dma_wait3A_470 = tpu.memref_slice %arg10[%dma_wait3A_469] : memref<100352xf32, #tpu.memory_space<vmem_shared>> -> memref<100352xf32, #tpu.memory_space<vmem_shared>>
      tpu.wait_indirect_dma semaphore(%arg12 : memref<!tpu.dma_semaphore, #tpu.memory_space<semaphore_mem>>) src(%dma_wait3A_470 : memref<100352xf32, #tpu.memory_space<vmem_shared>>) dst(%dma_wait3A_465 : memref<128xf32, #tpu.memory_space<vmem>>)
      %dma_wait3A_471 = arith.constant 13 : i32
      %dma_wait3A_472 = arith.constant 13 : i32
      %dma_wait3A_473 = arith.constant 0 : i32
      %dma_wait3A_474 = tpu.memref_slice %arg9[%dma_wait3A_472, %dma_wait3A_473] : memref<16x128xf32, #tpu.memory_space<vmem>> -> memref<1x128xf32, #tpu.memory_space<vmem>>
      %dma_wait3A_475 = tpu.memref_squeeze %dma_wait3A_474 : memref<1x128xf32, #tpu.memory_space<vmem>> -> memref<128xf32, #tpu.memory_space<vmem>>
      %dma_wait3A_476 = arith.constant 0 : i32
      %dma_wait3A_477 = tpu.memref_slice %arg7[%dma_wait3A_471, %dma_wait3A_476] : memref<16x128xi32, #tpu.memory_space<vmem>> -> memref<1x128xi32, #tpu.memory_space<vmem>>
      %dma_wait3A_478 = tpu.memref_squeeze %dma_wait3A_477 : memref<1x128xi32, #tpu.memory_space<vmem>> -> memref<128xi32, #tpu.memory_space<vmem>>
      %dma_wait3A_479 = arith.constant 0 : i32
      %dma_wait3A_480 = tpu.memref_slice %arg10[%dma_wait3A_479] : memref<100352xf32, #tpu.memory_space<vmem_shared>> -> memref<100352xf32, #tpu.memory_space<vmem_shared>>
      tpu.wait_indirect_dma semaphore(%arg12 : memref<!tpu.dma_semaphore, #tpu.memory_space<semaphore_mem>>) src(%dma_wait3A_480 : memref<100352xf32, #tpu.memory_space<vmem_shared>>) dst(%dma_wait3A_475 : memref<128xf32, #tpu.memory_space<vmem>>)
      %dma_wait3A_481 = arith.constant 14 : i32
      %dma_wait3A_482 = arith.constant 14 : i32
      %dma_wait3A_483 = arith.constant 0 : i32
      %dma_wait3A_484 = tpu.memref_slice %arg9[%dma_wait3A_482, %dma_wait3A_483] : memref<16x128xf32, #tpu.memory_space<vmem>> -> memref<1x128xf32, #tpu.memory_space<vmem>>
      %dma_wait3A_485 = tpu.memref_squeeze %dma_wait3A_484 : memref<1x128xf32, #tpu.memory_space<vmem>> -> memref<128xf32, #tpu.memory_space<vmem>>
      %dma_wait3A_486 = arith.constant 0 : i32
      %dma_wait3A_487 = tpu.memref_slice %arg7[%dma_wait3A_481, %dma_wait3A_486] : memref<16x128xi32, #tpu.memory_space<vmem>> -> memref<1x128xi32, #tpu.memory_space<vmem>>
      %dma_wait3A_488 = tpu.memref_squeeze %dma_wait3A_487 : memref<1x128xi32, #tpu.memory_space<vmem>> -> memref<128xi32, #tpu.memory_space<vmem>>
      %dma_wait3A_489 = arith.constant 0 : i32
      %dma_wait3A_490 = tpu.memref_slice %arg10[%dma_wait3A_489] : memref<100352xf32, #tpu.memory_space<vmem_shared>> -> memref<100352xf32, #tpu.memory_space<vmem_shared>>
      tpu.wait_indirect_dma semaphore(%arg12 : memref<!tpu.dma_semaphore, #tpu.memory_space<semaphore_mem>>) src(%dma_wait3A_490 : memref<100352xf32, #tpu.memory_space<vmem_shared>>) dst(%dma_wait3A_485 : memref<128xf32, #tpu.memory_space<vmem>>)
      %dma_wait3A_491 = arith.constant 15 : i32
      %dma_wait3A_492 = arith.constant 15 : i32
      %dma_wait3A_493 = arith.constant 0 : i32
      %dma_wait3A_494 = tpu.memref_slice %arg9[%dma_wait3A_492, %dma_wait3A_493] : memref<16x128xf32, #tpu.memory_space<vmem>> -> memref<1x128xf32, #tpu.memory_space<vmem>>
      %dma_wait3A_495 = tpu.memref_squeeze %dma_wait3A_494 : memref<1x128xf32, #tpu.memory_space<vmem>> -> memref<128xf32, #tpu.memory_space<vmem>>
      %dma_wait3A_496 = arith.constant 0 : i32
      %dma_wait3A_497 = tpu.memref_slice %arg7[%dma_wait3A_491, %dma_wait3A_496] : memref<16x128xi32, #tpu.memory_space<vmem>> -> memref<1x128xi32, #tpu.memory_space<vmem>>
      %dma_wait3A_498 = tpu.memref_squeeze %dma_wait3A_497 : memref<1x128xi32, #tpu.memory_space<vmem>> -> memref<128xi32, #tpu.memory_space<vmem>>
      %dma_wait3A_499 = arith.constant 0 : i32
      %dma_wait3A_500 = tpu.memref_slice %arg10[%dma_wait3A_499] : memref<100352xf32, #tpu.memory_space<vmem_shared>> -> memref<100352xf32, #tpu.memory_space<vmem_shared>>
      tpu.wait_indirect_dma semaphore(%arg12 : memref<!tpu.dma_semaphore, #tpu.memory_space<semaphore_mem>>) src(%dma_wait3A_500 : memref<100352xf32, #tpu.memory_space<vmem_shared>>) dst(%dma_wait3A_495 : memref<128xf32, #tpu.memory_space<vmem>>)
      %dma_start3A_501 = arith.constant 8 : i32
      %dma_start3A_502 = arith.constant 8 : i32
      %dma_start3A_503 = arith.constant 0 : i32
      %dma_start3A_504 = tpu.memref_slice %arg9[%dma_start3A_501, %dma_start3A_503] : memref<16x128xf32, #tpu.memory_space<vmem>> -> memref<1x128xf32, #tpu.memory_space<vmem>>
      %dma_start3A_505 = tpu.memref_squeeze %dma_start3A_504 : memref<1x128xf32, #tpu.memory_space<vmem>> -> memref<128xf32, #tpu.memory_space<vmem>>
      %dma_start3A_506 = arith.constant 0 : i32
      %dma_start3A_507 = tpu.memref_slice %arg8[%dma_start3A_502, %dma_start3A_506] : memref<16x128xi32, #tpu.memory_space<vmem>> -> memref<1x128xi32, #tpu.memory_space<vmem>>
      %dma_start3A_508 = tpu.memref_squeeze %dma_start3A_507 : memref<1x128xi32, #tpu.memory_space<vmem>> -> memref<128xi32, #tpu.memory_space<vmem>>
      %dma_start3A_509 = arith.constant 0 : i32
      %dma_start3A_510 = tpu.memref_slice %arg11[%dma_start3A_509] : memref<100352xf32, #tpu.memory_space<vmem_shared>> -> memref<100352xf32, #tpu.memory_space<vmem_shared>>
      tpu.enqueue_indirect_dma source(%dma_start3A_505 : memref<128xf32, #tpu.memory_space<vmem>>) target(%dma_start3A_510 : memref<100352xf32, #tpu.memory_space<vmem_shared>>) offsets(%dma_start3A_508 : memref<128xi32, #tpu.memory_space<vmem>>) semaphore(%arg13 : memref<!tpu.dma_semaphore, #tpu.memory_space<semaphore_mem>>) {add = true}
      %dma_start3A_511 = arith.constant 9 : i32
      %dma_start3A_512 = arith.constant 9 : i32
      %dma_start3A_513 = arith.constant 0 : i32
      %dma_start3A_514 = tpu.memref_slice %arg9[%dma_start3A_511, %dma_start3A_513] : memref<16x128xf32, #tpu.memory_space<vmem>> -> memref<1x128xf32, #tpu.memory_space<vmem>>
      %dma_start3A_515 = tpu.memref_squeeze %dma_start3A_514 : memref<1x128xf32, #tpu.memory_space<vmem>> -> memref<128xf32, #tpu.memory_space<vmem>>
      %dma_start3A_516 = arith.constant 0 : i32
      %dma_start3A_517 = tpu.memref_slice %arg8[%dma_start3A_512, %dma_start3A_516] : memref<16x128xi32, #tpu.memory_space<vmem>> -> memref<1x128xi32, #tpu.memory_space<vmem>>
      %dma_start3A_518 = tpu.memref_squeeze %dma_start3A_517 : memref<1x128xi32, #tpu.memory_space<vmem>> -> memref<128xi32, #tpu.memory_space<vmem>>
      %dma_start3A_519 = arith.constant 0 : i32
      %dma_start3A_520 = tpu.memref_slice %arg11[%dma_start3A_519] : memref<100352xf32, #tpu.memory_space<vmem_shared>> -> memref<100352xf32, #tpu.memory_space<vmem_shared>>
      tpu.enqueue_indirect_dma source(%dma_start3A_515 : memref<128xf32, #tpu.memory_space<vmem>>) target(%dma_start3A_520 : memref<100352xf32, #tpu.memory_space<vmem_shared>>) offsets(%dma_start3A_518 : memref<128xi32, #tpu.memory_space<vmem>>) semaphore(%arg13 : memref<!tpu.dma_semaphore, #tpu.memory_space<semaphore_mem>>) {add = true}
      %dma_start3A_521 = arith.constant 10 : i32
      %dma_start3A_522 = arith.constant 10 : i32
      %dma_start3A_523 = arith.constant 0 : i32
      %dma_start3A_524 = tpu.memref_slice %arg9[%dma_start3A_521, %dma_start3A_523] : memref<16x128xf32, #tpu.memory_space<vmem>> -> memref<1x128xf32, #tpu.memory_space<vmem>>
      %dma_start3A_525 = tpu.memref_squeeze %dma_start3A_524 : memref<1x128xf32, #tpu.memory_space<vmem>> -> memref<128xf32, #tpu.memory_space<vmem>>
      %dma_start3A_526 = arith.constant 0 : i32
      %dma_start3A_527 = tpu.memref_slice %arg8[%dma_start3A_522, %dma_start3A_526] : memref<16x128xi32, #tpu.memory_space<vmem>> -> memref<1x128xi32, #tpu.memory_space<vmem>>
      %dma_start3A_528 = tpu.memref_squeeze %dma_start3A_527 : memref<1x128xi32, #tpu.memory_space<vmem>> -> memref<128xi32, #tpu.memory_space<vmem>>
      %dma_start3A_529 = arith.constant 0 : i32
      %dma_start3A_530 = tpu.memref_slice %arg11[%dma_start3A_529] : memref<100352xf32, #tpu.memory_space<vmem_shared>> -> memref<100352xf32, #tpu.memory_space<vmem_shared>>
      tpu.enqueue_indirect_dma source(%dma_start3A_525 : memref<128xf32, #tpu.memory_space<vmem>>) target(%dma_start3A_530 : memref<100352xf32, #tpu.memory_space<vmem_shared>>) offsets(%dma_start3A_528 : memref<128xi32, #tpu.memory_space<vmem>>) semaphore(%arg13 : memref<!tpu.dma_semaphore, #tpu.memory_space<semaphore_mem>>) {add = true}
      %dma_start3A_531 = arith.constant 11 : i32
      %dma_start3A_532 = arith.constant 11 : i32
      %dma_start3A_533 = arith.constant 0 : i32
      %dma_start3A_534 = tpu.memref_slice %arg9[%dma_start3A_531, %dma_start3A_533] : memref<16x128xf32, #tpu.memory_space<vmem>> -> memref<1x128xf32, #tpu.memory_space<vmem>>
      %dma_start3A_535 = tpu.memref_squeeze %dma_start3A_534 : memref<1x128xf32, #tpu.memory_space<vmem>> -> memref<128xf32, #tpu.memory_space<vmem>>
      %dma_start3A_536 = arith.constant 0 : i32
      %dma_start3A_537 = tpu.memref_slice %arg8[%dma_start3A_532, %dma_start3A_536] : memref<16x128xi32, #tpu.memory_space<vmem>> -> memref<1x128xi32, #tpu.memory_space<vmem>>
      %dma_start3A_538 = tpu.memref_squeeze %dma_start3A_537 : memref<1x128xi32, #tpu.memory_space<vmem>> -> memref<128xi32, #tpu.memory_space<vmem>>
      %dma_start3A_539 = arith.constant 0 : i32
      %dma_start3A_540 = tpu.memref_slice %arg11[%dma_start3A_539] : memref<100352xf32, #tpu.memory_space<vmem_shared>> -> memref<100352xf32, #tpu.memory_space<vmem_shared>>
      tpu.enqueue_indirect_dma source(%dma_start3A_535 : memref<128xf32, #tpu.memory_space<vmem>>) target(%dma_start3A_540 : memref<100352xf32, #tpu.memory_space<vmem_shared>>) offsets(%dma_start3A_538 : memref<128xi32, #tpu.memory_space<vmem>>) semaphore(%arg13 : memref<!tpu.dma_semaphore, #tpu.memory_space<semaphore_mem>>) {add = true}
      %dma_start3A_541 = arith.constant 12 : i32
      %dma_start3A_542 = arith.constant 12 : i32
      %dma_start3A_543 = arith.constant 0 : i32
      %dma_start3A_544 = tpu.memref_slice %arg9[%dma_start3A_541, %dma_start3A_543] : memref<16x128xf32, #tpu.memory_space<vmem>> -> memref<1x128xf32, #tpu.memory_space<vmem>>
      %dma_start3A_545 = tpu.memref_squeeze %dma_start3A_544 : memref<1x128xf32, #tpu.memory_space<vmem>> -> memref<128xf32, #tpu.memory_space<vmem>>
      %dma_start3A_546 = arith.constant 0 : i32
      %dma_start3A_547 = tpu.memref_slice %arg8[%dma_start3A_542, %dma_start3A_546] : memref<16x128xi32, #tpu.memory_space<vmem>> -> memref<1x128xi32, #tpu.memory_space<vmem>>
      %dma_start3A_548 = tpu.memref_squeeze %dma_start3A_547 : memref<1x128xi32, #tpu.memory_space<vmem>> -> memref<128xi32, #tpu.memory_space<vmem>>
      %dma_start3A_549 = arith.constant 0 : i32
      %dma_start3A_550 = tpu.memref_slice %arg11[%dma_start3A_549] : memref<100352xf32, #tpu.memory_space<vmem_shared>> -> memref<100352xf32, #tpu.memory_space<vmem_shared>>
      tpu.enqueue_indirect_dma source(%dma_start3A_545 : memref<128xf32, #tpu.memory_space<vmem>>) target(%dma_start3A_550 : memref<100352xf32, #tpu.memory_space<vmem_shared>>) offsets(%dma_start3A_548 : memref<128xi32, #tpu.memory_space<vmem>>) semaphore(%arg13 : memref<!tpu.dma_semaphore, #tpu.memory_space<semaphore_mem>>) {add = true}
      %dma_start3A_551 = arith.constant 13 : i32
      %dma_start3A_552 = arith.constant 13 : i32
      %dma_start3A_553 = arith.constant 0 : i32
      %dma_start3A_554 = tpu.memref_slice %arg9[%dma_start3A_551, %dma_start3A_553] : memref<16x128xf32, #tpu.memory_space<vmem>> -> memref<1x128xf32, #tpu.memory_space<vmem>>
      %dma_start3A_555 = tpu.memref_squeeze %dma_start3A_554 : memref<1x128xf32, #tpu.memory_space<vmem>> -> memref<128xf32, #tpu.memory_space<vmem>>
      %dma_start3A_556 = arith.constant 0 : i32
      %dma_start3A_557 = tpu.memref_slice %arg8[%dma_start3A_552, %dma_start3A_556] : memref<16x128xi32, #tpu.memory_space<vmem>> -> memref<1x128xi32, #tpu.memory_space<vmem>>
      %dma_start3A_558 = tpu.memref_squeeze %dma_start3A_557 : memref<1x128xi32, #tpu.memory_space<vmem>> -> memref<128xi32, #tpu.memory_space<vmem>>
      %dma_start3A_559 = arith.constant 0 : i32
      %dma_start3A_560 = tpu.memref_slice %arg11[%dma_start3A_559] : memref<100352xf32, #tpu.memory_space<vmem_shared>> -> memref<100352xf32, #tpu.memory_space<vmem_shared>>
      tpu.enqueue_indirect_dma source(%dma_start3A_555 : memref<128xf32, #tpu.memory_space<vmem>>) target(%dma_start3A_560 : memref<100352xf32, #tpu.memory_space<vmem_shared>>) offsets(%dma_start3A_558 : memref<128xi32, #tpu.memory_space<vmem>>) semaphore(%arg13 : memref<!tpu.dma_semaphore, #tpu.memory_space<semaphore_mem>>) {add = true}
      %dma_start3A_561 = arith.constant 14 : i32
      %dma_start3A_562 = arith.constant 14 : i32
      %dma_start3A_563 = arith.constant 0 : i32
      %dma_start3A_564 = tpu.memref_slice %arg9[%dma_start3A_561, %dma_start3A_563] : memref<16x128xf32, #tpu.memory_space<vmem>> -> memref<1x128xf32, #tpu.memory_space<vmem>>
      %dma_start3A_565 = tpu.memref_squeeze %dma_start3A_564 : memref<1x128xf32, #tpu.memory_space<vmem>> -> memref<128xf32, #tpu.memory_space<vmem>>
      %dma_start3A_566 = arith.constant 0 : i32
      %dma_start3A_567 = tpu.memref_slice %arg8[%dma_start3A_562, %dma_start3A_566] : memref<16x128xi32, #tpu.memory_space<vmem>> -> memref<1x128xi32, #tpu.memory_space<vmem>>
      %dma_start3A_568 = tpu.memref_squeeze %dma_start3A_567 : memref<1x128xi32, #tpu.memory_space<vmem>> -> memref<128xi32, #tpu.memory_space<vmem>>
      %dma_start3A_569 = arith.constant 0 : i32
      %dma_start3A_570 = tpu.memref_slice %arg11[%dma_start3A_569] : memref<100352xf32, #tpu.memory_space<vmem_shared>> -> memref<100352xf32, #tpu.memory_space<vmem_shared>>
      tpu.enqueue_indirect_dma source(%dma_start3A_565 : memref<128xf32, #tpu.memory_space<vmem>>) target(%dma_start3A_570 : memref<100352xf32, #tpu.memory_space<vmem_shared>>) offsets(%dma_start3A_568 : memref<128xi32, #tpu.memory_space<vmem>>) semaphore(%arg13 : memref<!tpu.dma_semaphore, #tpu.memory_space<semaphore_mem>>) {add = true}
      %dma_start3A_571 = arith.constant 15 : i32
      %dma_start3A_572 = arith.constant 15 : i32
      %dma_start3A_573 = arith.constant 0 : i32
      %dma_start3A_574 = tpu.memref_slice %arg9[%dma_start3A_571, %dma_start3A_573] : memref<16x128xf32, #tpu.memory_space<vmem>> -> memref<1x128xf32, #tpu.memory_space<vmem>>
      %dma_start3A_575 = tpu.memref_squeeze %dma_start3A_574 : memref<1x128xf32, #tpu.memory_space<vmem>> -> memref<128xf32, #tpu.memory_space<vmem>>
      %dma_start3A_576 = arith.constant 0 : i32
      %dma_start3A_577 = tpu.memref_slice %arg8[%dma_start3A_572, %dma_start3A_576] : memref<16x128xi32, #tpu.memory_space<vmem>> -> memref<1x128xi32, #tpu.memory_space<vmem>>
      %dma_start3A_578 = tpu.memref_squeeze %dma_start3A_577 : memref<1x128xi32, #tpu.memory_space<vmem>> -> memref<128xi32, #tpu.memory_space<vmem>>
      %dma_start3A_579 = arith.constant 0 : i32
      %dma_start3A_580 = tpu.memref_slice %arg11[%dma_start3A_579] : memref<100352xf32, #tpu.memory_space<vmem_shared>> -> memref<100352xf32, #tpu.memory_space<vmem_shared>>
      tpu.enqueue_indirect_dma source(%dma_start3A_575 : memref<128xf32, #tpu.memory_space<vmem>>) target(%dma_start3A_580 : memref<100352xf32, #tpu.memory_space<vmem_shared>>) offsets(%dma_start3A_578 : memref<128xi32, #tpu.memory_space<vmem>>) semaphore(%arg13 : memref<!tpu.dma_semaphore, #tpu.memory_space<semaphore_mem>>) {add = true}
      %dma_wait3A_581 = arith.constant 8 : i32
      %dma_wait3A_582 = arith.constant 8 : i32
      %dma_wait3A_583 = arith.constant 0 : i32
      %dma_wait3A_584 = tpu.memref_slice %arg9[%dma_wait3A_581, %dma_wait3A_583] : memref<16x128xf32, #tpu.memory_space<vmem>> -> memref<1x128xf32, #tpu.memory_space<vmem>>
      %dma_wait3A_585 = tpu.memref_squeeze %dma_wait3A_584 : memref<1x128xf32, #tpu.memory_space<vmem>> -> memref<128xf32, #tpu.memory_space<vmem>>
      %dma_wait3A_586 = arith.constant 0 : i32
      %dma_wait3A_587 = tpu.memref_slice %arg8[%dma_wait3A_582, %dma_wait3A_586] : memref<16x128xi32, #tpu.memory_space<vmem>> -> memref<1x128xi32, #tpu.memory_space<vmem>>
      %dma_wait3A_588 = tpu.memref_squeeze %dma_wait3A_587 : memref<1x128xi32, #tpu.memory_space<vmem>> -> memref<128xi32, #tpu.memory_space<vmem>>
      %dma_wait3A_589 = arith.constant 0 : i32
      %dma_wait3A_590 = tpu.memref_slice %arg11[%dma_wait3A_589] : memref<100352xf32, #tpu.memory_space<vmem_shared>> -> memref<100352xf32, #tpu.memory_space<vmem_shared>>
      tpu.wait_indirect_dma semaphore(%arg13 : memref<!tpu.dma_semaphore, #tpu.memory_space<semaphore_mem>>) src(%dma_wait3A_585 : memref<128xf32, #tpu.memory_space<vmem>>) dst(%dma_wait3A_590 : memref<100352xf32, #tpu.memory_space<vmem_shared>>)
      %dma_wait3A_591 = arith.constant 9 : i32
      %dma_wait3A_592 = arith.constant 9 : i32
      %dma_wait3A_593 = arith.constant 0 : i32
      %dma_wait3A_594 = tpu.memref_slice %arg9[%dma_wait3A_591, %dma_wait3A_593] : memref<16x128xf32, #tpu.memory_space<vmem>> -> memref<1x128xf32, #tpu.memory_space<vmem>>
      %dma_wait3A_595 = tpu.memref_squeeze %dma_wait3A_594 : memref<1x128xf32, #tpu.memory_space<vmem>> -> memref<128xf32, #tpu.memory_space<vmem>>
      %dma_wait3A_596 = arith.constant 0 : i32
      %dma_wait3A_597 = tpu.memref_slice %arg8[%dma_wait3A_592, %dma_wait3A_596] : memref<16x128xi32, #tpu.memory_space<vmem>> -> memref<1x128xi32, #tpu.memory_space<vmem>>
      %dma_wait3A_598 = tpu.memref_squeeze %dma_wait3A_597 : memref<1x128xi32, #tpu.memory_space<vmem>> -> memref<128xi32, #tpu.memory_space<vmem>>
      %dma_wait3A_599 = arith.constant 0 : i32
      %dma_wait3A_600 = tpu.memref_slice %arg11[%dma_wait3A_599] : memref<100352xf32, #tpu.memory_space<vmem_shared>> -> memref<100352xf32, #tpu.memory_space<vmem_shared>>
      tpu.wait_indirect_dma semaphore(%arg13 : memref<!tpu.dma_semaphore, #tpu.memory_space<semaphore_mem>>) src(%dma_wait3A_595 : memref<128xf32, #tpu.memory_space<vmem>>) dst(%dma_wait3A_600 : memref<100352xf32, #tpu.memory_space<vmem_shared>>)
      %dma_wait3A_601 = arith.constant 10 : i32
      %dma_wait3A_602 = arith.constant 10 : i32
      %dma_wait3A_603 = arith.constant 0 : i32
      %dma_wait3A_604 = tpu.memref_slice %arg9[%dma_wait3A_601, %dma_wait3A_603] : memref<16x128xf32, #tpu.memory_space<vmem>> -> memref<1x128xf32, #tpu.memory_space<vmem>>
      %dma_wait3A_605 = tpu.memref_squeeze %dma_wait3A_604 : memref<1x128xf32, #tpu.memory_space<vmem>> -> memref<128xf32, #tpu.memory_space<vmem>>
      %dma_wait3A_606 = arith.constant 0 : i32
      %dma_wait3A_607 = tpu.memref_slice %arg8[%dma_wait3A_602, %dma_wait3A_606] : memref<16x128xi32, #tpu.memory_space<vmem>> -> memref<1x128xi32, #tpu.memory_space<vmem>>
      %dma_wait3A_608 = tpu.memref_squeeze %dma_wait3A_607 : memref<1x128xi32, #tpu.memory_space<vmem>> -> memref<128xi32, #tpu.memory_space<vmem>>
      %dma_wait3A_609 = arith.constant 0 : i32
      %dma_wait3A_610 = tpu.memref_slice %arg11[%dma_wait3A_609] : memref<100352xf32, #tpu.memory_space<vmem_shared>> -> memref<100352xf32, #tpu.memory_space<vmem_shared>>
      tpu.wait_indirect_dma semaphore(%arg13 : memref<!tpu.dma_semaphore, #tpu.memory_space<semaphore_mem>>) src(%dma_wait3A_605 : memref<128xf32, #tpu.memory_space<vmem>>) dst(%dma_wait3A_610 : memref<100352xf32, #tpu.memory_space<vmem_shared>>)
      %dma_wait3A_611 = arith.constant 11 : i32
      %dma_wait3A_612 = arith.constant 11 : i32
      %dma_wait3A_613 = arith.constant 0 : i32
      %dma_wait3A_614 = tpu.memref_slice %arg9[%dma_wait3A_611, %dma_wait3A_613] : memref<16x128xf32, #tpu.memory_space<vmem>> -> memref<1x128xf32, #tpu.memory_space<vmem>>
      %dma_wait3A_615 = tpu.memref_squeeze %dma_wait3A_614 : memref<1x128xf32, #tpu.memory_space<vmem>> -> memref<128xf32, #tpu.memory_space<vmem>>
      %dma_wait3A_616 = arith.constant 0 : i32
      %dma_wait3A_617 = tpu.memref_slice %arg8[%dma_wait3A_612, %dma_wait3A_616] : memref<16x128xi32, #tpu.memory_space<vmem>> -> memref<1x128xi32, #tpu.memory_space<vmem>>
      %dma_wait3A_618 = tpu.memref_squeeze %dma_wait3A_617 : memref<1x128xi32, #tpu.memory_space<vmem>> -> memref<128xi32, #tpu.memory_space<vmem>>
      %dma_wait3A_619 = arith.constant 0 : i32
      %dma_wait3A_620 = tpu.memref_slice %arg11[%dma_wait3A_619] : memref<100352xf32, #tpu.memory_space<vmem_shared>> -> memref<100352xf32, #tpu.memory_space<vmem_shared>>
      tpu.wait_indirect_dma semaphore(%arg13 : memref<!tpu.dma_semaphore, #tpu.memory_space<semaphore_mem>>) src(%dma_wait3A_615 : memref<128xf32, #tpu.memory_space<vmem>>) dst(%dma_wait3A_620 : memref<100352xf32, #tpu.memory_space<vmem_shared>>)
      %dma_wait3A_621 = arith.constant 12 : i32
      %dma_wait3A_622 = arith.constant 12 : i32
      %dma_wait3A_623 = arith.constant 0 : i32
      %dma_wait3A_624 = tpu.memref_slice %arg9[%dma_wait3A_621, %dma_wait3A_623] : memref<16x128xf32, #tpu.memory_space<vmem>> -> memref<1x128xf32, #tpu.memory_space<vmem>>
      %dma_wait3A_625 = tpu.memref_squeeze %dma_wait3A_624 : memref<1x128xf32, #tpu.memory_space<vmem>> -> memref<128xf32, #tpu.memory_space<vmem>>
      %dma_wait3A_626 = arith.constant 0 : i32
      %dma_wait3A_627 = tpu.memref_slice %arg8[%dma_wait3A_622, %dma_wait3A_626] : memref<16x128xi32, #tpu.memory_space<vmem>> -> memref<1x128xi32, #tpu.memory_space<vmem>>
      %dma_wait3A_628 = tpu.memref_squeeze %dma_wait3A_627 : memref<1x128xi32, #tpu.memory_space<vmem>> -> memref<128xi32, #tpu.memory_space<vmem>>
      %dma_wait3A_629 = arith.constant 0 : i32
      %dma_wait3A_630 = tpu.memref_slice %arg11[%dma_wait3A_629] : memref<100352xf32, #tpu.memory_space<vmem_shared>> -> memref<100352xf32, #tpu.memory_space<vmem_shared>>
      tpu.wait_indirect_dma semaphore(%arg13 : memref<!tpu.dma_semaphore, #tpu.memory_space<semaphore_mem>>) src(%dma_wait3A_625 : memref<128xf32, #tpu.memory_space<vmem>>) dst(%dma_wait3A_630 : memref<100352xf32, #tpu.memory_space<vmem_shared>>)
      %dma_wait3A_631 = arith.constant 13 : i32
      %dma_wait3A_632 = arith.constant 13 : i32
      %dma_wait3A_633 = arith.constant 0 : i32
      %dma_wait3A_634 = tpu.memref_slice %arg9[%dma_wait3A_631, %dma_wait3A_633] : memref<16x128xf32, #tpu.memory_space<vmem>> -> memref<1x128xf32, #tpu.memory_space<vmem>>
      %dma_wait3A_635 = tpu.memref_squeeze %dma_wait3A_634 : memref<1x128xf32, #tpu.memory_space<vmem>> -> memref<128xf32, #tpu.memory_space<vmem>>
      %dma_wait3A_636 = arith.constant 0 : i32
      %dma_wait3A_637 = tpu.memref_slice %arg8[%dma_wait3A_632, %dma_wait3A_636] : memref<16x128xi32, #tpu.memory_space<vmem>> -> memref<1x128xi32, #tpu.memory_space<vmem>>
      %dma_wait3A_638 = tpu.memref_squeeze %dma_wait3A_637 : memref<1x128xi32, #tpu.memory_space<vmem>> -> memref<128xi32, #tpu.memory_space<vmem>>
      %dma_wait3A_639 = arith.constant 0 : i32
      %dma_wait3A_640 = tpu.memref_slice %arg11[%dma_wait3A_639] : memref<100352xf32, #tpu.memory_space<vmem_shared>> -> memref<100352xf32, #tpu.memory_space<vmem_shared>>
      tpu.wait_indirect_dma semaphore(%arg13 : memref<!tpu.dma_semaphore, #tpu.memory_space<semaphore_mem>>) src(%dma_wait3A_635 : memref<128xf32, #tpu.memory_space<vmem>>) dst(%dma_wait3A_640 : memref<100352xf32, #tpu.memory_space<vmem_shared>>)
      %dma_wait3A_641 = arith.constant 14 : i32
      %dma_wait3A_642 = arith.constant 14 : i32
      %dma_wait3A_643 = arith.constant 0 : i32
      %dma_wait3A_644 = tpu.memref_slice %arg9[%dma_wait3A_641, %dma_wait3A_643] : memref<16x128xf32, #tpu.memory_space<vmem>> -> memref<1x128xf32, #tpu.memory_space<vmem>>
      %dma_wait3A_645 = tpu.memref_squeeze %dma_wait3A_644 : memref<1x128xf32, #tpu.memory_space<vmem>> -> memref<128xf32, #tpu.memory_space<vmem>>
      %dma_wait3A_646 = arith.constant 0 : i32
      %dma_wait3A_647 = tpu.memref_slice %arg8[%dma_wait3A_642, %dma_wait3A_646] : memref<16x128xi32, #tpu.memory_space<vmem>> -> memref<1x128xi32, #tpu.memory_space<vmem>>
      %dma_wait3A_648 = tpu.memref_squeeze %dma_wait3A_647 : memref<1x128xi32, #tpu.memory_space<vmem>> -> memref<128xi32, #tpu.memory_space<vmem>>
      %dma_wait3A_649 = arith.constant 0 : i32
      %dma_wait3A_650 = tpu.memref_slice %arg11[%dma_wait3A_649] : memref<100352xf32, #tpu.memory_space<vmem_shared>> -> memref<100352xf32, #tpu.memory_space<vmem_shared>>
      tpu.wait_indirect_dma semaphore(%arg13 : memref<!tpu.dma_semaphore, #tpu.memory_space<semaphore_mem>>) src(%dma_wait3A_645 : memref<128xf32, #tpu.memory_space<vmem>>) dst(%dma_wait3A_650 : memref<100352xf32, #tpu.memory_space<vmem_shared>>)
      %dma_wait3A_651 = arith.constant 15 : i32
      %dma_wait3A_652 = arith.constant 15 : i32
      %dma_wait3A_653 = arith.constant 0 : i32
      %dma_wait3A_654 = tpu.memref_slice %arg9[%dma_wait3A_651, %dma_wait3A_653] : memref<16x128xf32, #tpu.memory_space<vmem>> -> memref<1x128xf32, #tpu.memory_space<vmem>>
      %dma_wait3A_655 = tpu.memref_squeeze %dma_wait3A_654 : memref<1x128xf32, #tpu.memory_space<vmem>> -> memref<128xf32, #tpu.memory_space<vmem>>
      %dma_wait3A_656 = arith.constant 0 : i32
      %dma_wait3A_657 = tpu.memref_slice %arg8[%dma_wait3A_652, %dma_wait3A_656] : memref<16x128xi32, #tpu.memory_space<vmem>> -> memref<1x128xi32, #tpu.memory_space<vmem>>
      %dma_wait3A_658 = tpu.memref_squeeze %dma_wait3A_657 : memref<1x128xi32, #tpu.memory_space<vmem>> -> memref<128xi32, #tpu.memory_space<vmem>>
      %dma_wait3A_659 = arith.constant 0 : i32
      %dma_wait3A_660 = tpu.memref_slice %arg11[%dma_wait3A_659] : memref<100352xf32, #tpu.memory_space<vmem_shared>> -> memref<100352xf32, #tpu.memory_space<vmem_shared>>
      tpu.wait_indirect_dma semaphore(%arg13 : memref<!tpu.dma_semaphore, #tpu.memory_space<semaphore_mem>>) src(%dma_wait3A_655 : memref<128xf32, #tpu.memory_space<vmem>>) dst(%dma_wait3A_660 : memref<100352xf32, #tpu.memory_space<vmem_shared>>)
    }
    %scan3A_9 = arith.constant 49 : i32
    %barrier3A_10 = arith.constant 0 : index
    tpu.barrier barrier_id(%barrier3A_10)
    "tpu.region"() ({
      %run_scoped3A = tpu.sem_alloc : memref<!tpu.dma_semaphore, #tpu.memory_space<semaphore_mem>>
      %dma_start3A = tpu.memref_slice %arg6[%arg0, %mul3A_0] : memref<2x100352xf32, #tpu.memory_space<hbm>> -> memref<1x6272xf32, #tpu.memory_space<hbm>>
      %dma_start3A_11 = tpu.memref_squeeze %dma_start3A : memref<1x6272xf32, #tpu.memory_space<hbm>> -> memref<6272xf32, #tpu.memory_space<hbm>>
      %dma_start3A_12 = tpu.memref_slice %arg11[%mul3A_0] : memref<100352xf32, #tpu.memory_space<vmem_shared>> -> memref<6272xf32, #tpu.memory_space<vmem_shared>>
      tpu.enqueue_dma source(%dma_start3A_12 : memref<6272xf32, #tpu.memory_space<vmem_shared>>) target(%dma_start3A_11 : memref<6272xf32, #tpu.memory_space<hbm>>) target_semaphore(%run_scoped3A : memref<!tpu.dma_semaphore, #tpu.memory_space<semaphore_mem>>)
      %dma_wait3A = tpu.memref_slice %arg6[%arg0, %mul3A_0] : memref<2x100352xf32, #tpu.memory_space<hbm>> -> memref<1x6272xf32, #tpu.memory_space<hbm>>
      %dma_wait3A_13 = tpu.memref_squeeze %dma_wait3A : memref<1x6272xf32, #tpu.memory_space<hbm>> -> memref<6272xf32, #tpu.memory_space<hbm>>
      %dma_wait3A_14 = tpu.memref_slice %arg11[%mul3A_0] : memref<100352xf32, #tpu.memory_space<vmem_shared>> -> memref<6272xf32, #tpu.memory_space<vmem_shared>>
      tpu.wait_dma2 semaphore(%run_scoped3A : memref<!tpu.dma_semaphore, #tpu.memory_space<semaphore_mem>>) src(%dma_wait3A_14 : memref<6272xf32, #tpu.memory_space<vmem_shared>>) dst(%dma_wait3A_13 : memref<6272xf32, #tpu.memory_space<hbm>>)
      tpu.yield
    }) : () -> ()
    return
  }
}

#map = affine_map<(d0, d1) -> (0, 0)>
#map1 = affine_map<(d0, d1) -> (0)>
module attributes {stable_mosaic.version = 14 : i64} {
  func.func @_deg_body(%arg0: i32, %arg1: i32, %arg2: memref<25088x128xi32, #tpu.memory_space<hbm>>, %arg3: memref<6272xf32, #tpu.memory_space<hbm>>, %arg4: memref<128xf32, #tpu.memory_space<hbm>>, %arg5: memref<2x100352xf32, #tpu.memory_space<hbm>>, %arg6: memref<16x128xi32, #tpu.memory_space<vmem>>, %arg7: memref<128xf32, #tpu.memory_space<vmem>>, %arg8: memref<100352xf32, #tpu.memory_space<vmem_shared>>, %arg9: memref<!tpu.dma_semaphore, #tpu.memory_space<semaphore_mem>>) attributes {dimension_semantics = [#tpu.dimension_semantics<core_parallel>, #tpu.dimension_semantics<subcore_parallel>], iteration_bounds = array<i64: 2, 16>, scalar_prefetch = 0 : i64, scratch_operands = 4 : i64, tpu.core_type = #tpu.core_type<sc_vector_subcore>, window_params = [{transform_indices = #map}, {transform_indices = #map1}, {transform_indices = #map1}, {transform_indices = #map}]} {
    %mul3A = arith.constant 6272 : i32
    %mul3A_0 = arith.muli %arg1, %mul3A : i32
    "tpu.region"() ({
      %run_scoped3A = tpu.sem_alloc : memref<!tpu.dma_semaphore, #tpu.memory_space<semaphore_mem>>
      %dma_start3A = tpu.memref_slice %arg8[%mul3A_0] : memref<100352xf32, #tpu.memory_space<vmem_shared>> -> memref<6272xf32, #tpu.memory_space<vmem_shared>>
      tpu.enqueue_dma source(%arg3 : memref<6272xf32, #tpu.memory_space<hbm>>) target(%dma_start3A : memref<6272xf32, #tpu.memory_space<vmem_shared>>) target_semaphore(%run_scoped3A : memref<!tpu.dma_semaphore, #tpu.memory_space<semaphore_mem>>)
      %dma_wait3A = tpu.memref_slice %arg8[%mul3A_0] : memref<100352xf32, #tpu.memory_space<vmem_shared>> -> memref<6272xf32, #tpu.memory_space<vmem_shared>>
      tpu.wait_dma2 semaphore(%run_scoped3A : memref<!tpu.dma_semaphore, #tpu.memory_space<semaphore_mem>>) src(%arg3 : memref<6272xf32, #tpu.memory_space<hbm>>) dst(%dma_wait3A : memref<6272xf32, #tpu.memory_space<vmem_shared>>)
      tpu.yield
    }) : () -> ()
    "tpu.region"() ({
      %run_scoped3A = tpu.sem_alloc : memref<!tpu.dma_semaphore, #tpu.memory_space<semaphore_mem>>
      tpu.enqueue_dma source(%arg4 : memref<128xf32, #tpu.memory_space<hbm>>) target(%arg7 : memref<128xf32, #tpu.memory_space<vmem>>) target_semaphore(%run_scoped3A : memref<!tpu.dma_semaphore, #tpu.memory_space<semaphore_mem>>)
      tpu.wait_dma2 semaphore(%run_scoped3A : memref<!tpu.dma_semaphore, #tpu.memory_space<semaphore_mem>>) src(%arg4 : memref<128xf32, #tpu.memory_space<hbm>>) dst(%arg7 : memref<128xf32, #tpu.memory_space<vmem>>)
      tpu.yield
    }) : () -> ()
    %barrier3A = arith.constant 0 : index
    tpu.barrier barrier_id(%barrier3A)
    %mul3A_1 = arith.constant 16 : i32
    %mul3A_2 = arith.muli %arg0, %mul3A_1 : i32
    %add3A = arith.addi %mul3A_2, %arg1 : i32
    %mul3A_3 = arith.constant 784 : i32
    %mul3A_4 = arith.muli %add3A, %mul3A_3 : i32
    %scan3A = arith.constant 0 : i32
    %scan3A_5 = arith.constant 0 : i32
    %scan3A_6 = arith.constant 49 : i32
    %scan3A_7 = arith.addi %scan3A_5, %scan3A_6 : i32
    %scan3A_8 = arith.constant 1 : i32
    scf.for %scan3A_11 = %scan3A_5 to %scan3A_7 step %scan3A_8  : i32 {
      %mul3A_12 = arith.constant 16 : i32
      %mul3A_13 = arith.muli %scan3A_11, %mul3A_12 : i32
      %add3A_14 = arith.addi %mul3A_4, %mul3A_13 : i32
      "tpu.region"() ({
        %run_scoped3A = tpu.sem_alloc : memref<!tpu.dma_semaphore, #tpu.memory_space<semaphore_mem>>
        %dma_start3A_205 = arith.constant 0 : i32
        %dma_start3A_206 = tpu.memref_slice %arg2[%add3A_14, %dma_start3A_205] : memref<25088x128xi32, #tpu.memory_space<hbm>> -> memref<16x128xi32, #tpu.memory_space<hbm>>
        %dma_start3A_207 = arith.constant 0 : i32
        %dma_start3A_208 = tpu.memref_slice %arg2[%add3A_14, %dma_start3A_207] : memref<25088x128xi32, #tpu.memory_space<hbm>> -> memref<16x128xi32, #tpu.memory_space<hbm>>
        tpu.enqueue_dma source(%dma_start3A_208 : memref<16x128xi32, #tpu.memory_space<hbm>>) target(%arg6 : memref<16x128xi32, #tpu.memory_space<vmem>>) target_semaphore(%run_scoped3A : memref<!tpu.dma_semaphore, #tpu.memory_space<semaphore_mem>>)
        %dma_wait3A_209 = arith.constant 0 : i32
        %dma_wait3A_210 = tpu.memref_slice %arg2[%add3A_14, %dma_wait3A_209] : memref<25088x128xi32, #tpu.memory_space<hbm>> -> memref<16x128xi32, #tpu.memory_space<hbm>>
        %dma_wait3A_211 = arith.constant 0 : i32
        %dma_wait3A_212 = tpu.memref_slice %arg2[%add3A_14, %dma_wait3A_211] : memref<25088x128xi32, #tpu.memory_space<hbm>> -> memref<16x128xi32, #tpu.memory_space<hbm>>
        tpu.wait_dma2 semaphore(%run_scoped3A : memref<!tpu.dma_semaphore, #tpu.memory_space<semaphore_mem>>) src(%dma_wait3A_212 : memref<16x128xi32, #tpu.memory_space<hbm>>) dst(%arg6 : memref<16x128xi32, #tpu.memory_space<vmem>>)
        tpu.yield
      }) : () -> ()
      %dma_start3A = arith.constant 0 : i32
      %dma_start3A_15 = arith.constant 0 : i32
      %dma_start3A_16 = tpu.memref_slice %arg6[%dma_start3A, %dma_start3A_15] : memref<16x128xi32, #tpu.memory_space<vmem>> -> memref<1x128xi32, #tpu.memory_space<vmem>>
      %dma_start3A_17 = tpu.memref_squeeze %dma_start3A_16 : memref<1x128xi32, #tpu.memory_space<vmem>> -> memref<128xi32, #tpu.memory_space<vmem>>
      %dma_start3A_18 = arith.constant 0 : i32
      %dma_start3A_19 = tpu.memref_slice %arg8[%dma_start3A_18] : memref<100352xf32, #tpu.memory_space<vmem_shared>> -> memref<100352xf32, #tpu.memory_space<vmem_shared>>
      tpu.enqueue_indirect_dma source(%arg7 : memref<128xf32, #tpu.memory_space<vmem>>) target(%dma_start3A_19 : memref<100352xf32, #tpu.memory_space<vmem_shared>>) offsets(%dma_start3A_17 : memref<128xi32, #tpu.memory_space<vmem>>) semaphore(%arg9 : memref<!tpu.dma_semaphore, #tpu.memory_space<semaphore_mem>>) {add = true}
      %dma_start3A_20 = arith.constant 1 : i32
      %dma_start3A_21 = arith.constant 0 : i32
      %dma_start3A_22 = tpu.memref_slice %arg6[%dma_start3A_20, %dma_start3A_21] : memref<16x128xi32, #tpu.memory_space<vmem>> -> memref<1x128xi32, #tpu.memory_space<vmem>>
      %dma_start3A_23 = tpu.memref_squeeze %dma_start3A_22 : memref<1x128xi32, #tpu.memory_space<vmem>> -> memref<128xi32, #tpu.memory_space<vmem>>
      %dma_start3A_24 = arith.constant 0 : i32
      %dma_start3A_25 = tpu.memref_slice %arg8[%dma_start3A_24] : memref<100352xf32, #tpu.memory_space<vmem_shared>> -> memref<100352xf32, #tpu.memory_space<vmem_shared>>
      tpu.enqueue_indirect_dma source(%arg7 : memref<128xf32, #tpu.memory_space<vmem>>) target(%dma_start3A_25 : memref<100352xf32, #tpu.memory_space<vmem_shared>>) offsets(%dma_start3A_23 : memref<128xi32, #tpu.memory_space<vmem>>) semaphore(%arg9 : memref<!tpu.dma_semaphore, #tpu.memory_space<semaphore_mem>>) {add = true}
      %dma_start3A_26 = arith.constant 2 : i32
      %dma_start3A_27 = arith.constant 0 : i32
      %dma_start3A_28 = tpu.memref_slice %arg6[%dma_start3A_26, %dma_start3A_27] : memref<16x128xi32, #tpu.memory_space<vmem>> -> memref<1x128xi32, #tpu.memory_space<vmem>>
      %dma_start3A_29 = tpu.memref_squeeze %dma_start3A_28 : memref<1x128xi32, #tpu.memory_space<vmem>> -> memref<128xi32, #tpu.memory_space<vmem>>
      %dma_start3A_30 = arith.constant 0 : i32
      %dma_start3A_31 = tpu.memref_slice %arg8[%dma_start3A_30] : memref<100352xf32, #tpu.memory_space<vmem_shared>> -> memref<100352xf32, #tpu.memory_space<vmem_shared>>
      tpu.enqueue_indirect_dma source(%arg7 : memref<128xf32, #tpu.memory_space<vmem>>) target(%dma_start3A_31 : memref<100352xf32, #tpu.memory_space<vmem_shared>>) offsets(%dma_start3A_29 : memref<128xi32, #tpu.memory_space<vmem>>) semaphore(%arg9 : memref<!tpu.dma_semaphore, #tpu.memory_space<semaphore_mem>>) {add = true}
      %dma_start3A_32 = arith.constant 3 : i32
      %dma_start3A_33 = arith.constant 0 : i32
      %dma_start3A_34 = tpu.memref_slice %arg6[%dma_start3A_32, %dma_start3A_33] : memref<16x128xi32, #tpu.memory_space<vmem>> -> memref<1x128xi32, #tpu.memory_space<vmem>>
      %dma_start3A_35 = tpu.memref_squeeze %dma_start3A_34 : memref<1x128xi32, #tpu.memory_space<vmem>> -> memref<128xi32, #tpu.memory_space<vmem>>
      %dma_start3A_36 = arith.constant 0 : i32
      %dma_start3A_37 = tpu.memref_slice %arg8[%dma_start3A_36] : memref<100352xf32, #tpu.memory_space<vmem_shared>> -> memref<100352xf32, #tpu.memory_space<vmem_shared>>
      tpu.enqueue_indirect_dma source(%arg7 : memref<128xf32, #tpu.memory_space<vmem>>) target(%dma_start3A_37 : memref<100352xf32, #tpu.memory_space<vmem_shared>>) offsets(%dma_start3A_35 : memref<128xi32, #tpu.memory_space<vmem>>) semaphore(%arg9 : memref<!tpu.dma_semaphore, #tpu.memory_space<semaphore_mem>>) {add = true}
      %dma_start3A_38 = arith.constant 4 : i32
      %dma_start3A_39 = arith.constant 0 : i32
      %dma_start3A_40 = tpu.memref_slice %arg6[%dma_start3A_38, %dma_start3A_39] : memref<16x128xi32, #tpu.memory_space<vmem>> -> memref<1x128xi32, #tpu.memory_space<vmem>>
      %dma_start3A_41 = tpu.memref_squeeze %dma_start3A_40 : memref<1x128xi32, #tpu.memory_space<vmem>> -> memref<128xi32, #tpu.memory_space<vmem>>
      %dma_start3A_42 = arith.constant 0 : i32
      %dma_start3A_43 = tpu.memref_slice %arg8[%dma_start3A_42] : memref<100352xf32, #tpu.memory_space<vmem_shared>> -> memref<100352xf32, #tpu.memory_space<vmem_shared>>
      tpu.enqueue_indirect_dma source(%arg7 : memref<128xf32, #tpu.memory_space<vmem>>) target(%dma_start3A_43 : memref<100352xf32, #tpu.memory_space<vmem_shared>>) offsets(%dma_start3A_41 : memref<128xi32, #tpu.memory_space<vmem>>) semaphore(%arg9 : memref<!tpu.dma_semaphore, #tpu.memory_space<semaphore_mem>>) {add = true}
      %dma_start3A_44 = arith.constant 5 : i32
      %dma_start3A_45 = arith.constant 0 : i32
      %dma_start3A_46 = tpu.memref_slice %arg6[%dma_start3A_44, %dma_start3A_45] : memref<16x128xi32, #tpu.memory_space<vmem>> -> memref<1x128xi32, #tpu.memory_space<vmem>>
      %dma_start3A_47 = tpu.memref_squeeze %dma_start3A_46 : memref<1x128xi32, #tpu.memory_space<vmem>> -> memref<128xi32, #tpu.memory_space<vmem>>
      %dma_start3A_48 = arith.constant 0 : i32
      %dma_start3A_49 = tpu.memref_slice %arg8[%dma_start3A_48] : memref<100352xf32, #tpu.memory_space<vmem_shared>> -> memref<100352xf32, #tpu.memory_space<vmem_shared>>
      tpu.enqueue_indirect_dma source(%arg7 : memref<128xf32, #tpu.memory_space<vmem>>) target(%dma_start3A_49 : memref<100352xf32, #tpu.memory_space<vmem_shared>>) offsets(%dma_start3A_47 : memref<128xi32, #tpu.memory_space<vmem>>) semaphore(%arg9 : memref<!tpu.dma_semaphore, #tpu.memory_space<semaphore_mem>>) {add = true}
      %dma_start3A_50 = arith.constant 6 : i32
      %dma_start3A_51 = arith.constant 0 : i32
      %dma_start3A_52 = tpu.memref_slice %arg6[%dma_start3A_50, %dma_start3A_51] : memref<16x128xi32, #tpu.memory_space<vmem>> -> memref<1x128xi32, #tpu.memory_space<vmem>>
      %dma_start3A_53 = tpu.memref_squeeze %dma_start3A_52 : memref<1x128xi32, #tpu.memory_space<vmem>> -> memref<128xi32, #tpu.memory_space<vmem>>
      %dma_start3A_54 = arith.constant 0 : i32
      %dma_start3A_55 = tpu.memref_slice %arg8[%dma_start3A_54] : memref<100352xf32, #tpu.memory_space<vmem_shared>> -> memref<100352xf32, #tpu.memory_space<vmem_shared>>
      tpu.enqueue_indirect_dma source(%arg7 : memref<128xf32, #tpu.memory_space<vmem>>) target(%dma_start3A_55 : memref<100352xf32, #tpu.memory_space<vmem_shared>>) offsets(%dma_start3A_53 : memref<128xi32, #tpu.memory_space<vmem>>) semaphore(%arg9 : memref<!tpu.dma_semaphore, #tpu.memory_space<semaphore_mem>>) {add = true}
      %dma_start3A_56 = arith.constant 7 : i32
      %dma_start3A_57 = arith.constant 0 : i32
      %dma_start3A_58 = tpu.memref_slice %arg6[%dma_start3A_56, %dma_start3A_57] : memref<16x128xi32, #tpu.memory_space<vmem>> -> memref<1x128xi32, #tpu.memory_space<vmem>>
      %dma_start3A_59 = tpu.memref_squeeze %dma_start3A_58 : memref<1x128xi32, #tpu.memory_space<vmem>> -> memref<128xi32, #tpu.memory_space<vmem>>
      %dma_start3A_60 = arith.constant 0 : i32
      %dma_start3A_61 = tpu.memref_slice %arg8[%dma_start3A_60] : memref<100352xf32, #tpu.memory_space<vmem_shared>> -> memref<100352xf32, #tpu.memory_space<vmem_shared>>
      tpu.enqueue_indirect_dma source(%arg7 : memref<128xf32, #tpu.memory_space<vmem>>) target(%dma_start3A_61 : memref<100352xf32, #tpu.memory_space<vmem_shared>>) offsets(%dma_start3A_59 : memref<128xi32, #tpu.memory_space<vmem>>) semaphore(%arg9 : memref<!tpu.dma_semaphore, #tpu.memory_space<semaphore_mem>>) {add = true}
      %dma_start3A_62 = arith.constant 8 : i32
      %dma_start3A_63 = arith.constant 0 : i32
      %dma_start3A_64 = tpu.memref_slice %arg6[%dma_start3A_62, %dma_start3A_63] : memref<16x128xi32, #tpu.memory_space<vmem>> -> memref<1x128xi32, #tpu.memory_space<vmem>>
      %dma_start3A_65 = tpu.memref_squeeze %dma_start3A_64 : memref<1x128xi32, #tpu.memory_space<vmem>> -> memref<128xi32, #tpu.memory_space<vmem>>
      %dma_start3A_66 = arith.constant 0 : i32
      %dma_start3A_67 = tpu.memref_slice %arg8[%dma_start3A_66] : memref<100352xf32, #tpu.memory_space<vmem_shared>> -> memref<100352xf32, #tpu.memory_space<vmem_shared>>
      tpu.enqueue_indirect_dma source(%arg7 : memref<128xf32, #tpu.memory_space<vmem>>) target(%dma_start3A_67 : memref<100352xf32, #tpu.memory_space<vmem_shared>>) offsets(%dma_start3A_65 : memref<128xi32, #tpu.memory_space<vmem>>) semaphore(%arg9 : memref<!tpu.dma_semaphore, #tpu.memory_space<semaphore_mem>>) {add = true}
      %dma_start3A_68 = arith.constant 9 : i32
      %dma_start3A_69 = arith.constant 0 : i32
      %dma_start3A_70 = tpu.memref_slice %arg6[%dma_start3A_68, %dma_start3A_69] : memref<16x128xi32, #tpu.memory_space<vmem>> -> memref<1x128xi32, #tpu.memory_space<vmem>>
      %dma_start3A_71 = tpu.memref_squeeze %dma_start3A_70 : memref<1x128xi32, #tpu.memory_space<vmem>> -> memref<128xi32, #tpu.memory_space<vmem>>
      %dma_start3A_72 = arith.constant 0 : i32
      %dma_start3A_73 = tpu.memref_slice %arg8[%dma_start3A_72] : memref<100352xf32, #tpu.memory_space<vmem_shared>> -> memref<100352xf32, #tpu.memory_space<vmem_shared>>
      tpu.enqueue_indirect_dma source(%arg7 : memref<128xf32, #tpu.memory_space<vmem>>) target(%dma_start3A_73 : memref<100352xf32, #tpu.memory_space<vmem_shared>>) offsets(%dma_start3A_71 : memref<128xi32, #tpu.memory_space<vmem>>) semaphore(%arg9 : memref<!tpu.dma_semaphore, #tpu.memory_space<semaphore_mem>>) {add = true}
      %dma_start3A_74 = arith.constant 10 : i32
      %dma_start3A_75 = arith.constant 0 : i32
      %dma_start3A_76 = tpu.memref_slice %arg6[%dma_start3A_74, %dma_start3A_75] : memref<16x128xi32, #tpu.memory_space<vmem>> -> memref<1x128xi32, #tpu.memory_space<vmem>>
      %dma_start3A_77 = tpu.memref_squeeze %dma_start3A_76 : memref<1x128xi32, #tpu.memory_space<vmem>> -> memref<128xi32, #tpu.memory_space<vmem>>
      %dma_start3A_78 = arith.constant 0 : i32
      %dma_start3A_79 = tpu.memref_slice %arg8[%dma_start3A_78] : memref<100352xf32, #tpu.memory_space<vmem_shared>> -> memref<100352xf32, #tpu.memory_space<vmem_shared>>
      tpu.enqueue_indirect_dma source(%arg7 : memref<128xf32, #tpu.memory_space<vmem>>) target(%dma_start3A_79 : memref<100352xf32, #tpu.memory_space<vmem_shared>>) offsets(%dma_start3A_77 : memref<128xi32, #tpu.memory_space<vmem>>) semaphore(%arg9 : memref<!tpu.dma_semaphore, #tpu.memory_space<semaphore_mem>>) {add = true}
      %dma_start3A_80 = arith.constant 11 : i32
      %dma_start3A_81 = arith.constant 0 : i32
      %dma_start3A_82 = tpu.memref_slice %arg6[%dma_start3A_80, %dma_start3A_81] : memref<16x128xi32, #tpu.memory_space<vmem>> -> memref<1x128xi32, #tpu.memory_space<vmem>>
      %dma_start3A_83 = tpu.memref_squeeze %dma_start3A_82 : memref<1x128xi32, #tpu.memory_space<vmem>> -> memref<128xi32, #tpu.memory_space<vmem>>
      %dma_start3A_84 = arith.constant 0 : i32
      %dma_start3A_85 = tpu.memref_slice %arg8[%dma_start3A_84] : memref<100352xf32, #tpu.memory_space<vmem_shared>> -> memref<100352xf32, #tpu.memory_space<vmem_shared>>
      tpu.enqueue_indirect_dma source(%arg7 : memref<128xf32, #tpu.memory_space<vmem>>) target(%dma_start3A_85 : memref<100352xf32, #tpu.memory_space<vmem_shared>>) offsets(%dma_start3A_83 : memref<128xi32, #tpu.memory_space<vmem>>) semaphore(%arg9 : memref<!tpu.dma_semaphore, #tpu.memory_space<semaphore_mem>>) {add = true}
      %dma_start3A_86 = arith.constant 12 : i32
      %dma_start3A_87 = arith.constant 0 : i32
      %dma_start3A_88 = tpu.memref_slice %arg6[%dma_start3A_86, %dma_start3A_87] : memref<16x128xi32, #tpu.memory_space<vmem>> -> memref<1x128xi32, #tpu.memory_space<vmem>>
      %dma_start3A_89 = tpu.memref_squeeze %dma_start3A_88 : memref<1x128xi32, #tpu.memory_space<vmem>> -> memref<128xi32, #tpu.memory_space<vmem>>
      %dma_start3A_90 = arith.constant 0 : i32
      %dma_start3A_91 = tpu.memref_slice %arg8[%dma_start3A_90] : memref<100352xf32, #tpu.memory_space<vmem_shared>> -> memref<100352xf32, #tpu.memory_space<vmem_shared>>
      tpu.enqueue_indirect_dma source(%arg7 : memref<128xf32, #tpu.memory_space<vmem>>) target(%dma_start3A_91 : memref<100352xf32, #tpu.memory_space<vmem_shared>>) offsets(%dma_start3A_89 : memref<128xi32, #tpu.memory_space<vmem>>) semaphore(%arg9 : memref<!tpu.dma_semaphore, #tpu.memory_space<semaphore_mem>>) {add = true}
      %dma_start3A_92 = arith.constant 13 : i32
      %dma_start3A_93 = arith.constant 0 : i32
      %dma_start3A_94 = tpu.memref_slice %arg6[%dma_start3A_92, %dma_start3A_93] : memref<16x128xi32, #tpu.memory_space<vmem>> -> memref<1x128xi32, #tpu.memory_space<vmem>>
      %dma_start3A_95 = tpu.memref_squeeze %dma_start3A_94 : memref<1x128xi32, #tpu.memory_space<vmem>> -> memref<128xi32, #tpu.memory_space<vmem>>
      %dma_start3A_96 = arith.constant 0 : i32
      %dma_start3A_97 = tpu.memref_slice %arg8[%dma_start3A_96] : memref<100352xf32, #tpu.memory_space<vmem_shared>> -> memref<100352xf32, #tpu.memory_space<vmem_shared>>
      tpu.enqueue_indirect_dma source(%arg7 : memref<128xf32, #tpu.memory_space<vmem>>) target(%dma_start3A_97 : memref<100352xf32, #tpu.memory_space<vmem_shared>>) offsets(%dma_start3A_95 : memref<128xi32, #tpu.memory_space<vmem>>) semaphore(%arg9 : memref<!tpu.dma_semaphore, #tpu.memory_space<semaphore_mem>>) {add = true}
      %dma_start3A_98 = arith.constant 14 : i32
      %dma_start3A_99 = arith.constant 0 : i32
      %dma_start3A_100 = tpu.memref_slice %arg6[%dma_start3A_98, %dma_start3A_99] : memref<16x128xi32, #tpu.memory_space<vmem>> -> memref<1x128xi32, #tpu.memory_space<vmem>>
      %dma_start3A_101 = tpu.memref_squeeze %dma_start3A_100 : memref<1x128xi32, #tpu.memory_space<vmem>> -> memref<128xi32, #tpu.memory_space<vmem>>
      %dma_start3A_102 = arith.constant 0 : i32
      %dma_start3A_103 = tpu.memref_slice %arg8[%dma_start3A_102] : memref<100352xf32, #tpu.memory_space<vmem_shared>> -> memref<100352xf32, #tpu.memory_space<vmem_shared>>
      tpu.enqueue_indirect_dma source(%arg7 : memref<128xf32, #tpu.memory_space<vmem>>) target(%dma_start3A_103 : memref<100352xf32, #tpu.memory_space<vmem_shared>>) offsets(%dma_start3A_101 : memref<128xi32, #tpu.memory_space<vmem>>) semaphore(%arg9 : memref<!tpu.dma_semaphore, #tpu.memory_space<semaphore_mem>>) {add = true}
      %dma_start3A_104 = arith.constant 15 : i32
      %dma_start3A_105 = arith.constant 0 : i32
      %dma_start3A_106 = tpu.memref_slice %arg6[%dma_start3A_104, %dma_start3A_105] : memref<16x128xi32, #tpu.memory_space<vmem>> -> memref<1x128xi32, #tpu.memory_space<vmem>>
      %dma_start3A_107 = tpu.memref_squeeze %dma_start3A_106 : memref<1x128xi32, #tpu.memory_space<vmem>> -> memref<128xi32, #tpu.memory_space<vmem>>
      %dma_start3A_108 = arith.constant 0 : i32
      %dma_start3A_109 = tpu.memref_slice %arg8[%dma_start3A_108] : memref<100352xf32, #tpu.memory_space<vmem_shared>> -> memref<100352xf32, #tpu.memory_space<vmem_shared>>
      tpu.enqueue_indirect_dma source(%arg7 : memref<128xf32, #tpu.memory_space<vmem>>) target(%dma_start3A_109 : memref<100352xf32, #tpu.memory_space<vmem_shared>>) offsets(%dma_start3A_107 : memref<128xi32, #tpu.memory_space<vmem>>) semaphore(%arg9 : memref<!tpu.dma_semaphore, #tpu.memory_space<semaphore_mem>>) {add = true}
      %dma_wait3A = arith.constant 0 : i32
      %dma_wait3A_110 = arith.constant 0 : i32
      %dma_wait3A_111 = tpu.memref_slice %arg6[%dma_wait3A, %dma_wait3A_110] : memref<16x128xi32, #tpu.memory_space<vmem>> -> memref<1x128xi32, #tpu.memory_space<vmem>>
      %dma_wait3A_112 = tpu.memref_squeeze %dma_wait3A_111 : memref<1x128xi32, #tpu.memory_space<vmem>> -> memref<128xi32, #tpu.memory_space<vmem>>
      %dma_wait3A_113 = arith.constant 0 : i32
      %dma_wait3A_114 = tpu.memref_slice %arg8[%dma_wait3A_113] : memref<100352xf32, #tpu.memory_space<vmem_shared>> -> memref<100352xf32, #tpu.memory_space<vmem_shared>>
      tpu.wait_indirect_dma semaphore(%arg9 : memref<!tpu.dma_semaphore, #tpu.memory_space<semaphore_mem>>) src(%arg7 : memref<128xf32, #tpu.memory_space<vmem>>) dst(%dma_wait3A_114 : memref<100352xf32, #tpu.memory_space<vmem_shared>>)
      %dma_wait3A_115 = arith.constant 1 : i32
      %dma_wait3A_116 = arith.constant 0 : i32
      %dma_wait3A_117 = tpu.memref_slice %arg6[%dma_wait3A_115, %dma_wait3A_116] : memref<16x128xi32, #tpu.memory_space<vmem>> -> memref<1x128xi32, #tpu.memory_space<vmem>>
      %dma_wait3A_118 = tpu.memref_squeeze %dma_wait3A_117 : memref<1x128xi32, #tpu.memory_space<vmem>> -> memref<128xi32, #tpu.memory_space<vmem>>
      %dma_wait3A_119 = arith.constant 0 : i32
      %dma_wait3A_120 = tpu.memref_slice %arg8[%dma_wait3A_119] : memref<100352xf32, #tpu.memory_space<vmem_shared>> -> memref<100352xf32, #tpu.memory_space<vmem_shared>>
      tpu.wait_indirect_dma semaphore(%arg9 : memref<!tpu.dma_semaphore, #tpu.memory_space<semaphore_mem>>) src(%arg7 : memref<128xf32, #tpu.memory_space<vmem>>) dst(%dma_wait3A_120 : memref<100352xf32, #tpu.memory_space<vmem_shared>>)
      %dma_wait3A_121 = arith.constant 2 : i32
      %dma_wait3A_122 = arith.constant 0 : i32
      %dma_wait3A_123 = tpu.memref_slice %arg6[%dma_wait3A_121, %dma_wait3A_122] : memref<16x128xi32, #tpu.memory_space<vmem>> -> memref<1x128xi32, #tpu.memory_space<vmem>>
      %dma_wait3A_124 = tpu.memref_squeeze %dma_wait3A_123 : memref<1x128xi32, #tpu.memory_space<vmem>> -> memref<128xi32, #tpu.memory_space<vmem>>
      %dma_wait3A_125 = arith.constant 0 : i32
      %dma_wait3A_126 = tpu.memref_slice %arg8[%dma_wait3A_125] : memref<100352xf32, #tpu.memory_space<vmem_shared>> -> memref<100352xf32, #tpu.memory_space<vmem_shared>>
      tpu.wait_indirect_dma semaphore(%arg9 : memref<!tpu.dma_semaphore, #tpu.memory_space<semaphore_mem>>) src(%arg7 : memref<128xf32, #tpu.memory_space<vmem>>) dst(%dma_wait3A_126 : memref<100352xf32, #tpu.memory_space<vmem_shared>>)
      %dma_wait3A_127 = arith.constant 3 : i32
      %dma_wait3A_128 = arith.constant 0 : i32
      %dma_wait3A_129 = tpu.memref_slice %arg6[%dma_wait3A_127, %dma_wait3A_128] : memref<16x128xi32, #tpu.memory_space<vmem>> -> memref<1x128xi32, #tpu.memory_space<vmem>>
      %dma_wait3A_130 = tpu.memref_squeeze %dma_wait3A_129 : memref<1x128xi32, #tpu.memory_space<vmem>> -> memref<128xi32, #tpu.memory_space<vmem>>
      %dma_wait3A_131 = arith.constant 0 : i32
      %dma_wait3A_132 = tpu.memref_slice %arg8[%dma_wait3A_131] : memref<100352xf32, #tpu.memory_space<vmem_shared>> -> memref<100352xf32, #tpu.memory_space<vmem_shared>>
      tpu.wait_indirect_dma semaphore(%arg9 : memref<!tpu.dma_semaphore, #tpu.memory_space<semaphore_mem>>) src(%arg7 : memref<128xf32, #tpu.memory_space<vmem>>) dst(%dma_wait3A_132 : memref<100352xf32, #tpu.memory_space<vmem_shared>>)
      %dma_wait3A_133 = arith.constant 4 : i32
      %dma_wait3A_134 = arith.constant 0 : i32
      %dma_wait3A_135 = tpu.memref_slice %arg6[%dma_wait3A_133, %dma_wait3A_134] : memref<16x128xi32, #tpu.memory_space<vmem>> -> memref<1x128xi32, #tpu.memory_space<vmem>>
      %dma_wait3A_136 = tpu.memref_squeeze %dma_wait3A_135 : memref<1x128xi32, #tpu.memory_space<vmem>> -> memref<128xi32, #tpu.memory_space<vmem>>
      %dma_wait3A_137 = arith.constant 0 : i32
      %dma_wait3A_138 = tpu.memref_slice %arg8[%dma_wait3A_137] : memref<100352xf32, #tpu.memory_space<vmem_shared>> -> memref<100352xf32, #tpu.memory_space<vmem_shared>>
      tpu.wait_indirect_dma semaphore(%arg9 : memref<!tpu.dma_semaphore, #tpu.memory_space<semaphore_mem>>) src(%arg7 : memref<128xf32, #tpu.memory_space<vmem>>) dst(%dma_wait3A_138 : memref<100352xf32, #tpu.memory_space<vmem_shared>>)
      %dma_wait3A_139 = arith.constant 5 : i32
      %dma_wait3A_140 = arith.constant 0 : i32
      %dma_wait3A_141 = tpu.memref_slice %arg6[%dma_wait3A_139, %dma_wait3A_140] : memref<16x128xi32, #tpu.memory_space<vmem>> -> memref<1x128xi32, #tpu.memory_space<vmem>>
      %dma_wait3A_142 = tpu.memref_squeeze %dma_wait3A_141 : memref<1x128xi32, #tpu.memory_space<vmem>> -> memref<128xi32, #tpu.memory_space<vmem>>
      %dma_wait3A_143 = arith.constant 0 : i32
      %dma_wait3A_144 = tpu.memref_slice %arg8[%dma_wait3A_143] : memref<100352xf32, #tpu.memory_space<vmem_shared>> -> memref<100352xf32, #tpu.memory_space<vmem_shared>>
      tpu.wait_indirect_dma semaphore(%arg9 : memref<!tpu.dma_semaphore, #tpu.memory_space<semaphore_mem>>) src(%arg7 : memref<128xf32, #tpu.memory_space<vmem>>) dst(%dma_wait3A_144 : memref<100352xf32, #tpu.memory_space<vmem_shared>>)
      %dma_wait3A_145 = arith.constant 6 : i32
      %dma_wait3A_146 = arith.constant 0 : i32
      %dma_wait3A_147 = tpu.memref_slice %arg6[%dma_wait3A_145, %dma_wait3A_146] : memref<16x128xi32, #tpu.memory_space<vmem>> -> memref<1x128xi32, #tpu.memory_space<vmem>>
      %dma_wait3A_148 = tpu.memref_squeeze %dma_wait3A_147 : memref<1x128xi32, #tpu.memory_space<vmem>> -> memref<128xi32, #tpu.memory_space<vmem>>
      %dma_wait3A_149 = arith.constant 0 : i32
      %dma_wait3A_150 = tpu.memref_slice %arg8[%dma_wait3A_149] : memref<100352xf32, #tpu.memory_space<vmem_shared>> -> memref<100352xf32, #tpu.memory_space<vmem_shared>>
      tpu.wait_indirect_dma semaphore(%arg9 : memref<!tpu.dma_semaphore, #tpu.memory_space<semaphore_mem>>) src(%arg7 : memref<128xf32, #tpu.memory_space<vmem>>) dst(%dma_wait3A_150 : memref<100352xf32, #tpu.memory_space<vmem_shared>>)
      %dma_wait3A_151 = arith.constant 7 : i32
      %dma_wait3A_152 = arith.constant 0 : i32
      %dma_wait3A_153 = tpu.memref_slice %arg6[%dma_wait3A_151, %dma_wait3A_152] : memref<16x128xi32, #tpu.memory_space<vmem>> -> memref<1x128xi32, #tpu.memory_space<vmem>>
      %dma_wait3A_154 = tpu.memref_squeeze %dma_wait3A_153 : memref<1x128xi32, #tpu.memory_space<vmem>> -> memref<128xi32, #tpu.memory_space<vmem>>
      %dma_wait3A_155 = arith.constant 0 : i32
      %dma_wait3A_156 = tpu.memref_slice %arg8[%dma_wait3A_155] : memref<100352xf32, #tpu.memory_space<vmem_shared>> -> memref<100352xf32, #tpu.memory_space<vmem_shared>>
      tpu.wait_indirect_dma semaphore(%arg9 : memref<!tpu.dma_semaphore, #tpu.memory_space<semaphore_mem>>) src(%arg7 : memref<128xf32, #tpu.memory_space<vmem>>) dst(%dma_wait3A_156 : memref<100352xf32, #tpu.memory_space<vmem_shared>>)
      %dma_wait3A_157 = arith.constant 8 : i32
      %dma_wait3A_158 = arith.constant 0 : i32
      %dma_wait3A_159 = tpu.memref_slice %arg6[%dma_wait3A_157, %dma_wait3A_158] : memref<16x128xi32, #tpu.memory_space<vmem>> -> memref<1x128xi32, #tpu.memory_space<vmem>>
      %dma_wait3A_160 = tpu.memref_squeeze %dma_wait3A_159 : memref<1x128xi32, #tpu.memory_space<vmem>> -> memref<128xi32, #tpu.memory_space<vmem>>
      %dma_wait3A_161 = arith.constant 0 : i32
      %dma_wait3A_162 = tpu.memref_slice %arg8[%dma_wait3A_161] : memref<100352xf32, #tpu.memory_space<vmem_shared>> -> memref<100352xf32, #tpu.memory_space<vmem_shared>>
      tpu.wait_indirect_dma semaphore(%arg9 : memref<!tpu.dma_semaphore, #tpu.memory_space<semaphore_mem>>) src(%arg7 : memref<128xf32, #tpu.memory_space<vmem>>) dst(%dma_wait3A_162 : memref<100352xf32, #tpu.memory_space<vmem_shared>>)
      %dma_wait3A_163 = arith.constant 9 : i32
      %dma_wait3A_164 = arith.constant 0 : i32
      %dma_wait3A_165 = tpu.memref_slice %arg6[%dma_wait3A_163, %dma_wait3A_164] : memref<16x128xi32, #tpu.memory_space<vmem>> -> memref<1x128xi32, #tpu.memory_space<vmem>>
      %dma_wait3A_166 = tpu.memref_squeeze %dma_wait3A_165 : memref<1x128xi32, #tpu.memory_space<vmem>> -> memref<128xi32, #tpu.memory_space<vmem>>
      %dma_wait3A_167 = arith.constant 0 : i32
      %dma_wait3A_168 = tpu.memref_slice %arg8[%dma_wait3A_167] : memref<100352xf32, #tpu.memory_space<vmem_shared>> -> memref<100352xf32, #tpu.memory_space<vmem_shared>>
      tpu.wait_indirect_dma semaphore(%arg9 : memref<!tpu.dma_semaphore, #tpu.memory_space<semaphore_mem>>) src(%arg7 : memref<128xf32, #tpu.memory_space<vmem>>) dst(%dma_wait3A_168 : memref<100352xf32, #tpu.memory_space<vmem_shared>>)
      %dma_wait3A_169 = arith.constant 10 : i32
      %dma_wait3A_170 = arith.constant 0 : i32
      %dma_wait3A_171 = tpu.memref_slice %arg6[%dma_wait3A_169, %dma_wait3A_170] : memref<16x128xi32, #tpu.memory_space<vmem>> -> memref<1x128xi32, #tpu.memory_space<vmem>>
      %dma_wait3A_172 = tpu.memref_squeeze %dma_wait3A_171 : memref<1x128xi32, #tpu.memory_space<vmem>> -> memref<128xi32, #tpu.memory_space<vmem>>
      %dma_wait3A_173 = arith.constant 0 : i32
      %dma_wait3A_174 = tpu.memref_slice %arg8[%dma_wait3A_173] : memref<100352xf32, #tpu.memory_space<vmem_shared>> -> memref<100352xf32, #tpu.memory_space<vmem_shared>>
      tpu.wait_indirect_dma semaphore(%arg9 : memref<!tpu.dma_semaphore, #tpu.memory_space<semaphore_mem>>) src(%arg7 : memref<128xf32, #tpu.memory_space<vmem>>) dst(%dma_wait3A_174 : memref<100352xf32, #tpu.memory_space<vmem_shared>>)
      %dma_wait3A_175 = arith.constant 11 : i32
      %dma_wait3A_176 = arith.constant 0 : i32
      %dma_wait3A_177 = tpu.memref_slice %arg6[%dma_wait3A_175, %dma_wait3A_176] : memref<16x128xi32, #tpu.memory_space<vmem>> -> memref<1x128xi32, #tpu.memory_space<vmem>>
      %dma_wait3A_178 = tpu.memref_squeeze %dma_wait3A_177 : memref<1x128xi32, #tpu.memory_space<vmem>> -> memref<128xi32, #tpu.memory_space<vmem>>
      %dma_wait3A_179 = arith.constant 0 : i32
      %dma_wait3A_180 = tpu.memref_slice %arg8[%dma_wait3A_179] : memref<100352xf32, #tpu.memory_space<vmem_shared>> -> memref<100352xf32, #tpu.memory_space<vmem_shared>>
      tpu.wait_indirect_dma semaphore(%arg9 : memref<!tpu.dma_semaphore, #tpu.memory_space<semaphore_mem>>) src(%arg7 : memref<128xf32, #tpu.memory_space<vmem>>) dst(%dma_wait3A_180 : memref<100352xf32, #tpu.memory_space<vmem_shared>>)
      %dma_wait3A_181 = arith.constant 12 : i32
      %dma_wait3A_182 = arith.constant 0 : i32
      %dma_wait3A_183 = tpu.memref_slice %arg6[%dma_wait3A_181, %dma_wait3A_182] : memref<16x128xi32, #tpu.memory_space<vmem>> -> memref<1x128xi32, #tpu.memory_space<vmem>>
      %dma_wait3A_184 = tpu.memref_squeeze %dma_wait3A_183 : memref<1x128xi32, #tpu.memory_space<vmem>> -> memref<128xi32, #tpu.memory_space<vmem>>
      %dma_wait3A_185 = arith.constant 0 : i32
      %dma_wait3A_186 = tpu.memref_slice %arg8[%dma_wait3A_185] : memref<100352xf32, #tpu.memory_space<vmem_shared>> -> memref<100352xf32, #tpu.memory_space<vmem_shared>>
      tpu.wait_indirect_dma semaphore(%arg9 : memref<!tpu.dma_semaphore, #tpu.memory_space<semaphore_mem>>) src(%arg7 : memref<128xf32, #tpu.memory_space<vmem>>) dst(%dma_wait3A_186 : memref<100352xf32, #tpu.memory_space<vmem_shared>>)
      %dma_wait3A_187 = arith.constant 13 : i32
      %dma_wait3A_188 = arith.constant 0 : i32
      %dma_wait3A_189 = tpu.memref_slice %arg6[%dma_wait3A_187, %dma_wait3A_188] : memref<16x128xi32, #tpu.memory_space<vmem>> -> memref<1x128xi32, #tpu.memory_space<vmem>>
      %dma_wait3A_190 = tpu.memref_squeeze %dma_wait3A_189 : memref<1x128xi32, #tpu.memory_space<vmem>> -> memref<128xi32, #tpu.memory_space<vmem>>
      %dma_wait3A_191 = arith.constant 0 : i32
      %dma_wait3A_192 = tpu.memref_slice %arg8[%dma_wait3A_191] : memref<100352xf32, #tpu.memory_space<vmem_shared>> -> memref<100352xf32, #tpu.memory_space<vmem_shared>>
      tpu.wait_indirect_dma semaphore(%arg9 : memref<!tpu.dma_semaphore, #tpu.memory_space<semaphore_mem>>) src(%arg7 : memref<128xf32, #tpu.memory_space<vmem>>) dst(%dma_wait3A_192 : memref<100352xf32, #tpu.memory_space<vmem_shared>>)
      %dma_wait3A_193 = arith.constant 14 : i32
      %dma_wait3A_194 = arith.constant 0 : i32
      %dma_wait3A_195 = tpu.memref_slice %arg6[%dma_wait3A_193, %dma_wait3A_194] : memref<16x128xi32, #tpu.memory_space<vmem>> -> memref<1x128xi32, #tpu.memory_space<vmem>>
      %dma_wait3A_196 = tpu.memref_squeeze %dma_wait3A_195 : memref<1x128xi32, #tpu.memory_space<vmem>> -> memref<128xi32, #tpu.memory_space<vmem>>
      %dma_wait3A_197 = arith.constant 0 : i32
      %dma_wait3A_198 = tpu.memref_slice %arg8[%dma_wait3A_197] : memref<100352xf32, #tpu.memory_space<vmem_shared>> -> memref<100352xf32, #tpu.memory_space<vmem_shared>>
      tpu.wait_indirect_dma semaphore(%arg9 : memref<!tpu.dma_semaphore, #tpu.memory_space<semaphore_mem>>) src(%arg7 : memref<128xf32, #tpu.memory_space<vmem>>) dst(%dma_wait3A_198 : memref<100352xf32, #tpu.memory_space<vmem_shared>>)
      %dma_wait3A_199 = arith.constant 15 : i32
      %dma_wait3A_200 = arith.constant 0 : i32
      %dma_wait3A_201 = tpu.memref_slice %arg6[%dma_wait3A_199, %dma_wait3A_200] : memref<16x128xi32, #tpu.memory_space<vmem>> -> memref<1x128xi32, #tpu.memory_space<vmem>>
      %dma_wait3A_202 = tpu.memref_squeeze %dma_wait3A_201 : memref<1x128xi32, #tpu.memory_space<vmem>> -> memref<128xi32, #tpu.memory_space<vmem>>
      %dma_wait3A_203 = arith.constant 0 : i32
      %dma_wait3A_204 = tpu.memref_slice %arg8[%dma_wait3A_203] : memref<100352xf32, #tpu.memory_space<vmem_shared>> -> memref<100352xf32, #tpu.memory_space<vmem_shared>>
      tpu.wait_indirect_dma semaphore(%arg9 : memref<!tpu.dma_semaphore, #tpu.memory_space<semaphore_mem>>) src(%arg7 : memref<128xf32, #tpu.memory_space<vmem>>) dst(%dma_wait3A_204 : memref<100352xf32, #tpu.memory_space<vmem_shared>>)
    }
    %scan3A_9 = arith.constant 49 : i32
    %barrier3A_10 = arith.constant 0 : index
    tpu.barrier barrier_id(%barrier3A_10)
    "tpu.region"() ({
      %run_scoped3A = tpu.sem_alloc : memref<!tpu.dma_semaphore, #tpu.memory_space<semaphore_mem>>
      %dma_start3A = tpu.memref_slice %arg5[%arg0, %mul3A_0] : memref<2x100352xf32, #tpu.memory_space<hbm>> -> memref<1x6272xf32, #tpu.memory_space<hbm>>
      %dma_start3A_11 = tpu.memref_squeeze %dma_start3A : memref<1x6272xf32, #tpu.memory_space<hbm>> -> memref<6272xf32, #tpu.memory_space<hbm>>
      %dma_start3A_12 = tpu.memref_slice %arg8[%mul3A_0] : memref<100352xf32, #tpu.memory_space<vmem_shared>> -> memref<6272xf32, #tpu.memory_space<vmem_shared>>
      tpu.enqueue_dma source(%dma_start3A_12 : memref<6272xf32, #tpu.memory_space<vmem_shared>>) target(%dma_start3A_11 : memref<6272xf32, #tpu.memory_space<hbm>>) target_semaphore(%run_scoped3A : memref<!tpu.dma_semaphore, #tpu.memory_space<semaphore_mem>>)
      %dma_wait3A = tpu.memref_slice %arg5[%arg0, %mul3A_0] : memref<2x100352xf32, #tpu.memory_space<hbm>> -> memref<1x6272xf32, #tpu.memory_space<hbm>>
      %dma_wait3A_13 = tpu.memref_squeeze %dma_wait3A : memref<1x6272xf32, #tpu.memory_space<hbm>> -> memref<6272xf32, #tpu.memory_space<hbm>>
      %dma_wait3A_14 = tpu.memref_slice %arg8[%mul3A_0] : memref<100352xf32, #tpu.memory_space<vmem_shared>> -> memref<6272xf32, #tpu.memory_space<vmem_shared>>
      tpu.wait_dma2 semaphore(%run_scoped3A : memref<!tpu.dma_semaphore, #tpu.memory_space<semaphore_mem>>) src(%dma_wait3A_14 : memref<6272xf32, #tpu.memory_space<vmem_shared>>) dst(%dma_wait3A_13 : memref<6272xf32, #tpu.memory_space<hbm>>)
      tpu.yield
    }) : () -> ()
    return
  }
}

#map = affine_map<(d0, d1) -> (0, 0)>
#map1 = affine_map<(d0, d1) -> (0)>
#map2 = affine_map<(d0, d1) -> (0, 0, 0)>
module attributes {stable_mosaic.version = 14 : i64} {
  func.func @_passb_body(%arg0: i32, %arg1: i32, %arg2: memref<25088x128xi32, #tpu.memory_space<hbm>>, %arg3: memref<25088x128xi32, #tpu.memory_space<hbm>>, %arg4: memref<100352xf32, #tpu.memory_space<hbm>>, %arg5: memref<100352xf32, #tpu.memory_space<hbm>>, %arg6: memref<6272xf32, #tpu.memory_space<hbm>>, %arg7: memref<2x2x100352xf32, #tpu.memory_space<hbm>>, %arg8: memref<16x128xi32, #tpu.memory_space<vmem>>, %arg9: memref<16x128xi32, #tpu.memory_space<vmem>>, %arg10: memref<8x128xf32, #tpu.memory_space<vmem>>, %arg11: memref<8x128xf32, #tpu.memory_space<vmem>>, %arg12: memref<100352xf32, #tpu.memory_space<vmem_shared>>, %arg13: memref<100352xf32, #tpu.memory_space<vmem_shared>>, %arg14: memref<100352xf32, #tpu.memory_space<vmem_shared>>, %arg15: memref<100352xf32, #tpu.memory_space<vmem_shared>>, %arg16: memref<!tpu.dma_semaphore, #tpu.memory_space<semaphore_mem>>, %arg17: memref<!tpu.dma_semaphore, #tpu.memory_space<semaphore_mem>>, %arg18: memref<!tpu.dma_semaphore, #tpu.memory_space<semaphore_mem>>) attributes {dimension_semantics = [#tpu.dimension_semantics<core_parallel>, #tpu.dimension_semantics<subcore_parallel>], iteration_bounds = array<i64: 2, 16>, scalar_prefetch = 0 : i64, scratch_operands = 11 : i64, tpu.core_type = #tpu.core_type<sc_vector_subcore>, window_params = [{transform_indices = #map}, {transform_indices = #map}, {transform_indices = #map1}, {transform_indices = #map1}, {transform_indices = #map1}, {transform_indices = #map2}]} {
    %mul3A = arith.constant 6272 : i32
    %mul3A_0 = arith.muli %arg1, %mul3A : i32
    "tpu.region"() ({
      %run_scoped3A_12 = tpu.sem_alloc : memref<!tpu.dma_semaphore, #tpu.memory_space<semaphore_mem>>
      %dma_start3A = tpu.memref_slice %arg14[%mul3A_0] : memref<100352xf32, #tpu.memory_space<vmem_shared>> -> memref<6272xf32, #tpu.memory_space<vmem_shared>>
      tpu.enqueue_dma source(%arg6 : memref<6272xf32, #tpu.memory_space<hbm>>) target(%dma_start3A : memref<6272xf32, #tpu.memory_space<vmem_shared>>) target_semaphore(%run_scoped3A_12 : memref<!tpu.dma_semaphore, #tpu.memory_space<semaphore_mem>>)
      %dma_wait3A = tpu.memref_slice %arg14[%mul3A_0] : memref<100352xf32, #tpu.memory_space<vmem_shared>> -> memref<6272xf32, #tpu.memory_space<vmem_shared>>
      tpu.wait_dma2 semaphore(%run_scoped3A_12 : memref<!tpu.dma_semaphore, #tpu.memory_space<semaphore_mem>>) src(%arg6 : memref<6272xf32, #tpu.memory_space<hbm>>) dst(%dma_wait3A : memref<6272xf32, #tpu.memory_space<vmem_shared>>)
      tpu.yield
    }) : () -> ()
    "tpu.region"() ({
      %run_scoped3A_12 = tpu.sem_alloc : memref<!tpu.dma_semaphore, #tpu.memory_space<semaphore_mem>>
      %dma_start3A = tpu.memref_slice %arg15[%mul3A_0] : memref<100352xf32, #tpu.memory_space<vmem_shared>> -> memref<6272xf32, #tpu.memory_space<vmem_shared>>
      tpu.enqueue_dma source(%arg6 : memref<6272xf32, #tpu.memory_space<hbm>>) target(%dma_start3A : memref<6272xf32, #tpu.memory_space<vmem_shared>>) target_semaphore(%run_scoped3A_12 : memref<!tpu.dma_semaphore, #tpu.memory_space<semaphore_mem>>)
      %dma_wait3A = tpu.memref_slice %arg15[%mul3A_0] : memref<100352xf32, #tpu.memory_space<vmem_shared>> -> memref<6272xf32, #tpu.memory_space<vmem_shared>>
      tpu.wait_dma2 semaphore(%run_scoped3A_12 : memref<!tpu.dma_semaphore, #tpu.memory_space<semaphore_mem>>) src(%arg6 : memref<6272xf32, #tpu.memory_space<hbm>>) dst(%dma_wait3A : memref<6272xf32, #tpu.memory_space<vmem_shared>>)
      tpu.yield
    }) : () -> ()
    "tpu.region"() ({
      %run_scoped3A_12 = tpu.sem_alloc : memref<!tpu.dma_semaphore, #tpu.memory_space<semaphore_mem>>
      %dma_start3A = tpu.memref_slice %arg12[%mul3A_0] : memref<100352xf32, #tpu.memory_space<vmem_shared>> -> memref<6272xf32, #tpu.memory_space<vmem_shared>>
      %dma_start3A_13 = tpu.memref_slice %arg4[%mul3A_0] : memref<100352xf32, #tpu.memory_space<hbm>> -> memref<6272xf32, #tpu.memory_space<hbm>>
      tpu.enqueue_dma source(%dma_start3A_13 : memref<6272xf32, #tpu.memory_space<hbm>>) target(%dma_start3A : memref<6272xf32, #tpu.memory_space<vmem_shared>>) target_semaphore(%run_scoped3A_12 : memref<!tpu.dma_semaphore, #tpu.memory_space<semaphore_mem>>)
      %dma_wait3A = tpu.memref_slice %arg12[%mul3A_0] : memref<100352xf32, #tpu.memory_space<vmem_shared>> -> memref<6272xf32, #tpu.memory_space<vmem_shared>>
      %dma_wait3A_14 = tpu.memref_slice %arg4[%mul3A_0] : memref<100352xf32, #tpu.memory_space<hbm>> -> memref<6272xf32, #tpu.memory_space<hbm>>
      tpu.wait_dma2 semaphore(%run_scoped3A_12 : memref<!tpu.dma_semaphore, #tpu.memory_space<semaphore_mem>>) src(%dma_wait3A_14 : memref<6272xf32, #tpu.memory_space<hbm>>) dst(%dma_wait3A : memref<6272xf32, #tpu.memory_space<vmem_shared>>)
      tpu.yield
    }) : () -> ()
    "tpu.region"() ({
      %run_scoped3A_12 = tpu.sem_alloc : memref<!tpu.dma_semaphore, #tpu.memory_space<semaphore_mem>>
      %dma_start3A = tpu.memref_slice %arg13[%mul3A_0] : memref<100352xf32, #tpu.memory_space<vmem_shared>> -> memref<6272xf32, #tpu.memory_space<vmem_shared>>
      %dma_start3A_13 = tpu.memref_slice %arg5[%mul3A_0] : memref<100352xf32, #tpu.memory_space<hbm>> -> memref<6272xf32, #tpu.memory_space<hbm>>
      tpu.enqueue_dma source(%dma_start3A_13 : memref<6272xf32, #tpu.memory_space<hbm>>) target(%dma_start3A : memref<6272xf32, #tpu.memory_space<vmem_shared>>) target_semaphore(%run_scoped3A_12 : memref<!tpu.dma_semaphore, #tpu.memory_space<semaphore_mem>>)
      %dma_wait3A = tpu.memref_slice %arg13[%mul3A_0] : memref<100352xf32, #tpu.memory_space<vmem_shared>> -> memref<6272xf32, #tpu.memory_space<vmem_shared>>
      %dma_wait3A_14 = tpu.memref_slice %arg5[%mul3A_0] : memref<100352xf32, #tpu.memory_space<hbm>> -> memref<6272xf32, #tpu.memory_space<hbm>>
      tpu.wait_dma2 semaphore(%run_scoped3A_12 : memref<!tpu.dma_semaphore, #tpu.memory_space<semaphore_mem>>) src(%dma_wait3A_14 : memref<6272xf32, #tpu.memory_space<hbm>>) dst(%dma_wait3A : memref<6272xf32, #tpu.memory_space<vmem_shared>>)
      tpu.yield
    }) : () -> ()
    %barrier3A = arith.constant 0 : index
    tpu.barrier barrier_id(%barrier3A)
    %mul3A_1 = arith.constant 16 : i32
    %mul3A_2 = arith.muli %arg0, %mul3A_1 : i32
    %add3A = arith.addi %mul3A_2, %arg1 : i32
    %mul3A_3 = arith.constant 784 : i32
    %mul3A_4 = arith.muli %add3A, %mul3A_3 : i32
    %scan3A = arith.constant 0 : i32
    %scan3A_5 = arith.constant 0 : i32
    %scan3A_6 = arith.constant 49 : i32
    %scan3A_7 = arith.addi %scan3A_5, %scan3A_6 : i32
    %scan3A_8 = arith.constant 1 : i32
    scf.for %scan3A_12 = %scan3A_5 to %scan3A_7 step %scan3A_8  : i32 {
      %mul3A_13 = arith.constant 16 : i32
      %mul3A_14 = arith.muli %scan3A_12, %mul3A_13 : i32
      %add3A_15 = arith.addi %mul3A_4, %mul3A_14 : i32
      %dma_start3A = arith.constant 0 : i32
      %dma_start3A_16 = tpu.memref_slice %arg3[%add3A_15, %dma_start3A] : memref<25088x128xi32, #tpu.memory_space<hbm>> -> memref<16x128xi32, #tpu.memory_space<hbm>>
      %dma_start3A_17 = arith.constant 0 : i32
      %dma_start3A_18 = tpu.memref_slice %arg3[%add3A_15, %dma_start3A_17] : memref<25088x128xi32, #tpu.memory_space<hbm>> -> memref<16x128xi32, #tpu.memory_space<hbm>>
      tpu.enqueue_dma source(%dma_start3A_18 : memref<16x128xi32, #tpu.memory_space<hbm>>) target(%arg9 : memref<16x128xi32, #tpu.memory_space<vmem>>) target_semaphore(%arg18 : memref<!tpu.dma_semaphore, #tpu.memory_space<semaphore_mem>>)
      "tpu.region"() ({
        %run_scoped3A_28 = tpu.sem_alloc : memref<!tpu.dma_semaphore, #tpu.memory_space<semaphore_mem>>
        %dma_start3A_29 = arith.constant 0 : i32
        %dma_start3A_30 = tpu.memref_slice %arg2[%add3A_15, %dma_start3A_29] : memref<25088x128xi32, #tpu.memory_space<hbm>> -> memref<16x128xi32, #tpu.memory_space<hbm>>
        %dma_start3A_31 = arith.constant 0 : i32
        %dma_start3A_32 = tpu.memref_slice %arg2[%add3A_15, %dma_start3A_31] : memref<25088x128xi32, #tpu.memory_space<hbm>> -> memref<16x128xi32, #tpu.memory_space<hbm>>
        tpu.enqueue_dma source(%dma_start3A_32 : memref<16x128xi32, #tpu.memory_space<hbm>>) target(%arg8 : memref<16x128xi32, #tpu.memory_space<vmem>>) target_semaphore(%run_scoped3A_28 : memref<!tpu.dma_semaphore, #tpu.memory_space<semaphore_mem>>)
        %dma_wait3A_33 = arith.constant 0 : i32
        %dma_wait3A_34 = tpu.memref_slice %arg2[%add3A_15, %dma_wait3A_33] : memref<25088x128xi32, #tpu.memory_space<hbm>> -> memref<16x128xi32, #tpu.memory_space<hbm>>
        %dma_wait3A_35 = arith.constant 0 : i32
        %dma_wait3A_36 = tpu.memref_slice %arg2[%add3A_15, %dma_wait3A_35] : memref<25088x128xi32, #tpu.memory_space<hbm>> -> memref<16x128xi32, #tpu.memory_space<hbm>>
        tpu.wait_dma2 semaphore(%run_scoped3A_28 : memref<!tpu.dma_semaphore, #tpu.memory_space<semaphore_mem>>) src(%dma_wait3A_36 : memref<16x128xi32, #tpu.memory_space<hbm>>) dst(%arg8 : memref<16x128xi32, #tpu.memory_space<vmem>>)
        tpu.yield
      }) : () -> ()
      %dma_wait3A = arith.constant 0 : i32
      %dma_wait3A_19 = tpu.memref_slice %arg3[%add3A_15, %dma_wait3A] : memref<25088x128xi32, #tpu.memory_space<hbm>> -> memref<16x128xi32, #tpu.memory_space<hbm>>
      %dma_wait3A_20 = arith.constant 0 : i32
      %dma_wait3A_21 = tpu.memref_slice %arg3[%add3A_15, %dma_wait3A_20] : memref<25088x128xi32, #tpu.memory_space<hbm>> -> memref<16x128xi32, #tpu.memory_space<hbm>>
      tpu.wait_dma2 semaphore(%arg18 : memref<!tpu.dma_semaphore, #tpu.memory_space<semaphore_mem>>) src(%dma_wait3A_21 : memref<16x128xi32, #tpu.memory_space<hbm>>) dst(%arg9 : memref<16x128xi32, #tpu.memory_space<vmem>>)
      %scan3A_22 = arith.constant 0 : i32
      %scan3A_23 = arith.constant 0 : i32
      %scan3A_24 = arith.constant 2 : i32
      %scan3A_25 = arith.addi %scan3A_23, %scan3A_24 : i32
      %scan3A_26 = arith.constant 1 : i32
      scf.for %scan3A_28 = %scan3A_23 to %scan3A_25 step %scan3A_26  : i32 {
        %mul3A_29 = arith.constant 8 : i32
        %mul3A_30 = arith.muli %scan3A_28, %mul3A_29 : i32
        %add3A_31 = arith.constant 0 : i32
        %add3A_32 = arith.addi %mul3A_30, %add3A_31 : i32
        %dma_start3A_33 = arith.constant 0 : i32
        %dma_start3A_34 = arith.constant 0 : i32
        %dma_start3A_35 = tpu.memref_slice %arg10[%dma_start3A_33, %dma_start3A_34] : memref<8x128xf32, #tpu.memory_space<vmem>> -> memref<1x128xf32, #tpu.memory_space<vmem>>
        %dma_start3A_36 = tpu.memref_squeeze %dma_start3A_35 : memref<1x128xf32, #tpu.memory_space<vmem>> -> memref<128xf32, #tpu.memory_space<vmem>>
        %dma_start3A_37 = arith.constant 0 : i32
        %dma_start3A_38 = tpu.memref_slice %arg8[%add3A_32, %dma_start3A_37] : memref<16x128xi32, #tpu.memory_space<vmem>> -> memref<1x128xi32, #tpu.memory_space<vmem>>
        %dma_start3A_39 = tpu.memref_squeeze %dma_start3A_38 : memref<1x128xi32, #tpu.memory_space<vmem>> -> memref<128xi32, #tpu.memory_space<vmem>>
        %dma_start3A_40 = arith.constant 0 : i32
        %dma_start3A_41 = tpu.memref_slice %arg12[%dma_start3A_40] : memref<100352xf32, #tpu.memory_space<vmem_shared>> -> memref<100352xf32, #tpu.memory_space<vmem_shared>>
        tpu.enqueue_indirect_dma source(%dma_start3A_41 : memref<100352xf32, #tpu.memory_space<vmem_shared>>) target(%dma_start3A_36 : memref<128xf32, #tpu.memory_space<vmem>>) offsets(%dma_start3A_39 : memref<128xi32, #tpu.memory_space<vmem>>) semaphore(%arg16 : memref<!tpu.dma_semaphore, #tpu.memory_space<semaphore_mem>>)
        %add3A_42 = arith.constant 0 : i32
        %add3A_43 = arith.addi %mul3A_30, %add3A_42 : i32
        %dma_start3A_44 = arith.constant 0 : i32
        %dma_start3A_45 = arith.constant 0 : i32
        %dma_start3A_46 = tpu.memref_slice %arg11[%dma_start3A_44, %dma_start3A_45] : memref<8x128xf32, #tpu.memory_space<vmem>> -> memref<1x128xf32, #tpu.memory_space<vmem>>
        %dma_start3A_47 = tpu.memref_squeeze %dma_start3A_46 : memref<1x128xf32, #tpu.memory_space<vmem>> -> memref<128xf32, #tpu.memory_space<vmem>>
        %dma_start3A_48 = arith.constant 0 : i32
        %dma_start3A_49 = tpu.memref_slice %arg8[%add3A_43, %dma_start3A_48] : memref<16x128xi32, #tpu.memory_space<vmem>> -> memref<1x128xi32, #tpu.memory_space<vmem>>
        %dma_start3A_50 = tpu.memref_squeeze %dma_start3A_49 : memref<1x128xi32, #tpu.memory_space<vmem>> -> memref<128xi32, #tpu.memory_space<vmem>>
        %dma_start3A_51 = arith.constant 0 : i32
        %dma_start3A_52 = tpu.memref_slice %arg13[%dma_start3A_51] : memref<100352xf32, #tpu.memory_space<vmem_shared>> -> memref<100352xf32, #tpu.memory_space<vmem_shared>>
        tpu.enqueue_indirect_dma source(%dma_start3A_52 : memref<100352xf32, #tpu.memory_space<vmem_shared>>) target(%dma_start3A_47 : memref<128xf32, #tpu.memory_space<vmem>>) offsets(%dma_start3A_50 : memref<128xi32, #tpu.memory_space<vmem>>) semaphore(%arg16 : memref<!tpu.dma_semaphore, #tpu.memory_space<semaphore_mem>>)
        %add3A_53 = arith.constant 1 : i32
        %add3A_54 = arith.addi %mul3A_30, %add3A_53 : i32
        %dma_start3A_55 = arith.constant 1 : i32
        %dma_start3A_56 = arith.constant 0 : i32
        %dma_start3A_57 = tpu.memref_slice %arg10[%dma_start3A_55, %dma_start3A_56] : memref<8x128xf32, #tpu.memory_space<vmem>> -> memref<1x128xf32, #tpu.memory_space<vmem>>
        %dma_start3A_58 = tpu.memref_squeeze %dma_start3A_57 : memref<1x128xf32, #tpu.memory_space<vmem>> -> memref<128xf32, #tpu.memory_space<vmem>>
        %dma_start3A_59 = arith.constant 0 : i32
        %dma_start3A_60 = tpu.memref_slice %arg8[%add3A_54, %dma_start3A_59] : memref<16x128xi32, #tpu.memory_space<vmem>> -> memref<1x128xi32, #tpu.memory_space<vmem>>
        %dma_start3A_61 = tpu.memref_squeeze %dma_start3A_60 : memref<1x128xi32, #tpu.memory_space<vmem>> -> memref<128xi32, #tpu.memory_space<vmem>>
        %dma_start3A_62 = arith.constant 0 : i32
        %dma_start3A_63 = tpu.memref_slice %arg12[%dma_start3A_62] : memref<100352xf32, #tpu.memory_space<vmem_shared>> -> memref<100352xf32, #tpu.memory_space<vmem_shared>>
        tpu.enqueue_indirect_dma source(%dma_start3A_63 : memref<100352xf32, #tpu.memory_space<vmem_shared>>) target(%dma_start3A_58 : memref<128xf32, #tpu.memory_space<vmem>>) offsets(%dma_start3A_61 : memref<128xi32, #tpu.memory_space<vmem>>) semaphore(%arg16 : memref<!tpu.dma_semaphore, #tpu.memory_space<semaphore_mem>>)
        %add3A_64 = arith.constant 1 : i32
        %add3A_65 = arith.addi %mul3A_30, %add3A_64 : i32
        %dma_start3A_66 = arith.constant 1 : i32
        %dma_start3A_67 = arith.constant 0 : i32
        %dma_start3A_68 = tpu.memref_slice %arg11[%dma_start3A_66, %dma_start3A_67] : memref<8x128xf32, #tpu.memory_space<vmem>> -> memref<1x128xf32, #tpu.memory_space<vmem>>
        %dma_start3A_69 = tpu.memref_squeeze %dma_start3A_68 : memref<1x128xf32, #tpu.memory_space<vmem>> -> memref<128xf32, #tpu.memory_space<vmem>>
        %dma_start3A_70 = arith.constant 0 : i32
        %dma_start3A_71 = tpu.memref_slice %arg8[%add3A_65, %dma_start3A_70] : memref<16x128xi32, #tpu.memory_space<vmem>> -> memref<1x128xi32, #tpu.memory_space<vmem>>
        %dma_start3A_72 = tpu.memref_squeeze %dma_start3A_71 : memref<1x128xi32, #tpu.memory_space<vmem>> -> memref<128xi32, #tpu.memory_space<vmem>>
        %dma_start3A_73 = arith.constant 0 : i32
        %dma_start3A_74 = tpu.memref_slice %arg13[%dma_start3A_73] : memref<100352xf32, #tpu.memory_space<vmem_shared>> -> memref<100352xf32, #tpu.memory_space<vmem_shared>>
        tpu.enqueue_indirect_dma source(%dma_start3A_74 : memref<100352xf32, #tpu.memory_space<vmem_shared>>) target(%dma_start3A_69 : memref<128xf32, #tpu.memory_space<vmem>>) offsets(%dma_start3A_72 : memref<128xi32, #tpu.memory_space<vmem>>) semaphore(%arg16 : memref<!tpu.dma_semaphore, #tpu.memory_space<semaphore_mem>>)
        %add3A_75 = arith.constant 2 : i32
        %add3A_76 = arith.addi %mul3A_30, %add3A_75 : i32
        %dma_start3A_77 = arith.constant 2 : i32
        %dma_start3A_78 = arith.constant 0 : i32
        %dma_start3A_79 = tpu.memref_slice %arg10[%dma_start3A_77, %dma_start3A_78] : memref<8x128xf32, #tpu.memory_space<vmem>> -> memref<1x128xf32, #tpu.memory_space<vmem>>
        %dma_start3A_80 = tpu.memref_squeeze %dma_start3A_79 : memref<1x128xf32, #tpu.memory_space<vmem>> -> memref<128xf32, #tpu.memory_space<vmem>>
        %dma_start3A_81 = arith.constant 0 : i32
        %dma_start3A_82 = tpu.memref_slice %arg8[%add3A_76, %dma_start3A_81] : memref<16x128xi32, #tpu.memory_space<vmem>> -> memref<1x128xi32, #tpu.memory_space<vmem>>
        %dma_start3A_83 = tpu.memref_squeeze %dma_start3A_82 : memref<1x128xi32, #tpu.memory_space<vmem>> -> memref<128xi32, #tpu.memory_space<vmem>>
        %dma_start3A_84 = arith.constant 0 : i32
        %dma_start3A_85 = tpu.memref_slice %arg12[%dma_start3A_84] : memref<100352xf32, #tpu.memory_space<vmem_shared>> -> memref<100352xf32, #tpu.memory_space<vmem_shared>>
        tpu.enqueue_indirect_dma source(%dma_start3A_85 : memref<100352xf32, #tpu.memory_space<vmem_shared>>) target(%dma_start3A_80 : memref<128xf32, #tpu.memory_space<vmem>>) offsets(%dma_start3A_83 : memref<128xi32, #tpu.memory_space<vmem>>) semaphore(%arg16 : memref<!tpu.dma_semaphore, #tpu.memory_space<semaphore_mem>>)
        %add3A_86 = arith.constant 2 : i32
        %add3A_87 = arith.addi %mul3A_30, %add3A_86 : i32
        %dma_start3A_88 = arith.constant 2 : i32
        %dma_start3A_89 = arith.constant 0 : i32
        %dma_start3A_90 = tpu.memref_slice %arg11[%dma_start3A_88, %dma_start3A_89] : memref<8x128xf32, #tpu.memory_space<vmem>> -> memref<1x128xf32, #tpu.memory_space<vmem>>
        %dma_start3A_91 = tpu.memref_squeeze %dma_start3A_90 : memref<1x128xf32, #tpu.memory_space<vmem>> -> memref<128xf32, #tpu.memory_space<vmem>>
        %dma_start3A_92 = arith.constant 0 : i32
        %dma_start3A_93 = tpu.memref_slice %arg8[%add3A_87, %dma_start3A_92] : memref<16x128xi32, #tpu.memory_space<vmem>> -> memref<1x128xi32, #tpu.memory_space<vmem>>
        %dma_start3A_94 = tpu.memref_squeeze %dma_start3A_93 : memref<1x128xi32, #tpu.memory_space<vmem>> -> memref<128xi32, #tpu.memory_space<vmem>>
        %dma_start3A_95 = arith.constant 0 : i32
        %dma_start3A_96 = tpu.memref_slice %arg13[%dma_start3A_95] : memref<100352xf32, #tpu.memory_space<vmem_shared>> -> memref<100352xf32, #tpu.memory_space<vmem_shared>>
        tpu.enqueue_indirect_dma source(%dma_start3A_96 : memref<100352xf32, #tpu.memory_space<vmem_shared>>) target(%dma_start3A_91 : memref<128xf32, #tpu.memory_space<vmem>>) offsets(%dma_start3A_94 : memref<128xi32, #tpu.memory_space<vmem>>) semaphore(%arg16 : memref<!tpu.dma_semaphore, #tpu.memory_space<semaphore_mem>>)
        %add3A_97 = arith.constant 3 : i32
        %add3A_98 = arith.addi %mul3A_30, %add3A_97 : i32
        %dma_start3A_99 = arith.constant 3 : i32
        %dma_start3A_100 = arith.constant 0 : i32
        %dma_start3A_101 = tpu.memref_slice %arg10[%dma_start3A_99, %dma_start3A_100] : memref<8x128xf32, #tpu.memory_space<vmem>> -> memref<1x128xf32, #tpu.memory_space<vmem>>
        %dma_start3A_102 = tpu.memref_squeeze %dma_start3A_101 : memref<1x128xf32, #tpu.memory_space<vmem>> -> memref<128xf32, #tpu.memory_space<vmem>>
        %dma_start3A_103 = arith.constant 0 : i32
        %dma_start3A_104 = tpu.memref_slice %arg8[%add3A_98, %dma_start3A_103] : memref<16x128xi32, #tpu.memory_space<vmem>> -> memref<1x128xi32, #tpu.memory_space<vmem>>
        %dma_start3A_105 = tpu.memref_squeeze %dma_start3A_104 : memref<1x128xi32, #tpu.memory_space<vmem>> -> memref<128xi32, #tpu.memory_space<vmem>>
        %dma_start3A_106 = arith.constant 0 : i32
        %dma_start3A_107 = tpu.memref_slice %arg12[%dma_start3A_106] : memref<100352xf32, #tpu.memory_space<vmem_shared>> -> memref<100352xf32, #tpu.memory_space<vmem_shared>>
        tpu.enqueue_indirect_dma source(%dma_start3A_107 : memref<100352xf32, #tpu.memory_space<vmem_shared>>) target(%dma_start3A_102 : memref<128xf32, #tpu.memory_space<vmem>>) offsets(%dma_start3A_105 : memref<128xi32, #tpu.memory_space<vmem>>) semaphore(%arg16 : memref<!tpu.dma_semaphore, #tpu.memory_space<semaphore_mem>>)
        %add3A_108 = arith.constant 3 : i32
        %add3A_109 = arith.addi %mul3A_30, %add3A_108 : i32
        %dma_start3A_110 = arith.constant 3 : i32
        %dma_start3A_111 = arith.constant 0 : i32
        %dma_start3A_112 = tpu.memref_slice %arg11[%dma_start3A_110, %dma_start3A_111] : memref<8x128xf32, #tpu.memory_space<vmem>> -> memref<1x128xf32, #tpu.memory_space<vmem>>
        %dma_start3A_113 = tpu.memref_squeeze %dma_start3A_112 : memref<1x128xf32, #tpu.memory_space<vmem>> -> memref<128xf32, #tpu.memory_space<vmem>>
        %dma_start3A_114 = arith.constant 0 : i32
        %dma_start3A_115 = tpu.memref_slice %arg8[%add3A_109, %dma_start3A_114] : memref<16x128xi32, #tpu.memory_space<vmem>> -> memref<1x128xi32, #tpu.memory_space<vmem>>
        %dma_start3A_116 = tpu.memref_squeeze %dma_start3A_115 : memref<1x128xi32, #tpu.memory_space<vmem>> -> memref<128xi32, #tpu.memory_space<vmem>>
        %dma_start3A_117 = arith.constant 0 : i32
        %dma_start3A_118 = tpu.memref_slice %arg13[%dma_start3A_117] : memref<100352xf32, #tpu.memory_space<vmem_shared>> -> memref<100352xf32, #tpu.memory_space<vmem_shared>>
        tpu.enqueue_indirect_dma source(%dma_start3A_118 : memref<100352xf32, #tpu.memory_space<vmem_shared>>) target(%dma_start3A_113 : memref<128xf32, #tpu.memory_space<vmem>>) offsets(%dma_start3A_116 : memref<128xi32, #tpu.memory_space<vmem>>) semaphore(%arg16 : memref<!tpu.dma_semaphore, #tpu.memory_space<semaphore_mem>>)
        %dma_wait3A_119 = arith.constant 0 : i32
        %dma_wait3A_120 = arith.constant 0 : i32
        %dma_wait3A_121 = tpu.memref_slice %arg10[%dma_wait3A_119, %dma_wait3A_120] : memref<8x128xf32, #tpu.memory_space<vmem>> -> memref<1x128xf32, #tpu.memory_space<vmem>>
        %dma_wait3A_122 = tpu.memref_squeeze %dma_wait3A_121 : memref<1x128xf32, #tpu.memory_space<vmem>> -> memref<128xf32, #tpu.memory_space<vmem>>
        %dma_wait3A_123 = arith.constant 0 : i32
        %dma_wait3A_124 = tpu.memref_slice %arg8[%add3A_32, %dma_wait3A_123] : memref<16x128xi32, #tpu.memory_space<vmem>> -> memref<1x128xi32, #tpu.memory_space<vmem>>
        %dma_wait3A_125 = tpu.memref_squeeze %dma_wait3A_124 : memref<1x128xi32, #tpu.memory_space<vmem>> -> memref<128xi32, #tpu.memory_space<vmem>>
        %dma_wait3A_126 = arith.constant 0 : i32
        %dma_wait3A_127 = tpu.memref_slice %arg12[%dma_wait3A_126] : memref<100352xf32, #tpu.memory_space<vmem_shared>> -> memref<100352xf32, #tpu.memory_space<vmem_shared>>
        tpu.wait_indirect_dma semaphore(%arg16 : memref<!tpu.dma_semaphore, #tpu.memory_space<semaphore_mem>>) src(%dma_wait3A_127 : memref<100352xf32, #tpu.memory_space<vmem_shared>>) dst(%dma_wait3A_122 : memref<128xf32, #tpu.memory_space<vmem>>)
        %dma_wait3A_128 = arith.constant 0 : i32
        %dma_wait3A_129 = arith.constant 0 : i32
        %dma_wait3A_130 = tpu.memref_slice %arg11[%dma_wait3A_128, %dma_wait3A_129] : memref<8x128xf32, #tpu.memory_space<vmem>> -> memref<1x128xf32, #tpu.memory_space<vmem>>
        %dma_wait3A_131 = tpu.memref_squeeze %dma_wait3A_130 : memref<1x128xf32, #tpu.memory_space<vmem>> -> memref<128xf32, #tpu.memory_space<vmem>>
        %dma_wait3A_132 = arith.constant 0 : i32
        %dma_wait3A_133 = tpu.memref_slice %arg8[%add3A_43, %dma_wait3A_132] : memref<16x128xi32, #tpu.memory_space<vmem>> -> memref<1x128xi32, #tpu.memory_space<vmem>>
        %dma_wait3A_134 = tpu.memref_squeeze %dma_wait3A_133 : memref<1x128xi32, #tpu.memory_space<vmem>> -> memref<128xi32, #tpu.memory_space<vmem>>
        %dma_wait3A_135 = arith.constant 0 : i32
        %dma_wait3A_136 = tpu.memref_slice %arg13[%dma_wait3A_135] : memref<100352xf32, #tpu.memory_space<vmem_shared>> -> memref<100352xf32, #tpu.memory_space<vmem_shared>>
        tpu.wait_indirect_dma semaphore(%arg16 : memref<!tpu.dma_semaphore, #tpu.memory_space<semaphore_mem>>) src(%dma_wait3A_136 : memref<100352xf32, #tpu.memory_space<vmem_shared>>) dst(%dma_wait3A_131 : memref<128xf32, #tpu.memory_space<vmem>>)
        %dma_wait3A_137 = arith.constant 1 : i32
        %dma_wait3A_138 = arith.constant 0 : i32
        %dma_wait3A_139 = tpu.memref_slice %arg10[%dma_wait3A_137, %dma_wait3A_138] : memref<8x128xf32, #tpu.memory_space<vmem>> -> memref<1x128xf32, #tpu.memory_space<vmem>>
        %dma_wait3A_140 = tpu.memref_squeeze %dma_wait3A_139 : memref<1x128xf32, #tpu.memory_space<vmem>> -> memref<128xf32, #tpu.memory_space<vmem>>
        %dma_wait3A_141 = arith.constant 0 : i32
        %dma_wait3A_142 = tpu.memref_slice %arg8[%add3A_54, %dma_wait3A_141] : memref<16x128xi32, #tpu.memory_space<vmem>> -> memref<1x128xi32, #tpu.memory_space<vmem>>
        %dma_wait3A_143 = tpu.memref_squeeze %dma_wait3A_142 : memref<1x128xi32, #tpu.memory_space<vmem>> -> memref<128xi32, #tpu.memory_space<vmem>>
        %dma_wait3A_144 = arith.constant 0 : i32
        %dma_wait3A_145 = tpu.memref_slice %arg12[%dma_wait3A_144] : memref<100352xf32, #tpu.memory_space<vmem_shared>> -> memref<100352xf32, #tpu.memory_space<vmem_shared>>
        tpu.wait_indirect_dma semaphore(%arg16 : memref<!tpu.dma_semaphore, #tpu.memory_space<semaphore_mem>>) src(%dma_wait3A_145 : memref<100352xf32, #tpu.memory_space<vmem_shared>>) dst(%dma_wait3A_140 : memref<128xf32, #tpu.memory_space<vmem>>)
        %dma_wait3A_146 = arith.constant 1 : i32
        %dma_wait3A_147 = arith.constant 0 : i32
        %dma_wait3A_148 = tpu.memref_slice %arg11[%dma_wait3A_146, %dma_wait3A_147] : memref<8x128xf32, #tpu.memory_space<vmem>> -> memref<1x128xf32, #tpu.memory_space<vmem>>
        %dma_wait3A_149 = tpu.memref_squeeze %dma_wait3A_148 : memref<1x128xf32, #tpu.memory_space<vmem>> -> memref<128xf32, #tpu.memory_space<vmem>>
        %dma_wait3A_150 = arith.constant 0 : i32
        %dma_wait3A_151 = tpu.memref_slice %arg8[%add3A_65, %dma_wait3A_150] : memref<16x128xi32, #tpu.memory_space<vmem>> -> memref<1x128xi32, #tpu.memory_space<vmem>>
        %dma_wait3A_152 = tpu.memref_squeeze %dma_wait3A_151 : memref<1x128xi32, #tpu.memory_space<vmem>> -> memref<128xi32, #tpu.memory_space<vmem>>
        %dma_wait3A_153 = arith.constant 0 : i32
        %dma_wait3A_154 = tpu.memref_slice %arg13[%dma_wait3A_153] : memref<100352xf32, #tpu.memory_space<vmem_shared>> -> memref<100352xf32, #tpu.memory_space<vmem_shared>>
        tpu.wait_indirect_dma semaphore(%arg16 : memref<!tpu.dma_semaphore, #tpu.memory_space<semaphore_mem>>) src(%dma_wait3A_154 : memref<100352xf32, #tpu.memory_space<vmem_shared>>) dst(%dma_wait3A_149 : memref<128xf32, #tpu.memory_space<vmem>>)
        %dma_wait3A_155 = arith.constant 2 : i32
        %dma_wait3A_156 = arith.constant 0 : i32
        %dma_wait3A_157 = tpu.memref_slice %arg10[%dma_wait3A_155, %dma_wait3A_156] : memref<8x128xf32, #tpu.memory_space<vmem>> -> memref<1x128xf32, #tpu.memory_space<vmem>>
        %dma_wait3A_158 = tpu.memref_squeeze %dma_wait3A_157 : memref<1x128xf32, #tpu.memory_space<vmem>> -> memref<128xf32, #tpu.memory_space<vmem>>
        %dma_wait3A_159 = arith.constant 0 : i32
        %dma_wait3A_160 = tpu.memref_slice %arg8[%add3A_76, %dma_wait3A_159] : memref<16x128xi32, #tpu.memory_space<vmem>> -> memref<1x128xi32, #tpu.memory_space<vmem>>
        %dma_wait3A_161 = tpu.memref_squeeze %dma_wait3A_160 : memref<1x128xi32, #tpu.memory_space<vmem>> -> memref<128xi32, #tpu.memory_space<vmem>>
        %dma_wait3A_162 = arith.constant 0 : i32
        %dma_wait3A_163 = tpu.memref_slice %arg12[%dma_wait3A_162] : memref<100352xf32, #tpu.memory_space<vmem_shared>> -> memref<100352xf32, #tpu.memory_space<vmem_shared>>
        tpu.wait_indirect_dma semaphore(%arg16 : memref<!tpu.dma_semaphore, #tpu.memory_space<semaphore_mem>>) src(%dma_wait3A_163 : memref<100352xf32, #tpu.memory_space<vmem_shared>>) dst(%dma_wait3A_158 : memref<128xf32, #tpu.memory_space<vmem>>)
        %dma_wait3A_164 = arith.constant 2 : i32
        %dma_wait3A_165 = arith.constant 0 : i32
        %dma_wait3A_166 = tpu.memref_slice %arg11[%dma_wait3A_164, %dma_wait3A_165] : memref<8x128xf32, #tpu.memory_space<vmem>> -> memref<1x128xf32, #tpu.memory_space<vmem>>
        %dma_wait3A_167 = tpu.memref_squeeze %dma_wait3A_166 : memref<1x128xf32, #tpu.memory_space<vmem>> -> memref<128xf32, #tpu.memory_space<vmem>>
        %dma_wait3A_168 = arith.constant 0 : i32
        %dma_wait3A_169 = tpu.memref_slice %arg8[%add3A_87, %dma_wait3A_168] : memref<16x128xi32, #tpu.memory_space<vmem>> -> memref<1x128xi32, #tpu.memory_space<vmem>>
        %dma_wait3A_170 = tpu.memref_squeeze %dma_wait3A_169 : memref<1x128xi32, #tpu.memory_space<vmem>> -> memref<128xi32, #tpu.memory_space<vmem>>
        %dma_wait3A_171 = arith.constant 0 : i32
        %dma_wait3A_172 = tpu.memref_slice %arg13[%dma_wait3A_171] : memref<100352xf32, #tpu.memory_space<vmem_shared>> -> memref<100352xf32, #tpu.memory_space<vmem_shared>>
        tpu.wait_indirect_dma semaphore(%arg16 : memref<!tpu.dma_semaphore, #tpu.memory_space<semaphore_mem>>) src(%dma_wait3A_172 : memref<100352xf32, #tpu.memory_space<vmem_shared>>) dst(%dma_wait3A_167 : memref<128xf32, #tpu.memory_space<vmem>>)
        %dma_wait3A_173 = arith.constant 3 : i32
        %dma_wait3A_174 = arith.constant 0 : i32
        %dma_wait3A_175 = tpu.memref_slice %arg10[%dma_wait3A_173, %dma_wait3A_174] : memref<8x128xf32, #tpu.memory_space<vmem>> -> memref<1x128xf32, #tpu.memory_space<vmem>>
        %dma_wait3A_176 = tpu.memref_squeeze %dma_wait3A_175 : memref<1x128xf32, #tpu.memory_space<vmem>> -> memref<128xf32, #tpu.memory_space<vmem>>
        %dma_wait3A_177 = arith.constant 0 : i32
        %dma_wait3A_178 = tpu.memref_slice %arg8[%add3A_98, %dma_wait3A_177] : memref<16x128xi32, #tpu.memory_space<vmem>> -> memref<1x128xi32, #tpu.memory_space<vmem>>
        %dma_wait3A_179 = tpu.memref_squeeze %dma_wait3A_178 : memref<1x128xi32, #tpu.memory_space<vmem>> -> memref<128xi32, #tpu.memory_space<vmem>>
        %dma_wait3A_180 = arith.constant 0 : i32
        %dma_wait3A_181 = tpu.memref_slice %arg12[%dma_wait3A_180] : memref<100352xf32, #tpu.memory_space<vmem_shared>> -> memref<100352xf32, #tpu.memory_space<vmem_shared>>
        tpu.wait_indirect_dma semaphore(%arg16 : memref<!tpu.dma_semaphore, #tpu.memory_space<semaphore_mem>>) src(%dma_wait3A_181 : memref<100352xf32, #tpu.memory_space<vmem_shared>>) dst(%dma_wait3A_176 : memref<128xf32, #tpu.memory_space<vmem>>)
        %dma_wait3A_182 = arith.constant 3 : i32
        %dma_wait3A_183 = arith.constant 0 : i32
        %dma_wait3A_184 = tpu.memref_slice %arg11[%dma_wait3A_182, %dma_wait3A_183] : memref<8x128xf32, #tpu.memory_space<vmem>> -> memref<1x128xf32, #tpu.memory_space<vmem>>
        %dma_wait3A_185 = tpu.memref_squeeze %dma_wait3A_184 : memref<1x128xf32, #tpu.memory_space<vmem>> -> memref<128xf32, #tpu.memory_space<vmem>>
        %dma_wait3A_186 = arith.constant 0 : i32
        %dma_wait3A_187 = tpu.memref_slice %arg8[%add3A_109, %dma_wait3A_186] : memref<16x128xi32, #tpu.memory_space<vmem>> -> memref<1x128xi32, #tpu.memory_space<vmem>>
        %dma_wait3A_188 = tpu.memref_squeeze %dma_wait3A_187 : memref<1x128xi32, #tpu.memory_space<vmem>> -> memref<128xi32, #tpu.memory_space<vmem>>
        %dma_wait3A_189 = arith.constant 0 : i32
        %dma_wait3A_190 = tpu.memref_slice %arg13[%dma_wait3A_189] : memref<100352xf32, #tpu.memory_space<vmem_shared>> -> memref<100352xf32, #tpu.memory_space<vmem_shared>>
        tpu.wait_indirect_dma semaphore(%arg16 : memref<!tpu.dma_semaphore, #tpu.memory_space<semaphore_mem>>) src(%dma_wait3A_190 : memref<100352xf32, #tpu.memory_space<vmem_shared>>) dst(%dma_wait3A_185 : memref<128xf32, #tpu.memory_space<vmem>>)
        %add3A_191 = arith.constant 0 : i32
        %add3A_192 = arith.addi %mul3A_30, %add3A_191 : i32
        %dma_start3A_193 = arith.constant 0 : i32
        %dma_start3A_194 = arith.constant 0 : i32
        %dma_start3A_195 = tpu.memref_slice %arg10[%dma_start3A_193, %dma_start3A_194] : memref<8x128xf32, #tpu.memory_space<vmem>> -> memref<1x128xf32, #tpu.memory_space<vmem>>
        %dma_start3A_196 = tpu.memref_squeeze %dma_start3A_195 : memref<1x128xf32, #tpu.memory_space<vmem>> -> memref<128xf32, #tpu.memory_space<vmem>>
        %dma_start3A_197 = arith.constant 0 : i32
        %dma_start3A_198 = tpu.memref_slice %arg9[%add3A_192, %dma_start3A_197] : memref<16x128xi32, #tpu.memory_space<vmem>> -> memref<1x128xi32, #tpu.memory_space<vmem>>
        %dma_start3A_199 = tpu.memref_squeeze %dma_start3A_198 : memref<1x128xi32, #tpu.memory_space<vmem>> -> memref<128xi32, #tpu.memory_space<vmem>>
        %dma_start3A_200 = arith.constant 0 : i32
        %dma_start3A_201 = tpu.memref_slice %arg14[%dma_start3A_200] : memref<100352xf32, #tpu.memory_space<vmem_shared>> -> memref<100352xf32, #tpu.memory_space<vmem_shared>>
        tpu.enqueue_indirect_dma source(%dma_start3A_196 : memref<128xf32, #tpu.memory_space<vmem>>) target(%dma_start3A_201 : memref<100352xf32, #tpu.memory_space<vmem_shared>>) offsets(%dma_start3A_199 : memref<128xi32, #tpu.memory_space<vmem>>) semaphore(%arg17 : memref<!tpu.dma_semaphore, #tpu.memory_space<semaphore_mem>>) {add = true}
        %add3A_202 = arith.constant 0 : i32
        %add3A_203 = arith.addi %mul3A_30, %add3A_202 : i32
        %dma_start3A_204 = arith.constant 0 : i32
        %dma_start3A_205 = arith.constant 0 : i32
        %dma_start3A_206 = tpu.memref_slice %arg11[%dma_start3A_204, %dma_start3A_205] : memref<8x128xf32, #tpu.memory_space<vmem>> -> memref<1x128xf32, #tpu.memory_space<vmem>>
        %dma_start3A_207 = tpu.memref_squeeze %dma_start3A_206 : memref<1x128xf32, #tpu.memory_space<vmem>> -> memref<128xf32, #tpu.memory_space<vmem>>
        %dma_start3A_208 = arith.constant 0 : i32
        %dma_start3A_209 = tpu.memref_slice %arg9[%add3A_203, %dma_start3A_208] : memref<16x128xi32, #tpu.memory_space<vmem>> -> memref<1x128xi32, #tpu.memory_space<vmem>>
        %dma_start3A_210 = tpu.memref_squeeze %dma_start3A_209 : memref<1x128xi32, #tpu.memory_space<vmem>> -> memref<128xi32, #tpu.memory_space<vmem>>
        %dma_start3A_211 = arith.constant 0 : i32
        %dma_start3A_212 = tpu.memref_slice %arg15[%dma_start3A_211] : memref<100352xf32, #tpu.memory_space<vmem_shared>> -> memref<100352xf32, #tpu.memory_space<vmem_shared>>
        tpu.enqueue_indirect_dma source(%dma_start3A_207 : memref<128xf32, #tpu.memory_space<vmem>>) target(%dma_start3A_212 : memref<100352xf32, #tpu.memory_space<vmem_shared>>) offsets(%dma_start3A_210 : memref<128xi32, #tpu.memory_space<vmem>>) semaphore(%arg17 : memref<!tpu.dma_semaphore, #tpu.memory_space<semaphore_mem>>) {add = true}
        %add3A_213 = arith.constant 1 : i32
        %add3A_214 = arith.addi %mul3A_30, %add3A_213 : i32
        %dma_start3A_215 = arith.constant 1 : i32
        %dma_start3A_216 = arith.constant 0 : i32
        %dma_start3A_217 = tpu.memref_slice %arg10[%dma_start3A_215, %dma_start3A_216] : memref<8x128xf32, #tpu.memory_space<vmem>> -> memref<1x128xf32, #tpu.memory_space<vmem>>
        %dma_start3A_218 = tpu.memref_squeeze %dma_start3A_217 : memref<1x128xf32, #tpu.memory_space<vmem>> -> memref<128xf32, #tpu.memory_space<vmem>>
        %dma_start3A_219 = arith.constant 0 : i32
        %dma_start3A_220 = tpu.memref_slice %arg9[%add3A_214, %dma_start3A_219] : memref<16x128xi32, #tpu.memory_space<vmem>> -> memref<1x128xi32, #tpu.memory_space<vmem>>
        %dma_start3A_221 = tpu.memref_squeeze %dma_start3A_220 : memref<1x128xi32, #tpu.memory_space<vmem>> -> memref<128xi32, #tpu.memory_space<vmem>>
        %dma_start3A_222 = arith.constant 0 : i32
        %dma_start3A_223 = tpu.memref_slice %arg14[%dma_start3A_222] : memref<100352xf32, #tpu.memory_space<vmem_shared>> -> memref<100352xf32, #tpu.memory_space<vmem_shared>>
        tpu.enqueue_indirect_dma source(%dma_start3A_218 : memref<128xf32, #tpu.memory_space<vmem>>) target(%dma_start3A_223 : memref<100352xf32, #tpu.memory_space<vmem_shared>>) offsets(%dma_start3A_221 : memref<128xi32, #tpu.memory_space<vmem>>) semaphore(%arg17 : memref<!tpu.dma_semaphore, #tpu.memory_space<semaphore_mem>>) {add = true}
        %add3A_224 = arith.constant 1 : i32
        %add3A_225 = arith.addi %mul3A_30, %add3A_224 : i32
        %dma_start3A_226 = arith.constant 1 : i32
        %dma_start3A_227 = arith.constant 0 : i32
        %dma_start3A_228 = tpu.memref_slice %arg11[%dma_start3A_226, %dma_start3A_227] : memref<8x128xf32, #tpu.memory_space<vmem>> -> memref<1x128xf32, #tpu.memory_space<vmem>>
        %dma_start3A_229 = tpu.memref_squeeze %dma_start3A_228 : memref<1x128xf32, #tpu.memory_space<vmem>> -> memref<128xf32, #tpu.memory_space<vmem>>
        %dma_start3A_230 = arith.constant 0 : i32
        %dma_start3A_231 = tpu.memref_slice %arg9[%add3A_225, %dma_start3A_230] : memref<16x128xi32, #tpu.memory_space<vmem>> -> memref<1x128xi32, #tpu.memory_space<vmem>>
        %dma_start3A_232 = tpu.memref_squeeze %dma_start3A_231 : memref<1x128xi32, #tpu.memory_space<vmem>> -> memref<128xi32, #tpu.memory_space<vmem>>
        %dma_start3A_233 = arith.constant 0 : i32
        %dma_start3A_234 = tpu.memref_slice %arg15[%dma_start3A_233] : memref<100352xf32, #tpu.memory_space<vmem_shared>> -> memref<100352xf32, #tpu.memory_space<vmem_shared>>
        tpu.enqueue_indirect_dma source(%dma_start3A_229 : memref<128xf32, #tpu.memory_space<vmem>>) target(%dma_start3A_234 : memref<100352xf32, #tpu.memory_space<vmem_shared>>) offsets(%dma_start3A_232 : memref<128xi32, #tpu.memory_space<vmem>>) semaphore(%arg17 : memref<!tpu.dma_semaphore, #tpu.memory_space<semaphore_mem>>) {add = true}
        %add3A_235 = arith.constant 2 : i32
        %add3A_236 = arith.addi %mul3A_30, %add3A_235 : i32
        %dma_start3A_237 = arith.constant 2 : i32
        %dma_start3A_238 = arith.constant 0 : i32
        %dma_start3A_239 = tpu.memref_slice %arg10[%dma_start3A_237, %dma_start3A_238] : memref<8x128xf32, #tpu.memory_space<vmem>> -> memref<1x128xf32, #tpu.memory_space<vmem>>
        %dma_start3A_240 = tpu.memref_squeeze %dma_start3A_239 : memref<1x128xf32, #tpu.memory_space<vmem>> -> memref<128xf32, #tpu.memory_space<vmem>>
        %dma_start3A_241 = arith.constant 0 : i32
        %dma_start3A_242 = tpu.memref_slice %arg9[%add3A_236, %dma_start3A_241] : memref<16x128xi32, #tpu.memory_space<vmem>> -> memref<1x128xi32, #tpu.memory_space<vmem>>
        %dma_start3A_243 = tpu.memref_squeeze %dma_start3A_242 : memref<1x128xi32, #tpu.memory_space<vmem>> -> memref<128xi32, #tpu.memory_space<vmem>>
        %dma_start3A_244 = arith.constant 0 : i32
        %dma_start3A_245 = tpu.memref_slice %arg14[%dma_start3A_244] : memref<100352xf32, #tpu.memory_space<vmem_shared>> -> memref<100352xf32, #tpu.memory_space<vmem_shared>>
        tpu.enqueue_indirect_dma source(%dma_start3A_240 : memref<128xf32, #tpu.memory_space<vmem>>) target(%dma_start3A_245 : memref<100352xf32, #tpu.memory_space<vmem_shared>>) offsets(%dma_start3A_243 : memref<128xi32, #tpu.memory_space<vmem>>) semaphore(%arg17 : memref<!tpu.dma_semaphore, #tpu.memory_space<semaphore_mem>>) {add = true}
        %add3A_246 = arith.constant 2 : i32
        %add3A_247 = arith.addi %mul3A_30, %add3A_246 : i32
        %dma_start3A_248 = arith.constant 2 : i32
        %dma_start3A_249 = arith.constant 0 : i32
        %dma_start3A_250 = tpu.memref_slice %arg11[%dma_start3A_248, %dma_start3A_249] : memref<8x128xf32, #tpu.memory_space<vmem>> -> memref<1x128xf32, #tpu.memory_space<vmem>>
        %dma_start3A_251 = tpu.memref_squeeze %dma_start3A_250 : memref<1x128xf32, #tpu.memory_space<vmem>> -> memref<128xf32, #tpu.memory_space<vmem>>
        %dma_start3A_252 = arith.constant 0 : i32
        %dma_start3A_253 = tpu.memref_slice %arg9[%add3A_247, %dma_start3A_252] : memref<16x128xi32, #tpu.memory_space<vmem>> -> memref<1x128xi32, #tpu.memory_space<vmem>>
        %dma_start3A_254 = tpu.memref_squeeze %dma_start3A_253 : memref<1x128xi32, #tpu.memory_space<vmem>> -> memref<128xi32, #tpu.memory_space<vmem>>
        %dma_start3A_255 = arith.constant 0 : i32
        %dma_start3A_256 = tpu.memref_slice %arg15[%dma_start3A_255] : memref<100352xf32, #tpu.memory_space<vmem_shared>> -> memref<100352xf32, #tpu.memory_space<vmem_shared>>
        tpu.enqueue_indirect_dma source(%dma_start3A_251 : memref<128xf32, #tpu.memory_space<vmem>>) target(%dma_start3A_256 : memref<100352xf32, #tpu.memory_space<vmem_shared>>) offsets(%dma_start3A_254 : memref<128xi32, #tpu.memory_space<vmem>>) semaphore(%arg17 : memref<!tpu.dma_semaphore, #tpu.memory_space<semaphore_mem>>) {add = true}
        %add3A_257 = arith.constant 3 : i32
        %add3A_258 = arith.addi %mul3A_30, %add3A_257 : i32
        %dma_start3A_259 = arith.constant 3 : i32
        %dma_start3A_260 = arith.constant 0 : i32
        %dma_start3A_261 = tpu.memref_slice %arg10[%dma_start3A_259, %dma_start3A_260] : memref<8x128xf32, #tpu.memory_space<vmem>> -> memref<1x128xf32, #tpu.memory_space<vmem>>
        %dma_start3A_262 = tpu.memref_squeeze %dma_start3A_261 : memref<1x128xf32, #tpu.memory_space<vmem>> -> memref<128xf32, #tpu.memory_space<vmem>>
        %dma_start3A_263 = arith.constant 0 : i32
        %dma_start3A_264 = tpu.memref_slice %arg9[%add3A_258, %dma_start3A_263] : memref<16x128xi32, #tpu.memory_space<vmem>> -> memref<1x128xi32, #tpu.memory_space<vmem>>
        %dma_start3A_265 = tpu.memref_squeeze %dma_start3A_264 : memref<1x128xi32, #tpu.memory_space<vmem>> -> memref<128xi32, #tpu.memory_space<vmem>>
        %dma_start3A_266 = arith.constant 0 : i32
        %dma_start3A_267 = tpu.memref_slice %arg14[%dma_start3A_266] : memref<100352xf32, #tpu.memory_space<vmem_shared>> -> memref<100352xf32, #tpu.memory_space<vmem_shared>>
        tpu.enqueue_indirect_dma source(%dma_start3A_262 : memref<128xf32, #tpu.memory_space<vmem>>) target(%dma_start3A_267 : memref<100352xf32, #tpu.memory_space<vmem_shared>>) offsets(%dma_start3A_265 : memref<128xi32, #tpu.memory_space<vmem>>) semaphore(%arg17 : memref<!tpu.dma_semaphore, #tpu.memory_space<semaphore_mem>>) {add = true}
        %add3A_268 = arith.constant 3 : i32
        %add3A_269 = arith.addi %mul3A_30, %add3A_268 : i32
        %dma_start3A_270 = arith.constant 3 : i32
        %dma_start3A_271 = arith.constant 0 : i32
        %dma_start3A_272 = tpu.memref_slice %arg11[%dma_start3A_270, %dma_start3A_271] : memref<8x128xf32, #tpu.memory_space<vmem>> -> memref<1x128xf32, #tpu.memory_space<vmem>>
        %dma_start3A_273 = tpu.memref_squeeze %dma_start3A_272 : memref<1x128xf32, #tpu.memory_space<vmem>> -> memref<128xf32, #tpu.memory_space<vmem>>
        %dma_start3A_274 = arith.constant 0 : i32
        %dma_start3A_275 = tpu.memref_slice %arg9[%add3A_269, %dma_start3A_274] : memref<16x128xi32, #tpu.memory_space<vmem>> -> memref<1x128xi32, #tpu.memory_space<vmem>>
        %dma_start3A_276 = tpu.memref_squeeze %dma_start3A_275 : memref<1x128xi32, #tpu.memory_space<vmem>> -> memref<128xi32, #tpu.memory_space<vmem>>
        %dma_start3A_277 = arith.constant 0 : i32
        %dma_start3A_278 = tpu.memref_slice %arg15[%dma_start3A_277] : memref<100352xf32, #tpu.memory_space<vmem_shared>> -> memref<100352xf32, #tpu.memory_space<vmem_shared>>
        tpu.enqueue_indirect_dma source(%dma_start3A_273 : memref<128xf32, #tpu.memory_space<vmem>>) target(%dma_start3A_278 : memref<100352xf32, #tpu.memory_space<vmem_shared>>) offsets(%dma_start3A_276 : memref<128xi32, #tpu.memory_space<vmem>>) semaphore(%arg17 : memref<!tpu.dma_semaphore, #tpu.memory_space<semaphore_mem>>) {add = true}
        %add3A_279 = arith.constant 4 : i32
        %add3A_280 = arith.addi %mul3A_30, %add3A_279 : i32
        %add3A_281 = arith.constant 0 : i32
        %add3A_282 = arith.addi %add3A_280, %add3A_281 : i32
        %dma_start3A_283 = arith.constant 4 : i32
        %dma_start3A_284 = arith.constant 0 : i32
        %dma_start3A_285 = tpu.memref_slice %arg10[%dma_start3A_283, %dma_start3A_284] : memref<8x128xf32, #tpu.memory_space<vmem>> -> memref<1x128xf32, #tpu.memory_space<vmem>>
        %dma_start3A_286 = tpu.memref_squeeze %dma_start3A_285 : memref<1x128xf32, #tpu.memory_space<vmem>> -> memref<128xf32, #tpu.memory_space<vmem>>
        %dma_start3A_287 = arith.constant 0 : i32
        %dma_start3A_288 = tpu.memref_slice %arg8[%add3A_282, %dma_start3A_287] : memref<16x128xi32, #tpu.memory_space<vmem>> -> memref<1x128xi32, #tpu.memory_space<vmem>>
        %dma_start3A_289 = tpu.memref_squeeze %dma_start3A_288 : memref<1x128xi32, #tpu.memory_space<vmem>> -> memref<128xi32, #tpu.memory_space<vmem>>
        %dma_start3A_290 = arith.constant 0 : i32
        %dma_start3A_291 = tpu.memref_slice %arg12[%dma_start3A_290] : memref<100352xf32, #tpu.memory_space<vmem_shared>> -> memref<100352xf32, #tpu.memory_space<vmem_shared>>
        tpu.enqueue_indirect_dma source(%dma_start3A_291 : memref<100352xf32, #tpu.memory_space<vmem_shared>>) target(%dma_start3A_286 : memref<128xf32, #tpu.memory_space<vmem>>) offsets(%dma_start3A_289 : memref<128xi32, #tpu.memory_space<vmem>>) semaphore(%arg16 : memref<!tpu.dma_semaphore, #tpu.memory_space<semaphore_mem>>)
        %add3A_292 = arith.constant 4 : i32
        %add3A_293 = arith.addi %mul3A_30, %add3A_292 : i32
        %add3A_294 = arith.constant 0 : i32
        %add3A_295 = arith.addi %add3A_293, %add3A_294 : i32
        %dma_start3A_296 = arith.constant 4 : i32
        %dma_start3A_297 = arith.constant 0 : i32
        %dma_start3A_298 = tpu.memref_slice %arg11[%dma_start3A_296, %dma_start3A_297] : memref<8x128xf32, #tpu.memory_space<vmem>> -> memref<1x128xf32, #tpu.memory_space<vmem>>
        %dma_start3A_299 = tpu.memref_squeeze %dma_start3A_298 : memref<1x128xf32, #tpu.memory_space<vmem>> -> memref<128xf32, #tpu.memory_space<vmem>>
        %dma_start3A_300 = arith.constant 0 : i32
        %dma_start3A_301 = tpu.memref_slice %arg8[%add3A_295, %dma_start3A_300] : memref<16x128xi32, #tpu.memory_space<vmem>> -> memref<1x128xi32, #tpu.memory_space<vmem>>
        %dma_start3A_302 = tpu.memref_squeeze %dma_start3A_301 : memref<1x128xi32, #tpu.memory_space<vmem>> -> memref<128xi32, #tpu.memory_space<vmem>>
        %dma_start3A_303 = arith.constant 0 : i32
        %dma_start3A_304 = tpu.memref_slice %arg13[%dma_start3A_303] : memref<100352xf32, #tpu.memory_space<vmem_shared>> -> memref<100352xf32, #tpu.memory_space<vmem_shared>>
        tpu.enqueue_indirect_dma source(%dma_start3A_304 : memref<100352xf32, #tpu.memory_space<vmem_shared>>) target(%dma_start3A_299 : memref<128xf32, #tpu.memory_space<vmem>>) offsets(%dma_start3A_302 : memref<128xi32, #tpu.memory_space<vmem>>) semaphore(%arg16 : memref<!tpu.dma_semaphore, #tpu.memory_space<semaphore_mem>>)
        %add3A_305 = arith.constant 4 : i32
        %add3A_306 = arith.addi %mul3A_30, %add3A_305 : i32
        %add3A_307 = arith.constant 1 : i32
        %add3A_308 = arith.addi %add3A_306, %add3A_307 : i32
        %dma_start3A_309 = arith.constant 5 : i32
        %dma_start3A_310 = arith.constant 0 : i32
        %dma_start3A_311 = tpu.memref_slice %arg10[%dma_start3A_309, %dma_start3A_310] : memref<8x128xf32, #tpu.memory_space<vmem>> -> memref<1x128xf32, #tpu.memory_space<vmem>>
        %dma_start3A_312 = tpu.memref_squeeze %dma_start3A_311 : memref<1x128xf32, #tpu.memory_space<vmem>> -> memref<128xf32, #tpu.memory_space<vmem>>
        %dma_start3A_313 = arith.constant 0 : i32
        %dma_start3A_314 = tpu.memref_slice %arg8[%add3A_308, %dma_start3A_313] : memref<16x128xi32, #tpu.memory_space<vmem>> -> memref<1x128xi32, #tpu.memory_space<vmem>>
        %dma_start3A_315 = tpu.memref_squeeze %dma_start3A_314 : memref<1x128xi32, #tpu.memory_space<vmem>> -> memref<128xi32, #tpu.memory_space<vmem>>
        %dma_start3A_316 = arith.constant 0 : i32
        %dma_start3A_317 = tpu.memref_slice %arg12[%dma_start3A_316] : memref<100352xf32, #tpu.memory_space<vmem_shared>> -> memref<100352xf32, #tpu.memory_space<vmem_shared>>
        tpu.enqueue_indirect_dma source(%dma_start3A_317 : memref<100352xf32, #tpu.memory_space<vmem_shared>>) target(%dma_start3A_312 : memref<128xf32, #tpu.memory_space<vmem>>) offsets(%dma_start3A_315 : memref<128xi32, #tpu.memory_space<vmem>>) semaphore(%arg16 : memref<!tpu.dma_semaphore, #tpu.memory_space<semaphore_mem>>)
        %add3A_318 = arith.constant 4 : i32
        %add3A_319 = arith.addi %mul3A_30, %add3A_318 : i32
        %add3A_320 = arith.constant 1 : i32
        %add3A_321 = arith.addi %add3A_319, %add3A_320 : i32
        %dma_start3A_322 = arith.constant 5 : i32
        %dma_start3A_323 = arith.constant 0 : i32
        %dma_start3A_324 = tpu.memref_slice %arg11[%dma_start3A_322, %dma_start3A_323] : memref<8x128xf32, #tpu.memory_space<vmem>> -> memref<1x128xf32, #tpu.memory_space<vmem>>
        %dma_start3A_325 = tpu.memref_squeeze %dma_start3A_324 : memref<1x128xf32, #tpu.memory_space<vmem>> -> memref<128xf32, #tpu.memory_space<vmem>>
        %dma_start3A_326 = arith.constant 0 : i32
        %dma_start3A_327 = tpu.memref_slice %arg8[%add3A_321, %dma_start3A_326] : memref<16x128xi32, #tpu.memory_space<vmem>> -> memref<1x128xi32, #tpu.memory_space<vmem>>
        %dma_start3A_328 = tpu.memref_squeeze %dma_start3A_327 : memref<1x128xi32, #tpu.memory_space<vmem>> -> memref<128xi32, #tpu.memory_space<vmem>>
        %dma_start3A_329 = arith.constant 0 : i32
        %dma_start3A_330 = tpu.memref_slice %arg13[%dma_start3A_329] : memref<100352xf32, #tpu.memory_space<vmem_shared>> -> memref<100352xf32, #tpu.memory_space<vmem_shared>>
        tpu.enqueue_indirect_dma source(%dma_start3A_330 : memref<100352xf32, #tpu.memory_space<vmem_shared>>) target(%dma_start3A_325 : memref<128xf32, #tpu.memory_space<vmem>>) offsets(%dma_start3A_328 : memref<128xi32, #tpu.memory_space<vmem>>) semaphore(%arg16 : memref<!tpu.dma_semaphore, #tpu.memory_space<semaphore_mem>>)
        %add3A_331 = arith.constant 4 : i32
        %add3A_332 = arith.addi %mul3A_30, %add3A_331 : i32
        %add3A_333 = arith.constant 2 : i32
        %add3A_334 = arith.addi %add3A_332, %add3A_333 : i32
        %dma_start3A_335 = arith.constant 6 : i32
        %dma_start3A_336 = arith.constant 0 : i32
        %dma_start3A_337 = tpu.memref_slice %arg10[%dma_start3A_335, %dma_start3A_336] : memref<8x128xf32, #tpu.memory_space<vmem>> -> memref<1x128xf32, #tpu.memory_space<vmem>>
        %dma_start3A_338 = tpu.memref_squeeze %dma_start3A_337 : memref<1x128xf32, #tpu.memory_space<vmem>> -> memref<128xf32, #tpu.memory_space<vmem>>
        %dma_start3A_339 = arith.constant 0 : i32
        %dma_start3A_340 = tpu.memref_slice %arg8[%add3A_334, %dma_start3A_339] : memref<16x128xi32, #tpu.memory_space<vmem>> -> memref<1x128xi32, #tpu.memory_space<vmem>>
        %dma_start3A_341 = tpu.memref_squeeze %dma_start3A_340 : memref<1x128xi32, #tpu.memory_space<vmem>> -> memref<128xi32, #tpu.memory_space<vmem>>
        %dma_start3A_342 = arith.constant 0 : i32
        %dma_start3A_343 = tpu.memref_slice %arg12[%dma_start3A_342] : memref<100352xf32, #tpu.memory_space<vmem_shared>> -> memref<100352xf32, #tpu.memory_space<vmem_shared>>
        tpu.enqueue_indirect_dma source(%dma_start3A_343 : memref<100352xf32, #tpu.memory_space<vmem_shared>>) target(%dma_start3A_338 : memref<128xf32, #tpu.memory_space<vmem>>) offsets(%dma_start3A_341 : memref<128xi32, #tpu.memory_space<vmem>>) semaphore(%arg16 : memref<!tpu.dma_semaphore, #tpu.memory_space<semaphore_mem>>)
        %add3A_344 = arith.constant 4 : i32
        %add3A_345 = arith.addi %mul3A_30, %add3A_344 : i32
        %add3A_346 = arith.constant 2 : i32
        %add3A_347 = arith.addi %add3A_345, %add3A_346 : i32
        %dma_start3A_348 = arith.constant 6 : i32
        %dma_start3A_349 = arith.constant 0 : i32
        %dma_start3A_350 = tpu.memref_slice %arg11[%dma_start3A_348, %dma_start3A_349] : memref<8x128xf32, #tpu.memory_space<vmem>> -> memref<1x128xf32, #tpu.memory_space<vmem>>
        %dma_start3A_351 = tpu.memref_squeeze %dma_start3A_350 : memref<1x128xf32, #tpu.memory_space<vmem>> -> memref<128xf32, #tpu.memory_space<vmem>>
        %dma_start3A_352 = arith.constant 0 : i32
        %dma_start3A_353 = tpu.memref_slice %arg8[%add3A_347, %dma_start3A_352] : memref<16x128xi32, #tpu.memory_space<vmem>> -> memref<1x128xi32, #tpu.memory_space<vmem>>
        %dma_start3A_354 = tpu.memref_squeeze %dma_start3A_353 : memref<1x128xi32, #tpu.memory_space<vmem>> -> memref<128xi32, #tpu.memory_space<vmem>>
        %dma_start3A_355 = arith.constant 0 : i32
        %dma_start3A_356 = tpu.memref_slice %arg13[%dma_start3A_355] : memref<100352xf32, #tpu.memory_space<vmem_shared>> -> memref<100352xf32, #tpu.memory_space<vmem_shared>>
        tpu.enqueue_indirect_dma source(%dma_start3A_356 : memref<100352xf32, #tpu.memory_space<vmem_shared>>) target(%dma_start3A_351 : memref<128xf32, #tpu.memory_space<vmem>>) offsets(%dma_start3A_354 : memref<128xi32, #tpu.memory_space<vmem>>) semaphore(%arg16 : memref<!tpu.dma_semaphore, #tpu.memory_space<semaphore_mem>>)
        %add3A_357 = arith.constant 4 : i32
        %add3A_358 = arith.addi %mul3A_30, %add3A_357 : i32
        %add3A_359 = arith.constant 3 : i32
        %add3A_360 = arith.addi %add3A_358, %add3A_359 : i32
        %dma_start3A_361 = arith.constant 7 : i32
        %dma_start3A_362 = arith.constant 0 : i32
        %dma_start3A_363 = tpu.memref_slice %arg10[%dma_start3A_361, %dma_start3A_362] : memref<8x128xf32, #tpu.memory_space<vmem>> -> memref<1x128xf32, #tpu.memory_space<vmem>>
        %dma_start3A_364 = tpu.memref_squeeze %dma_start3A_363 : memref<1x128xf32, #tpu.memory_space<vmem>> -> memref<128xf32, #tpu.memory_space<vmem>>
        %dma_start3A_365 = arith.constant 0 : i32
        %dma_start3A_366 = tpu.memref_slice %arg8[%add3A_360, %dma_start3A_365] : memref<16x128xi32, #tpu.memory_space<vmem>> -> memref<1x128xi32, #tpu.memory_space<vmem>>
        %dma_start3A_367 = tpu.memref_squeeze %dma_start3A_366 : memref<1x128xi32, #tpu.memory_space<vmem>> -> memref<128xi32, #tpu.memory_space<vmem>>
        %dma_start3A_368 = arith.constant 0 : i32
        %dma_start3A_369 = tpu.memref_slice %arg12[%dma_start3A_368] : memref<100352xf32, #tpu.memory_space<vmem_shared>> -> memref<100352xf32, #tpu.memory_space<vmem_shared>>
        tpu.enqueue_indirect_dma source(%dma_start3A_369 : memref<100352xf32, #tpu.memory_space<vmem_shared>>) target(%dma_start3A_364 : memref<128xf32, #tpu.memory_space<vmem>>) offsets(%dma_start3A_367 : memref<128xi32, #tpu.memory_space<vmem>>) semaphore(%arg16 : memref<!tpu.dma_semaphore, #tpu.memory_space<semaphore_mem>>)
        %add3A_370 = arith.constant 4 : i32
        %add3A_371 = arith.addi %mul3A_30, %add3A_370 : i32
        %add3A_372 = arith.constant 3 : i32
        %add3A_373 = arith.addi %add3A_371, %add3A_372 : i32
        %dma_start3A_374 = arith.constant 7 : i32
        %dma_start3A_375 = arith.constant 0 : i32
        %dma_start3A_376 = tpu.memref_slice %arg11[%dma_start3A_374, %dma_start3A_375] : memref<8x128xf32, #tpu.memory_space<vmem>> -> memref<1x128xf32, #tpu.memory_space<vmem>>
        %dma_start3A_377 = tpu.memref_squeeze %dma_start3A_376 : memref<1x128xf32, #tpu.memory_space<vmem>> -> memref<128xf32, #tpu.memory_space<vmem>>
        %dma_start3A_378 = arith.constant 0 : i32
        %dma_start3A_379 = tpu.memref_slice %arg8[%add3A_373, %dma_start3A_378] : memref<16x128xi32, #tpu.memory_space<vmem>> -> memref<1x128xi32, #tpu.memory_space<vmem>>
        %dma_start3A_380 = tpu.memref_squeeze %dma_start3A_379 : memref<1x128xi32, #tpu.memory_space<vmem>> -> memref<128xi32, #tpu.memory_space<vmem>>
        %dma_start3A_381 = arith.constant 0 : i32
        %dma_start3A_382 = tpu.memref_slice %arg13[%dma_start3A_381] : memref<100352xf32, #tpu.memory_space<vmem_shared>> -> memref<100352xf32, #tpu.memory_space<vmem_shared>>
        tpu.enqueue_indirect_dma source(%dma_start3A_382 : memref<100352xf32, #tpu.memory_space<vmem_shared>>) target(%dma_start3A_377 : memref<128xf32, #tpu.memory_space<vmem>>) offsets(%dma_start3A_380 : memref<128xi32, #tpu.memory_space<vmem>>) semaphore(%arg16 : memref<!tpu.dma_semaphore, #tpu.memory_space<semaphore_mem>>)
        %dma_wait3A_383 = arith.constant 0 : i32
        %dma_wait3A_384 = arith.constant 0 : i32
        %dma_wait3A_385 = tpu.memref_slice %arg10[%dma_wait3A_383, %dma_wait3A_384] : memref<8x128xf32, #tpu.memory_space<vmem>> -> memref<1x128xf32, #tpu.memory_space<vmem>>
        %dma_wait3A_386 = tpu.memref_squeeze %dma_wait3A_385 : memref<1x128xf32, #tpu.memory_space<vmem>> -> memref<128xf32, #tpu.memory_space<vmem>>
        %dma_wait3A_387 = arith.constant 0 : i32
        %dma_wait3A_388 = tpu.memref_slice %arg9[%add3A_192, %dma_wait3A_387] : memref<16x128xi32, #tpu.memory_space<vmem>> -> memref<1x128xi32, #tpu.memory_space<vmem>>
        %dma_wait3A_389 = tpu.memref_squeeze %dma_wait3A_388 : memref<1x128xi32, #tpu.memory_space<vmem>> -> memref<128xi32, #tpu.memory_space<vmem>>
        %dma_wait3A_390 = arith.constant 0 : i32
        %dma_wait3A_391 = tpu.memref_slice %arg14[%dma_wait3A_390] : memref<100352xf32, #tpu.memory_space<vmem_shared>> -> memref<100352xf32, #tpu.memory_space<vmem_shared>>
        tpu.wait_indirect_dma semaphore(%arg17 : memref<!tpu.dma_semaphore, #tpu.memory_space<semaphore_mem>>) src(%dma_wait3A_386 : memref<128xf32, #tpu.memory_space<vmem>>) dst(%dma_wait3A_391 : memref<100352xf32, #tpu.memory_space<vmem_shared>>)
        %dma_wait3A_392 = arith.constant 0 : i32
        %dma_wait3A_393 = arith.constant 0 : i32
        %dma_wait3A_394 = tpu.memref_slice %arg11[%dma_wait3A_392, %dma_wait3A_393] : memref<8x128xf32, #tpu.memory_space<vmem>> -> memref<1x128xf32, #tpu.memory_space<vmem>>
        %dma_wait3A_395 = tpu.memref_squeeze %dma_wait3A_394 : memref<1x128xf32, #tpu.memory_space<vmem>> -> memref<128xf32, #tpu.memory_space<vmem>>
        %dma_wait3A_396 = arith.constant 0 : i32
        %dma_wait3A_397 = tpu.memref_slice %arg9[%add3A_203, %dma_wait3A_396] : memref<16x128xi32, #tpu.memory_space<vmem>> -> memref<1x128xi32, #tpu.memory_space<vmem>>
        %dma_wait3A_398 = tpu.memref_squeeze %dma_wait3A_397 : memref<1x128xi32, #tpu.memory_space<vmem>> -> memref<128xi32, #tpu.memory_space<vmem>>
        %dma_wait3A_399 = arith.constant 0 : i32
        %dma_wait3A_400 = tpu.memref_slice %arg15[%dma_wait3A_399] : memref<100352xf32, #tpu.memory_space<vmem_shared>> -> memref<100352xf32, #tpu.memory_space<vmem_shared>>
        tpu.wait_indirect_dma semaphore(%arg17 : memref<!tpu.dma_semaphore, #tpu.memory_space<semaphore_mem>>) src(%dma_wait3A_395 : memref<128xf32, #tpu.memory_space<vmem>>) dst(%dma_wait3A_400 : memref<100352xf32, #tpu.memory_space<vmem_shared>>)
        %dma_wait3A_401 = arith.constant 1 : i32
        %dma_wait3A_402 = arith.constant 0 : i32
        %dma_wait3A_403 = tpu.memref_slice %arg10[%dma_wait3A_401, %dma_wait3A_402] : memref<8x128xf32, #tpu.memory_space<vmem>> -> memref<1x128xf32, #tpu.memory_space<vmem>>
        %dma_wait3A_404 = tpu.memref_squeeze %dma_wait3A_403 : memref<1x128xf32, #tpu.memory_space<vmem>> -> memref<128xf32, #tpu.memory_space<vmem>>
        %dma_wait3A_405 = arith.constant 0 : i32
        %dma_wait3A_406 = tpu.memref_slice %arg9[%add3A_214, %dma_wait3A_405] : memref<16x128xi32, #tpu.memory_space<vmem>> -> memref<1x128xi32, #tpu.memory_space<vmem>>
        %dma_wait3A_407 = tpu.memref_squeeze %dma_wait3A_406 : memref<1x128xi32, #tpu.memory_space<vmem>> -> memref<128xi32, #tpu.memory_space<vmem>>
        %dma_wait3A_408 = arith.constant 0 : i32
        %dma_wait3A_409 = tpu.memref_slice %arg14[%dma_wait3A_408] : memref<100352xf32, #tpu.memory_space<vmem_shared>> -> memref<100352xf32, #tpu.memory_space<vmem_shared>>
        tpu.wait_indirect_dma semaphore(%arg17 : memref<!tpu.dma_semaphore, #tpu.memory_space<semaphore_mem>>) src(%dma_wait3A_404 : memref<128xf32, #tpu.memory_space<vmem>>) dst(%dma_wait3A_409 : memref<100352xf32, #tpu.memory_space<vmem_shared>>)
        %dma_wait3A_410 = arith.constant 1 : i32
        %dma_wait3A_411 = arith.constant 0 : i32
        %dma_wait3A_412 = tpu.memref_slice %arg11[%dma_wait3A_410, %dma_wait3A_411] : memref<8x128xf32, #tpu.memory_space<vmem>> -> memref<1x128xf32, #tpu.memory_space<vmem>>
        %dma_wait3A_413 = tpu.memref_squeeze %dma_wait3A_412 : memref<1x128xf32, #tpu.memory_space<vmem>> -> memref<128xf32, #tpu.memory_space<vmem>>
        %dma_wait3A_414 = arith.constant 0 : i32
        %dma_wait3A_415 = tpu.memref_slice %arg9[%add3A_225, %dma_wait3A_414] : memref<16x128xi32, #tpu.memory_space<vmem>> -> memref<1x128xi32, #tpu.memory_space<vmem>>
        %dma_wait3A_416 = tpu.memref_squeeze %dma_wait3A_415 : memref<1x128xi32, #tpu.memory_space<vmem>> -> memref<128xi32, #tpu.memory_space<vmem>>
        %dma_wait3A_417 = arith.constant 0 : i32
        %dma_wait3A_418 = tpu.memref_slice %arg15[%dma_wait3A_417] : memref<100352xf32, #tpu.memory_space<vmem_shared>> -> memref<100352xf32, #tpu.memory_space<vmem_shared>>
        tpu.wait_indirect_dma semaphore(%arg17 : memref<!tpu.dma_semaphore, #tpu.memory_space<semaphore_mem>>) src(%dma_wait3A_413 : memref<128xf32, #tpu.memory_space<vmem>>) dst(%dma_wait3A_418 : memref<100352xf32, #tpu.memory_space<vmem_shared>>)
        %dma_wait3A_419 = arith.constant 2 : i32
        %dma_wait3A_420 = arith.constant 0 : i32
        %dma_wait3A_421 = tpu.memref_slice %arg10[%dma_wait3A_419, %dma_wait3A_420] : memref<8x128xf32, #tpu.memory_space<vmem>> -> memref<1x128xf32, #tpu.memory_space<vmem>>
        %dma_wait3A_422 = tpu.memref_squeeze %dma_wait3A_421 : memref<1x128xf32, #tpu.memory_space<vmem>> -> memref<128xf32, #tpu.memory_space<vmem>>
        %dma_wait3A_423 = arith.constant 0 : i32
        %dma_wait3A_424 = tpu.memref_slice %arg9[%add3A_236, %dma_wait3A_423] : memref<16x128xi32, #tpu.memory_space<vmem>> -> memref<1x128xi32, #tpu.memory_space<vmem>>
        %dma_wait3A_425 = tpu.memref_squeeze %dma_wait3A_424 : memref<1x128xi32, #tpu.memory_space<vmem>> -> memref<128xi32, #tpu.memory_space<vmem>>
        %dma_wait3A_426 = arith.constant 0 : i32
        %dma_wait3A_427 = tpu.memref_slice %arg14[%dma_wait3A_426] : memref<100352xf32, #tpu.memory_space<vmem_shared>> -> memref<100352xf32, #tpu.memory_space<vmem_shared>>
        tpu.wait_indirect_dma semaphore(%arg17 : memref<!tpu.dma_semaphore, #tpu.memory_space<semaphore_mem>>) src(%dma_wait3A_422 : memref<128xf32, #tpu.memory_space<vmem>>) dst(%dma_wait3A_427 : memref<100352xf32, #tpu.memory_space<vmem_shared>>)
        %dma_wait3A_428 = arith.constant 2 : i32
        %dma_wait3A_429 = arith.constant 0 : i32
        %dma_wait3A_430 = tpu.memref_slice %arg11[%dma_wait3A_428, %dma_wait3A_429] : memref<8x128xf32, #tpu.memory_space<vmem>> -> memref<1x128xf32, #tpu.memory_space<vmem>>
        %dma_wait3A_431 = tpu.memref_squeeze %dma_wait3A_430 : memref<1x128xf32, #tpu.memory_space<vmem>> -> memref<128xf32, #tpu.memory_space<vmem>>
        %dma_wait3A_432 = arith.constant 0 : i32
        %dma_wait3A_433 = tpu.memref_slice %arg9[%add3A_247, %dma_wait3A_432] : memref<16x128xi32, #tpu.memory_space<vmem>> -> memref<1x128xi32, #tpu.memory_space<vmem>>
        %dma_wait3A_434 = tpu.memref_squeeze %dma_wait3A_433 : memref<1x128xi32, #tpu.memory_space<vmem>> -> memref<128xi32, #tpu.memory_space<vmem>>
        %dma_wait3A_435 = arith.constant 0 : i32
        %dma_wait3A_436 = tpu.memref_slice %arg15[%dma_wait3A_435] : memref<100352xf32, #tpu.memory_space<vmem_shared>> -> memref<100352xf32, #tpu.memory_space<vmem_shared>>
        tpu.wait_indirect_dma semaphore(%arg17 : memref<!tpu.dma_semaphore, #tpu.memory_space<semaphore_mem>>) src(%dma_wait3A_431 : memref<128xf32, #tpu.memory_space<vmem>>) dst(%dma_wait3A_436 : memref<100352xf32, #tpu.memory_space<vmem_shared>>)
        %dma_wait3A_437 = arith.constant 3 : i32
        %dma_wait3A_438 = arith.constant 0 : i32
        %dma_wait3A_439 = tpu.memref_slice %arg10[%dma_wait3A_437, %dma_wait3A_438] : memref<8x128xf32, #tpu.memory_space<vmem>> -> memref<1x128xf32, #tpu.memory_space<vmem>>
        %dma_wait3A_440 = tpu.memref_squeeze %dma_wait3A_439 : memref<1x128xf32, #tpu.memory_space<vmem>> -> memref<128xf32, #tpu.memory_space<vmem>>
        %dma_wait3A_441 = arith.constant 0 : i32
        %dma_wait3A_442 = tpu.memref_slice %arg9[%add3A_258, %dma_wait3A_441] : memref<16x128xi32, #tpu.memory_space<vmem>> -> memref<1x128xi32, #tpu.memory_space<vmem>>
        %dma_wait3A_443 = tpu.memref_squeeze %dma_wait3A_442 : memref<1x128xi32, #tpu.memory_space<vmem>> -> memref<128xi32, #tpu.memory_space<vmem>>
        %dma_wait3A_444 = arith.constant 0 : i32
        %dma_wait3A_445 = tpu.memref_slice %arg14[%dma_wait3A_444] : memref<100352xf32, #tpu.memory_space<vmem_shared>> -> memref<100352xf32, #tpu.memory_space<vmem_shared>>
        tpu.wait_indirect_dma semaphore(%arg17 : memref<!tpu.dma_semaphore, #tpu.memory_space<semaphore_mem>>) src(%dma_wait3A_440 : memref<128xf32, #tpu.memory_space<vmem>>) dst(%dma_wait3A_445 : memref<100352xf32, #tpu.memory_space<vmem_shared>>)
        %dma_wait3A_446 = arith.constant 3 : i32
        %dma_wait3A_447 = arith.constant 0 : i32
        %dma_wait3A_448 = tpu.memref_slice %arg11[%dma_wait3A_446, %dma_wait3A_447] : memref<8x128xf32, #tpu.memory_space<vmem>> -> memref<1x128xf32, #tpu.memory_space<vmem>>
        %dma_wait3A_449 = tpu.memref_squeeze %dma_wait3A_448 : memref<1x128xf32, #tpu.memory_space<vmem>> -> memref<128xf32, #tpu.memory_space<vmem>>
        %dma_wait3A_450 = arith.constant 0 : i32
        %dma_wait3A_451 = tpu.memref_slice %arg9[%add3A_269, %dma_wait3A_450] : memref<16x128xi32, #tpu.memory_space<vmem>> -> memref<1x128xi32, #tpu.memory_space<vmem>>
        %dma_wait3A_452 = tpu.memref_squeeze %dma_wait3A_451 : memref<1x128xi32, #tpu.memory_space<vmem>> -> memref<128xi32, #tpu.memory_space<vmem>>
        %dma_wait3A_453 = arith.constant 0 : i32
        %dma_wait3A_454 = tpu.memref_slice %arg15[%dma_wait3A_453] : memref<100352xf32, #tpu.memory_space<vmem_shared>> -> memref<100352xf32, #tpu.memory_space<vmem_shared>>
        tpu.wait_indirect_dma semaphore(%arg17 : memref<!tpu.dma_semaphore, #tpu.memory_space<semaphore_mem>>) src(%dma_wait3A_449 : memref<128xf32, #tpu.memory_space<vmem>>) dst(%dma_wait3A_454 : memref<100352xf32, #tpu.memory_space<vmem_shared>>)
        %dma_wait3A_455 = arith.constant 4 : i32
        %dma_wait3A_456 = arith.constant 0 : i32
        %dma_wait3A_457 = tpu.memref_slice %arg10[%dma_wait3A_455, %dma_wait3A_456] : memref<8x128xf32, #tpu.memory_space<vmem>> -> memref<1x128xf32, #tpu.memory_space<vmem>>
        %dma_wait3A_458 = tpu.memref_squeeze %dma_wait3A_457 : memref<1x128xf32, #tpu.memory_space<vmem>> -> memref<128xf32, #tpu.memory_space<vmem>>
        %dma_wait3A_459 = arith.constant 0 : i32
        %dma_wait3A_460 = tpu.memref_slice %arg8[%add3A_282, %dma_wait3A_459] : memref<16x128xi32, #tpu.memory_space<vmem>> -> memref<1x128xi32, #tpu.memory_space<vmem>>
        %dma_wait3A_461 = tpu.memref_squeeze %dma_wait3A_460 : memref<1x128xi32, #tpu.memory_space<vmem>> -> memref<128xi32, #tpu.memory_space<vmem>>
        %dma_wait3A_462 = arith.constant 0 : i32
        %dma_wait3A_463 = tpu.memref_slice %arg12[%dma_wait3A_462] : memref<100352xf32, #tpu.memory_space<vmem_shared>> -> memref<100352xf32, #tpu.memory_space<vmem_shared>>
        tpu.wait_indirect_dma semaphore(%arg16 : memref<!tpu.dma_semaphore, #tpu.memory_space<semaphore_mem>>) src(%dma_wait3A_463 : memref<100352xf32, #tpu.memory_space<vmem_shared>>) dst(%dma_wait3A_458 : memref<128xf32, #tpu.memory_space<vmem>>)
        %dma_wait3A_464 = arith.constant 4 : i32
        %dma_wait3A_465 = arith.constant 0 : i32
        %dma_wait3A_466 = tpu.memref_slice %arg11[%dma_wait3A_464, %dma_wait3A_465] : memref<8x128xf32, #tpu.memory_space<vmem>> -> memref<1x128xf32, #tpu.memory_space<vmem>>
        %dma_wait3A_467 = tpu.memref_squeeze %dma_wait3A_466 : memref<1x128xf32, #tpu.memory_space<vmem>> -> memref<128xf32, #tpu.memory_space<vmem>>
        %dma_wait3A_468 = arith.constant 0 : i32
        %dma_wait3A_469 = tpu.memref_slice %arg8[%add3A_295, %dma_wait3A_468] : memref<16x128xi32, #tpu.memory_space<vmem>> -> memref<1x128xi32, #tpu.memory_space<vmem>>
        %dma_wait3A_470 = tpu.memref_squeeze %dma_wait3A_469 : memref<1x128xi32, #tpu.memory_space<vmem>> -> memref<128xi32, #tpu.memory_space<vmem>>
        %dma_wait3A_471 = arith.constant 0 : i32
        %dma_wait3A_472 = tpu.memref_slice %arg13[%dma_wait3A_471] : memref<100352xf32, #tpu.memory_space<vmem_shared>> -> memref<100352xf32, #tpu.memory_space<vmem_shared>>
        tpu.wait_indirect_dma semaphore(%arg16 : memref<!tpu.dma_semaphore, #tpu.memory_space<semaphore_mem>>) src(%dma_wait3A_472 : memref<100352xf32, #tpu.memory_space<vmem_shared>>) dst(%dma_wait3A_467 : memref<128xf32, #tpu.memory_space<vmem>>)
        %dma_wait3A_473 = arith.constant 5 : i32
        %dma_wait3A_474 = arith.constant 0 : i32
        %dma_wait3A_475 = tpu.memref_slice %arg10[%dma_wait3A_473, %dma_wait3A_474] : memref<8x128xf32, #tpu.memory_space<vmem>> -> memref<1x128xf32, #tpu.memory_space<vmem>>
        %dma_wait3A_476 = tpu.memref_squeeze %dma_wait3A_475 : memref<1x128xf32, #tpu.memory_space<vmem>> -> memref<128xf32, #tpu.memory_space<vmem>>
        %dma_wait3A_477 = arith.constant 0 : i32
        %dma_wait3A_478 = tpu.memref_slice %arg8[%add3A_308, %dma_wait3A_477] : memref<16x128xi32, #tpu.memory_space<vmem>> -> memref<1x128xi32, #tpu.memory_space<vmem>>
        %dma_wait3A_479 = tpu.memref_squeeze %dma_wait3A_478 : memref<1x128xi32, #tpu.memory_space<vmem>> -> memref<128xi32, #tpu.memory_space<vmem>>
        %dma_wait3A_480 = arith.constant 0 : i32
        %dma_wait3A_481 = tpu.memref_slice %arg12[%dma_wait3A_480] : memref<100352xf32, #tpu.memory_space<vmem_shared>> -> memref<100352xf32, #tpu.memory_space<vmem_shared>>
        tpu.wait_indirect_dma semaphore(%arg16 : memref<!tpu.dma_semaphore, #tpu.memory_space<semaphore_mem>>) src(%dma_wait3A_481 : memref<100352xf32, #tpu.memory_space<vmem_shared>>) dst(%dma_wait3A_476 : memref<128xf32, #tpu.memory_space<vmem>>)
        %dma_wait3A_482 = arith.constant 5 : i32
        %dma_wait3A_483 = arith.constant 0 : i32
        %dma_wait3A_484 = tpu.memref_slice %arg11[%dma_wait3A_482, %dma_wait3A_483] : memref<8x128xf32, #tpu.memory_space<vmem>> -> memref<1x128xf32, #tpu.memory_space<vmem>>
        %dma_wait3A_485 = tpu.memref_squeeze %dma_wait3A_484 : memref<1x128xf32, #tpu.memory_space<vmem>> -> memref<128xf32, #tpu.memory_space<vmem>>
        %dma_wait3A_486 = arith.constant 0 : i32
        %dma_wait3A_487 = tpu.memref_slice %arg8[%add3A_321, %dma_wait3A_486] : memref<16x128xi32, #tpu.memory_space<vmem>> -> memref<1x128xi32, #tpu.memory_space<vmem>>
        %dma_wait3A_488 = tpu.memref_squeeze %dma_wait3A_487 : memref<1x128xi32, #tpu.memory_space<vmem>> -> memref<128xi32, #tpu.memory_space<vmem>>
        %dma_wait3A_489 = arith.constant 0 : i32
        %dma_wait3A_490 = tpu.memref_slice %arg13[%dma_wait3A_489] : memref<100352xf32, #tpu.memory_space<vmem_shared>> -> memref<100352xf32, #tpu.memory_space<vmem_shared>>
        tpu.wait_indirect_dma semaphore(%arg16 : memref<!tpu.dma_semaphore, #tpu.memory_space<semaphore_mem>>) src(%dma_wait3A_490 : memref<100352xf32, #tpu.memory_space<vmem_shared>>) dst(%dma_wait3A_485 : memref<128xf32, #tpu.memory_space<vmem>>)
        %dma_wait3A_491 = arith.constant 6 : i32
        %dma_wait3A_492 = arith.constant 0 : i32
        %dma_wait3A_493 = tpu.memref_slice %arg10[%dma_wait3A_491, %dma_wait3A_492] : memref<8x128xf32, #tpu.memory_space<vmem>> -> memref<1x128xf32, #tpu.memory_space<vmem>>
        %dma_wait3A_494 = tpu.memref_squeeze %dma_wait3A_493 : memref<1x128xf32, #tpu.memory_space<vmem>> -> memref<128xf32, #tpu.memory_space<vmem>>
        %dma_wait3A_495 = arith.constant 0 : i32
        %dma_wait3A_496 = tpu.memref_slice %arg8[%add3A_334, %dma_wait3A_495] : memref<16x128xi32, #tpu.memory_space<vmem>> -> memref<1x128xi32, #tpu.memory_space<vmem>>
        %dma_wait3A_497 = tpu.memref_squeeze %dma_wait3A_496 : memref<1x128xi32, #tpu.memory_space<vmem>> -> memref<128xi32, #tpu.memory_space<vmem>>
        %dma_wait3A_498 = arith.constant 0 : i32
        %dma_wait3A_499 = tpu.memref_slice %arg12[%dma_wait3A_498] : memref<100352xf32, #tpu.memory_space<vmem_shared>> -> memref<100352xf32, #tpu.memory_space<vmem_shared>>
        tpu.wait_indirect_dma semaphore(%arg16 : memref<!tpu.dma_semaphore, #tpu.memory_space<semaphore_mem>>) src(%dma_wait3A_499 : memref<100352xf32, #tpu.memory_space<vmem_shared>>) dst(%dma_wait3A_494 : memref<128xf32, #tpu.memory_space<vmem>>)
        %dma_wait3A_500 = arith.constant 6 : i32
        %dma_wait3A_501 = arith.constant 0 : i32
        %dma_wait3A_502 = tpu.memref_slice %arg11[%dma_wait3A_500, %dma_wait3A_501] : memref<8x128xf32, #tpu.memory_space<vmem>> -> memref<1x128xf32, #tpu.memory_space<vmem>>
        %dma_wait3A_503 = tpu.memref_squeeze %dma_wait3A_502 : memref<1x128xf32, #tpu.memory_space<vmem>> -> memref<128xf32, #tpu.memory_space<vmem>>
        %dma_wait3A_504 = arith.constant 0 : i32
        %dma_wait3A_505 = tpu.memref_slice %arg8[%add3A_347, %dma_wait3A_504] : memref<16x128xi32, #tpu.memory_space<vmem>> -> memref<1x128xi32, #tpu.memory_space<vmem>>
        %dma_wait3A_506 = tpu.memref_squeeze %dma_wait3A_505 : memref<1x128xi32, #tpu.memory_space<vmem>> -> memref<128xi32, #tpu.memory_space<vmem>>
        %dma_wait3A_507 = arith.constant 0 : i32
        %dma_wait3A_508 = tpu.memref_slice %arg13[%dma_wait3A_507] : memref<100352xf32, #tpu.memory_space<vmem_shared>> -> memref<100352xf32, #tpu.memory_space<vmem_shared>>
        tpu.wait_indirect_dma semaphore(%arg16 : memref<!tpu.dma_semaphore, #tpu.memory_space<semaphore_mem>>) src(%dma_wait3A_508 : memref<100352xf32, #tpu.memory_space<vmem_shared>>) dst(%dma_wait3A_503 : memref<128xf32, #tpu.memory_space<vmem>>)
        %dma_wait3A_509 = arith.constant 7 : i32
        %dma_wait3A_510 = arith.constant 0 : i32
        %dma_wait3A_511 = tpu.memref_slice %arg10[%dma_wait3A_509, %dma_wait3A_510] : memref<8x128xf32, #tpu.memory_space<vmem>> -> memref<1x128xf32, #tpu.memory_space<vmem>>
        %dma_wait3A_512 = tpu.memref_squeeze %dma_wait3A_511 : memref<1x128xf32, #tpu.memory_space<vmem>> -> memref<128xf32, #tpu.memory_space<vmem>>
        %dma_wait3A_513 = arith.constant 0 : i32
        %dma_wait3A_514 = tpu.memref_slice %arg8[%add3A_360, %dma_wait3A_513] : memref<16x128xi32, #tpu.memory_space<vmem>> -> memref<1x128xi32, #tpu.memory_space<vmem>>
        %dma_wait3A_515 = tpu.memref_squeeze %dma_wait3A_514 : memref<1x128xi32, #tpu.memory_space<vmem>> -> memref<128xi32, #tpu.memory_space<vmem>>
        %dma_wait3A_516 = arith.constant 0 : i32
        %dma_wait3A_517 = tpu.memref_slice %arg12[%dma_wait3A_516] : memref<100352xf32, #tpu.memory_space<vmem_shared>> -> memref<100352xf32, #tpu.memory_space<vmem_shared>>
        tpu.wait_indirect_dma semaphore(%arg16 : memref<!tpu.dma_semaphore, #tpu.memory_space<semaphore_mem>>) src(%dma_wait3A_517 : memref<100352xf32, #tpu.memory_space<vmem_shared>>) dst(%dma_wait3A_512 : memref<128xf32, #tpu.memory_space<vmem>>)
        %dma_wait3A_518 = arith.constant 7 : i32
        %dma_wait3A_519 = arith.constant 0 : i32
        %dma_wait3A_520 = tpu.memref_slice %arg11[%dma_wait3A_518, %dma_wait3A_519] : memref<8x128xf32, #tpu.memory_space<vmem>> -> memref<1x128xf32, #tpu.memory_space<vmem>>
        %dma_wait3A_521 = tpu.memref_squeeze %dma_wait3A_520 : memref<1x128xf32, #tpu.memory_space<vmem>> -> memref<128xf32, #tpu.memory_space<vmem>>
        %dma_wait3A_522 = arith.constant 0 : i32
        %dma_wait3A_523 = tpu.memref_slice %arg8[%add3A_373, %dma_wait3A_522] : memref<16x128xi32, #tpu.memory_space<vmem>> -> memref<1x128xi32, #tpu.memory_space<vmem>>
        %dma_wait3A_524 = tpu.memref_squeeze %dma_wait3A_523 : memref<1x128xi32, #tpu.memory_space<vmem>> -> memref<128xi32, #tpu.memory_space<vmem>>
        %dma_wait3A_525 = arith.constant 0 : i32
        %dma_wait3A_526 = tpu.memref_slice %arg13[%dma_wait3A_525] : memref<100352xf32, #tpu.memory_space<vmem_shared>> -> memref<100352xf32, #tpu.memory_space<vmem_shared>>
        tpu.wait_indirect_dma semaphore(%arg16 : memref<!tpu.dma_semaphore, #tpu.memory_space<semaphore_mem>>) src(%dma_wait3A_526 : memref<100352xf32, #tpu.memory_space<vmem_shared>>) dst(%dma_wait3A_521 : memref<128xf32, #tpu.memory_space<vmem>>)
        %add3A_527 = arith.constant 4 : i32
        %add3A_528 = arith.addi %mul3A_30, %add3A_527 : i32
        %add3A_529 = arith.constant 0 : i32
        %add3A_530 = arith.addi %add3A_528, %add3A_529 : i32
        %dma_start3A_531 = arith.constant 4 : i32
        %dma_start3A_532 = arith.constant 0 : i32
        %dma_start3A_533 = tpu.memref_slice %arg10[%dma_start3A_531, %dma_start3A_532] : memref<8x128xf32, #tpu.memory_space<vmem>> -> memref<1x128xf32, #tpu.memory_space<vmem>>
        %dma_start3A_534 = tpu.memref_squeeze %dma_start3A_533 : memref<1x128xf32, #tpu.memory_space<vmem>> -> memref<128xf32, #tpu.memory_space<vmem>>
        %dma_start3A_535 = arith.constant 0 : i32
        %dma_start3A_536 = tpu.memref_slice %arg9[%add3A_530, %dma_start3A_535] : memref<16x128xi32, #tpu.memory_space<vmem>> -> memref<1x128xi32, #tpu.memory_space<vmem>>
        %dma_start3A_537 = tpu.memref_squeeze %dma_start3A_536 : memref<1x128xi32, #tpu.memory_space<vmem>> -> memref<128xi32, #tpu.memory_space<vmem>>
        %dma_start3A_538 = arith.constant 0 : i32
        %dma_start3A_539 = tpu.memref_slice %arg14[%dma_start3A_538] : memref<100352xf32, #tpu.memory_space<vmem_shared>> -> memref<100352xf32, #tpu.memory_space<vmem_shared>>
        tpu.enqueue_indirect_dma source(%dma_start3A_534 : memref<128xf32, #tpu.memory_space<vmem>>) target(%dma_start3A_539 : memref<100352xf32, #tpu.memory_space<vmem_shared>>) offsets(%dma_start3A_537 : memref<128xi32, #tpu.memory_space<vmem>>) semaphore(%arg17 : memref<!tpu.dma_semaphore, #tpu.memory_space<semaphore_mem>>) {add = true}
        %add3A_540 = arith.constant 4 : i32
        %add3A_541 = arith.addi %mul3A_30, %add3A_540 : i32
        %add3A_542 = arith.constant 0 : i32
        %add3A_543 = arith.addi %add3A_541, %add3A_542 : i32
        %dma_start3A_544 = arith.constant 4 : i32
        %dma_start3A_545 = arith.constant 0 : i32
        %dma_start3A_546 = tpu.memref_slice %arg11[%dma_start3A_544, %dma_start3A_545] : memref<8x128xf32, #tpu.memory_space<vmem>> -> memref<1x128xf32, #tpu.memory_space<vmem>>
        %dma_start3A_547 = tpu.memref_squeeze %dma_start3A_546 : memref<1x128xf32, #tpu.memory_space<vmem>> -> memref<128xf32, #tpu.memory_space<vmem>>
        %dma_start3A_548 = arith.constant 0 : i32
        %dma_start3A_549 = tpu.memref_slice %arg9[%add3A_543, %dma_start3A_548] : memref<16x128xi32, #tpu.memory_space<vmem>> -> memref<1x128xi32, #tpu.memory_space<vmem>>
        %dma_start3A_550 = tpu.memref_squeeze %dma_start3A_549 : memref<1x128xi32, #tpu.memory_space<vmem>> -> memref<128xi32, #tpu.memory_space<vmem>>
        %dma_start3A_551 = arith.constant 0 : i32
        %dma_start3A_552 = tpu.memref_slice %arg15[%dma_start3A_551] : memref<100352xf32, #tpu.memory_space<vmem_shared>> -> memref<100352xf32, #tpu.memory_space<vmem_shared>>
        tpu.enqueue_indirect_dma source(%dma_start3A_547 : memref<128xf32, #tpu.memory_space<vmem>>) target(%dma_start3A_552 : memref<100352xf32, #tpu.memory_space<vmem_shared>>) offsets(%dma_start3A_550 : memref<128xi32, #tpu.memory_space<vmem>>) semaphore(%arg17 : memref<!tpu.dma_semaphore, #tpu.memory_space<semaphore_mem>>) {add = true}
        %add3A_553 = arith.constant 4 : i32
        %add3A_554 = arith.addi %mul3A_30, %add3A_553 : i32
        %add3A_555 = arith.constant 1 : i32
        %add3A_556 = arith.addi %add3A_554, %add3A_555 : i32
        %dma_start3A_557 = arith.constant 5 : i32
        %dma_start3A_558 = arith.constant 0 : i32
        %dma_start3A_559 = tpu.memref_slice %arg10[%dma_start3A_557, %dma_start3A_558] : memref<8x128xf32, #tpu.memory_space<vmem>> -> memref<1x128xf32, #tpu.memory_space<vmem>>
        %dma_start3A_560 = tpu.memref_squeeze %dma_start3A_559 : memref<1x128xf32, #tpu.memory_space<vmem>> -> memref<128xf32, #tpu.memory_space<vmem>>
        %dma_start3A_561 = arith.constant 0 : i32
        %dma_start3A_562 = tpu.memref_slice %arg9[%add3A_556, %dma_start3A_561] : memref<16x128xi32, #tpu.memory_space<vmem>> -> memref<1x128xi32, #tpu.memory_space<vmem>>
        %dma_start3A_563 = tpu.memref_squeeze %dma_start3A_562 : memref<1x128xi32, #tpu.memory_space<vmem>> -> memref<128xi32, #tpu.memory_space<vmem>>
        %dma_start3A_564 = arith.constant 0 : i32
        %dma_start3A_565 = tpu.memref_slice %arg14[%dma_start3A_564] : memref<100352xf32, #tpu.memory_space<vmem_shared>> -> memref<100352xf32, #tpu.memory_space<vmem_shared>>
        tpu.enqueue_indirect_dma source(%dma_start3A_560 : memref<128xf32, #tpu.memory_space<vmem>>) target(%dma_start3A_565 : memref<100352xf32, #tpu.memory_space<vmem_shared>>) offsets(%dma_start3A_563 : memref<128xi32, #tpu.memory_space<vmem>>) semaphore(%arg17 : memref<!tpu.dma_semaphore, #tpu.memory_space<semaphore_mem>>) {add = true}
        %add3A_566 = arith.constant 4 : i32
        %add3A_567 = arith.addi %mul3A_30, %add3A_566 : i32
        %add3A_568 = arith.constant 1 : i32
        %add3A_569 = arith.addi %add3A_567, %add3A_568 : i32
        %dma_start3A_570 = arith.constant 5 : i32
        %dma_start3A_571 = arith.constant 0 : i32
        %dma_start3A_572 = tpu.memref_slice %arg11[%dma_start3A_570, %dma_start3A_571] : memref<8x128xf32, #tpu.memory_space<vmem>> -> memref<1x128xf32, #tpu.memory_space<vmem>>
        %dma_start3A_573 = tpu.memref_squeeze %dma_start3A_572 : memref<1x128xf32, #tpu.memory_space<vmem>> -> memref<128xf32, #tpu.memory_space<vmem>>
        %dma_start3A_574 = arith.constant 0 : i32
        %dma_start3A_575 = tpu.memref_slice %arg9[%add3A_569, %dma_start3A_574] : memref<16x128xi32, #tpu.memory_space<vmem>> -> memref<1x128xi32, #tpu.memory_space<vmem>>
        %dma_start3A_576 = tpu.memref_squeeze %dma_start3A_575 : memref<1x128xi32, #tpu.memory_space<vmem>> -> memref<128xi32, #tpu.memory_space<vmem>>
        %dma_start3A_577 = arith.constant 0 : i32
        %dma_start3A_578 = tpu.memref_slice %arg15[%dma_start3A_577] : memref<100352xf32, #tpu.memory_space<vmem_shared>> -> memref<100352xf32, #tpu.memory_space<vmem_shared>>
        tpu.enqueue_indirect_dma source(%dma_start3A_573 : memref<128xf32, #tpu.memory_space<vmem>>) target(%dma_start3A_578 : memref<100352xf32, #tpu.memory_space<vmem_shared>>) offsets(%dma_start3A_576 : memref<128xi32, #tpu.memory_space<vmem>>) semaphore(%arg17 : memref<!tpu.dma_semaphore, #tpu.memory_space<semaphore_mem>>) {add = true}
        %add3A_579 = arith.constant 4 : i32
        %add3A_580 = arith.addi %mul3A_30, %add3A_579 : i32
        %add3A_581 = arith.constant 2 : i32
        %add3A_582 = arith.addi %add3A_580, %add3A_581 : i32
        %dma_start3A_583 = arith.constant 6 : i32
        %dma_start3A_584 = arith.constant 0 : i32
        %dma_start3A_585 = tpu.memref_slice %arg10[%dma_start3A_583, %dma_start3A_584] : memref<8x128xf32, #tpu.memory_space<vmem>> -> memref<1x128xf32, #tpu.memory_space<vmem>>
        %dma_start3A_586 = tpu.memref_squeeze %dma_start3A_585 : memref<1x128xf32, #tpu.memory_space<vmem>> -> memref<128xf32, #tpu.memory_space<vmem>>
        %dma_start3A_587 = arith.constant 0 : i32
        %dma_start3A_588 = tpu.memref_slice %arg9[%add3A_582, %dma_start3A_587] : memref<16x128xi32, #tpu.memory_space<vmem>> -> memref<1x128xi32, #tpu.memory_space<vmem>>
        %dma_start3A_589 = tpu.memref_squeeze %dma_start3A_588 : memref<1x128xi32, #tpu.memory_space<vmem>> -> memref<128xi32, #tpu.memory_space<vmem>>
        %dma_start3A_590 = arith.constant 0 : i32
        %dma_start3A_591 = tpu.memref_slice %arg14[%dma_start3A_590] : memref<100352xf32, #tpu.memory_space<vmem_shared>> -> memref<100352xf32, #tpu.memory_space<vmem_shared>>
        tpu.enqueue_indirect_dma source(%dma_start3A_586 : memref<128xf32, #tpu.memory_space<vmem>>) target(%dma_start3A_591 : memref<100352xf32, #tpu.memory_space<vmem_shared>>) offsets(%dma_start3A_589 : memref<128xi32, #tpu.memory_space<vmem>>) semaphore(%arg17 : memref<!tpu.dma_semaphore, #tpu.memory_space<semaphore_mem>>) {add = true}
        %add3A_592 = arith.constant 4 : i32
        %add3A_593 = arith.addi %mul3A_30, %add3A_592 : i32
        %add3A_594 = arith.constant 2 : i32
        %add3A_595 = arith.addi %add3A_593, %add3A_594 : i32
        %dma_start3A_596 = arith.constant 6 : i32
        %dma_start3A_597 = arith.constant 0 : i32
        %dma_start3A_598 = tpu.memref_slice %arg11[%dma_start3A_596, %dma_start3A_597] : memref<8x128xf32, #tpu.memory_space<vmem>> -> memref<1x128xf32, #tpu.memory_space<vmem>>
        %dma_start3A_599 = tpu.memref_squeeze %dma_start3A_598 : memref<1x128xf32, #tpu.memory_space<vmem>> -> memref<128xf32, #tpu.memory_space<vmem>>
        %dma_start3A_600 = arith.constant 0 : i32
        %dma_start3A_601 = tpu.memref_slice %arg9[%add3A_595, %dma_start3A_600] : memref<16x128xi32, #tpu.memory_space<vmem>> -> memref<1x128xi32, #tpu.memory_space<vmem>>
        %dma_start3A_602 = tpu.memref_squeeze %dma_start3A_601 : memref<1x128xi32, #tpu.memory_space<vmem>> -> memref<128xi32, #tpu.memory_space<vmem>>
        %dma_start3A_603 = arith.constant 0 : i32
        %dma_start3A_604 = tpu.memref_slice %arg15[%dma_start3A_603] : memref<100352xf32, #tpu.memory_space<vmem_shared>> -> memref<100352xf32, #tpu.memory_space<vmem_shared>>
        tpu.enqueue_indirect_dma source(%dma_start3A_599 : memref<128xf32, #tpu.memory_space<vmem>>) target(%dma_start3A_604 : memref<100352xf32, #tpu.memory_space<vmem_shared>>) offsets(%dma_start3A_602 : memref<128xi32, #tpu.memory_space<vmem>>) semaphore(%arg17 : memref<!tpu.dma_semaphore, #tpu.memory_space<semaphore_mem>>) {add = true}
        %add3A_605 = arith.constant 4 : i32
        %add3A_606 = arith.addi %mul3A_30, %add3A_605 : i32
        %add3A_607 = arith.constant 3 : i32
        %add3A_608 = arith.addi %add3A_606, %add3A_607 : i32
        %dma_start3A_609 = arith.constant 7 : i32
        %dma_start3A_610 = arith.constant 0 : i32
        %dma_start3A_611 = tpu.memref_slice %arg10[%dma_start3A_609, %dma_start3A_610] : memref<8x128xf32, #tpu.memory_space<vmem>> -> memref<1x128xf32, #tpu.memory_space<vmem>>
        %dma_start3A_612 = tpu.memref_squeeze %dma_start3A_611 : memref<1x128xf32, #tpu.memory_space<vmem>> -> memref<128xf32, #tpu.memory_space<vmem>>
        %dma_start3A_613 = arith.constant 0 : i32
        %dma_start3A_614 = tpu.memref_slice %arg9[%add3A_608, %dma_start3A_613] : memref<16x128xi32, #tpu.memory_space<vmem>> -> memref<1x128xi32, #tpu.memory_space<vmem>>
        %dma_start3A_615 = tpu.memref_squeeze %dma_start3A_614 : memref<1x128xi32, #tpu.memory_space<vmem>> -> memref<128xi32, #tpu.memory_space<vmem>>
        %dma_start3A_616 = arith.constant 0 : i32
        %dma_start3A_617 = tpu.memref_slice %arg14[%dma_start3A_616] : memref<100352xf32, #tpu.memory_space<vmem_shared>> -> memref<100352xf32, #tpu.memory_space<vmem_shared>>
        tpu.enqueue_indirect_dma source(%dma_start3A_612 : memref<128xf32, #tpu.memory_space<vmem>>) target(%dma_start3A_617 : memref<100352xf32, #tpu.memory_space<vmem_shared>>) offsets(%dma_start3A_615 : memref<128xi32, #tpu.memory_space<vmem>>) semaphore(%arg17 : memref<!tpu.dma_semaphore, #tpu.memory_space<semaphore_mem>>) {add = true}
        %add3A_618 = arith.constant 4 : i32
        %add3A_619 = arith.addi %mul3A_30, %add3A_618 : i32
        %add3A_620 = arith.constant 3 : i32
        %add3A_621 = arith.addi %add3A_619, %add3A_620 : i32
        %dma_start3A_622 = arith.constant 7 : i32
        %dma_start3A_623 = arith.constant 0 : i32
        %dma_start3A_624 = tpu.memref_slice %arg11[%dma_start3A_622, %dma_start3A_623] : memref<8x128xf32, #tpu.memory_space<vmem>> -> memref<1x128xf32, #tpu.memory_space<vmem>>
        %dma_start3A_625 = tpu.memref_squeeze %dma_start3A_624 : memref<1x128xf32, #tpu.memory_space<vmem>> -> memref<128xf32, #tpu.memory_space<vmem>>
        %dma_start3A_626 = arith.constant 0 : i32
        %dma_start3A_627 = tpu.memref_slice %arg9[%add3A_621, %dma_start3A_626] : memref<16x128xi32, #tpu.memory_space<vmem>> -> memref<1x128xi32, #tpu.memory_space<vmem>>
        %dma_start3A_628 = tpu.memref_squeeze %dma_start3A_627 : memref<1x128xi32, #tpu.memory_space<vmem>> -> memref<128xi32, #tpu.memory_space<vmem>>
        %dma_start3A_629 = arith.constant 0 : i32
        %dma_start3A_630 = tpu.memref_slice %arg15[%dma_start3A_629] : memref<100352xf32, #tpu.memory_space<vmem_shared>> -> memref<100352xf32, #tpu.memory_space<vmem_shared>>
        tpu.enqueue_indirect_dma source(%dma_start3A_625 : memref<128xf32, #tpu.memory_space<vmem>>) target(%dma_start3A_630 : memref<100352xf32, #tpu.memory_space<vmem_shared>>) offsets(%dma_start3A_628 : memref<128xi32, #tpu.memory_space<vmem>>) semaphore(%arg17 : memref<!tpu.dma_semaphore, #tpu.memory_space<semaphore_mem>>) {add = true}
        %dma_wait3A_631 = arith.constant 4 : i32
        %dma_wait3A_632 = arith.constant 0 : i32
        %dma_wait3A_633 = tpu.memref_slice %arg10[%dma_wait3A_631, %dma_wait3A_632] : memref<8x128xf32, #tpu.memory_space<vmem>> -> memref<1x128xf32, #tpu.memory_space<vmem>>
        %dma_wait3A_634 = tpu.memref_squeeze %dma_wait3A_633 : memref<1x128xf32, #tpu.memory_space<vmem>> -> memref<128xf32, #tpu.memory_space<vmem>>
        %dma_wait3A_635 = arith.constant 0 : i32
        %dma_wait3A_636 = tpu.memref_slice %arg9[%add3A_530, %dma_wait3A_635] : memref<16x128xi32, #tpu.memory_space<vmem>> -> memref<1x128xi32, #tpu.memory_space<vmem>>
        %dma_wait3A_637 = tpu.memref_squeeze %dma_wait3A_636 : memref<1x128xi32, #tpu.memory_space<vmem>> -> memref<128xi32, #tpu.memory_space<vmem>>
        %dma_wait3A_638 = arith.constant 0 : i32
        %dma_wait3A_639 = tpu.memref_slice %arg14[%dma_wait3A_638] : memref<100352xf32, #tpu.memory_space<vmem_shared>> -> memref<100352xf32, #tpu.memory_space<vmem_shared>>
        tpu.wait_indirect_dma semaphore(%arg17 : memref<!tpu.dma_semaphore, #tpu.memory_space<semaphore_mem>>) src(%dma_wait3A_634 : memref<128xf32, #tpu.memory_space<vmem>>) dst(%dma_wait3A_639 : memref<100352xf32, #tpu.memory_space<vmem_shared>>)
        %dma_wait3A_640 = arith.constant 4 : i32
        %dma_wait3A_641 = arith.constant 0 : i32
        %dma_wait3A_642 = tpu.memref_slice %arg11[%dma_wait3A_640, %dma_wait3A_641] : memref<8x128xf32, #tpu.memory_space<vmem>> -> memref<1x128xf32, #tpu.memory_space<vmem>>
        %dma_wait3A_643 = tpu.memref_squeeze %dma_wait3A_642 : memref<1x128xf32, #tpu.memory_space<vmem>> -> memref<128xf32, #tpu.memory_space<vmem>>
        %dma_wait3A_644 = arith.constant 0 : i32
        %dma_wait3A_645 = tpu.memref_slice %arg9[%add3A_543, %dma_wait3A_644] : memref<16x128xi32, #tpu.memory_space<vmem>> -> memref<1x128xi32, #tpu.memory_space<vmem>>
        %dma_wait3A_646 = tpu.memref_squeeze %dma_wait3A_645 : memref<1x128xi32, #tpu.memory_space<vmem>> -> memref<128xi32, #tpu.memory_space<vmem>>
        %dma_wait3A_647 = arith.constant 0 : i32
        %dma_wait3A_648 = tpu.memref_slice %arg15[%dma_wait3A_647] : memref<100352xf32, #tpu.memory_space<vmem_shared>> -> memref<100352xf32, #tpu.memory_space<vmem_shared>>
        tpu.wait_indirect_dma semaphore(%arg17 : memref<!tpu.dma_semaphore, #tpu.memory_space<semaphore_mem>>) src(%dma_wait3A_643 : memref<128xf32, #tpu.memory_space<vmem>>) dst(%dma_wait3A_648 : memref<100352xf32, #tpu.memory_space<vmem_shared>>)
        %dma_wait3A_649 = arith.constant 5 : i32
        %dma_wait3A_650 = arith.constant 0 : i32
        %dma_wait3A_651 = tpu.memref_slice %arg10[%dma_wait3A_649, %dma_wait3A_650] : memref<8x128xf32, #tpu.memory_space<vmem>> -> memref<1x128xf32, #tpu.memory_space<vmem>>
        %dma_wait3A_652 = tpu.memref_squeeze %dma_wait3A_651 : memref<1x128xf32, #tpu.memory_space<vmem>> -> memref<128xf32, #tpu.memory_space<vmem>>
        %dma_wait3A_653 = arith.constant 0 : i32
        %dma_wait3A_654 = tpu.memref_slice %arg9[%add3A_556, %dma_wait3A_653] : memref<16x128xi32, #tpu.memory_space<vmem>> -> memref<1x128xi32, #tpu.memory_space<vmem>>
        %dma_wait3A_655 = tpu.memref_squeeze %dma_wait3A_654 : memref<1x128xi32, #tpu.memory_space<vmem>> -> memref<128xi32, #tpu.memory_space<vmem>>
        %dma_wait3A_656 = arith.constant 0 : i32
        %dma_wait3A_657 = tpu.memref_slice %arg14[%dma_wait3A_656] : memref<100352xf32, #tpu.memory_space<vmem_shared>> -> memref<100352xf32, #tpu.memory_space<vmem_shared>>
        tpu.wait_indirect_dma semaphore(%arg17 : memref<!tpu.dma_semaphore, #tpu.memory_space<semaphore_mem>>) src(%dma_wait3A_652 : memref<128xf32, #tpu.memory_space<vmem>>) dst(%dma_wait3A_657 : memref<100352xf32, #tpu.memory_space<vmem_shared>>)
        %dma_wait3A_658 = arith.constant 5 : i32
        %dma_wait3A_659 = arith.constant 0 : i32
        %dma_wait3A_660 = tpu.memref_slice %arg11[%dma_wait3A_658, %dma_wait3A_659] : memref<8x128xf32, #tpu.memory_space<vmem>> -> memref<1x128xf32, #tpu.memory_space<vmem>>
        %dma_wait3A_661 = tpu.memref_squeeze %dma_wait3A_660 : memref<1x128xf32, #tpu.memory_space<vmem>> -> memref<128xf32, #tpu.memory_space<vmem>>
        %dma_wait3A_662 = arith.constant 0 : i32
        %dma_wait3A_663 = tpu.memref_slice %arg9[%add3A_569, %dma_wait3A_662] : memref<16x128xi32, #tpu.memory_space<vmem>> -> memref<1x128xi32, #tpu.memory_space<vmem>>
        %dma_wait3A_664 = tpu.memref_squeeze %dma_wait3A_663 : memref<1x128xi32, #tpu.memory_space<vmem>> -> memref<128xi32, #tpu.memory_space<vmem>>
        %dma_wait3A_665 = arith.constant 0 : i32
        %dma_wait3A_666 = tpu.memref_slice %arg15[%dma_wait3A_665] : memref<100352xf32, #tpu.memory_space<vmem_shared>> -> memref<100352xf32, #tpu.memory_space<vmem_shared>>
        tpu.wait_indirect_dma semaphore(%arg17 : memref<!tpu.dma_semaphore, #tpu.memory_space<semaphore_mem>>) src(%dma_wait3A_661 : memref<128xf32, #tpu.memory_space<vmem>>) dst(%dma_wait3A_666 : memref<100352xf32, #tpu.memory_space<vmem_shared>>)
        %dma_wait3A_667 = arith.constant 6 : i32
        %dma_wait3A_668 = arith.constant 0 : i32
        %dma_wait3A_669 = tpu.memref_slice %arg10[%dma_wait3A_667, %dma_wait3A_668] : memref<8x128xf32, #tpu.memory_space<vmem>> -> memref<1x128xf32, #tpu.memory_space<vmem>>
        %dma_wait3A_670 = tpu.memref_squeeze %dma_wait3A_669 : memref<1x128xf32, #tpu.memory_space<vmem>> -> memref<128xf32, #tpu.memory_space<vmem>>
        %dma_wait3A_671 = arith.constant 0 : i32
        %dma_wait3A_672 = tpu.memref_slice %arg9[%add3A_582, %dma_wait3A_671] : memref<16x128xi32, #tpu.memory_space<vmem>> -> memref<1x128xi32, #tpu.memory_space<vmem>>
        %dma_wait3A_673 = tpu.memref_squeeze %dma_wait3A_672 : memref<1x128xi32, #tpu.memory_space<vmem>> -> memref<128xi32, #tpu.memory_space<vmem>>
        %dma_wait3A_674 = arith.constant 0 : i32
        %dma_wait3A_675 = tpu.memref_slice %arg14[%dma_wait3A_674] : memref<100352xf32, #tpu.memory_space<vmem_shared>> -> memref<100352xf32, #tpu.memory_space<vmem_shared>>
        tpu.wait_indirect_dma semaphore(%arg17 : memref<!tpu.dma_semaphore, #tpu.memory_space<semaphore_mem>>) src(%dma_wait3A_670 : memref<128xf32, #tpu.memory_space<vmem>>) dst(%dma_wait3A_675 : memref<100352xf32, #tpu.memory_space<vmem_shared>>)
        %dma_wait3A_676 = arith.constant 6 : i32
        %dma_wait3A_677 = arith.constant 0 : i32
        %dma_wait3A_678 = tpu.memref_slice %arg11[%dma_wait3A_676, %dma_wait3A_677] : memref<8x128xf32, #tpu.memory_space<vmem>> -> memref<1x128xf32, #tpu.memory_space<vmem>>
        %dma_wait3A_679 = tpu.memref_squeeze %dma_wait3A_678 : memref<1x128xf32, #tpu.memory_space<vmem>> -> memref<128xf32, #tpu.memory_space<vmem>>
        %dma_wait3A_680 = arith.constant 0 : i32
        %dma_wait3A_681 = tpu.memref_slice %arg9[%add3A_595, %dma_wait3A_680] : memref<16x128xi32, #tpu.memory_space<vmem>> -> memref<1x128xi32, #tpu.memory_space<vmem>>
        %dma_wait3A_682 = tpu.memref_squeeze %dma_wait3A_681 : memref<1x128xi32, #tpu.memory_space<vmem>> -> memref<128xi32, #tpu.memory_space<vmem>>
        %dma_wait3A_683 = arith.constant 0 : i32
        %dma_wait3A_684 = tpu.memref_slice %arg15[%dma_wait3A_683] : memref<100352xf32, #tpu.memory_space<vmem_shared>> -> memref<100352xf32, #tpu.memory_space<vmem_shared>>
        tpu.wait_indirect_dma semaphore(%arg17 : memref<!tpu.dma_semaphore, #tpu.memory_space<semaphore_mem>>) src(%dma_wait3A_679 : memref<128xf32, #tpu.memory_space<vmem>>) dst(%dma_wait3A_684 : memref<100352xf32, #tpu.memory_space<vmem_shared>>)
        %dma_wait3A_685 = arith.constant 7 : i32
        %dma_wait3A_686 = arith.constant 0 : i32
        %dma_wait3A_687 = tpu.memref_slice %arg10[%dma_wait3A_685, %dma_wait3A_686] : memref<8x128xf32, #tpu.memory_space<vmem>> -> memref<1x128xf32, #tpu.memory_space<vmem>>
        %dma_wait3A_688 = tpu.memref_squeeze %dma_wait3A_687 : memref<1x128xf32, #tpu.memory_space<vmem>> -> memref<128xf32, #tpu.memory_space<vmem>>
        %dma_wait3A_689 = arith.constant 0 : i32
        %dma_wait3A_690 = tpu.memref_slice %arg9[%add3A_608, %dma_wait3A_689] : memref<16x128xi32, #tpu.memory_space<vmem>> -> memref<1x128xi32, #tpu.memory_space<vmem>>
        %dma_wait3A_691 = tpu.memref_squeeze %dma_wait3A_690 : memref<1x128xi32, #tpu.memory_space<vmem>> -> memref<128xi32, #tpu.memory_space<vmem>>
        %dma_wait3A_692 = arith.constant 0 : i32
        %dma_wait3A_693 = tpu.memref_slice %arg14[%dma_wait3A_692] : memref<100352xf32, #tpu.memory_space<vmem_shared>> -> memref<100352xf32, #tpu.memory_space<vmem_shared>>
        tpu.wait_indirect_dma semaphore(%arg17 : memref<!tpu.dma_semaphore, #tpu.memory_space<semaphore_mem>>) src(%dma_wait3A_688 : memref<128xf32, #tpu.memory_space<vmem>>) dst(%dma_wait3A_693 : memref<100352xf32, #tpu.memory_space<vmem_shared>>)
        %dma_wait3A_694 = arith.constant 7 : i32
        %dma_wait3A_695 = arith.constant 0 : i32
        %dma_wait3A_696 = tpu.memref_slice %arg11[%dma_wait3A_694, %dma_wait3A_695] : memref<8x128xf32, #tpu.memory_space<vmem>> -> memref<1x128xf32, #tpu.memory_space<vmem>>
        %dma_wait3A_697 = tpu.memref_squeeze %dma_wait3A_696 : memref<1x128xf32, #tpu.memory_space<vmem>> -> memref<128xf32, #tpu.memory_space<vmem>>
        %dma_wait3A_698 = arith.constant 0 : i32
        %dma_wait3A_699 = tpu.memref_slice %arg9[%add3A_621, %dma_wait3A_698] : memref<16x128xi32, #tpu.memory_space<vmem>> -> memref<1x128xi32, #tpu.memory_space<vmem>>
        %dma_wait3A_700 = tpu.memref_squeeze %dma_wait3A_699 : memref<1x128xi32, #tpu.memory_space<vmem>> -> memref<128xi32, #tpu.memory_space<vmem>>
        %dma_wait3A_701 = arith.constant 0 : i32
        %dma_wait3A_702 = tpu.memref_slice %arg15[%dma_wait3A_701] : memref<100352xf32, #tpu.memory_space<vmem_shared>> -> memref<100352xf32, #tpu.memory_space<vmem_shared>>
        tpu.wait_indirect_dma semaphore(%arg17 : memref<!tpu.dma_semaphore, #tpu.memory_space<semaphore_mem>>) src(%dma_wait3A_697 : memref<128xf32, #tpu.memory_space<vmem>>) dst(%dma_wait3A_702 : memref<100352xf32, #tpu.memory_space<vmem_shared>>)
      }
      %scan3A_27 = arith.constant 2 : i32
    }
    %scan3A_9 = arith.constant 49 : i32
    %barrier3A_10 = arith.constant 0 : index
    tpu.barrier barrier_id(%barrier3A_10)
    %run_scoped3A = arith.constant 0 : i32
    "tpu.region"() ({
      %run_scoped3A_12 = tpu.sem_alloc : memref<!tpu.dma_semaphore, #tpu.memory_space<semaphore_mem>>
      %dma_start3A = tpu.memref_slice %arg7[%arg0, %run_scoped3A, %mul3A_0] : memref<2x2x100352xf32, #tpu.memory_space<hbm>> -> memref<1x1x6272xf32, #tpu.memory_space<hbm>>
      %dma_start3A_13 = tpu.memref_squeeze %dma_start3A : memref<1x1x6272xf32, #tpu.memory_space<hbm>> -> memref<6272xf32, #tpu.memory_space<hbm>>
      %dma_start3A_14 = tpu.memref_slice %arg14[%mul3A_0] : memref<100352xf32, #tpu.memory_space<vmem_shared>> -> memref<6272xf32, #tpu.memory_space<vmem_shared>>
      tpu.enqueue_dma source(%dma_start3A_14 : memref<6272xf32, #tpu.memory_space<vmem_shared>>) target(%dma_start3A_13 : memref<6272xf32, #tpu.memory_space<hbm>>) target_semaphore(%run_scoped3A_12 : memref<!tpu.dma_semaphore, #tpu.memory_space<semaphore_mem>>)
      %dma_wait3A = tpu.memref_slice %arg7[%arg0, %run_scoped3A, %mul3A_0] : memref<2x2x100352xf32, #tpu.memory_space<hbm>> -> memref<1x1x6272xf32, #tpu.memory_space<hbm>>
      %dma_wait3A_15 = tpu.memref_squeeze %dma_wait3A : memref<1x1x6272xf32, #tpu.memory_space<hbm>> -> memref<6272xf32, #tpu.memory_space<hbm>>
      %dma_wait3A_16 = tpu.memref_slice %arg14[%mul3A_0] : memref<100352xf32, #tpu.memory_space<vmem_shared>> -> memref<6272xf32, #tpu.memory_space<vmem_shared>>
      tpu.wait_dma2 semaphore(%run_scoped3A_12 : memref<!tpu.dma_semaphore, #tpu.memory_space<semaphore_mem>>) src(%dma_wait3A_16 : memref<6272xf32, #tpu.memory_space<vmem_shared>>) dst(%dma_wait3A_15 : memref<6272xf32, #tpu.memory_space<hbm>>)
      tpu.yield
    }) : () -> ()
    %run_scoped3A_11 = arith.constant 1 : i32
    "tpu.region"() ({
      %run_scoped3A_12 = tpu.sem_alloc : memref<!tpu.dma_semaphore, #tpu.memory_space<semaphore_mem>>
      %dma_start3A = tpu.memref_slice %arg7[%arg0, %run_scoped3A_11, %mul3A_0] : memref<2x2x100352xf32, #tpu.memory_space<hbm>> -> memref<1x1x6272xf32, #tpu.memory_space<hbm>>
      %dma_start3A_13 = tpu.memref_squeeze %dma_start3A : memref<1x1x6272xf32, #tpu.memory_space<hbm>> -> memref<6272xf32, #tpu.memory_space<hbm>>
      %dma_start3A_14 = tpu.memref_slice %arg15[%mul3A_0] : memref<100352xf32, #tpu.memory_space<vmem_shared>> -> memref<6272xf32, #tpu.memory_space<vmem_shared>>
      tpu.enqueue_dma source(%dma_start3A_14 : memref<6272xf32, #tpu.memory_space<vmem_shared>>) target(%dma_start3A_13 : memref<6272xf32, #tpu.memory_space<hbm>>) target_semaphore(%run_scoped3A_12 : memref<!tpu.dma_semaphore, #tpu.memory_space<semaphore_mem>>)
      %dma_wait3A = tpu.memref_slice %arg7[%arg0, %run_scoped3A_11, %mul3A_0] : memref<2x2x100352xf32, #tpu.memory_space<hbm>> -> memref<1x1x6272xf32, #tpu.memory_space<hbm>>
      %dma_wait3A_15 = tpu.memref_squeeze %dma_wait3A : memref<1x1x6272xf32, #tpu.memory_space<hbm>> -> memref<6272xf32, #tpu.memory_space<hbm>>
      %dma_wait3A_16 = tpu.memref_slice %arg15[%mul3A_0] : memref<100352xf32, #tpu.memory_space<vmem_shared>> -> memref<6272xf32, #tpu.memory_space<vmem_shared>>
      tpu.wait_dma2 semaphore(%run_scoped3A_12 : memref<!tpu.dma_semaphore, #tpu.memory_space<semaphore_mem>>) src(%dma_wait3A_16 : memref<6272xf32, #tpu.memory_space<vmem_shared>>) dst(%dma_wait3A_15 : memref<6272xf32, #tpu.memory_space<hbm>>)
      tpu.yield
    }) : () -> ()
    return
  }
}

module attributes {stable_mosaic.version = 14 : i64} {
  func.func @_tc1_body(%arg0: memref<2x100352xf32, #tpu.memory_space<vmem>>, %arg1: memref<100352xf32, #tpu.memory_space<vmem>>, %arg2: memref<100352xf32, #tpu.memory_space<vmem>>, %arg3: memref<100352xf32, #tpu.memory_space<vmem>>) attributes {dimension_semantics = [], scalar_prefetch = 0 : i64, scratch_operands = 0 : i64, tpu.core_type = #tpu.core_type<tc>} {
    %get3A = arith.constant 0 : index
    %get3A_0 = arith.constant 0 : index
    %get3A_1 = vector.load %arg0[%get3A, %get3A_0] : memref<2x100352xf32, #tpu.memory_space<vmem>>, vector<1x100352xf32>
    %get3A_2 = vector.shape_cast %get3A_1 : vector<1x100352xf32> to vector<100352xf32>
    %get3A_3 = arith.constant 1 : index
    %get3A_4 = arith.constant 0 : index
    %get3A_5 = vector.load %arg0[%get3A_3, %get3A_4] : memref<2x100352xf32, #tpu.memory_space<vmem>>, vector<1x100352xf32>
    %get3A_6 = vector.shape_cast %get3A_5 : vector<1x100352xf32> to vector<100352xf32>
    %add3A = arith.addf %get3A_2, %get3A_6 : vector<100352xf32>
    %add3A_7 = arith.constant 1.000000e+00 : f32
    %add3A_8 = vector.broadcast %add3A_7 : f32 to vector<100352xf32>
    %add3A_9 = arith.addf %add3A, %add3A_8 : vector<100352xf32>
    %rsqrt3A = math.rsqrt %add3A_9 : vector<100352xf32>
    %swap3A = arith.constant 0 : index
    %swap3A_10 = vector.load %arg2[%swap3A] : memref<100352xf32, #tpu.memory_space<vmem>>, vector<100352xf32>
    tpu.vector_store %arg2[%swap3A], %rsqrt3A {strides = array<i32>} : memref<100352xf32, #tpu.memory_space<vmem>>, vector<100352xf32>,
    %get3A_11 = arith.constant 0 : index
    %get3A_12 = vector.load %arg1[%get3A_11] : memref<100352xf32, #tpu.memory_space<vmem>>, vector<100352xf32>
    %mul3A = arith.mulf %rsqrt3A, %get3A_12 : vector<100352xf32>
    %swap3A_13 = arith.constant 0 : index
    %swap3A_14 = vector.load %arg3[%swap3A_13] : memref<100352xf32, #tpu.memory_space<vmem>>, vector<100352xf32>
    tpu.vector_store %arg3[%swap3A_13], %mul3A {strides = array<i32>} : memref<100352xf32, #tpu.memory_space<vmem>>, vector<100352xf32>,
    return
  }
}

module attributes {stable_mosaic.version = 14 : i64} {
  func.func @_tc2_body(%arg0: memref<2x100352xf32, #tpu.memory_space<vmem>>, %arg1: memref<100352xf32, #tpu.memory_space<vmem>>, %arg2: memref<100352xf32, #tpu.memory_space<vmem>>, %arg3: memref<100352xf32, #tpu.memory_space<vmem>>, %arg4: memref<100352xf32, #tpu.memory_space<vmem>>) attributes {dimension_semantics = [], scalar_prefetch = 0 : i64, scratch_operands = 0 : i64, tpu.core_type = #tpu.core_type<tc>} {
    %get3A = arith.constant 0 : index
    %get3A_0 = vector.load %arg2[%get3A] : memref<100352xf32, #tpu.memory_space<vmem>>, vector<100352xf32>
    %get3A_1 = arith.constant 0 : index
    %get3A_2 = arith.constant 0 : index
    %get3A_3 = vector.load %arg0[%get3A_1, %get3A_2] : memref<2x100352xf32, #tpu.memory_space<vmem>>, vector<1x100352xf32>
    %get3A_4 = vector.shape_cast %get3A_3 : vector<1x100352xf32> to vector<100352xf32>
    %get3A_5 = arith.constant 1 : index
    %get3A_6 = arith.constant 0 : index
    %get3A_7 = vector.load %arg0[%get3A_5, %get3A_6] : memref<2x100352xf32, #tpu.memory_space<vmem>>, vector<1x100352xf32>
    %get3A_8 = vector.shape_cast %get3A_7 : vector<1x100352xf32> to vector<100352xf32>
    %add3A = arith.addf %get3A_4, %get3A_8 : vector<100352xf32>
    %get3A_9 = arith.constant 0 : index
    %get3A_10 = vector.load %arg1[%get3A_9] : memref<100352xf32, #tpu.memory_space<vmem>>, vector<100352xf32>
    %add3A_11 = arith.addf %add3A, %get3A_10 : vector<100352xf32>
    %mul3A = arith.mulf %get3A_0, %add3A_11 : vector<100352xf32>
    %max3A = arith.constant 0.000000e+00 : f32
    %max3A_12 = vector.broadcast %max3A : f32 to vector<100352xf32>
    %max3A_13 = arith.maximumf %mul3A, %max3A_12 : vector<100352xf32>
    %mul3A_14 = arith.mulf %get3A_0, %max3A_13 : vector<100352xf32>
    %swap3A = arith.constant 0 : index
    %swap3A_15 = vector.load %arg3[%swap3A] : memref<100352xf32, #tpu.memory_space<vmem>>, vector<100352xf32>
    tpu.vector_store %arg3[%swap3A], %mul3A_14 {strides = array<i32>} : memref<100352xf32, #tpu.memory_space<vmem>>, vector<100352xf32>,
    %neg3A = arith.constant 0.000000e+00 : f32
    %neg3A_16 = vector.broadcast %neg3A : f32 to vector<100352xf32>
    %neg3A_17 = arith.subf %neg3A_16, %mul3A : vector<100352xf32>
    %max3A_18 = arith.constant 0.000000e+00 : f32
    %max3A_19 = vector.broadcast %max3A_18 : f32 to vector<100352xf32>
    %max3A_20 = arith.maximumf %neg3A_17, %max3A_19 : vector<100352xf32>
    %mul3A_21 = arith.mulf %get3A_0, %max3A_20 : vector<100352xf32>
    %swap3A_22 = arith.constant 0 : index
    %swap3A_23 = vector.load %arg4[%swap3A_22] : memref<100352xf32, #tpu.memory_space<vmem>>, vector<100352xf32>
    tpu.vector_store %arg4[%swap3A_22], %mul3A_21 {strides = array<i32>} : memref<100352xf32, #tpu.memory_space<vmem>>, vector<100352xf32>,
    return
  }
}

module attributes {stable_mosaic.version = 14 : i64} {
  func.func @_tc3_body(%arg0: memref<2x2x100352xf32, #tpu.memory_space<vmem>>, %arg1: memref<100352xf32, #tpu.memory_space<vmem>>, %arg2: memref<100352xf32, #tpu.memory_space<vmem>>, %arg3: memref<100352xf32, #tpu.memory_space<vmem>>, %arg4: memref<16x1xf32, #tpu.memory_space<vmem>>, %arg5: memref<8x16xf32, #tpu.memory_space<vmem>>, %arg6: memref<8x1xf32, #tpu.memory_space<vmem>>, %arg7: memref<8x100352xf32, #tpu.memory_space<vmem>>) attributes {dimension_semantics = [], scalar_prefetch = 0 : i64, scratch_operands = 0 : i64, tpu.core_type = #tpu.core_type<tc>} {
    %get3A = arith.constant 0 : index
    %get3A_0 = vector.load %arg3[%get3A] : memref<100352xf32, #tpu.memory_space<vmem>>, vector<100352xf32>
    %get3A_1 = arith.constant 0 : index
    %get3A_2 = arith.constant 0 : index
    %get3A_3 = arith.constant 0 : index
    %get3A_4 = vector.load %arg0[%get3A_1, %get3A_2, %get3A_3] : memref<2x2x100352xf32, #tpu.memory_space<vmem>>, vector<1x1x100352xf32>
    %get3A_5 = vector.shape_cast %get3A_4 : vector<1x1x100352xf32> to vector<100352xf32>
    %get3A_6 = arith.constant 1 : index
    %get3A_7 = arith.constant 0 : index
    %get3A_8 = arith.constant 0 : index
    %get3A_9 = vector.load %arg0[%get3A_6, %get3A_7, %get3A_8] : memref<2x2x100352xf32, #tpu.memory_space<vmem>>, vector<1x1x100352xf32>
    %get3A_10 = vector.shape_cast %get3A_9 : vector<1x1x100352xf32> to vector<100352xf32>
    %add3A = arith.addf %get3A_5, %get3A_10 : vector<100352xf32>
    %get3A_11 = arith.constant 0 : index
    %get3A_12 = vector.load %arg1[%get3A_11] : memref<100352xf32, #tpu.memory_space<vmem>>, vector<100352xf32>
    %add3A_13 = arith.addf %add3A, %get3A_12 : vector<100352xf32>
    %mul3A = arith.mulf %get3A_0, %add3A_13 : vector<100352xf32>
    %reshape3A = vector.shape_cast %mul3A : vector<100352xf32> to vector<1x100352xf32>
    %get3A_14 = arith.constant 0 : index
    %get3A_15 = arith.constant 1 : index
    %get3A_16 = arith.constant 0 : index
    %get3A_17 = vector.load %arg0[%get3A_14, %get3A_15, %get3A_16] : memref<2x2x100352xf32, #tpu.memory_space<vmem>>, vector<1x1x100352xf32>
    %get3A_18 = vector.shape_cast %get3A_17 : vector<1x1x100352xf32> to vector<100352xf32>
    %get3A_19 = arith.constant 1 : index
    %get3A_20 = arith.constant 1 : index
    %get3A_21 = arith.constant 0 : index
    %get3A_22 = vector.load %arg0[%get3A_19, %get3A_20, %get3A_21] : memref<2x2x100352xf32, #tpu.memory_space<vmem>>, vector<1x1x100352xf32>
    %get3A_23 = vector.shape_cast %get3A_22 : vector<1x1x100352xf32> to vector<100352xf32>
    %add3A_24 = arith.addf %get3A_18, %get3A_23 : vector<100352xf32>
    %get3A_25 = arith.constant 0 : index
    %get3A_26 = vector.load %arg2[%get3A_25] : memref<100352xf32, #tpu.memory_space<vmem>>, vector<100352xf32>
    %add3A_27 = arith.addf %add3A_24, %get3A_26 : vector<100352xf32>
    %mul3A_28 = arith.mulf %get3A_0, %add3A_27 : vector<100352xf32>
    %reshape3A_29 = vector.shape_cast %mul3A_28 : vector<100352xf32> to vector<1x100352xf32>
    %get3A_30 = arith.constant 0 : index
    %get3A_31 = arith.constant 0 : index
    %get3A_32 = vector.load %arg4[%get3A_30, %get3A_31] : memref<16x1xf32, #tpu.memory_space<vmem>>, vector<16x1xf32>
    %reshape3A_33 = vector.shape_cast %get3A_32 : vector<16x1xf32> to vector<1x16xf32>
    %get3A_34 = arith.constant 0 : index
    %get3A_35 = arith.constant 0 : index
    %get3A_36 = vector.load %arg5[%get3A_34, %get3A_35] : memref<8x16xf32, #tpu.memory_space<vmem>>, vector<8x16xf32>
    %max3A = arith.constant 0.000000e+00 : f32
    %max3A_37 = vector.broadcast %max3A : f32 to vector<1x16xf32>
    %max3A_38 = arith.maximumf %reshape3A_33, %max3A_37 : vector<1x16xf32>
    %mul3A_39 = vector.broadcast %max3A_38 : vector<1x16xf32> to vector<8x16xf32>
    %mul3A_40 = arith.mulf %get3A_36, %mul3A_39 : vector<8x16xf32>
    %reduce_sum3A = arith.constant dense<0.000000e+00> : vector<8xf32>
    %reduce_sum3A_41 = vector.multi_reduction <add>, %mul3A_40, %reduce_sum3A [1] : vector<8x16xf32> to vector<8xf32>
    %broadcast_in_dim3A = vector.shape_cast %reduce_sum3A_41 : vector<8xf32> to vector<8x1xf32>
    %get3A_42 = arith.constant 0 : index
    %get3A_43 = arith.constant 0 : index
    %get3A_44 = vector.load %arg5[%get3A_42, %get3A_43] : memref<8x16xf32, #tpu.memory_space<vmem>>, vector<8x16xf32>
    %neg3A = arith.constant 0.000000e+00 : f32
    %neg3A_45 = vector.broadcast %neg3A : f32 to vector<1x16xf32>
    %neg3A_46 = arith.subf %neg3A_45, %reshape3A_33 : vector<1x16xf32>
    %max3A_47 = arith.constant 0.000000e+00 : f32
    %max3A_48 = vector.broadcast %max3A_47 : f32 to vector<1x16xf32>
    %max3A_49 = arith.maximumf %neg3A_46, %max3A_48 : vector<1x16xf32>
    %mul3A_50 = vector.broadcast %max3A_49 : vector<1x16xf32> to vector<8x16xf32>
    %mul3A_51 = arith.mulf %get3A_44, %mul3A_50 : vector<8x16xf32>
    %reduce_sum3A_52 = arith.constant dense<0.000000e+00> : vector<8xf32>
    %reduce_sum3A_53 = vector.multi_reduction <add>, %mul3A_51, %reduce_sum3A_52 [1] : vector<8x16xf32> to vector<8xf32>
    %broadcast_in_dim3A_54 = vector.shape_cast %reduce_sum3A_53 : vector<8xf32> to vector<8x1xf32>
    %mul3A_55 = vector.broadcast %broadcast_in_dim3A : vector<8x1xf32> to vector<8x100352xf32>
    %mul3A_56 = vector.broadcast %reshape3A : vector<1x100352xf32> to vector<8x100352xf32>
    %mul3A_57 = arith.mulf %mul3A_55, %mul3A_56 : vector<8x100352xf32>
    %mul3A_58 = vector.broadcast %broadcast_in_dim3A_54 : vector<8x1xf32> to vector<8x100352xf32>
    %mul3A_59 = vector.broadcast %reshape3A_29 : vector<1x100352xf32> to vector<8x100352xf32>
    %mul3A_60 = arith.mulf %mul3A_58, %mul3A_59 : vector<8x100352xf32>
    %add3A_61 = arith.addf %mul3A_57, %mul3A_60 : vector<8x100352xf32>
    %get3A_62 = arith.constant 0 : index
    %get3A_63 = arith.constant 0 : index
    %get3A_64 = vector.load %arg6[%get3A_62, %get3A_63] : memref<8x1xf32, #tpu.memory_space<vmem>>, vector<8x1xf32>
    %add3A_65 = vector.broadcast %get3A_64 : vector<8x1xf32> to vector<8x100352xf32>
    %add3A_66 = arith.addf %add3A_61, %add3A_65 : vector<8x100352xf32>
    %swap3A = arith.constant 0 : index
    %swap3A_67 = arith.constant 0 : index
    %swap3A_68 = vector.load %arg7[%swap3A, %swap3A_67] : memref<8x100352xf32, #tpu.memory_space<vmem>>, vector<8x100352xf32>
    tpu.vector_store %arg7[%swap3A, %swap3A_67], %add3A_66 {strides = array<i32>} : memref<8x100352xf32, #tpu.memory_space<vmem>>, vector<8x100352xf32>,
    return
  }
}

</mosaic_0001>

<sc_bundles>
// kernel: kernel.11.cloned.1.call-start
scs
__scs_entry_jumppad:
0x0: {  	(pc) =	sbr.rel $0x88, $3  }
0x1: {  	(tag) =	ssettag $0x0;
	lr =	simm.s32 $0x1  }
0x2: {  	[smem:$0x3F9C] =	sst lr;
	_ =	strace $0xD0000000  }
0x3: {  	_ = 	snop  }
0x4: {  	_ = 	snop  }
0x5: {  	_ = 	snop  }
0x6: {  	_ = 	snop  }
0x7: {  	_ = 	snop  }
__scs_overlays_trampoline_lowered:
0x8: {  	[smem:$0x3FAB] =	sst s0  }
0x9: {  	[smem:$0x3FAC] =	sst s1  }
0xa: {  	[smem:$0x3FAD] =	sst s2  }
0xb: {  	[smem:$0x3FAE] =	sst s3  }
0xc: {  	[smem:$0x3FAF] =	sst s4  }
0xd: {  	[smem:$0x3FB0] =	sst s5  }
0xe: {  	[smem:$0x3FB1] =	sst s6  }
0xf: {  	[smem:$0x3FB2] =	sst s7  }
0x10: {  	[smem:$0x3FB3] =	sst s8  }
0x11: {  	[smem:$0x3FB4] =	sst s9;
	s0 =	simm.s32 @!p0 $0x0  }
0x12: {  	s1 =	sld [smem:$0x3F9A];
	s0 =	simm.s32 @p0 $0x1  }
0x13: {  	[smem:$0x3FB5] =	sst s0;
	s0 =	simm.s32 @!p1 $0x0  }
0x14: {  	s2 =	sld [smem:$0x3F99];
	s0 =	simm.s32 @p1 $0x1  }
0x15: {  	[smem:$0x3FB6] =	sst s0;
	s0 =	simm.s32 @!p2 $0x0  }
0x16: {  	s3 =	sld [smem:$0x3FDB];
	s0 =	simm.s32 @p2 $0x1  }
0x17: {  	s4 =	simm.s32 $0x1BF5;
	[smem:$0x3FB8] =	sst s0  }
0x18: {  	s0 =	sld [smem:$0x3F9B];
	_ =	swait.ge [sflag:s4], $0x0  }
0x19: {  	s7 =	sld [smem:$0x3F9C]  }
0x1a: {  	s8 =	sadd.s32 $0xFFFFE003, lr  }
0x1b: {  	s9 =	sadd.s32 $0xFFFFFEF7, lr;
	s5 =	simm.s32 $0xFFFFFFFF;
	p2 =	slt.u32 s8, $0xFFFFF086  }
0x1c: {  	p1 =	slt.u32 s9, $0xF7A;
	s5 =	simm.s32 @!p2 $0x0  }
0x1d: {  	s5 =	simm.s32 @p1 $0x1;
	p0 =	seq.s32 s7, s2  }
0x1e: {  	s7 =	smul.u32 @!p0 $0xF7A, s2;
	p2 =	seq.s32 @!p0 s5, $0x0  }
0x1f: {  	s9 =	smul.u32 $0xF7A, s1;
	s8 =	simm.s32 @!p0 $0x1BF5;
	p2 =	por !p2, p0  }
0x20: {  	[sflag:s8] =	ssyncset.s32 @!p0 $0xFFFFF086;
	s6 =	sadd.s32 @!p0 s3, s7;
	s7 =	simm.s32 @!p0 $0x108  }
0x21: {  	s3 =	sadd.s32 s3, s9;
	s6 =	sadd.s32 @!p0 $0x88, s6;
	s7 =	simm.s32 @p2 $0x1082  }
0x22: {  	[simem:s7], [sflag:s8] =	dma.local @!p0 [hbm:s6], $0xF7A  }
0x23: {  	s9 =	sor.u32 $0xD0000000, s2;
	s6 =	simm.s32 $0x108;
	_ =	swait.ge @!p0 [sflag:s8], $0x0  }
0x24: {  	s3 =	sadd.s32 $0x88, s3;
	s6 =	simm.s32 @!p1 $0x1082;
	[sflag:s4] =	ssyncset.s32 $0xFFFFF086  }
0x25: {  	[simem:s6], [sflag:s4] =	dma.local [hbm:s3], $0xF7A  }
0x26: {  	[smem:$0x3F9C] =	sst s1;
	(tag) =	ssettag s2;
	_ =	strace s9  }
0x27: {  	s1 =	sld [smem:$0x3FAC]  }
0x28: {  	s2 =	sld [smem:$0x3FAD]  }
0x29: {  	s4 =	sld [smem:$0x3FAF]  }
0x2a: {  	p0 =	seq.s32 s5, $0x0;
	s5 =	sld [smem:$0x3FB0]  }
0x2b: {  	s6 =	sld [smem:$0x3FB1]  }
0x2c: {  	s7 =	sld [smem:$0x3FB2]  }
0x2d: {  	s3 =	simm.s32 $0x108;
	s8 =	sld [smem:$0x3FB3]  }
0x2e: {  	s3 =	simm.s32 @!p0 $0x1082;
	s9 =	sld [smem:$0x3FB4]  }
0x2f: {  	lr =	sadd.s32 s0, s3;
	s0 =	sld [smem:$0x3FAB]  }
0x30: {  	s3 =	sld [smem:$0x3FAE]  }
0x31: {  	[smem:$0x3FB7] =	sst s10  }
0x32: {  	s10 =	sld [smem:$0x3FB5];
	_ =	sdelay $0x3  }
0x33: {  	p0 =	seq.s32 s10, $0x1;
	s10 =	sld [smem:$0x3FB7];
	_ =	sdelay $0x3  }
0x34: {  	[smem:$0x3FB7] =	sst s10  }
0x35: {  	s10 =	sld [smem:$0x3FB6];
	_ =	sdelay $0x3  }
0x36: {  	p1 =	seq.s32 s10, $0x1;
	s10 =	sld [smem:$0x3FB7];
	_ =	sdelay $0x3  }
0x37: {  	[smem:$0x3FB7] =	sst s10  }
0x38: {  	s10 =	sld [smem:$0x3FB8]  }
0x39: {  	_ = 	snop;
	(pc) =	sbr.ind lr, $3  }
0x3a: {  	_ = 	snop  }
0x3b: {  	_ = 	snop  }
0x3c: {  	p2 =	seq.s32 s10, $0x1;
	s10 =	sld [smem:$0x3FB7]  }
0x3d: {  	_ =	shalt  }
0x3e: {  	_ =	shalt  }
0x3f: {  	_ =	shalt  }
0x40: {  	_ =	shalt  }
0x41: {  	_ =	shalt  }
0x42: {  	_ =	shalt  }
0x43: {  	_ =	shalt  }
0x44: {  	_ =	shalt  }
0x45: {  	_ =	shalt  }
0x46: {  	_ =	shalt  }
0x47: {  	_ =	shalt  }
0x48: {  	_ =	shalt  }
0x49: {  	_ =	shalt  }
0x4a: {  	_ =	shalt  }
0x4b: {  	_ =	shalt  }
0x4c: {  	_ =	shalt  }
0x4d: {  	_ =	shalt  }
0x4e: {  	_ =	shalt  }
0x4f: {  	_ =	shalt  }
0x50: {  	_ =	shalt  }
0x51: {  	_ =	shalt  }
0x52: {  	_ =	shalt  }
0x53: {  	_ =	shalt  }
0x54: {  	_ =	shalt  }
0x55: {  	_ =	shalt  }
0x56: {  	_ =	shalt  }
0x57: {  	_ =	shalt  }
0x58: {  	_ =	shalt  }
0x59: {  	_ =	shalt  }
0x5a: {  	_ =	shalt  }
0x5b: {  	_ =	shalt  }
0x5c: {  	_ =	shalt  }
0x5d: {  	_ =	shalt  }
0x5e: {  	_ =	shalt  }
0x5f: {  	_ =	shalt  }
0x60: {  	_ =	shalt  }
0x61: {  	_ =	shalt  }
0x62: {  	_ =	shalt  }
0x63: {  	_ =	shalt  }
0x64: {  	_ =	shalt  }
0x65: {  	_ =	shalt  }
0x66: {  	_ =	shalt  }
0x67: {  	_ =	shalt  }
0x68: {  	_ =	shalt  }
0x69: {  	_ =	shalt  }
0x6a: {  	_ =	shalt  }
0x6b: {  	_ =	shalt  }
0x6c: {  	_ =	shalt  }
0x6d: {  	_ =	shalt  }
0x6e: {  	_ =	shalt  }
0x6f: {  	_ =	shalt  }
0x70: {  	_ =	shalt  }
0x71: {  	_ =	shalt  }
0x72: {  	_ =	shalt  }
0x73: {  	_ =	shalt  }
0x74: {  	_ =	shalt  }
0x75: {  	_ =	shalt  }
0x76: {  	_ =	shalt  }
0x77: {  	_ =	shalt  }
0x78: {  	_ =	shalt  }
0x79: {  	_ =	shalt  }
0x7a: {  	_ =	shalt  }
0x7b: {  	_ =	shalt  }
0x7c: {  	_ =	shalt  }
0x7d: {  	_ =	shalt  }
0x7e: {  	_ =	shalt  }
0x7f: {  	_ =	shalt  }
0x80: {  	_ =	shalt  }
0x81: {  	_ =	shalt  }
0x82: {  	_ =	shalt  }
0x83: {  	_ =	shalt  }
0x84: {  	_ =	shalt  }
0x85: {  	_ =	shalt  }
0x86: {  	_ =	shalt  }
0x87: {  	_ =	shalt  }
.Lfunc_end0:
.L_simem_size_0:
called_computation.1_lowered:
.L_overlay_start_0:
0x88: {  	s2 =	sld [smem:$0x3FD9]  }
0x89: {  	s3 =	sld [smem:$0x3FFE];
	_ =	sdelay $0x1  }
0x8a: {  	s1 =	srdreg.scid  }
0x8b: {  	s0 =	sand.u32 $0x1, s1  }
0x8c: {  	s17 =	sshll.u32 s0, $0xA;
	s2 =	sadd.s32 s3, s2  }
0x8d: {  	s2 =	sadd.s32 s2, s17  }
0x8e: {  	[smem:$0x3FC3] =	sst s2  }
0x8f: {  	_ = 	snop  }
0x90: {  	s2 =	sld [smem:$0x3FD0];
	(tm) =	ssettm $0x1  }
0x91: {  	s18 =	sld [smem:$0x3FFB];
	_ =	sdelay $0x3  }
0x92: {  	_ =	strace s18  }
0x93: {  	s3 =	sld [smem:$0x3FFC];
	_ =	sdelay $0x3  }
0x94: {  	_ =	strace s3  }
0x95: {  	s3 =	sld [smem:$0x3FFD];
	_ =	sdelay $0x3  }
0x96: {  	_ =	strace s3  }
0x97: {  	_ =	strace $0x8FFFFFFF  }
0x98: {  	s19 =	sld [smem:$0x3FDB];
	_ =	sdelay $0x1  }
0x99: {  	s4 =	simm.s32 $_scs_section_size  }
0x9a: {  	s5 =	simm.s32 $_size__tile_overlayer_lowered;
	s6 =	simm.s32 $_tile_overlayer_lowered  }
0x9b: {  	s22 =	simm.s32 $0x1BFF;
	s21 =	sshll.u32 s6, $0x1;
	s3 =	sadd.s32 s4, s19  }
0x9c: {  	s7 =	simm.s32 $0x0;
	s20 =	sshll.u32 s5, $0x1;
	s5 =	sadd.s32 s21, s3  }
0x9d: {  	[timem:s7], [sflag:s22] =	dma.local [hbm:s5], s20  }
0x9e: {  	_ =	swait.ge [sflag:s22], s20  }
0x9f: {  	s4 =	ssub.s32 $0x0, s20;
	[sflag:s22] =	ssyncset.done $0x0  }
0xa0: {  	[sflag:s22] =	ssyncadd.s32 s4;
	_ =	sdelay $0x1  }
0xa1: {  	s23 =	simm.s32 $0x1B8B  }
0xa2: {  	_ =	swait.ge [sflag:s23], $0x1  }
0xa3: {  	[sflag:s23] =	ssyncset.done $0x0  }
0xa4: {  	s25 =	simm.s32 $0x1B8E;
	s24 =	sld [smem:$0x3FFE];
	[sflag:s23] =	ssyncadd.s32 $0xFFFFFFFF  }
0xa5: {  	s26 =	simm.s32 $execute0_lowered;
	[smem:$0x3FD2] =	sst s25  }
0xa6: {  	s5 =	sshll.u32 s26, $0x1;
	_ =	strace $0x80000049;
	[dreg:$0x1] =	wrdreg $0xFFFFFFFF  }
0xa7: {  	s28 =	simm.s32 $_size_execute0_lowered;
	s3 =	sadd.s32 s3, s5;
	[dreg:$0x0] =	wrdreg $0x0  }
0xa8: {  	s5 =	sshll.u32 s28, $0x1;
	[dreg:$0x2] =	wrdreg s3  }
0xa9: {  	[dreg:$0x3] =	wrdreg s5  }
0xaa: {  	[dreg:$0x4] =	wrdreg $0xC0  }
0xab: {  	_ =	task [dreg:s7], $0x5FFFF  }
0xac: {  	[dreg:$0x1] =	wrdreg $0xFFFFFFFF  }
0xad: {  	[dreg:$0x0] =	wrdreg $0x60  }
0xae: {  	[dreg:$0x2] =	wrdreg s24  }
0xaf: {  	[dreg:$0x3] =	wrdreg s2  }
0xb0: {  	[dreg:$0x4] =	wrdreg $0x30800  }
0xb1: {  	[dreg:$0x5] =	wrdreg $0x18000  }
0xb2: {  	[dreg:$0x6] =	wrdreg $0x9  }
0xb3: {  	_ =	task.clear_ibuf [dreg:s7], $0x7FFFF;
	_ =	strace $0x90000049  }
0xb4: {  	s29 =	simm.s32 $0x9;
	_ =	strace $0x8000004B  }
0xb5: {  	_ =	swait.ge [sflag:s29], $0x1  }
0xb6: {  	[sflag:s29] =	ssyncadd.s32 $0xFFFFFFFF  }
0xb7: {  	_ =	strace $0x9000004B  }
0xb8: {  	_ =	sfence  }
0xb9: {  	s30 =	sld [smem:$0x0];
	_ =	sdelay $0x2  }
0xba: {  	s31 =	sshll.u32 s1, $0xD;
	s1 =	sshrl.u32 s1, $0x2  }
0xbb: {  	s3 =	sand.u32 $0x4000, s31;
	s1 =	sadd.s32 s1, s30  }
0xbc: {  	s0 =	sor.u32 s3, s0;
	s1 =	sshll.u32 s1, $0x11  }
0xbd: {  	s0 =	sor.u32 s1, s0  }
0xbe: {  	s0 =	sadd.s32 $0x8F2B, s0  }
0xbf: {  	[sflag:s0] =	ssyncadd.remote.s32 $0x1  }
0xc0: {  	_ =	sfence.sel $0xFFFF  }
0xc1: {  	[dreg:$0x0] =	wrdreg $0xFFFFFFFF;
	(pc) =	sbr.abs _section_cstart, $3  }
0xc2: {  	[dreg:$0x1] =	wrdreg $0xFFFFFFFF  }
0xc3: {  	_ =	task.clear_ibuf [dreg:s7], $0x2FFFF;
	_ =	strace $0x9FFFFFFF  }
0xc4: {  	(tm) =	ssettm $0x7FFFFFFF  }
0xc5: {  	_ =	shalt  }
tec
execute0_lowered:
.L_overlay_start_1:
0x0: {  	(tag) =	ssettag $0x1  }
0x1: {  	s0 =	rddreg [dreg:$0x0]  }
0x2: {  	s5 =	rddreg [dreg:$0x1]  }
0x3: {  	s1 =	srdreg.scid;
	s2 =	rddreg [dreg:$0x2]  }
0x4: {  	s11 =	stileid.u32;
	s3 =	rddreg [dreg:$0x3];
	s4 =	simm.s32 $0x0  }
0x5: {  	s14 =	simm.s32 $0x100;
	s16 =	simm.s32 $0x180;
	s18 =	simm.s32 $0x200  }
0x6: {  	s19 =	simm.s32 $0x280;
	s20 =	simm.s32 $0x300;
	[smem:$0x7FF] =	sst s4  }
0x7: {  	s21 =	simm.s32 $0x380;
	_ =	strace $0x8000004A;
	[dreg:$0x7] =	wrdreg s14  }
0x8: {  	s23 =	simm.s32 $0x880;
	s24 =	simm.s32 $0x900;
	[dreg:$0x8] =	wrdreg s16  }
0x9: {  	s25 =	simm.s32 $0x980;
	s26 =	simm.s32 $0xA00;
	[dreg:$0x9] =	wrdreg s18  }
0xa: {  	s28 =	simm.s32 $0x1500;
	s29 =	simm.s32 $0x1580;
	[dreg:$0xa] =	wrdreg s19  }
0xb: {  	s30 =	simm.s32 $0x1600;
	s31 =	simm.s32 $0x1680;
	[dreg:$0xb] =	wrdreg s20  }
0xc: {  	s1 =	sand.u32 $0x1, s1;
	s7 =	smul.u32 $0x18800, s11;
	[dreg:$0xc] =	wrdreg s21  }
0xd: {  	s8 =	smul.u32 $0x1880, s11;
	s17 =	sshll.u32 s11, $0x6;
	[dreg:$0xd] =	wrdreg s23  }
0xe: {  	s22 =	smul.u32 $0x3100, s11;
	s11 =	simm.s32 $0x4;
	[dreg:$0xe] =	wrdreg s24  }
0xf: {  	s6 =	smul.u32 $0x188000, s1;
	s13 =	ssub.s32 $0x2, s1;
	[dreg:$0xf] =	wrdreg s25  }
0x10: {  	s1 =	sshll.u32 s1, $0x7;
	[dreg:$0x10] =	wrdreg s26;
	s14 =	simm.s32 $0x480  }
0x11: {  	s16 =	simm.s32 $0x580;
	s18 =	simm.s32 $0x680;
	s19 =	simm.s32 $0x700  }
0x12: {  	s20 =	simm.s32 $0x780;
	s21 =	simm.s32 $0xC00;
	[dreg:$0x15] =	wrdreg s14  }
0x13: {  	s23 =	simm.s32 $0xD00;
	s24 =	simm.s32 $0xD80;
	[dreg:$0x17] =	wrdreg s16  }
0x14: {  	s25 =	simm.s32 $0xE00;
	s26 =	simm.s32 $0xE80;
	[dreg:$0x19] =	wrdreg s18  }
0x15: {  	s12 =	sshrl.u32 s8, $0x3;
	s10 =	sshrl.u32 s13, $0x1;
	[dreg:$0x1a] =	wrdreg s19  }
0x16: {  	s15 =	sadd.s32 s8, s2;
	s8 =	sadd.s32 s8, s3;
	[dreg:$0x1b] =	wrdreg s20  }
0x17: {  	s1 =	sor.u32 s1, s22;
	s14 =	simm.s32 $0x80;
	[dreg:$0x1c] =	wrdreg s21  }
0x18: {  	s16 =	simm.s32 $0x1080;
	s18 =	simm.s32 $0x1180;
	[dreg:$0x1e] =	wrdreg s23  }
0x19: {  	s19 =	simm.s32 $0x1200;
	s20 =	simm.s32 $0x1280;
	[dreg:$0x1f] =	wrdreg s24  }
0x1a: {  	s22 =	simm.s32 $0xC80;
	s21 =	simm.s32 $0x1300;
	[smem:$0x7FA] =	sst s25  }
0x1b: {  	s23 =	simm.s32 $0x1;
	[smem:$0x7FB] =	sst s26;
	s6 =	sadd.s32 s7, s6  }
0x1c: {  	s7 =	sadd.s32 s12, s0;
	s12 =	simm.s32 $0x400;
	[dreg:$0x1d] =	wrdreg s22  }
0x1d: {  	s1 =	sshrl.u32 s1, $0x3;
	s7 =	sadd.s32 $0xC6E00, s7;
	[dreg:$0x14] =	wrdreg s12  }
0x1e: {  	s24 =	simm.s32 $0x3;
	s1 =	sadd.s32 s5, s1;
	[smem:$0x7F6] =	sst s7  }
0x1f: {  	s6 =	sshrl.u32 s6, $0x3;
	s5 =	simm.s32 $0xA80;
	[smem:$0x7F7] =	sst s1  }
0x20: {  	s6 =	sadd.s32 s6, s0;
	s0 =	sadd.s32 $0xC6A00, s0;
	[dreg:$0x11] =	wrdreg s5  }
0x21: {  	s7 =	sshrl.u32 s15, $0x3;
	s15 =	simm.s32 $0x500;
	[smem:$0x7F5] =	sst s0  }
0x22: {  	s25 =	simm.s32 $0x1400;
	s26 =	simm.s32 $0x1480;
	[dreg:$0x16] =	wrdreg s15  }
0x23: {  	s22 =	simm.s32 $0x1380;
	s9 =	sadd.s32 $0x64A00, s6;
	[smem:$0x7FD] =	sst s7  }
0x24: {  	s1 =	simm.s32 $0x1700;
	s6 =	sadd.s32 $0x2A00, s6;
	[dreg:$0x5] =	wrdreg s9  }
0x25: {  	s0 =	ssub.s32 s13, s10;
	s13 =	sshrl.u32 s8, $0x3;
	[dreg:$0x6] =	wrdreg s6  }
0x26: {  	s10 =	sor.u32 $0x1C04, s17;
	s17 =	simm.s32 $0x600;
	[smem:$0x7F9] =	sst s13  }
0x27: {  	s5 =	simm.s32 $0x2;
	s15 =	simm.s32 $0x1000;
	[dreg:$0x18] =	wrdreg s17  }
0x28: {  	s8 =	simm.s32 $0xF80;
	s0 =	smax.u32 s0, $0x1;
	[smem:$0x7FC] =	sst s10  }
0x29: {  	s6 =	simm.s32 $0xB00;
	s9 =	simm.s32 $0xB80;
	[smem:$0x7F8] =	sst s0  }
0x2a: {  	s13 =	simm.s32 $0x800;
	s17 =	simm.s32 $0x1100;
	[dreg:$0x12] =	wrdreg s6  }
0x2b: {  	[dreg:$0x13] =	wrdreg s9;
	s0 =	simm.s32 $0x1780;
	s9 =	simm.s32 $0x0  }
.LBB2_1:
0x2c: {  	s6 =	sld [smem:$0x7F5];
	_ =	sdelay $0x1  }
0x2d: {  	[smem:$0x7F4] =	sst s9  }
0x2e: {  	[spmem:s7], [sflag:s10] =	dma.local [hbm:s6], $0x310  }
0x2f: {  	_ =	swait.ge [sflag:s11], $0x310  }
0x30: {  	s9 =	sld [smem:$0x7F6]  }
0x31: {  	s12 =	sld [smem:$0x7F9]  }
0x32: {  	[sflag:s11] =	ssyncset.done $0x0  }
0x33: {  	[sflag:s11] =	ssyncadd.s32 $0xFFFFFCF0  }
0x34: {  	[spmem:s12], [sflag:s10] =	dma.local [hbm:s9], $0x310  }
0x35: {  	_ =	swait.ge [sflag:s11], $0x310  }
0x36: {  	[sflag:s11] =	ssyncset.done $0x0  }
0x37: {  	[sflag:s11] =	ssyncadd.s32 $0xFFFFFCF0  }
0x38: {  	[bflag:$0x0] =	sbarrier.arrive $0xFFFF  }
0x39: {  	s7 =	rddreg [dreg:$0x6]  }
0x3a: {  	s9 =	rddreg [dreg:$0x5];
	s6 =	sadd.s32 $0x0, s7  }
0x3b: {  	[tilespmem:s13], [sflag:$0x3] =	stream.linear.gather [hbm4b:s6+s4], $0x800, $0x38;
	[tilespmem:$0x4900] =	vst v63  }
0x3c: {  	s10 =	sadd.s32 $0x0, s9  }
0x3d: {  	[tilespmem:s4], [sflag:$0x4] =	stream.linear.gather [hbm4b:s10+s4], $0x800, $0x38;
	[tilespmem:$0x4900] =	vst v63  }
0x3e: {  	_ =	swait.ge [sflag:s11], $0x800  }
0x3f: {  	[sflag:s11] =	ssyncset.done $0x0  }
0x40: {  	[sflag:s11] =	ssyncadd.s32 $0xFFFFF800  }
0x41: {  	[tilespmem:s15], [sflag:$0x1] =	stream.indirect.gather [spmem:s3], $0x1, s4, s14, $0xb8;
	[tilespmem:$0x4900] =	vst v63  }
0x42: {  	_ = 	snop  }
0x43: {  	[tilespmem:s16], [sflag:$0x1] =	stream.indirect.gather [spmem:s3], $0x1, s14, s14, $0xb8;
	[tilespmem:$0x4900] =	vst v63  }
0x44: {  	s12 =	rddreg [dreg:$0x7]  }
0x45: {  	[tilespmem:s17], [sflag:$0x1] =	stream.indirect.gather [spmem:s3], $0x1, s12, s14, $0xb8;
	[tilespmem:$0x4900] =	vst v63  }
0x46: {  	s7 =	rddreg [dreg:$0x8]  }
0x47: {  	[tilespmem:s18], [sflag:$0x1] =	stream.indirect.gather [spmem:s3], $0x1, s7, s14, $0xb8;
	[tilespmem:$0x4900] =	vst v63  }
0x48: {  	s9 =	rddreg [dreg:$0x9]  }
0x49: {  	[tilespmem:s19], [sflag:$0x1] =	stream.indirect.gather [spmem:s3], $0x1, s9, s14, $0xb8;
	[tilespmem:$0x4900] =	vst v63  }
0x4a: {  	s12 =	rddreg [dreg:$0xa]  }
0x4b: {  	[tilespmem:s20], [sflag:$0x1] =	stream.indirect.gather [spmem:s3], $0x1, s12, s14, $0xb8;
	[tilespmem:$0x4900] =	vst v63  }
0x4c: {  	s7 =	rddreg [dreg:$0xb]  }
0x4d: {  	[tilespmem:s21], [sflag:$0x1] =	stream.indirect.gather [spmem:s3], $0x1, s7, s14, $0xb8;
	[tilespmem:$0x4900] =	vst v63  }
0x4e: {  	s9 =	rddreg [dreg:$0xc]  }
0x4f: {  	[tilespmem:s22], [sflag:$0x1] =	stream.indirect.gather [spmem:s3], $0x1, s9, s14, $0xb8;
	[tilespmem:$0x4900] =	vst v63  }
0x50: {  	_ =	swait.ge [sflag:s23], $0x80  }
0x51: {  	[sflag:s23] =	ssyncset.done $0x0  }
0x52: {  	[sflag:s23] =	ssyncadd.s32 $0xFFFFFF80  }
0x53: {  	_ =	swait.ge [sflag:s23], $0x80  }
0x54: {  	[sflag:s23] =	ssyncset.done $0x0  }
0x55: {  	[sflag:s23] =	ssyncadd.s32 $0xFFFFFF80  }
0x56: {  	_ =	swait.ge [sflag:s23], $0x80  }
0x57: {  	[sflag:s23] =	ssyncset.done $0x0  }
0x58: {  	[sflag:s23] =	ssyncadd.s32 $0xFFFFFF80  }
0x59: {  	_ =	swait.ge [sflag:s23], $0x80  }
0x5a: {  	[sflag:s23] =	ssyncset.done $0x0  }
0x5b: {  	[sflag:s23] =	ssyncadd.s32 $0xFFFFFF80  }
0x5c: {  	_ =	swait.ge [sflag:s23], $0x80  }
0x5d: {  	[sflag:s23] =	ssyncset.done $0x0  }
0x5e: {  	[sflag:s23] =	ssyncadd.s32 $0xFFFFFF80  }
0x5f: {  	_ =	swait.ge [sflag:s23], $0x80  }
0x60: {  	[sflag:s23] =	ssyncset.done $0x0  }
0x61: {  	[sflag:s23] =	ssyncadd.s32 $0xFFFFFF80  }
0x62: {  	_ =	swait.ge [sflag:s23], $0x80  }
0x63: {  	[sflag:s23] =	ssyncset.done $0x0  }
0x64: {  	[sflag:s23] =	ssyncadd.s32 $0xFFFFFF80  }
0x65: {  	_ =	swait.ge [sflag:s23], $0x80  }
0x66: {  	[sflag:s23] =	ssyncset.done $0x0  }
0x67: {  	[sflag:s23] =	ssyncadd.s32 $0xFFFFFF80  }
0x68: {  	_ =	swait.ge [sflag:s24], $0x800  }
0x69: {  	[sflag:s24] =	ssyncset.done $0x0  }
0x6a: {  	[sflag:s24] =	ssyncadd.s32 $0xFFFFF800  }
0x6b: {  	[spmem:s2] =	stream.indirect.scatter.add.f32 [tilespmem:s15], [sflag:$0x2], $0x1, s13, s14, $0xb8;
	[tilespmem:$0x4900] =	vst v63  }
0x6c: {  	s12 =	rddreg [dreg:$0xd]  }
0x6d: {  	[spmem:s2] =	stream.indirect.scatter.add.f32 [tilespmem:s16], [sflag:$0x2], $0x1, s12, s14, $0xb8;
	[tilespmem:$0x4900] =	vst v63  }
0x6e: {  	s7 =	rddreg [dreg:$0xe]  }
0x6f: {  	[spmem:s2] =	stream.indirect.scatter.add.f32 [tilespmem:s17], [sflag:$0x2], $0x1, s7, s14, $0xb8;
	[tilespmem:$0x4900] =	vst v63  }
0x70: {  	s9 =	rddreg [dreg:$0xf]  }
0x71: {  	[spmem:s2] =	stream.indirect.scatter.add.f32 [tilespmem:s18], [sflag:$0x2], $0x1, s9, s14, $0xb8;
	[tilespmem:$0x4900] =	vst v63  }
0x72: {  	s12 =	rddreg [dreg:$0x10]  }
0x73: {  	[spmem:s2] =	stream.indirect.scatter.add.f32 [tilespmem:s19], [sflag:$0x2], $0x1, s12, s14, $0xb8;
	[tilespmem:$0x4900] =	vst v63  }
0x74: {  	s7 =	rddreg [dreg:$0x11]  }
0x75: {  	[spmem:s2] =	stream.indirect.scatter.add.f32 [tilespmem:s20], [sflag:$0x2], $0x1, s7, s14, $0xb8;
	[tilespmem:$0x4900] =	vst v63  }
0x76: {  	s9 =	rddreg [dreg:$0x12]  }
0x77: {  	[spmem:s2] =	stream.indirect.scatter.add.f32 [tilespmem:s21], [sflag:$0x2], $0x1, s9, s14, $0xb8;
	[tilespmem:$0x4900] =	vst v63  }
0x78: {  	s12 =	rddreg [dreg:$0x13]  }
0x79: {  	[spmem:s2] =	stream.indirect.scatter.add.f32 [tilespmem:s22], [sflag:$0x2], $0x1, s12, s14, $0xb8;
	[tilespmem:$0x4900] =	vst v63  }
0x7a: {  	s7 =	rddreg [dreg:$0x14]  }
0x7b: {  	[tilespmem:s25], [sflag:$0x1] =	stream.indirect.gather [spmem:s3], $0x1, s7, s14, $0xb8;
	[tilespmem:$0x4900] =	vst v63  }
0x7c: {  	s9 =	rddreg [dreg:$0x15]  }
0x7d: {  	[tilespmem:s26], [sflag:$0x1] =	stream.indirect.gather [spmem:s3], $0x1, s9, s14, $0xb8;
	[tilespmem:$0x4900] =	vst v63  }
0x7e: {  	s12 =	rddreg [dreg:$0x16]  }
0x7f: {  	[tilespmem:s28], [sflag:$0x1] =	stream.indirect.gather [spmem:s3], $0x1, s12, s14, $0xb8;
	[tilespmem:$0x4900] =	vst v63  }
0x80: {  	s7 =	rddreg [dreg:$0x17]  }
0x81: {  	[tilespmem:s29], [sflag:$0x1] =	stream.indirect.gather [spmem:s3], $0x1, s7, s14, $0xb8;
	[tilespmem:$0x4900] =	vst v63  }
0x82: {  	s9 =	rddreg [dreg:$0x18]  }
0x83: {  	[tilespmem:s30], [sflag:$0x1] =	stream.indirect.gather [spmem:s3], $0x1, s9, s14, $0xb8;
	[tilespmem:$0x4900] =	vst v63  }
0x84: {  	s12 =	rddreg [dreg:$0x19]  }
0x85: {  	[tilespmem:s31], [sflag:$0x1] =	stream.indirect.gather [spmem:s3], $0x1, s12, s14, $0xb8;
	[tilespmem:$0x4900] =	vst v63  }
0x86: {  	s7 =	rddreg [dreg:$0x1a]  }
0x87: {  	[tilespmem:s1], [sflag:$0x1] =	stream.indirect.gather [spmem:s3], $0x1, s7, s14, $0xb8;
	[tilespmem:$0x4900] =	vst v63  }
0x88: {  	s9 =	rddreg [dreg:$0x1b]  }
0x89: {  	[tilespmem:s0], [sflag:$0x1] =	stream.indirect.gather [spmem:s3], $0x1, s9, s14, $0xb8;
	[tilespmem:$0x4900] =	vst v63  }
0x8a: {  	_ =	swait.ge [sflag:s5], $0x80  }
0x8b: {  	[sflag:s5] =	ssyncset.done $0x0  }
0x8c: {  	[sflag:s5] =	ssyncadd.s32 $0xFFFFFF80  }
0x8d: {  	_ =	swait.ge [sflag:s5], $0x80  }
0x8e: {  	[sflag:s5] =	ssyncset.done $0x0  }
0x8f: {  	[sflag:s5] =	ssyncadd.s32 $0xFFFFFF80  }
0x90: {  	_ =	swait.ge [sflag:s5], $0x80  }
0x91: {  	[sflag:s5] =	ssyncset.done $0x0  }
0x92: {  	[sflag:s5] =	ssyncadd.s32 $0xFFFFFF80  }
0x93: {  	_ =	swait.ge [sflag:s5], $0x80  }
0x94: {  	[sflag:s5] =	ssyncset.done $0x0  }
0x95: {  	[sflag:s5] =	ssyncadd.s32 $0xFFFFFF80  }
0x96: {  	_ =	swait.ge [sflag:s5], $0x80  }
0x97: {  	[sflag:s5] =	ssyncset.done $0x0  }
0x98: {  	[sflag:s5] =	ssyncadd.s32 $0xFFFFFF80  }
0x99: {  	_ =	swait.ge [sflag:s5], $0x80  }
0x9a: {  	[sflag:s5] =	ssyncset.done $0x0  }
0x9b: {  	[sflag:s5] =	ssyncadd.s32 $0xFFFFFF80  }
0x9c: {  	_ =	swait.ge [sflag:s5], $0x80  }
0x9d: {  	[sflag:s5] =	ssyncset.done $0x0  }
0x9e: {  	[sflag:s5] =	ssyncadd.s32 $0xFFFFFF80  }
0x9f: {  	_ =	swait.ge [sflag:s5], $0x80  }
0xa0: {  	[sflag:s5] =	ssyncset.done $0x0  }
0xa1: {  	[sflag:s5] =	ssyncadd.s32 $0xFFFFFF80  }
0xa2: {  	_ =	swait.ge [sflag:s23], $0x80  }
0xa3: {  	[sflag:s23] =	ssyncset.done $0x0  }
0xa4: {  	[sflag:s23] =	ssyncadd.s32 $0xFFFFFF80  }
0xa5: {  	_ =	swait.ge [sflag:s23], $0x80  }
0xa6: {  	[sflag:s23] =	ssyncset.done $0x0  }
0xa7: {  	[sflag:s23] =	ssyncadd.s32 $0xFFFFFF80  }
0xa8: {  	_ =	swait.ge [sflag:s23], $0x80  }
0xa9: {  	[sflag:s23] =	ssyncset.done $0x0  }
0xaa: {  	[sflag:s23] =	ssyncadd.s32 $0xFFFFFF80  }
0xab: {  	_ =	swait.ge [sflag:s23], $0x80  }
0xac: {  	[sflag:s23] =	ssyncset.done $0x0  }
0xad: {  	[sflag:s23] =	ssyncadd.s32 $0xFFFFFF80  }
0xae: {  	_ =	swait.ge [sflag:s23], $0x80  }
0xaf: {  	[sflag:s23] =	ssyncset.done $0x0  }
0xb0: {  	[sflag:s23] =	ssyncadd.s32 $0xFFFFFF80  }
0xb1: {  	_ =	swait.ge [sflag:s23], $0x80  }
0xb2: {  	[sflag:s23] =	ssyncset.done $0x0  }
0xb3: {  	[sflag:s23] =	ssyncadd.s32 $0xFFFFFF80  }
0xb4: {  	_ =	swait.ge [sflag:s23], $0x80  }
0xb5: {  	[sflag:s23] =	ssyncset.done $0x0  }
0xb6: {  	[sflag:s23] =	ssyncadd.s32 $0xFFFFFF80  }
0xb7: {  	_ =	swait.ge [sflag:s23], $0x80  }
0xb8: {  	s12 =	rddreg [dreg:$0x1c];
	[sflag:s23] =	ssyncset.done $0x0  }
0xb9: {  	s7 =	rddreg [dreg:$0x1d];
	[sflag:s23] =	ssyncadd.s32 $0xFFFFFF80  }
0xba: {  	[spmem:s2] =	stream.indirect.scatter.add.f32 [tilespmem:s25], [sflag:$0x2], $0x1, s12, s14, $0xb8;
	[tilespmem:$0x4900] =	vst v63  }
0xbb: {  	s9 =	rddreg [dreg:$0x1e]  }
0xbc: {  	[spmem:s2] =	stream.indirect.scatter.add.f32 [tilespmem:s26], [sflag:$0x2], $0x1, s7, s14, $0xb8;
	[tilespmem:$0x4900] =	vst v63  }
0xbd: {  	s12 =	rddreg [dreg:$0x1f]  }
0xbe: {  	[spmem:s2] =	stream.indirect.scatter.add.f32 [tilespmem:s28], [sflag:$0x2], $0x1, s9, s14, $0xb8;
	[tilespmem:$0x4900] =	vst v63  }
0xbf: {  	s7 =	sld [smem:$0x7FA]  }
0xc0: {  	[spmem:s2] =	stream.indirect.scatter.add.f32 [tilespmem:s29], [sflag:$0x2], $0x1, s12, s14, $0xb8;
	[tilespmem:$0x4900] =	vst v63  }
0xc1: {  	s9 =	sld [smem:$0x7FB]  }
0xc2: {  	[spmem:s2] =	stream.indirect.scatter.add.f32 [tilespmem:s30], [sflag:$0x2], $0x1, s7, s14, $0xb8;
	[tilespmem:$0x4900] =	vst v63  }
0xc3: {  	_ = 	snop  }
0xc4: {  	[spmem:s2] =	stream.indirect.scatter.add.f32 [tilespmem:s31], [sflag:$0x2], $0x1, s9, s14, $0xb8;
	[tilespmem:$0x4900] =	vst v63  }
0xc5: {  	s12 =	simm.s32 $0xF00  }
0xc6: {  	[spmem:s2] =	stream.indirect.scatter.add.f32 [tilespmem:s1], [sflag:$0x2], $0x1, s12, s14, $0xb8;
	[tilespmem:$0x4900] =	vst v63  }
0xc7: {  	_ = 	snop  }
0xc8: {  	[spmem:s2] =	stream.indirect.scatter.add.f32 [tilespmem:s0], [sflag:$0x2], $0x1, s8, s14, $0xb8;
	[tilespmem:$0x4900] =	vst v63  }
0xc9: {  	_ =	swait.ge [sflag:s5], $0x80  }
0xca: {  	[sflag:s5] =	ssyncset.done $0x0  }
0xcb: {  	[sflag:s5] =	ssyncadd.s32 $0xFFFFFF80  }
0xcc: {  	_ =	swait.ge [sflag:s5], $0x80  }
0xcd: {  	[sflag:s5] =	ssyncset.done $0x0  }
0xce: {  	[sflag:s5] =	ssyncadd.s32 $0xFFFFFF80  }
0xcf: {  	_ =	swait.ge [sflag:s5], $0x80  }
0xd0: {  	[sflag:s5] =	ssyncset.done $0x0  }
0xd1: {  	[sflag:s5] =	ssyncadd.s32 $0xFFFFFF80  }
0xd2: {  	_ =	swait.ge [sflag:s5], $0x80  }
0xd3: {  	[sflag:s5] =	ssyncset.done $0x0  }
0xd4: {  	[sflag:s5] =	ssyncadd.s32 $0xFFFFFF80  }
0xd5: {  	_ =	swait.ge [sflag:s5], $0x80  }
0xd6: {  	[sflag:s5] =	ssyncset.done $0x0  }
0xd7: {  	[sflag:s5] =	ssyncadd.s32 $0xFFFFFF80  }
0xd8: {  	_ =	swait.ge [sflag:s5], $0x80  }
0xd9: {  	[sflag:s5] =	ssyncset.done $0x0  }
0xda: {  	[sflag:s5] =	ssyncadd.s32 $0xFFFFFF80  }
0xdb: {  	_ =	swait.ge [sflag:s5], $0x80  }
0xdc: {  	[sflag:s5] =	ssyncset.done $0x0  }
0xdd: {  	[sflag:s5] =	ssyncadd.s32 $0xFFFFFF80  }
0xde: {  	s10 =	simm.s32 $0x200;
	_ =	swait.ge [sflag:s5], $0x80  }
0xdf: {  	s12 =	simm.s32 $0x100;
	s6 =	rddreg [dreg:$0x6];
	[sflag:s5] =	ssyncset.done $0x0  }
.LBB2_2:
0xe0: {  	[sflag:s5] =	ssyncadd.s32 $0xFFFFFF80;
	s7 =	rddreg [dreg:$0x5];
	s6 =	sadd.s32 s12, s6  }
0xe1: {  	[tilespmem:s13], [sflag:$0x3] =	stream.linear.gather [hbm4b:s6+s4], $0x800, $0x38;
	[tilespmem:$0x4900] =	vst v63  }
0xe2: {  	s7 =	sadd.s32 s12, s7  }
0xe3: {  	[tilespmem:s4], [sflag:$0x4] =	stream.linear.gather [hbm4b:s7+s4], $0x800, $0x38;
	[tilespmem:$0x4900] =	vst v63  }
0xe4: {  	_ =	swait.ge [sflag:s11], $0x800  }
0xe5: {  	[sflag:s11] =	ssyncset.done $0x0  }
0xe6: {  	[sflag:s11] =	ssyncadd.s32 $0xFFFFF800  }
0xe7: {  	[tilespmem:s15], [sflag:$0x1] =	stream.indirect.gather [spmem:s3], $0x1, s4, s14, $0xb8;
	[tilespmem:$0x4900] =	vst v63  }
0xe8: {  	_ = 	snop  }
0xe9: {  	[tilespmem:s16], [sflag:$0x1] =	stream.indirect.gather [spmem:s3], $0x1, s14, s14, $0xb8;
	[tilespmem:$0x4900] =	vst v63  }
0xea: {  	s9 =	smov.u32 s10;
	s7 =	rddreg [dreg:$0x7]  }
0xeb: {  	[tilespmem:s17], [sflag:$0x1] =	stream.indirect.gather [spmem:s3], $0x1, s7, s14, $0xb8;
	[tilespmem:$0x4900] =	vst v63  }
0xec: {  	s12 =	smov.u32 s9;
	s9 =	rddreg [dreg:$0x8]  }
0xed: {  	[tilespmem:s18], [sflag:$0x1] =	stream.indirect.gather [spmem:s3], $0x1, s9, s14, $0xb8;
	[tilespmem:$0x4900] =	vst v63  }
0xee: {  	s6 =	rddreg [dreg:$0x9]  }
0xef: {  	[tilespmem:s19], [sflag:$0x1] =	stream.indirect.gather [spmem:s3], $0x1, s6, s14, $0xb8;
	[tilespmem:$0x4900] =	vst v63  }
0xf0: {  	s9 =	rddreg [dreg:$0xa]  }
0xf1: {  	[tilespmem:s20], [sflag:$0x1] =	stream.indirect.gather [spmem:s3], $0x1, s9, s14, $0xb8;
	[tilespmem:$0x4900] =	vst v63  }
0xf2: {  	s6 =	rddreg [dreg:$0xb]  }
0xf3: {  	[tilespmem:s21], [sflag:$0x1] =	stream.indirect.gather [spmem:s3], $0x1, s6, s14, $0xb8;
	[tilespmem:$0x4900] =	vst v63  }
0xf4: {  	s9 =	rddreg [dreg:$0xc]  }
0xf5: {  	[tilespmem:s22], [sflag:$0x1] =	stream.indirect.gather [spmem:s3], $0x1, s9, s14, $0xb8;
	[tilespmem:$0x4900] =	vst v63  }
0xf6: {  	_ =	swait.ge [sflag:s23], $0x80  }
0xf7: {  	[sflag:s23] =	ssyncset.done $0x0  }
0xf8: {  	[sflag:s23] =	ssyncadd.s32 $0xFFFFFF80  }
0xf9: {  	_ =	swait.ge [sflag:s23], $0x80  }
0xfa: {  	[sflag:s23] =	ssyncset.done $0x0  }
0xfb: {  	[sflag:s23] =	ssyncadd.s32 $0xFFFFFF80  }
0xfc: {  	_ =	swait.ge [sflag:s23], $0x80  }
0xfd: {  	[sflag:s23] =	ssyncset.done $0x0  }
0xfe: {  	[sflag:s23] =	ssyncadd.s32 $0xFFFFFF80  }
0xff: {  	_ =	swait.ge [sflag:s23], $0x80  }
0x100: {  	[sflag:s23] =	ssyncset.done $0x0  }
0x101: {  	[sflag:s23] =	ssyncadd.s32 $0xFFFFFF80  }
0x102: {  	_ =	swait.ge [sflag:s23], $0x80  }
0x103: {  	[sflag:s23] =	ssyncset.done $0x0  }
0x104: {  	[sflag:s23] =	ssyncadd.s32 $0xFFFFFF80  }
0x105: {  	_ =	swait.ge [sflag:s23], $0x80  }
0x106: {  	[sflag:s23] =	ssyncset.done $0x0  }
0x107: {  	[sflag:s23] =	ssyncadd.s32 $0xFFFFFF80  }
0x108: {  	_ =	swait.ge [sflag:s23], $0x80  }
0x109: {  	[sflag:s23] =	ssyncset.done $0x0  }
0x10a: {  	[sflag:s23] =	ssyncadd.s32 $0xFFFFFF80  }
0x10b: {  	_ =	swait.ge [sflag:s23], $0x80  }
0x10c: {  	[sflag:s23] =	ssyncset.done $0x0  }
0x10d: {  	[sflag:s23] =	ssyncadd.s32 $0xFFFFFF80  }
0x10e: {  	_ =	swait.ge [sflag:s24], $0x800  }
0x10f: {  	[sflag:s24] =	ssyncset.done $0x0  }
0x110: {  	[sflag:s24] =	ssyncadd.s32 $0xFFFFF800  }
0x111: {  	[spmem:s2] =	stream.indirect.scatter.add.f32 [tilespmem:s15], [sflag:$0x2], $0x1, s13, s14, $0xb8;
	[tilespmem:$0x4900] =	vst v63  }
0x112: {  	s9 =	rddreg [dreg:$0xd]  }
0x113: {  	[spmem:s2] =	stream.indirect.scatter.add.f32 [tilespmem:s16], [sflag:$0x2], $0x1, s9, s14, $0xb8;
	[tilespmem:$0x4900] =	vst v63  }
0x114: {  	s7 =	rddreg [dreg:$0xe]  }
0x115: {  	[spmem:s2] =	stream.indirect.scatter.add.f32 [tilespmem:s17], [sflag:$0x2], $0x1, s7, s14, $0xb8;
	[tilespmem:$0x4900] =	vst v63  }
0x116: {  	s9 =	rddreg [dreg:$0xf]  }
0x117: {  	[spmem:s2] =	stream.indirect.scatter.add.f32 [tilespmem:s18], [sflag:$0x2], $0x1, s9, s14, $0xb8;
	[tilespmem:$0x4900] =	vst v63  }
0x118: {  	s7 =	rddreg [dreg:$0x10]  }
0x119: {  	[spmem:s2] =	stream.indirect.scatter.add.f32 [tilespmem:s19], [sflag:$0x2], $0x1, s7, s14, $0xb8;
	[tilespmem:$0x4900] =	vst v63  }
0x11a: {  	s9 =	rddreg [dreg:$0x11]  }
0x11b: {  	[spmem:s2] =	stream.indirect.scatter.add.f32 [tilespmem:s20], [sflag:$0x2], $0x1, s9, s14, $0xb8;
	[tilespmem:$0x4900] =	vst v63  }
0x11c: {  	s7 =	rddreg [dreg:$0x12]  }
0x11d: {  	[spmem:s2] =	stream.indirect.scatter.add.f32 [tilespmem:s21], [sflag:$0x2], $0x1, s7, s14, $0xb8;
	[tilespmem:$0x4900] =	vst v63  }
0x11e: {  	s9 =	rddreg [dreg:$0x13]  }
0x11f: {  	[spmem:s2] =	stream.indirect.scatter.add.f32 [tilespmem:s22], [sflag:$0x2], $0x1, s9, s14, $0xb8;
	[tilespmem:$0x4900] =	vst v63  }
0x120: {  	s7 =	rddreg [dreg:$0x14]  }
0x121: {  	[tilespmem:s25], [sflag:$0x1] =	stream.indirect.gather [spmem:s3], $0x1, s7, s14, $0xb8;
	[tilespmem:$0x4900] =	vst v63  }
0x122: {  	s9 =	rddreg [dreg:$0x15]  }
0x123: {  	[tilespmem:s26], [sflag:$0x1] =	stream.indirect.gather [spmem:s3], $0x1, s9, s14, $0xb8;
	[tilespmem:$0x4900] =	vst v63  }
0x124: {  	s7 =	rddreg [dreg:$0x16]  }
0x125: {  	[tilespmem:s28], [sflag:$0x1] =	stream.indirect.gather [spmem:s3], $0x1, s7, s14, $0xb8;
	[tilespmem:$0x4900] =	vst v63  }
0x126: {  	s9 =	rddreg [dreg:$0x17]  }
0x127: {  	[tilespmem:s29], [sflag:$0x1] =	stream.indirect.gather [spmem:s3], $0x1, s9, s14, $0xb8;
	[tilespmem:$0x4900] =	vst v63  }
0x128: {  	s7 =	rddreg [dreg:$0x18]  }
0x129: {  	[tilespmem:s30], [sflag:$0x1] =	stream.indirect.gather [spmem:s3], $0x1, s7, s14, $0xb8;
	[tilespmem:$0x4900] =	vst v63  }
0x12a: {  	s9 =	rddreg [dreg:$0x19]  }
0x12b: {  	[tilespmem:s31], [sflag:$0x1] =	stream.indirect.gather [spmem:s3], $0x1, s9, s14, $0xb8;
	[tilespmem:$0x4900] =	vst v63  }
0x12c: {  	s7 =	rddreg [dreg:$0x1a]  }
0x12d: {  	[tilespmem:s1], [sflag:$0x1] =	stream.indirect.gather [spmem:s3], $0x1, s7, s14, $0xb8;
	[tilespmem:$0x4900] =	vst v63  }
0x12e: {  	s9 =	rddreg [dreg:$0x1b]  }
0x12f: {  	[tilespmem:s0], [sflag:$0x1] =	stream.indirect.gather [spmem:s3], $0x1, s9, s14, $0xb8;
	[tilespmem:$0x4900] =	vst v63  }
0x130: {  	_ =	swait.ge [sflag:s5], $0x80  }
0x131: {  	[sflag:s5] =	ssyncset.done $0x0  }
0x132: {  	[sflag:s5] =	ssyncadd.s32 $0xFFFFFF80  }
0x133: {  	_ =	swait.ge [sflag:s5], $0x80  }
0x134: {  	[sflag:s5] =	ssyncset.done $0x0  }
0x135: {  	[sflag:s5] =	ssyncadd.s32 $0xFFFFFF80  }
0x136: {  	_ =	swait.ge [sflag:s5], $0x80  }
0x137: {  	[sflag:s5] =	ssyncset.done $0x0  }
0x138: {  	[sflag:s5] =	ssyncadd.s32 $0xFFFFFF80  }
0x139: {  	_ =	swait.ge [sflag:s5], $0x80  }
0x13a: {  	[sflag:s5] =	ssyncset.done $0x0  }
0x13b: {  	[sflag:s5] =	ssyncadd.s32 $0xFFFFFF80  }
0x13c: {  	_ =	swait.ge [sflag:s5], $0x80  }
0x13d: {  	[sflag:s5] =	ssyncset.done $0x0  }
0x13e: {  	[sflag:s5] =	ssyncadd.s32 $0xFFFFFF80  }
0x13f: {  	_ =	swait.ge [sflag:s5], $0x80  }
0x140: {  	[sflag:s5] =	ssyncset.done $0x0  }
0x141: {  	[sflag:s5] =	ssyncadd.s32 $0xFFFFFF80  }
0x142: {  	_ =	swait.ge [sflag:s5], $0x80  }
0x143: {  	[sflag:s5] =	ssyncset.done $0x0  }
0x144: {  	[sflag:s5] =	ssyncadd.s32 $0xFFFFFF80  }
0x145: {  	_ =	swait.ge [sflag:s5], $0x80  }
0x146: {  	[sflag:s5] =	ssyncset.done $0x0  }
0x147: {  	[sflag:s5] =	ssyncadd.s32 $0xFFFFFF80  }
0x148: {  	_ =	swait.ge [sflag:s23], $0x80  }
0x149: {  	[sflag:s23] =	ssyncset.done $0x0  }
0x14a: {  	[sflag:s23] =	ssyncadd.s32 $0xFFFFFF80  }
0x14b: {  	_ =	swait.ge [sflag:s23], $0x80  }
0x14c: {  	[sflag:s23] =	ssyncset.done $0x0  }
0x14d: {  	[sflag:s23] =	ssyncadd.s32 $0xFFFFFF80  }
0x14e: {  	_ =	swait.ge [sflag:s23], $0x80  }
0x14f: {  	[sflag:s23] =	ssyncset.done $0x0  }
0x150: {  	[sflag:s23] =	ssyncadd.s32 $0xFFFFFF80  }
0x151: {  	_ =	swait.ge [sflag:s23], $0x80  }
0x152: {  	[sflag:s23] =	ssyncset.done $0x0  }
0x153: {  	[sflag:s23] =	ssyncadd.s32 $0xFFFFFF80  }
0x154: {  	_ =	swait.ge [sflag:s23], $0x80  }
0x155: {  	[sflag:s23] =	ssyncset.done $0x0  }
0x156: {  	[sflag:s23] =	ssyncadd.s32 $0xFFFFFF80  }
0x157: {  	_ =	swait.ge [sflag:s23], $0x80  }
0x158: {  	[sflag:s23] =	ssyncset.done $0x0  }
0x159: {  	[sflag:s23] =	ssyncadd.s32 $0xFFFFFF80  }
0x15a: {  	_ =	swait.ge [sflag:s23], $0x80  }
0x15b: {  	[sflag:s23] =	ssyncset.done $0x0  }
0x15c: {  	[sflag:s23] =	ssyncadd.s32 $0xFFFFFF80  }
0x15d: {  	_ =	swait.ge [sflag:s23], $0x80  }
0x15e: {  	s7 =	rddreg [dreg:$0x1c];
	[sflag:s23] =	ssyncset.done $0x0  }
0x15f: {  	s9 =	rddreg [dreg:$0x1d];
	[sflag:s23] =	ssyncadd.s32 $0xFFFFFF80  }
0x160: {  	[spmem:s2] =	stream.indirect.scatter.add.f32 [tilespmem:s25], [sflag:$0x2], $0x1, s7, s14, $0xb8;
	[tilespmem:$0x4900] =	vst v63  }
0x161: {  	s6 =	rddreg [dreg:$0x1e]  }
0x162: {  	[spmem:s2] =	stream.indirect.scatter.add.f32 [tilespmem:s26], [sflag:$0x2], $0x1, s9, s14, $0xb8;
	[tilespmem:$0x4900] =	vst v63  }
0x163: {  	s9 =	rddreg [dreg:$0x1f]  }
0x164: {  	[spmem:s2] =	stream.indirect.scatter.add.f32 [tilespmem:s28], [sflag:$0x2], $0x1, s6, s14, $0xb8;
	[tilespmem:$0x4900] =	vst v63  }
0x165: {  	s6 =	sld [smem:$0x7FA]  }
0x166: {  	[spmem:s2] =	stream.indirect.scatter.add.f32 [tilespmem:s29], [sflag:$0x2], $0x1, s9, s14, $0xb8;
	[tilespmem:$0x4900] =	vst v63  }
0x167: {  	s9 =	sld [smem:$0x7FB]  }
0x168: {  	[spmem:s2] =	stream.indirect.scatter.add.f32 [tilespmem:s30], [sflag:$0x2], $0x1, s6, s14, $0xb8;
	[tilespmem:$0x4900] =	vst v63  }
0x169: {  	_ = 	snop  }
0x16a: {  	[spmem:s2] =	stream.indirect.scatter.add.f32 [tilespmem:s31], [sflag:$0x2], $0x1, s9, s14, $0xb8;
	[tilespmem:$0x4900] =	vst v63  }
0x16b: {  	s9 =	simm.s32 $0xF00  }
0x16c: {  	[spmem:s2] =	stream.indirect.scatter.add.f32 [tilespmem:s1], [sflag:$0x2], $0x1, s9, s14, $0xb8;
	[tilespmem:$0x4900] =	vst v63  }
0x16d: {  	_ = 	snop  }
0x16e: {  	[spmem:s2] =	stream.indirect.scatter.add.f32 [tilespmem:s0], [sflag:$0x2], $0x1, s8, s14, $0xb8;
	[tilespmem:$0x4900] =	vst v63  }
0x16f: {  	_ =	swait.ge [sflag:s5], $0x80  }
0x170: {  	[sflag:s5] =	ssyncset.done $0x0  }
0x171: {  	[sflag:s5] =	ssyncadd.s32 $0xFFFFFF80  }
0x172: {  	_ =	swait.ge [sflag:s5], $0x80  }
0x173: {  	[sflag:s5] =	ssyncset.done $0x0  }
0x174: {  	[sflag:s5] =	ssyncadd.s32 $0xFFFFFF80  }
0x175: {  	_ =	swait.ge [sflag:s5], $0x80  }
0x176: {  	[sflag:s5] =	ssyncset.done $0x0  }
0x177: {  	[sflag:s5] =	ssyncadd.s32 $0xFFFFFF80  }
0x178: {  	_ =	swait.ge [sflag:s5], $0x80  }
0x179: {  	[sflag:s5] =	ssyncset.done $0x0  }
0x17a: {  	[sflag:s5] =	ssyncadd.s32 $0xFFFFFF80  }
0x17b: {  	_ =	swait.ge [sflag:s5], $0x80  }
0x17c: {  	[sflag:s5] =	ssyncset.done $0x0  }
0x17d: {  	[sflag:s5] =	ssyncadd.s32 $0xFFFFFF80  }
0x17e: {  	_ =	swait.ge [sflag:s5], $0x80  }
0x17f: {  	[sflag:s5] =	ssyncset.done $0x0  }
0x180: {  	p0 =	sne.s32 s10, $0x3000;
	[sflag:s5] =	ssyncadd.s32 $0xFFFFFF80  }
.Ltmp0:
0x181: {  	_ =	swait.ge [sflag:s5], $0x80;
	(pc) =	sbr.rel @p0 .LBB2_2-.Ltmp0, $4  }
0x182: {  	[sflag:s5] =	ssyncset.done $0x0  }
0x183: {  	[sflag:s5] =	ssyncadd.s32 $0xFFFFFF80  }
0x184: {  	_ =	swait.ge [sflag:s5], $0x80  }
0x185: {  	s10 =	sadd.s32 $0x100, s10;
	s6 =	rddreg [dreg:$0x6];
	[sflag:s5] =	ssyncset.done $0x0  }
0x186: {  	s7 =	rddreg [dreg:$0x5];
	[sflag:s5] =	ssyncadd.s32 $0xFFFFFF80;
	s6 =	sadd.s32 s12, s6  }
0x187: {  	[tilespmem:s13], [sflag:$0x3] =	stream.linear.gather [hbm4b:s6+s4], $0x800, $0x38;
	[tilespmem:$0x4900] =	vst v63  }
0x188: {  	s7 =	sadd.s32 s12, s7  }
0x189: {  	[tilespmem:s4], [sflag:$0x4] =	stream.linear.gather [hbm4b:s7+s4], $0x800, $0x38;
	[tilespmem:$0x4900] =	vst v63  }
0x18a: {  	_ =	swait.ge [sflag:s11], $0x800  }
0x18b: {  	[sflag:s11] =	ssyncset.done $0x0  }
0x18c: {  	[sflag:s11] =	ssyncadd.s32 $0xFFFFF800  }
0x18d: {  	[tilespmem:s15], [sflag:$0x1] =	stream.indirect.gather [spmem:s3], $0x1, s4, s14, $0xb8;
	[tilespmem:$0x4900] =	vst v63  }
0x18e: {  	_ = 	snop  }
0x18f: {  	[tilespmem:s16], [sflag:$0x1] =	stream.indirect.gather [spmem:s3], $0x1, s14, s14, $0xb8;
	[tilespmem:$0x4900] =	vst v63  }
0x190: {  	s9 =	rddreg [dreg:$0x7]  }
0x191: {  	[tilespmem:s17], [sflag:$0x1] =	stream.indirect.gather [spmem:s3], $0x1, s9, s14, $0xb8;
	[tilespmem:$0x4900] =	vst v63  }
0x192: {  	s10 =	rddreg [dreg:$0x8]  }
0x193: {  	[tilespmem:s18], [sflag:$0x1] =	stream.indirect.gather [spmem:s3], $0x1, s10, s14, $0xb8;
	[tilespmem:$0x4900] =	vst v63  }
0x194: {  	s12 =	rddreg [dreg:$0x9]  }
0x195: {  	[tilespmem:s19], [sflag:$0x1] =	stream.indirect.gather [spmem:s3], $0x1, s12, s14, $0xb8;
	[tilespmem:$0x4900] =	vst v63  }
0x196: {  	s9 =	rddreg [dreg:$0xa]  }
0x197: {  	[tilespmem:s20], [sflag:$0x1] =	stream.indirect.gather [spmem:s3], $0x1, s9, s14, $0xb8;
	[tilespmem:$0x4900] =	vst v63  }
0x198: {  	s10 =	rddreg [dreg:$0xb]  }
0x199: {  	[tilespmem:s21], [sflag:$0x1] =	stream.indirect.gather [spmem:s3], $0x1, s10, s14, $0xb8;
	[tilespmem:$0x4900] =	vst v63  }
0x19a: {  	s12 =	rddreg [dreg:$0xc]  }
0x19b: {  	[tilespmem:s22], [sflag:$0x1] =	stream.indirect.gather [spmem:s3], $0x1, s12, s14, $0xb8;
	[tilespmem:$0x4900] =	vst v63  }
0x19c: {  	_ =	swait.ge [sflag:s23], $0x80  }
0x19d: {  	[sflag:s23] =	ssyncset.done $0x0  }
0x19e: {  	[sflag:s23] =	ssyncadd.s32 $0xFFFFFF80  }
0x19f: {  	_ =	swait.ge [sflag:s23], $0x80  }
0x1a0: {  	[sflag:s23] =	ssyncset.done $0x0  }
0x1a1: {  	[sflag:s23] =	ssyncadd.s32 $0xFFFFFF80  }
0x1a2: {  	_ =	swait.ge [sflag:s23], $0x80  }
0x1a3: {  	[sflag:s23] =	ssyncset.done $0x0  }
0x1a4: {  	[sflag:s23] =	ssyncadd.s32 $0xFFFFFF80  }
0x1a5: {  	_ =	swait.ge [sflag:s23], $0x80  }
0x1a6: {  	[sflag:s23] =	ssyncset.done $0x0  }
0x1a7: {  	[sflag:s23] =	ssyncadd.s32 $0xFFFFFF80  }
0x1a8: {  	_ =	swait.ge [sflag:s23], $0x80  }
0x1a9: {  	[sflag:s23] =	ssyncset.done $0x0  }
0x1aa: {  	[sflag:s23] =	ssyncadd.s32 $0xFFFFFF80  }
0x1ab: {  	_ =	swait.ge [sflag:s23], $0x80  }
0x1ac: {  	[sflag:s23] =	ssyncset.done $0x0  }
0x1ad: {  	[sflag:s23] =	ssyncadd.s32 $0xFFFFFF80  }
0x1ae: {  	_ =	swait.ge [sflag:s23], $0x80  }
0x1af: {  	[sflag:s23] =	ssyncset.done $0x0  }
0x1b0: {  	[sflag:s23] =	ssyncadd.s32 $0xFFFFFF80  }
0x1b1: {  	_ =	swait.ge [sflag:s23], $0x80  }
0x1b2: {  	[sflag:s23] =	ssyncset.done $0x0  }
0x1b3: {  	[sflag:s23] =	ssyncadd.s32 $0xFFFFFF80  }
0x1b4: {  	_ =	swait.ge [sflag:s24], $0x800  }
0x1b5: {  	[sflag:s24] =	ssyncset.done $0x0  }
0x1b6: {  	[sflag:s24] =	ssyncadd.s32 $0xFFFFF800  }
0x1b7: {  	[spmem:s2] =	stream.indirect.scatter.add.f32 [tilespmem:s15], [sflag:$0x2], $0x1, s13, s14, $0xb8;
	[tilespmem:$0x4900] =	vst v63  }
0x1b8: {  	s9 =	rddreg [dreg:$0xd]  }
0x1b9: {  	[spmem:s2] =	stream.indirect.scatter.add.f32 [tilespmem:s16], [sflag:$0x2], $0x1, s9, s14, $0xb8;
	[tilespmem:$0x4900] =	vst v63  }
0x1ba: {  	s10 =	rddreg [dreg:$0xe]  }
0x1bb: {  	[spmem:s2] =	stream.indirect.scatter.add.f32 [tilespmem:s17], [sflag:$0x2], $0x1, s10, s14, $0xb8;
	[tilespmem:$0x4900] =	vst v63  }
0x1bc: {  	s12 =	rddreg [dreg:$0xf]  }
0x1bd: {  	[spmem:s2] =	stream.indirect.scatter.add.f32 [tilespmem:s18], [sflag:$0x2], $0x1, s12, s14, $0xb8;
	[tilespmem:$0x4900] =	vst v63  }
0x1be: {  	s9 =	rddreg [dreg:$0x10]  }
0x1bf: {  	[spmem:s2] =	stream.indirect.scatter.add.f32 [tilespmem:s19], [sflag:$0x2], $0x1, s9, s14, $0xb8;
	[tilespmem:$0x4900] =	vst v63  }
0x1c0: {  	s10 =	rddreg [dreg:$0x11]  }
0x1c1: {  	[spmem:s2] =	stream.indirect.scatter.add.f32 [tilespmem:s20], [sflag:$0x2], $0x1, s10, s14, $0xb8;
	[tilespmem:$0x4900] =	vst v63  }
0x1c2: {  	s12 =	rddreg [dreg:$0x12]  }
0x1c3: {  	[spmem:s2] =	stream.indirect.scatter.add.f32 [tilespmem:s21], [sflag:$0x2], $0x1, s12, s14, $0xb8;
	[tilespmem:$0x4900] =	vst v63  }
0x1c4: {  	s9 =	rddreg [dreg:$0x13]  }
0x1c5: {  	[spmem:s2] =	stream.indirect.scatter.add.f32 [tilespmem:s22], [sflag:$0x2], $0x1, s9, s14, $0xb8;
	[tilespmem:$0x4900] =	vst v63  }
0x1c6: {  	s10 =	rddreg [dreg:$0x14]  }
0x1c7: {  	[tilespmem:s25], [sflag:$0x1] =	stream.indirect.gather [spmem:s3], $0x1, s10, s14, $0xb8;
	[tilespmem:$0x4900] =	vst v63  }
0x1c8: {  	s12 =	rddreg [dreg:$0x15]  }
0x1c9: {  	[tilespmem:s26], [sflag:$0x1] =	stream.indirect.gather [spmem:s3], $0x1, s12, s14, $0xb8;
	[tilespmem:$0x4900] =	vst v63  }
0x1ca: {  	s9 =	rddreg [dreg:$0x16]  }
0x1cb: {  	[tilespmem:s28], [sflag:$0x1] =	stream.indirect.gather [spmem:s3], $0x1, s9, s14, $0xb8;
	[tilespmem:$0x4900] =	vst v63  }
0x1cc: {  	s10 =	rddreg [dreg:$0x17]  }
0x1cd: {  	[tilespmem:s29], [sflag:$0x1] =	stream.indirect.gather [spmem:s3], $0x1, s10, s14, $0xb8;
	[tilespmem:$0x4900] =	vst v63  }
0x1ce: {  	s12 =	rddreg [dreg:$0x18]  }
0x1cf: {  	[tilespmem:s30], [sflag:$0x1] =	stream.indirect.gather [spmem:s3], $0x1, s12, s14, $0xb8;
	[tilespmem:$0x4900] =	vst v63  }
0x1d0: {  	s9 =	rddreg [dreg:$0x19]  }
0x1d1: {  	[tilespmem:s31], [sflag:$0x1] =	stream.indirect.gather [spmem:s3], $0x1, s9, s14, $0xb8;
	[tilespmem:$0x4900] =	vst v63  }
0x1d2: {  	s10 =	rddreg [dreg:$0x1a]  }
0x1d3: {  	[tilespmem:s1], [sflag:$0x1] =	stream.indirect.gather [spmem:s3], $0x1, s10, s14, $0xb8;
	[tilespmem:$0x4900] =	vst v63  }
0x1d4: {  	s12 =	rddreg [dreg:$0x1b]  }
0x1d5: {  	[tilespmem:s0], [sflag:$0x1] =	stream.indirect.gather [spmem:s3], $0x1, s12, s14, $0xb8;
	[tilespmem:$0x4900] =	vst v63  }
0x1d6: {  	_ =	swait.ge [sflag:s5], $0x80  }
0x1d7: {  	[sflag:s5] =	ssyncset.done $0x0  }
0x1d8: {  	[sflag:s5] =	ssyncadd.s32 $0xFFFFFF80  }
0x1d9: {  	_ =	swait.ge [sflag:s5], $0x80  }
0x1da: {  	[sflag:s5] =	ssyncset.done $0x0  }
0x1db: {  	[sflag:s5] =	ssyncadd.s32 $0xFFFFFF80  }
0x1dc: {  	_ =	swait.ge [sflag:s5], $0x80  }
0x1dd: {  	[sflag:s5] =	ssyncset.done $0x0  }
0x1de: {  	[sflag:s5] =	ssyncadd.s32 $0xFFFFFF80  }
0x1df: {  	_ =	swait.ge [sflag:s5], $0x80  }
0x1e0: {  	[sflag:s5] =	ssyncset.done $0x0  }
0x1e1: {  	[sflag:s5] =	ssyncadd.s32 $0xFFFFFF80  }
0x1e2: {  	_ =	swait.ge [sflag:s5], $0x80  }
0x1e3: {  	[sflag:s5] =	ssyncset.done $0x0  }
0x1e4: {  	[sflag:s5] =	ssyncadd.s32 $0xFFFFFF80  }
0x1e5: {  	_ =	swait.ge [sflag:s5], $0x80  }
0x1e6: {  	[sflag:s5] =	ssyncset.done $0x0  }
0x1e7: {  	[sflag:s5] =	ssyncadd.s32 $0xFFFFFF80  }
0x1e8: {  	_ =	swait.ge [sflag:s5], $0x80  }
0x1e9: {  	[sflag:s5] =	ssyncset.done $0x0  }
0x1ea: {  	[sflag:s5] =	ssyncadd.s32 $0xFFFFFF80  }
0x1eb: {  	_ =	swait.ge [sflag:s5], $0x80  }
0x1ec: {  	[sflag:s5] =	ssyncset.done $0x0  }
0x1ed: {  	[sflag:s5] =	ssyncadd.s32 $0xFFFFFF80  }
0x1ee: {  	_ =	swait.ge [sflag:s23], $0x80  }
0x1ef: {  	[sflag:s23] =	ssyncset.done $0x0  }
0x1f0: {  	[sflag:s23] =	ssyncadd.s32 $0xFFFFFF80  }
0x1f1: {  	_ =	swait.ge [sflag:s23], $0x80  }
0x1f2: {  	[sflag:s23] =	ssyncset.done $0x0  }
0x1f3: {  	[sflag:s23] =	ssyncadd.s32 $0xFFFFFF80  }
0x1f4: {  	_ =	swait.ge [sflag:s23], $0x80  }
0x1f5: {  	[sflag:s23] =	ssyncset.done $0x0  }
0x1f6: {  	[sflag:s23] =	ssyncadd.s32 $0xFFFFFF80  }
0x1f7: {  	_ =	swait.ge [sflag:s23], $0x80  }
0x1f8: {  	[sflag:s23] =	ssyncset.done $0x0  }
0x1f9: {  	[sflag:s23] =	ssyncadd.s32 $0xFFFFFF80  }
0x1fa: {  	_ =	swait.ge [sflag:s23], $0x80  }
0x1fb: {  	[sflag:s23] =	ssyncset.done $0x0  }
0x1fc: {  	[sflag:s23] =	ssyncadd.s32 $0xFFFFFF80  }
0x1fd: {  	_ =	swait.ge [sflag:s23], $0x80  }
0x1fe: {  	[sflag:s23] =	ssyncset.done $0x0  }
0x1ff: {  	[sflag:s23] =	ssyncadd.s32 $0xFFFFFF80  }
0x200: {  	_ =	swait.ge [sflag:s23], $0x80  }
0x201: {  	[sflag:s23] =	ssyncset.done $0x0  }
0x202: {  	[sflag:s23] =	ssyncadd.s32 $0xFFFFFF80  }
0x203: {  	_ =	swait.ge [sflag:s23], $0x80  }
0x204: {  	s7 =	rddreg [dreg:$0x1c];
	[sflag:s23] =	ssyncset.done $0x0  }
0x205: {  	s9 =	rddreg [dreg:$0x1d];
	[sflag:s23] =	ssyncadd.s32 $0xFFFFFF80  }
0x206: {  	[spmem:s2] =	stream.indirect.scatter.add.f32 [tilespmem:s25], [sflag:$0x2], $0x1, s7, s14, $0xb8;
	[tilespmem:$0x4900] =	vst v63  }
0x207: {  	s10 =	rddreg [dreg:$0x1e]  }
0x208: {  	[spmem:s2] =	stream.indirect.scatter.add.f32 [tilespmem:s26], [sflag:$0x2], $0x1, s9, s14, $0xb8;
	[tilespmem:$0x4900] =	vst v63  }
0x209: {  	s12 =	rddreg [dreg:$0x1f]  }
0x20a: {  	[spmem:s2] =	stream.indirect.scatter.add.f32 [tilespmem:s28], [sflag:$0x2], $0x1, s10, s14, $0xb8;
	[tilespmem:$0x4900] =	vst v63  }
0x20b: {  	s9 =	sld [smem:$0x7FA]  }
0x20c: {  	[spmem:s2] =	stream.indirect.scatter.add.f32 [tilespmem:s29], [sflag:$0x2], $0x1, s12, s14, $0xb8;
	[tilespmem:$0x4900] =	vst v63  }
0x20d: {  	s10 =	sld [smem:$0x7FB]  }
0x20e: {  	[spmem:s2] =	stream.indirect.scatter.add.f32 [tilespmem:s30], [sflag:$0x2], $0x1, s9, s14, $0xb8;
	[tilespmem:$0x4900] =	vst v63  }
0x20f: {  	_ = 	snop  }
0x210: {  	[spmem:s2] =	stream.indirect.scatter.add.f32 [tilespmem:s31], [sflag:$0x2], $0x1, s10, s14, $0xb8;
	[tilespmem:$0x4900] =	vst v63  }
0x211: {  	s12 =	simm.s32 $0xF00  }
0x212: {  	[spmem:s2] =	stream.indirect.scatter.add.f32 [tilespmem:s1], [sflag:$0x2], $0x1, s12, s14, $0xb8;
	[tilespmem:$0x4900] =	vst v63  }
0x213: {  	_ = 	snop  }
0x214: {  	[spmem:s2] =	stream.indirect.scatter.add.f32 [tilespmem:s0], [sflag:$0x2], $0x1, s8, s14, $0xb8;
	[tilespmem:$0x4900] =	vst v63  }
0x215: {  	_ =	swait.ge [sflag:s5], $0x80  }
0x216: {  	[sflag:s5] =	ssyncset.done $0x0  }
0x217: {  	[sflag:s5] =	ssyncadd.s32 $0xFFFFFF80  }
0x218: {  	_ =	swait.ge [sflag:s5], $0x80  }
0x219: {  	[sflag:s5] =	ssyncset.done $0x0  }
0x21a: {  	[sflag:s5] =	ssyncadd.s32 $0xFFFFFF80  }
0x21b: {  	_ =	swait.ge [sflag:s5], $0x80  }
0x21c: {  	[sflag:s5] =	ssyncset.done $0x0  }
0x21d: {  	[sflag:s5] =	ssyncadd.s32 $0xFFFFFF80  }
0x21e: {  	_ =	swait.ge [sflag:s5], $0x80  }
0x21f: {  	[sflag:s5] =	ssyncset.done $0x0  }
0x220: {  	[sflag:s5] =	ssyncadd.s32 $0xFFFFFF80  }
0x221: {  	_ =	swait.ge [sflag:s5], $0x80  }
0x222: {  	[sflag:s5] =	ssyncset.done $0x0  }
0x223: {  	[sflag:s5] =	ssyncadd.s32 $0xFFFFFF80  }
0x224: {  	_ =	swait.ge [sflag:s5], $0x80  }
0x225: {  	[sflag:s5] =	ssyncset.done $0x0  }
0x226: {  	[sflag:s5] =	ssyncadd.s32 $0xFFFFFF80  }
0x227: {  	_ =	swait.ge [sflag:s5], $0x80  }
0x228: {  	[sflag:s5] =	ssyncset.done $0x0  }
0x229: {  	[sflag:s5] =	ssyncadd.s32 $0xFFFFFF80  }
0x22a: {  	_ =	swait.ge [sflag:s5], $0x80  }
0x22b: {  	[sflag:s5] =	ssyncset.done $0x0  }
0x22c: {  	[sflag:s5] =	ssyncadd.s32 $0xFFFFFF80  }
0x22d: {  	[bflag:$0x0] =	sbarrier.arrive $0xFFFF  }
0x22e: {  	s10 =	sld [smem:$0x7FC]  }
0x22f: {  	s6 =	sld [smem:$0x7F7]  }
0x230: {  	s7 =	sld [smem:$0x7FD];
	_ =	sdelay $0x1  }
0x231: {  	s9 =	simm.s32 $0x20;
	s12 =	simm.s32 $0x10  }
0x232: {  	[hbm:s6@s9], [sflag:s10] =	dma.strided [spmem:s7@s12], $0x310, s23, $0x10   }
0x233: {  	_ =	swait.ge [sflag:s11], $0x310  }
0x234: {  	s6 =	sld [smem:$0x7F4]  }
0x235: {  	s12 =	sld [smem:$0x7F8];
	_ =	sdelay $0x1  }
0x236: {  	s9 =	sadd.s32 $0x1, s6  }
0x237: {  	p0 =	sne.s32 s9, s12  }
.Ltmp1:
0x238: {  	_ = 	snop;
	(pc) =	sbr.rel @p0 .LBB2_1-.Ltmp1, $3  }
0x239: {  	_ =	sdelay $0x1  }
0x23a: {  	[sflag:s11] =	ssyncset.done $0x0  }
0x23b: {  	[sflag:s11] =	ssyncadd.s32 $0xFFFFFCF0  }
0x23c: {  	_ =	sfence.sel $0x180000  }
0x23d: {  	[bflag:$0x0] =	sbarrier.arrive $0xFFFF  }
0x23e: {  	_ =	strace $0x9000004A  }
0x23f: {  	s0 =	stileid.u32;
	[bflag:$0x2] =	sbarrier.arrive $0xFFFF  }
0x240: {  	p0 =	sne.s32 s0, $0x0;
	s0 =	rddreg [dreg:$0x4]  }
0x241: {  	s0 =	sadd.s32 @!p0 $0x100000, s0  }
0x242: {  	[sflag:s0] =	ssyncadd.tile.s32 @!p0 $0x1;
	_ =	shalt  }
.Lfunc_end2:
_tile_overlayer_lowered:
.L_overlay_start_2:
0x243: {  	(tag) =	ssettag $0x2  }
0x244: {  	s0 =	rddreg [dreg:$0x0];
	s2 =	stileid.u32  }
0x245: {  	s1 =	rddreg [dreg:$0x1];
	p0 =	sne.s32 s2, $0x0  }
0x246: {  	s3 =	rddreg [dreg:$0x2];
	[bflag:$0x3] =	sbarrier.arrive $0xFFFF;
	s2 =	simm.s32 @!p0 $0x1C04  }
0x247: {  	[timem:s3], [sflag:s2] =	dma.local @!p0 [hbm:s0], s1  }
0x248: {  	s0 =	simm.s32 @!p0 $0x4  }
0x249: {  	_ =	swait.ge @!p0 [sflag:s0], s1  }
0x24a: {  	s1 =	ssub.s32 @!p0 $0x0, s1;
	[sflag:s0] =	ssyncset.done @!p0 $0x0  }
0x24b: {  	[sflag:s0] =	ssyncadd.s32 @!p0 s1  }
0x24c: {  	[bflag:$0x3] =	sbarrier.arrive $0xFFFF  }
0x24d: {  	_ =	shalt  }

// kernel: kernel.14.cloned.1.call-start
scs
__scs_entry_jumppad:
0x0: {  	(pc) =	sbr.rel $0x88, $3  }
0x1: {  	(tag) =	ssettag $0x0;
	lr =	simm.s32 $0x1  }
0x2: {  	[smem:$0x3F9C] =	sst lr;
	_ =	strace $0xD0000000  }
0x3: {  	_ = 	snop  }
0x4: {  	_ = 	snop  }
0x5: {  	_ = 	snop  }
0x6: {  	_ = 	snop  }
0x7: {  	_ = 	snop  }
__scs_overlays_trampoline_lowered:
0x8: {  	[smem:$0x3FAB] =	sst s0  }
0x9: {  	[smem:$0x3FAC] =	sst s1  }
0xa: {  	[smem:$0x3FAD] =	sst s2  }
0xb: {  	[smem:$0x3FAE] =	sst s3  }
0xc: {  	[smem:$0x3FAF] =	sst s4  }
0xd: {  	[smem:$0x3FB0] =	sst s5  }
0xe: {  	[smem:$0x3FB1] =	sst s6  }
0xf: {  	[smem:$0x3FB2] =	sst s7  }
0x10: {  	[smem:$0x3FB3] =	sst s8  }
0x11: {  	[smem:$0x3FB4] =	sst s9;
	s0 =	simm.s32 @!p0 $0x0  }
0x12: {  	s1 =	sld [smem:$0x3F9A];
	s0 =	simm.s32 @p0 $0x1  }
0x13: {  	[smem:$0x3FB5] =	sst s0;
	s0 =	simm.s32 @!p1 $0x0  }
0x14: {  	s2 =	sld [smem:$0x3F99];
	s0 =	simm.s32 @p1 $0x1  }
0x15: {  	[smem:$0x3FB6] =	sst s0;
	s0 =	simm.s32 @!p2 $0x0  }
0x16: {  	s3 =	sld [smem:$0x3FDB];
	s0 =	simm.s32 @p2 $0x1  }
0x17: {  	s4 =	simm.s32 $0x1BF5;
	[smem:$0x3FB8] =	sst s0  }
0x18: {  	s0 =	sld [smem:$0x3F9B];
	_ =	swait.ge [sflag:s4], $0x0  }
0x19: {  	s7 =	sld [smem:$0x3F9C]  }
0x1a: {  	s8 =	sadd.s32 $0xFFFFE003, lr  }
0x1b: {  	s9 =	sadd.s32 $0xFFFFFEF7, lr;
	s5 =	simm.s32 $0xFFFFFFFF;
	p2 =	slt.u32 s8, $0xFFFFF086  }
0x1c: {  	p1 =	slt.u32 s9, $0xF7A;
	s5 =	simm.s32 @!p2 $0x0  }
0x1d: {  	s5 =	simm.s32 @p1 $0x1;
	p0 =	seq.s32 s7, s2  }
0x1e: {  	s7 =	smul.u32 @!p0 $0xF7A, s2;
	p2 =	seq.s32 @!p0 s5, $0x0  }
0x1f: {  	s9 =	smul.u32 $0xF7A, s1;
	s8 =	simm.s32 @!p0 $0x1BF5;
	p2 =	por !p2, p0  }
0x20: {  	[sflag:s8] =	ssyncset.s32 @!p0 $0xFFFFF086;
	s6 =	sadd.s32 @!p0 s3, s7;
	s7 =	simm.s32 @!p0 $0x108  }
0x21: {  	s3 =	sadd.s32 s3, s9;
	s6 =	sadd.s32 @!p0 $0x88, s6;
	s7 =	simm.s32 @p2 $0x1082  }
0x22: {  	[simem:s7], [sflag:s8] =	dma.local @!p0 [hbm:s6], $0xF7A  }
0x23: {  	s9 =	sor.u32 $0xD0000000, s2;
	s6 =	simm.s32 $0x108;
	_ =	swait.ge @!p0 [sflag:s8], $0x0  }
0x24: {  	s3 =	sadd.s32 $0x88, s3;
	s6 =	simm.s32 @!p1 $0x1082;
	[sflag:s4] =	ssyncset.s32 $0xFFFFF086  }
0x25: {  	[simem:s6], [sflag:s4] =	dma.local [hbm:s3], $0xF7A  }
0x26: {  	[smem:$0x3F9C] =	sst s1;
	(tag) =	ssettag s2;
	_ =	strace s9  }
0x27: {  	s1 =	sld [smem:$0x3FAC]  }
0x28: {  	s2 =	sld [smem:$0x3FAD]  }
0x29: {  	s4 =	sld [smem:$0x3FAF]  }
0x2a: {  	p0 =	seq.s32 s5, $0x0;
	s5 =	sld [smem:$0x3FB0]  }
0x2b: {  	s6 =	sld [smem:$0x3FB1]  }
0x2c: {  	s7 =	sld [smem:$0x3FB2]  }
0x2d: {  	s3 =	simm.s32 $0x108;
	s8 =	sld [smem:$0x3FB3]  }
0x2e: {  	s3 =	simm.s32 @!p0 $0x1082;
	s9 =	sld [smem:$0x3FB4]  }
0x2f: {  	lr =	sadd.s32 s0, s3;
	s0 =	sld [smem:$0x3FAB]  }
0x30: {  	s3 =	sld [smem:$0x3FAE]  }
0x31: {  	[smem:$0x3FB7] =	sst s10  }
0x32: {  	s10 =	sld [smem:$0x3FB5];
	_ =	sdelay $0x3  }
0x33: {  	p0 =	seq.s32 s10, $0x1;
	s10 =	sld [smem:$0x3FB7];
	_ =	sdelay $0x3  }
0x34: {  	[smem:$0x3FB7] =	sst s10  }
0x35: {  	s10 =	sld [smem:$0x3FB6];
	_ =	sdelay $0x3  }
0x36: {  	p1 =	seq.s32 s10, $0x1;
	s10 =	sld [smem:$0x3FB7];
	_ =	sdelay $0x3  }
0x37: {  	[smem:$0x3FB7] =	sst s10  }
0x38: {  	s10 =	sld [smem:$0x3FB8]  }
0x39: {  	_ = 	snop;
	(pc) =	sbr.ind lr, $3  }
0x3a: {  	_ = 	snop  }
0x3b: {  	_ = 	snop  }
0x3c: {  	p2 =	seq.s32 s10, $0x1;
	s10 =	sld [smem:$0x3FB7]  }
0x3d: {  	_ =	shalt  }
0x3e: {  	_ =	shalt  }
0x3f: {  	_ =	shalt  }
0x40: {  	_ =	shalt  }
0x41: {  	_ =	shalt  }
0x42: {  	_ =	shalt  }
0x43: {  	_ =	shalt  }
0x44: {  	_ =	shalt  }
0x45: {  	_ =	shalt  }
0x46: {  	_ =	shalt  }
0x47: {  	_ =	shalt  }
0x48: {  	_ =	shalt  }
0x49: {  	_ =	shalt  }
0x4a: {  	_ =	shalt  }
0x4b: {  	_ =	shalt  }
0x4c: {  	_ =	shalt  }
0x4d: {  	_ =	shalt  }
0x4e: {  	_ =	shalt  }
0x4f: {  	_ =	shalt  }
0x50: {  	_ =	shalt  }
0x51: {  	_ =	shalt  }
0x52: {  	_ =	shalt  }
0x53: {  	_ =	shalt  }
0x54: {  	_ =	shalt  }
0x55: {  	_ =	shalt  }
0x56: {  	_ =	shalt  }
0x57: {  	_ =	shalt  }
0x58: {  	_ =	shalt  }
0x59: {  	_ =	shalt  }
0x5a: {  	_ =	shalt  }
0x5b: {  	_ =	shalt  }
0x5c: {  	_ =	shalt  }
0x5d: {  	_ =	shalt  }
0x5e: {  	_ =	shalt  }
0x5f: {  	_ =	shalt  }
0x60: {  	_ =	shalt  }
0x61: {  	_ =	shalt  }
0x62: {  	_ =	shalt  }
0x63: {  	_ =	shalt  }
0x64: {  	_ =	shalt  }
0x65: {  	_ =	shalt  }
0x66: {  	_ =	shalt  }
0x67: {  	_ =	shalt  }
0x68: {  	_ =	shalt  }
0x69: {  	_ =	shalt  }
0x6a: {  	_ =	shalt  }
0x6b: {  	_ =	shalt  }
0x6c: {  	_ =	shalt  }
0x6d: {  	_ =	shalt  }
0x6e: {  	_ =	shalt  }
0x6f: {  	_ =	shalt  }
0x70: {  	_ =	shalt  }
0x71: {  	_ =	shalt  }
0x72: {  	_ =	shalt  }
0x73: {  	_ =	shalt  }
0x74: {  	_ =	shalt  }
0x75: {  	_ =	shalt  }
0x76: {  	_ =	shalt  }
0x77: {  	_ =	shalt  }
0x78: {  	_ =	shalt  }
0x79: {  	_ =	shalt  }
0x7a: {  	_ =	shalt  }
0x7b: {  	_ =	shalt  }
0x7c: {  	_ =	shalt  }
0x7d: {  	_ =	shalt  }
0x7e: {  	_ =	shalt  }
0x7f: {  	_ =	shalt  }
0x80: {  	_ =	shalt  }
0x81: {  	_ =	shalt  }
0x82: {  	_ =	shalt  }
0x83: {  	_ =	shalt  }
0x84: {  	_ =	shalt  }
0x85: {  	_ =	shalt  }
0x86: {  	_ =	shalt  }
0x87: {  	_ =	shalt  }
.Lfunc_end0:
.L_simem_size_0:
called_computation.2_lowered:
.L_overlay_start_0:
0x88: {  	s2 =	sld [smem:$0x3FD9]  }
0x89: {  	s3 =	sld [smem:$0x3FFE];
	_ =	sdelay $0x1  }
0x8a: {  	s1 =	srdreg.scid  }
0x8b: {  	s0 =	sand.u32 $0x1, s1  }
0x8c: {  	s17 =	sshll.u32 s0, $0xA;
	s2 =	sadd.s32 s3, s2  }
0x8d: {  	s2 =	sadd.s32 s2, s17  }
0x8e: {  	[smem:$0x3FC3] =	sst s2  }
0x8f: {  	_ = 	snop  }
0x90: {  	s2 =	sld [smem:$0x3FD0];
	(tm) =	ssettm $0x1  }
0x91: {  	s18 =	sld [smem:$0x3FFB];
	_ =	sdelay $0x3  }
0x92: {  	_ =	strace s18  }
0x93: {  	s3 =	sld [smem:$0x3FFC];
	_ =	sdelay $0x3  }
0x94: {  	_ =	strace s3  }
0x95: {  	s3 =	sld [smem:$0x3FFD];
	_ =	sdelay $0x3  }
0x96: {  	_ =	strace s3  }
0x97: {  	_ =	strace $0x8FFFFFFF  }
0x98: {  	s19 =	sld [smem:$0x3FDB];
	_ =	sdelay $0x1  }
0x99: {  	s4 =	simm.s32 $_scs_section_size  }
0x9a: {  	s5 =	simm.s32 $_size__tile_overlayer_lowered;
	s6 =	simm.s32 $_tile_overlayer_lowered  }
0x9b: {  	s22 =	simm.s32 $0x1BFF;
	s21 =	sshll.u32 s6, $0x1;
	s3 =	sadd.s32 s4, s19  }
0x9c: {  	s7 =	simm.s32 $0x0;
	s20 =	sshll.u32 s5, $0x1;
	s5 =	sadd.s32 s21, s3  }
0x9d: {  	[timem:s7], [sflag:s22] =	dma.local [hbm:s5], s20  }
0x9e: {  	_ =	swait.ge [sflag:s22], s20  }
0x9f: {  	s4 =	ssub.s32 $0x0, s20;
	[sflag:s22] =	ssyncset.done $0x0  }
0xa0: {  	[sflag:s22] =	ssyncadd.s32 s4;
	_ =	sdelay $0x1  }
0xa1: {  	s23 =	simm.s32 $0x1B8B  }
0xa2: {  	_ =	swait.ge [sflag:s23], $0x1  }
0xa3: {  	[sflag:s23] =	ssyncset.done $0x0  }
0xa4: {  	s25 =	simm.s32 $0x1B8E;
	s24 =	sld [smem:$0x3FFE];
	[sflag:s23] =	ssyncadd.s32 $0xFFFFFFFF  }
0xa5: {  	s26 =	simm.s32 $execute0_lowered;
	[smem:$0x3FD2] =	sst s25  }
0xa6: {  	s5 =	sshll.u32 s26, $0x1;
	_ =	strace $0x8000004C;
	[dreg:$0x1] =	wrdreg $0xFFFFFFFF  }
0xa7: {  	s28 =	simm.s32 $_size_execute0_lowered;
	s3 =	sadd.s32 s3, s5;
	[dreg:$0x0] =	wrdreg $0x0  }
0xa8: {  	s5 =	sshll.u32 s28, $0x1;
	[dreg:$0x2] =	wrdreg s3  }
0xa9: {  	[dreg:$0x3] =	wrdreg s5  }
0xaa: {  	[dreg:$0x4] =	wrdreg $0xC0  }
0xab: {  	_ =	task [dreg:s7], $0x5FFFF  }
0xac: {  	[dreg:$0x1] =	wrdreg $0xFFFFFFFF  }
0xad: {  	[dreg:$0x0] =	wrdreg $0x60  }
0xae: {  	[dreg:$0x2] =	wrdreg s24  }
0xaf: {  	[dreg:$0x3] =	wrdreg s2  }
0xb0: {  	[dreg:$0x4] =	wrdreg $0x49000  }
0xb1: {  	[dreg:$0x5] =	wrdreg $0x61800  }
0xb2: {  	[dreg:$0x6] =	wrdreg $0x18000  }
0xb3: {  	[dreg:$0x7] =	wrdreg $0x30800  }
0xb4: {  	[dreg:$0x8] =	wrdreg $0x9  }
0xb5: {  	_ =	task.clear_ibuf [dreg:s7], $0x9FFFF;
	_ =	strace $0x9000004C  }
0xb6: {  	s29 =	simm.s32 $0x9;
	_ =	strace $0x8000004E  }
0xb7: {  	_ =	swait.ge [sflag:s29], $0x1  }
0xb8: {  	[sflag:s29] =	ssyncadd.s32 $0xFFFFFFFF  }
0xb9: {  	_ =	strace $0x9000004E  }
0xba: {  	_ =	sfence  }
0xbb: {  	s30 =	sld [smem:$0x0];
	_ =	sdelay $0x2  }
0xbc: {  	s31 =	sshll.u32 s1, $0xD;
	s1 =	sshrl.u32 s1, $0x2  }
0xbd: {  	s3 =	sand.u32 $0x4000, s31;
	s1 =	sadd.s32 s1, s30  }
0xbe: {  	s0 =	sor.u32 s3, s0;
	s1 =	sshll.u32 s1, $0x11  }
0xbf: {  	s0 =	sor.u32 s1, s0  }
0xc0: {  	s0 =	sadd.s32 $0x8F2B, s0  }
0xc1: {  	[sflag:s0] =	ssyncadd.remote.s32 $0x1  }
0xc2: {  	_ =	sfence.sel $0xFFFF  }
0xc3: {  	[dreg:$0x0] =	wrdreg $0xFFFFFFFF;
	(pc) =	sbr.abs _section_cstart, $3  }
0xc4: {  	[dreg:$0x1] =	wrdreg $0xFFFFFFFF  }
0xc5: {  	_ =	task.clear_ibuf [dreg:s7], $0x2FFFF;
	_ =	strace $0x9FFFFFFF  }
0xc6: {  	(tm) =	ssettm $0x7FFFFFFF  }
0xc7: {  	_ =	shalt  }
tec
execute0_lowered:
.L_overlay_start_1:
0x0: {  	(tag) =	ssettag $0x1  }
0x1: {  	s0 =	rddreg [dreg:$0x0]  }
0x2: {  	s4 =	rddreg [dreg:$0x1]  }
0x3: {  	s1 =	rddreg [dreg:$0x2]  }
0x4: {  	s2 =	rddreg [dreg:$0x3]  }
0x5: {  	s3 =	rddreg [dreg:$0x4]  }
0x6: {  	s5 =	rddreg [dreg:$0x5];
	s22 =	simm.s32 $0x0;
	s17 =	stileid.u32  }
0x7: {  	s7 =	srdreg.scid;
	s28 =	simm.s32 $0x1080;
	s29 =	simm.s32 $0x1480  }
0x8: {  	s30 =	simm.s32 $0x1100;
	s31 =	simm.s32 $0x1500;
	[smem:$0x7FF] =	sst s22  }
0x9: {  	s6 =	smul.u32 $0x1880, s17;
	s9 =	sand.u32 $0x1, s7;
	s18 =	sadd.s32 $0x64A00, s0  }
0xa: {  	s19 =	sadd.s32 $0x2A00, s0;
	s13 =	sshll.u32 s17, $0x6;
	s14 =	smul.u32 $0x3100, s17  }
0xb: {  	_ =	strace $0x8000004D;
	[dreg:$0x8] =	wrdreg s18;
	s11 =	ssub.s32 $0x2, s9  }
0xc: {  	[dreg:$0x14] =	wrdreg s19;
	s21 =	smul.u32 $0x31000, s9;
	s8 =	sor.u32 $0x1C04, s13  }
0xd: {  	s9 =	sshll.u32 s9, $0x4;
	s18 =	simm.s32 $0x4;
	s19 =	simm.s32 $0x2  }
0xe: {  	s10 =	sshrl.u32 s6, $0x3;
	s12 =	sshrl.u32 s11, $0x1;
	s23 =	sadd.s32 s6, s1  }
0xf: {  	s15 =	sadd.s32 s6, s2;
	s16 =	sadd.s32 s6, s3;
	s6 =	sadd.s32 s6, s5  }
0x10: {  	s9 =	sor.u32 s17, s9;
	s17 =	simm.s32 $0x1780;
	[dreg:$0xa] =	wrdreg s8  }
0x11: {  	s10 =	sadd.s32 s10, s0;
	s0 =	sadd.s32 $0xC6A00, s0;
	s20 =	ssub.s32 s11, s12  }
0x12: {  	s11 =	sadd.s32 s14, s21;
	s13 =	smul.u32 $0x18800, s9;
	s7 =	sshrl.u32 s23, $0x3  }
0x13: {  	s25 =	sshrl.u32 s16, $0x3;
	s26 =	sshrl.u32 s6, $0x3;
	s23 =	simm.s32 $0x3  }
0x14: {  	s12 =	simm.s32 $0x1200;
	s16 =	simm.s32 $0x1280;
	[dreg:$0x9] =	wrdreg s0  }
0x15: {  	s21 =	simm.s32 $0x1300;
	s14 =	simm.s32 $0x1700;
	[dreg:$0x12] =	wrdreg s25  }
0x16: {  	s9 =	simm.s32 $0x1380;
	s24 =	sadd.s32 $0xC6E00, s10;
	[dreg:$0x13] =	wrdreg s26  }
0x17: {  	s11 =	sshrl.u32 s11, $0x3;
	s10 =	sadd.s32 $0xCA000, s10;
	[dreg:$0x10] =	wrdreg s7  }
0x18: {  	s0 =	smax.u32 s20, $0x1;
	s25 =	simm.s32 $0x1000;
	[dreg:$0xb] =	wrdreg s24  }
0x19: {  	s26 =	simm.s32 $0x1400;
	s20 =	simm.s32 $0x1680;
	[dreg:$0xc] =	wrdreg s10  }
0x1a: {  	s4 =	sadd.s32 s4, s11;
	[dreg:$0xf] =	wrdreg s0;
	s10 =	sshrl.u32 s15, $0x3  }
0x1b: {  	s24 =	simm.s32 $0x80;
	s0 =	simm.s32 $0x1180;
	[dreg:$0xd] =	wrdreg s4  }
0x1c: {  	s11 =	simm.s32 $0x1;
	s4 =	sadd.s32 $0x10, s4;
	[dreg:$0x11] =	wrdreg s10  }
0x1d: {  	s15 =	simm.s32 $0x1600;
	[dreg:$0xe] =	wrdreg s4;
	s4 =	simm.s32 $0x1580  }
.LBB2_1:
0x1e: {  	[dreg:$0x7] =	wrdreg s22  }
0x1f: {  	s6 =	rddreg [dreg:$0x9]  }
0x20: {  	[spmem:s7], [sflag:s8] =	dma.local [hbm:s6], $0x310  }
0x21: {  	_ =	swait.ge [sflag:s18], $0x310  }
0x22: {  	[sflag:s18] =	ssyncset.done $0x0  }
0x23: {  	[sflag:s18] =	ssyncadd.s32 $0xFFFFFCF0  }
0x24: {  	[spmem:s10], [sflag:s8] =	dma.local [hbm:s6], $0x310  }
0x25: {  	_ =	swait.ge [sflag:s18], $0x310  }
0x26: {  	[sflag:s18] =	ssyncset.done $0x0;
	s22 =	rddreg [dreg:$0xb]  }
0x27: {  	s7 =	rddreg [dreg:$0x12];
	[sflag:s18] =	ssyncadd.s32 $0xFFFFFCF0  }
0x28: {  	[spmem:s7], [sflag:s8] =	dma.local [hbm:s22], $0x310  }
0x29: {  	_ =	swait.ge [sflag:s18], $0x310  }
0x2a: {  	[sflag:s18] =	ssyncset.done $0x0;
	s10 =	rddreg [dreg:$0xc]  }
0x2b: {  	s22 =	rddreg [dreg:$0x13];
	[sflag:s18] =	ssyncadd.s32 $0xFFFFFCF0  }
0x2c: {  	[spmem:s22], [sflag:s8] =	dma.local [hbm:s10], $0x310  }
0x2d: {  	_ =	swait.ge [sflag:s18], $0x310  }
0x2e: {  	[sflag:s18] =	ssyncset.done $0x0  }
0x2f: {  	[sflag:s18] =	ssyncadd.s32 $0xFFFFFCF0  }
0x30: {  	s10 =	simm.s32 $0x0;
	[bflag:$0x0] =	sbarrier.arrive $0xFFFF  }
.LBB2_2:
0x31: {  	s6 =	sshll.u32 s10, $0xB  }
0x32: {  	s6 =	sadd.s32 s13, s6  }
0x33: {  	s7 =	rddreg [dreg:$0x14];
	s22 =	sshrl.u32 s6, $0x3  }
0x34: {  	s8 =	simm.s32 $0x800;
	s6 =	simm.s32 $0x0;
	s7 =	sadd.s32 s7, s22  }
0x35: {  	[tilespmem:s8], [sflag:$0x3] =	stream.linear.gather [hbm4b:s7+s6], $0x800, $0x38;
	[tilespmem:$0x7A00] =	vst v63  }
0x36: {  	s8 =	rddreg [dreg:$0x8]  }
0x37: {  	s7 =	sadd.s32 s8, s22  }
0x38: {  	[tilespmem:s6], [sflag:$0x4] =	stream.linear.gather [hbm4b:s7+s6], $0x800, $0x38;
	[tilespmem:$0x7A00] =	vst v63  }
0x39: {  	_ =	swait.ge [sflag:s18], $0x800  }
0x3a: {  	[sflag:s18] =	ssyncset.done $0x0  }
0x3b: {  	[sflag:s18] =	ssyncadd.s32 $0xFFFFF800  }
0x3c: {  	_ =	swait.ge [sflag:s23], $0x800  }
0x3d: {  	[sflag:s23] =	ssyncset.done $0x0  }
0x3e: {  	p0 =	por $0x1, $0x1;
	[sflag:s23] =	ssyncadd.s32 $0xFFFFF800  }
.LBB2_3:
0x3f: {  	[tilespmem:s25], [sflag:$0x1] =	stream.indirect.gather [spmem:s3], $0x1, s6, s24, $0xb8;
	[tilespmem:$0x7A00] =	vst v63  }
0x40: {  	_ = 	snop  }
0x41: {  	[tilespmem:s26], [sflag:$0x1] =	stream.indirect.gather [spmem:s5], $0x1, s6, s24, $0xb8;
	[tilespmem:$0x7A00] =	vst v63  }
0x42: {  	s7 =	sor.u32 $0x80, s6  }
0x43: {  	[tilespmem:s28], [sflag:$0x1] =	stream.indirect.gather [spmem:s3], $0x1, s7, s24, $0xb8;
	[tilespmem:$0x7A00] =	vst v63  }
0x44: {  	_ = 	snop  }
0x45: {  	[tilespmem:s29], [sflag:$0x1] =	stream.indirect.gather [spmem:s5], $0x1, s7, s24, $0xb8;
	[tilespmem:$0x7A00] =	vst v63  }
0x46: {  	s8 =	sor.u32 $0x100, s6  }
0x47: {  	[tilespmem:s30], [sflag:$0x1] =	stream.indirect.gather [spmem:s3], $0x1, s8, s24, $0xb8;
	[tilespmem:$0x7A00] =	vst v63  }
0x48: {  	_ = 	snop  }
0x49: {  	[tilespmem:s31], [sflag:$0x1] =	stream.indirect.gather [spmem:s5], $0x1, s8, s24, $0xb8;
	[tilespmem:$0x7A00] =	vst v63  }
0x4a: {  	s22 =	sor.u32 $0x180, s6  }
0x4b: {  	[tilespmem:s0], [sflag:$0x1] =	stream.indirect.gather [spmem:s3], $0x1, s22, s24, $0xb8;
	[tilespmem:$0x7A00] =	vst v63  }
0x4c: {  	_ = 	snop  }
0x4d: {  	[tilespmem:s4], [sflag:$0x1] =	stream.indirect.gather [spmem:s5], $0x1, s22, s24, $0xb8;
	[tilespmem:$0x7A00] =	vst v63  }
0x4e: {  	_ =	swait.ge [sflag:s11], $0x80  }
0x4f: {  	[sflag:s11] =	ssyncset.done $0x0  }
0x50: {  	[sflag:s11] =	ssyncadd.s32 $0xFFFFFF80  }
0x51: {  	_ =	swait.ge [sflag:s11], $0x80  }
0x52: {  	[sflag:s11] =	ssyncset.done $0x0  }
0x53: {  	[sflag:s11] =	ssyncadd.s32 $0xFFFFFF80  }
0x54: {  	_ =	swait.ge [sflag:s11], $0x80  }
0x55: {  	[sflag:s11] =	ssyncset.done $0x0  }
0x56: {  	[sflag:s11] =	ssyncadd.s32 $0xFFFFFF80  }
0x57: {  	_ =	swait.ge [sflag:s11], $0x80  }
0x58: {  	[sflag:s11] =	ssyncset.done $0x0  }
0x59: {  	[sflag:s11] =	ssyncadd.s32 $0xFFFFFF80  }
0x5a: {  	_ =	swait.ge [sflag:s11], $0x80  }
0x5b: {  	[sflag:s11] =	ssyncset.done $0x0  }
0x5c: {  	[sflag:s11] =	ssyncadd.s32 $0xFFFFFF80  }
0x5d: {  	_ =	swait.ge [sflag:s11], $0x80  }
0x5e: {  	[sflag:s11] =	ssyncset.done $0x0  }
0x5f: {  	[sflag:s11] =	ssyncadd.s32 $0xFFFFFF80  }
0x60: {  	_ =	swait.ge [sflag:s11], $0x80  }
0x61: {  	[sflag:s11] =	ssyncset.done $0x0  }
0x62: {  	[sflag:s11] =	ssyncadd.s32 $0xFFFFFF80  }
0x63: {  	_ =	swait.ge [sflag:s11], $0x80  }
0x64: {  	[sflag:s11] =	ssyncset.done $0x0  }
0x65: {  	s8 =	sadd.s32 $0x800, s6;
	[sflag:s11] =	ssyncadd.s32 $0xFFFFFF80  }
0x66: {  	[spmem:s1] =	stream.indirect.scatter.add.f32 [tilespmem:s25], [sflag:$0x2], $0x1, s8, s24, $0xb8;
	[tilespmem:$0x7A00] =	vst v63  }
0x67: {  	_ = 	snop  }
0x68: {  	[spmem:s2] =	stream.indirect.scatter.add.f32 [tilespmem:s26], [sflag:$0x2], $0x1, s8, s24, $0xb8;
	[tilespmem:$0x7A00] =	vst v63  }
0x69: {  	s22 =	sadd.s32 $0x880, s6  }
0x6a: {  	[spmem:s1] =	stream.indirect.scatter.add.f32 [tilespmem:s28], [sflag:$0x2], $0x1, s22, s24, $0xb8;
	[tilespmem:$0x7A00] =	vst v63  }
0x6b: {  	_ = 	snop  }
0x6c: {  	[spmem:s2] =	stream.indirect.scatter.add.f32 [tilespmem:s29], [sflag:$0x2], $0x1, s22, s24, $0xb8;
	[tilespmem:$0x7A00] =	vst v63  }
0x6d: {  	s8 =	sadd.s32 $0x900, s6  }
0x6e: {  	[spmem:s1] =	stream.indirect.scatter.add.f32 [tilespmem:s30], [sflag:$0x2], $0x1, s8, s24, $0xb8;
	[tilespmem:$0x7A00] =	vst v63  }
0x6f: {  	_ = 	snop  }
0x70: {  	[spmem:s2] =	stream.indirect.scatter.add.f32 [tilespmem:s31], [sflag:$0x2], $0x1, s8, s24, $0xb8;
	[tilespmem:$0x7A00] =	vst v63  }
0x71: {  	s22 =	sadd.s32 $0x980, s6  }
0x72: {  	[spmem:s1] =	stream.indirect.scatter.add.f32 [tilespmem:s0], [sflag:$0x2], $0x1, s22, s24, $0xb8;
	[tilespmem:$0x7A00] =	vst v63  }
0x73: {  	_ = 	snop  }
0x74: {  	[spmem:s2] =	stream.indirect.scatter.add.f32 [tilespmem:s4], [sflag:$0x2], $0x1, s22, s24, $0xb8;
	[tilespmem:$0x7A00] =	vst v63  }
0x75: {  	s8 =	sor.u32 $0x200, s6  }
0x76: {  	[tilespmem:s12], [sflag:$0x1] =	stream.indirect.gather [spmem:s3], $0x1, s8, s24, $0xb8;
	[tilespmem:$0x7A00] =	vst v63  }
0x77: {  	_ = 	snop  }
0x78: {  	[tilespmem:s15], [sflag:$0x1] =	stream.indirect.gather [spmem:s5], $0x1, s8, s24, $0xb8;
	[tilespmem:$0x7A00] =	vst v63  }
0x79: {  	s22 =	sor.u32 $0x280, s6  }
0x7a: {  	[tilespmem:s16], [sflag:$0x1] =	stream.indirect.gather [spmem:s3], $0x1, s22, s24, $0xb8;
	[tilespmem:$0x7A00] =	vst v63  }
0x7b: {  	_ = 	snop  }
0x7c: {  	[tilespmem:s20], [sflag:$0x1] =	stream.indirect.gather [spmem:s5], $0x1, s22, s24, $0xb8;
	[tilespmem:$0x7A00] =	vst v63  }
0x7d: {  	s8 =	sor.u32 $0x300, s6  }
0x7e: {  	[tilespmem:s21], [sflag:$0x1] =	stream.indirect.gather [spmem:s3], $0x1, s8, s24, $0xb8;
	[tilespmem:$0x7A00] =	vst v63  }
0x7f: {  	_ = 	snop  }
0x80: {  	[tilespmem:s14], [sflag:$0x1] =	stream.indirect.gather [spmem:s5], $0x1, s8, s24, $0xb8;
	[tilespmem:$0x7A00] =	vst v63  }
0x81: {  	s22 =	sor.u32 $0x380, s6  }
0x82: {  	[tilespmem:s9], [sflag:$0x1] =	stream.indirect.gather [spmem:s3], $0x1, s22, s24, $0xb8;
	[tilespmem:$0x7A00] =	vst v63  }
0x83: {  	_ = 	snop  }
0x84: {  	[tilespmem:s17], [sflag:$0x1] =	stream.indirect.gather [spmem:s5], $0x1, s22, s24, $0xb8;
	[tilespmem:$0x7A00] =	vst v63  }
0x85: {  	_ =	swait.ge [sflag:s19], $0x80  }
0x86: {  	[sflag:s19] =	ssyncset.done $0x0  }
0x87: {  	[sflag:s19] =	ssyncadd.s32 $0xFFFFFF80  }
0x88: {  	_ =	swait.ge [sflag:s19], $0x80  }
0x89: {  	[sflag:s19] =	ssyncset.done $0x0  }
0x8a: {  	[sflag:s19] =	ssyncadd.s32 $0xFFFFFF80  }
0x8b: {  	_ =	swait.ge [sflag:s19], $0x80  }
0x8c: {  	[sflag:s19] =	ssyncset.done $0x0  }
0x8d: {  	[sflag:s19] =	ssyncadd.s32 $0xFFFFFF80  }
0x8e: {  	_ =	swait.ge [sflag:s19], $0x80  }
0x8f: {  	[sflag:s19] =	ssyncset.done $0x0  }
0x90: {  	[sflag:s19] =	ssyncadd.s32 $0xFFFFFF80  }
0x91: {  	_ =	swait.ge [sflag:s19], $0x80  }
0x92: {  	[sflag:s19] =	ssyncset.done $0x0  }
0x93: {  	[sflag:s19] =	ssyncadd.s32 $0xFFFFFF80  }
0x94: {  	_ =	swait.ge [sflag:s19], $0x80  }
0x95: {  	[sflag:s19] =	ssyncset.done $0x0  }
0x96: {  	[sflag:s19] =	ssyncadd.s32 $0xFFFFFF80  }
0x97: {  	_ =	swait.ge [sflag:s19], $0x80  }
0x98: {  	[sflag:s19] =	ssyncset.done $0x0  }
0x99: {  	[sflag:s19] =	ssyncadd.s32 $0xFFFFFF80  }
0x9a: {  	_ =	swait.ge [sflag:s19], $0x80  }
0x9b: {  	[sflag:s19] =	ssyncset.done $0x0  }
0x9c: {  	[sflag:s19] =	ssyncadd.s32 $0xFFFFFF80  }
0x9d: {  	_ =	swait.ge [sflag:s11], $0x80  }
0x9e: {  	[sflag:s11] =	ssyncset.done $0x0  }
0x9f: {  	[sflag:s11] =	ssyncadd.s32 $0xFFFFFF80  }
0xa0: {  	_ =	swait.ge [sflag:s11], $0x80  }
0xa1: {  	[sflag:s11] =	ssyncset.done $0x0  }
0xa2: {  	[sflag:s11] =	ssyncadd.s32 $0xFFFFFF80  }
0xa3: {  	_ =	swait.ge [sflag:s11], $0x80  }
0xa4: {  	[sflag:s11] =	ssyncset.done $0x0  }
0xa5: {  	[sflag:s11] =	ssyncadd.s32 $0xFFFFFF80  }
0xa6: {  	_ =	swait.ge [sflag:s11], $0x80  }
0xa7: {  	[sflag:s11] =	ssyncset.done $0x0  }
0xa8: {  	[sflag:s11] =	ssyncadd.s32 $0xFFFFFF80  }
0xa9: {  	_ =	swait.ge [sflag:s11], $0x80  }
0xaa: {  	[sflag:s11] =	ssyncset.done $0x0  }
0xab: {  	[sflag:s11] =	ssyncadd.s32 $0xFFFFFF80  }
0xac: {  	_ =	swait.ge [sflag:s11], $0x80  }
0xad: {  	[sflag:s11] =	ssyncset.done $0x0  }
0xae: {  	[sflag:s11] =	ssyncadd.s32 $0xFFFFFF80  }
0xaf: {  	_ =	swait.ge [sflag:s11], $0x80  }
0xb0: {  	[sflag:s11] =	ssyncset.done $0x0  }
0xb1: {  	[sflag:s11] =	ssyncadd.s32 $0xFFFFFF80  }
0xb2: {  	_ =	swait.ge [sflag:s11], $0x80  }
0xb3: {  	[sflag:s11] =	ssyncset.done $0x0  }
0xb4: {  	s8 =	sadd.s32 $0xA00, s6;
	[sflag:s11] =	ssyncadd.s32 $0xFFFFFF80  }
0xb5: {  	[spmem:s1] =	stream.indirect.scatter.add.f32 [tilespmem:s12], [sflag:$0x2], $0x1, s8, s24, $0xb8;
	[tilespmem:$0x7A00] =	vst v63  }
0xb6: {  	_ = 	snop  }
0xb7: {  	[spmem:s2] =	stream.indirect.scatter.add.f32 [tilespmem:s15], [sflag:$0x2], $0x1, s8, s24, $0xb8;
	[tilespmem:$0x7A00] =	vst v63  }
0xb8: {  	s22 =	sadd.s32 $0xA80, s6  }
0xb9: {  	[spmem:s1] =	stream.indirect.scatter.add.f32 [tilespmem:s16], [sflag:$0x2], $0x1, s22, s24, $0xb8;
	[tilespmem:$0x7A00] =	vst v63  }
0xba: {  	_ = 	snop  }
0xbb: {  	[spmem:s2] =	stream.indirect.scatter.add.f32 [tilespmem:s20], [sflag:$0x2], $0x1, s22, s24, $0xb8;
	[tilespmem:$0x7A00] =	vst v63  }
0xbc: {  	s8 =	sadd.s32 $0xB00, s6  }
0xbd: {  	[spmem:s1] =	stream.indirect.scatter.add.f32 [tilespmem:s21], [sflag:$0x2], $0x1, s8, s24, $0xb8;
	[tilespmem:$0x7A00] =	vst v63  }
0xbe: {  	_ = 	snop  }
0xbf: {  	[spmem:s2] =	stream.indirect.scatter.add.f32 [tilespmem:s14], [sflag:$0x2], $0x1, s8, s24, $0xb8;
	[tilespmem:$0x7A00] =	vst v63  }
0xc0: {  	s22 =	sadd.s32 $0xB80, s6  }
0xc1: {  	[spmem:s1] =	stream.indirect.scatter.add.f32 [tilespmem:s9], [sflag:$0x2], $0x1, s22, s24, $0xb8;
	[tilespmem:$0x7A00] =	vst v63  }
0xc2: {  	_ = 	snop  }
0xc3: {  	[spmem:s2] =	stream.indirect.scatter.add.f32 [tilespmem:s17], [sflag:$0x2], $0x1, s22, s24, $0xb8;
	[tilespmem:$0x7A00] =	vst v63  }
0xc4: {  	_ =	swait.ge [sflag:s19], $0x80  }
0xc5: {  	[sflag:s19] =	ssyncset.done $0x0  }
0xc6: {  	[sflag:s19] =	ssyncadd.s32 $0xFFFFFF80  }
0xc7: {  	_ =	swait.ge [sflag:s19], $0x80  }
0xc8: {  	[sflag:s19] =	ssyncset.done $0x0  }
0xc9: {  	[sflag:s19] =	ssyncadd.s32 $0xFFFFFF80  }
0xca: {  	_ =	swait.ge [sflag:s19], $0x80  }
0xcb: {  	[sflag:s19] =	ssyncset.done $0x0  }
0xcc: {  	[sflag:s19] =	ssyncadd.s32 $0xFFFFFF80  }
0xcd: {  	_ =	swait.ge [sflag:s19], $0x80  }
0xce: {  	[sflag:s19] =	ssyncset.done $0x0  }
0xcf: {  	[sflag:s19] =	ssyncadd.s32 $0xFFFFFF80  }
0xd0: {  	_ =	swait.ge [sflag:s19], $0x80  }
0xd1: {  	[sflag:s19] =	ssyncset.done $0x0  }
0xd2: {  	[sflag:s19] =	ssyncadd.s32 $0xFFFFFF80  }
0xd3: {  	_ =	swait.ge [sflag:s19], $0x80  }
0xd4: {  	[sflag:s19] =	ssyncset.done $0x0  }
0xd5: {  	[sflag:s19] =	ssyncadd.s32 $0xFFFFFF80  }
0xd6: {  	p1 =	por p0, p0;
	_ =	swait.ge [sflag:s19], $0x80  }
.Ltmp0:
0xd7: {  	[sflag:s19] =	ssyncset.done $0x0;
	(pc) =	sbr.rel @p1 .LBB2_3-.Ltmp0, $4  }
0xd8: {  	[sflag:s19] =	ssyncadd.s32 $0xFFFFFF80  }
0xd9: {  	_ =	swait.ge [sflag:s19], $0x80  }
0xda: {  	[sflag:s19] =	ssyncset.done $0x0  }
0xdb: {  	p0 =	por $0x0, $0x0;
	s6 =	simm.s32 $0x400;
	[sflag:s19] =	ssyncadd.s32 $0xFFFFFF80  }
0xdc: {  	s10 =	sadd.s32 $0x1, s10  }
0xdd: {  	p0 =	sne.s32 s10, $0x31  }
.Ltmp1:
0xde: {  	_ = 	snop;
	(pc) =	sbr.rel @p0 .LBB2_2-.Ltmp1, $1  }
0xdf: {  	_ =	sdelay $0x3  }
0xe0: {  	[bflag:$0x0] =	sbarrier.arrive $0xFFFF  }
0xe1: {  	s8 =	rddreg [dreg:$0xa]  }
0xe2: {  	s6 =	rddreg [dreg:$0xd]  }
0xe3: {  	s10 =	simm.s32 $0x20;
	s22 =	simm.s32 $0x10;
	s7 =	rddreg [dreg:$0x10]  }
0xe4: {  	[hbm:s6@s10], [sflag:s8] =	dma.strided [spmem:s7@s22], $0x310, s11, $0x10   }
0xe5: {  	_ =	swait.ge [sflag:s18], $0x310  }
0xe6: {  	s22 =	simm.s32 $0x20;
	[sflag:s18] =	ssyncset.done $0x0;
	s6 =	rddreg [dreg:$0xe]  }
0xe7: {  	s10 =	simm.s32 $0x10;
	s7 =	rddreg [dreg:$0x11];
	[sflag:s18] =	ssyncadd.s32 $0xFFFFFCF0  }
0xe8: {  	[hbm:s6@s22], [sflag:s8] =	dma.strided [spmem:s7@s10], $0x310, s11, $0x10   }
0xe9: {  	s10 =	smov.u32 s7;
	s7 =	rddreg [dreg:$0x10];
	_ =	swait.ge [sflag:s18], $0x310  }
0xea: {  	s6 =	rddreg [dreg:$0x7]  }
0xeb: {  	s22 =	sadd.s32 $0x1, s6;
	s6 =	rddreg [dreg:$0xf]  }
0xec: {  	p0 =	sne.s32 s22, s6  }
.Ltmp2:
0xed: {  	_ = 	snop;
	(pc) =	sbr.rel @p0 .LBB2_1-.Ltmp2, $3  }
0xee: {  	_ =	sdelay $0x1  }
0xef: {  	[sflag:s18] =	ssyncset.done $0x0  }
0xf0: {  	[sflag:s18] =	ssyncadd.s32 $0xFFFFFCF0  }
0xf1: {  	_ =	sfence.sel $0x180000  }
0xf2: {  	[bflag:$0x0] =	sbarrier.arrive $0xFFFF  }
0xf3: {  	_ =	strace $0x9000004D  }
0xf4: {  	s0 =	stileid.u32;
	[bflag:$0x2] =	sbarrier.arrive $0xFFFF  }
0xf5: {  	p0 =	sne.s32 s0, $0x0;
	s0 =	rddreg [dreg:$0x6]  }
0xf6: {  	s0 =	sadd.s32 @!p0 $0x100000, s0  }
0xf7: {  	[sflag:s0] =	ssyncadd.tile.s32 @!p0 $0x1;
	_ =	shalt  }
.Lfunc_end2:
_tile_overlayer_lowered:
.L_overlay_start_2:
0xf8: {  	(tag) =	ssettag $0x2  }
0xf9: {  	s0 =	rddreg [dreg:$0x0];
	s2 =	stileid.u32  }
0xfa: {  	s1 =	rddreg [dreg:$0x1];
	p0 =	sne.s32 s2, $0x0  }
0xfb: {  	s3 =	rddreg [dreg:$0x2];
	[bflag:$0x3] =	sbarrier.arrive $0xFFFF;
	s2 =	simm.s32 @!p0 $0x1C04  }
0xfc: {  	[timem:s3], [sflag:s2] =	dma.local @!p0 [hbm:s0], s1  }
0xfd: {  	s0 =	simm.s32 @!p0 $0x4  }
0xfe: {  	_ =	swait.ge @!p0 [sflag:s0], s1  }
0xff: {  	s1 =	ssub.s32 @!p0 $0x0, s1;
	[sflag:s0] =	ssyncset.done @!p0 $0x0  }
0x100: {  	[sflag:s0] =	ssyncadd.s32 @!p0 s1  }
0x101: {  	[bflag:$0x3] =	sbarrier.arrive $0xFFFF  }
0x102: {  	_ =	shalt  }

// kernel: kernel.8.cloned.1.call-start
scs
__scs_entry_jumppad:
0x0: {  	(pc) =	sbr.rel $0x88, $3  }
0x1: {  	(tag) =	ssettag $0x0;
	lr =	simm.s32 $0x1  }
0x2: {  	[smem:$0x3F9C] =	sst lr;
	_ =	strace $0xD0000000  }
0x3: {  	_ = 	snop  }
0x4: {  	_ = 	snop  }
0x5: {  	_ = 	snop  }
0x6: {  	_ = 	snop  }
0x7: {  	_ = 	snop  }
__scs_overlays_trampoline_lowered:
0x8: {  	[smem:$0x3FAB] =	sst s0  }
0x9: {  	[smem:$0x3FAC] =	sst s1  }
0xa: {  	[smem:$0x3FAD] =	sst s2  }
0xb: {  	[smem:$0x3FAE] =	sst s3  }
0xc: {  	[smem:$0x3FAF] =	sst s4  }
0xd: {  	[smem:$0x3FB0] =	sst s5  }
0xe: {  	[smem:$0x3FB1] =	sst s6  }
0xf: {  	[smem:$0x3FB2] =	sst s7  }
0x10: {  	[smem:$0x3FB3] =	sst s8  }
0x11: {  	[smem:$0x3FB4] =	sst s9;
	s0 =	simm.s32 @!p0 $0x0  }
0x12: {  	s1 =	sld [smem:$0x3F9A];
	s0 =	simm.s32 @p0 $0x1  }
0x13: {  	[smem:$0x3FB5] =	sst s0;
	s0 =	simm.s32 @!p1 $0x0  }
0x14: {  	s2 =	sld [smem:$0x3F99];
	s0 =	simm.s32 @p1 $0x1  }
0x15: {  	[smem:$0x3FB6] =	sst s0;
	s0 =	simm.s32 @!p2 $0x0  }
0x16: {  	s3 =	sld [smem:$0x3FDB];
	s0 =	simm.s32 @p2 $0x1  }
0x17: {  	s4 =	simm.s32 $0x1BF5;
	[smem:$0x3FB8] =	sst s0  }
0x18: {  	s0 =	sld [smem:$0x3F9B];
	_ =	swait.ge [sflag:s4], $0x0  }
0x19: {  	s7 =	sld [smem:$0x3F9C]  }
0x1a: {  	s8 =	sadd.s32 $0xFFFFE003, lr  }
0x1b: {  	s9 =	sadd.s32 $0xFFFFFEF7, lr;
	s5 =	simm.s32 $0xFFFFFFFF;
	p2 =	slt.u32 s8, $0xFFFFF086  }
0x1c: {  	p1 =	slt.u32 s9, $0xF7A;
	s5 =	simm.s32 @!p2 $0x0  }
0x1d: {  	s5 =	simm.s32 @p1 $0x1;
	p0 =	seq.s32 s7, s2  }
0x1e: {  	s7 =	smul.u32 @!p0 $0xF7A, s2;
	p2 =	seq.s32 @!p0 s5, $0x0  }
0x1f: {  	s9 =	smul.u32 $0xF7A, s1;
	s8 =	simm.s32 @!p0 $0x1BF5;
	p2 =	por !p2, p0  }
0x20: {  	[sflag:s8] =	ssyncset.s32 @!p0 $0xFFFFF086;
	s6 =	sadd.s32 @!p0 s3, s7;
	s7 =	simm.s32 @!p0 $0x108  }
0x21: {  	s3 =	sadd.s32 s3, s9;
	s6 =	sadd.s32 @!p0 $0x88, s6;
	s7 =	simm.s32 @p2 $0x1082  }
0x22: {  	[simem:s7], [sflag:s8] =	dma.local @!p0 [hbm:s6], $0xF7A  }
0x23: {  	s9 =	sor.u32 $0xD0000000, s2;
	s6 =	simm.s32 $0x108;
	_ =	swait.ge @!p0 [sflag:s8], $0x0  }
0x24: {  	s3 =	sadd.s32 $0x88, s3;
	s6 =	simm.s32 @!p1 $0x1082;
	[sflag:s4] =	ssyncset.s32 $0xFFFFF086  }
0x25: {  	[simem:s6], [sflag:s4] =	dma.local [hbm:s3], $0xF7A  }
0x26: {  	[smem:$0x3F9C] =	sst s1;
	(tag) =	ssettag s2;
	_ =	strace s9  }
0x27: {  	s1 =	sld [smem:$0x3FAC]  }
0x28: {  	s2 =	sld [smem:$0x3FAD]  }
0x29: {  	s4 =	sld [smem:$0x3FAF]  }
0x2a: {  	p0 =	seq.s32 s5, $0x0;
	s5 =	sld [smem:$0x3FB0]  }
0x2b: {  	s6 =	sld [smem:$0x3FB1]  }
0x2c: {  	s7 =	sld [smem:$0x3FB2]  }
0x2d: {  	s3 =	simm.s32 $0x108;
	s8 =	sld [smem:$0x3FB3]  }
0x2e: {  	s3 =	simm.s32 @!p0 $0x1082;
	s9 =	sld [smem:$0x3FB4]  }
0x2f: {  	lr =	sadd.s32 s0, s3;
	s0 =	sld [smem:$0x3FAB]  }
0x30: {  	s3 =	sld [smem:$0x3FAE]  }
0x31: {  	[smem:$0x3FB7] =	sst s10  }
0x32: {  	s10 =	sld [smem:$0x3FB5];
	_ =	sdelay $0x3  }
0x33: {  	p0 =	seq.s32 s10, $0x1;
	s10 =	sld [smem:$0x3FB7];
	_ =	sdelay $0x3  }
0x34: {  	[smem:$0x3FB7] =	sst s10  }
0x35: {  	s10 =	sld [smem:$0x3FB6];
	_ =	sdelay $0x3  }
0x36: {  	p1 =	seq.s32 s10, $0x1;
	s10 =	sld [smem:$0x3FB7];
	_ =	sdelay $0x3  }
0x37: {  	[smem:$0x3FB7] =	sst s10  }
0x38: {  	s10 =	sld [smem:$0x3FB8]  }
0x39: {  	_ = 	snop;
	(pc) =	sbr.ind lr, $3  }
0x3a: {  	_ = 	snop  }
0x3b: {  	_ = 	snop  }
0x3c: {  	p2 =	seq.s32 s10, $0x1;
	s10 =	sld [smem:$0x3FB7]  }
0x3d: {  	_ =	shalt  }
0x3e: {  	_ =	shalt  }
0x3f: {  	_ =	shalt  }
0x40: {  	_ =	shalt  }
0x41: {  	_ =	shalt  }
0x42: {  	_ =	shalt  }
0x43: {  	_ =	shalt  }
0x44: {  	_ =	shalt  }
0x45: {  	_ =	shalt  }
0x46: {  	_ =	shalt  }
0x47: {  	_ =	shalt  }
0x48: {  	_ =	shalt  }
0x49: {  	_ =	shalt  }
0x4a: {  	_ =	shalt  }
0x4b: {  	_ =	shalt  }
0x4c: {  	_ =	shalt  }
0x4d: {  	_ =	shalt  }
0x4e: {  	_ =	shalt  }
0x4f: {  	_ =	shalt  }
0x50: {  	_ =	shalt  }
0x51: {  	_ =	shalt  }
0x52: {  	_ =	shalt  }
0x53: {  	_ =	shalt  }
0x54: {  	_ =	shalt  }
0x55: {  	_ =	shalt  }
0x56: {  	_ =	shalt  }
0x57: {  	_ =	shalt  }
0x58: {  	_ =	shalt  }
0x59: {  	_ =	shalt  }
0x5a: {  	_ =	shalt  }
0x5b: {  	_ =	shalt  }
0x5c: {  	_ =	shalt  }
0x5d: {  	_ =	shalt  }
0x5e: {  	_ =	shalt  }
0x5f: {  	_ =	shalt  }
0x60: {  	_ =	shalt  }
0x61: {  	_ =	shalt  }
0x62: {  	_ =	shalt  }
0x63: {  	_ =	shalt  }
0x64: {  	_ =	shalt  }
0x65: {  	_ =	shalt  }
0x66: {  	_ =	shalt  }
0x67: {  	_ =	shalt  }
0x68: {  	_ =	shalt  }
0x69: {  	_ =	shalt  }
0x6a: {  	_ =	shalt  }
0x6b: {  	_ =	shalt  }
0x6c: {  	_ =	shalt  }
0x6d: {  	_ =	shalt  }
0x6e: {  	_ =	shalt  }
0x6f: {  	_ =	shalt  }
0x70: {  	_ =	shalt  }
0x71: {  	_ =	shalt  }
0x72: {  	_ =	shalt  }
0x73: {  	_ =	shalt  }
0x74: {  	_ =	shalt  }
0x75: {  	_ =	shalt  }
0x76: {  	_ =	shalt  }
0x77: {  	_ =	shalt  }
0x78: {  	_ =	shalt  }
0x79: {  	_ =	shalt  }
0x7a: {  	_ =	shalt  }
0x7b: {  	_ =	shalt  }
0x7c: {  	_ =	shalt  }
0x7d: {  	_ =	shalt  }
0x7e: {  	_ =	shalt  }
0x7f: {  	_ =	shalt  }
0x80: {  	_ =	shalt  }
0x81: {  	_ =	shalt  }
0x82: {  	_ =	shalt  }
0x83: {  	_ =	shalt  }
0x84: {  	_ =	shalt  }
0x85: {  	_ =	shalt  }
0x86: {  	_ =	shalt  }
0x87: {  	_ =	shalt  }
.Lfunc_end0:
.L_simem_size_0:
called_computation_lowered:
.L_overlay_start_0:
0x88: {  	s2 =	sld [smem:$0x3FD9]  }
0x89: {  	s3 =	sld [smem:$0x3FFE];
	_ =	sdelay $0x1  }
0x8a: {  	s1 =	srdreg.scid  }
0x8b: {  	s0 =	sand.u32 $0x1, s1  }
0x8c: {  	s17 =	sshll.u32 s0, $0xA;
	s2 =	sadd.s32 s3, s2  }
0x8d: {  	s2 =	sadd.s32 s2, s17  }
0x8e: {  	[smem:$0x3FC3] =	sst s2  }
0x8f: {  	_ = 	snop  }
0x90: {  	s2 =	sld [smem:$0x3FD0];
	(tm) =	ssettm $0x1  }
0x91: {  	s18 =	sld [smem:$0x3FFB];
	_ =	sdelay $0x3  }
0x92: {  	_ =	strace s18  }
0x93: {  	s3 =	sld [smem:$0x3FFC];
	_ =	sdelay $0x3  }
0x94: {  	_ =	strace s3  }
0x95: {  	s3 =	sld [smem:$0x3FFD];
	_ =	sdelay $0x3  }
0x96: {  	_ =	strace s3  }
0x97: {  	_ =	strace $0x8FFFFFFF  }
0x98: {  	s19 =	sld [smem:$0x3FDB];
	_ =	sdelay $0x1  }
0x99: {  	s4 =	simm.s32 $_scs_section_size  }
0x9a: {  	s5 =	simm.s32 $_size__tile_overlayer_lowered;
	s6 =	simm.s32 $_tile_overlayer_lowered  }
0x9b: {  	s22 =	simm.s32 $0x1BFF;
	s21 =	sshll.u32 s6, $0x1;
	s3 =	sadd.s32 s4, s19  }
0x9c: {  	s7 =	simm.s32 $0x0;
	s20 =	sshll.u32 s5, $0x1;
	s5 =	sadd.s32 s21, s3  }
0x9d: {  	[timem:s7], [sflag:s22] =	dma.local [hbm:s5], s20  }
0x9e: {  	_ =	swait.ge [sflag:s22], s20  }
0x9f: {  	s4 =	ssub.s32 $0x0, s20;
	[sflag:s22] =	ssyncset.done $0x0  }
0xa0: {  	[sflag:s22] =	ssyncadd.s32 s4;
	_ =	sdelay $0x1  }
0xa1: {  	s23 =	simm.s32 $0x1B8B  }
0xa2: {  	_ =	swait.ge [sflag:s23], $0x1  }
0xa3: {  	[sflag:s23] =	ssyncset.done $0x0  }
0xa4: {  	s25 =	simm.s32 $0x1B8E;
	s24 =	sld [smem:$0x3FFE];
	[sflag:s23] =	ssyncadd.s32 $0xFFFFFFFF  }
0xa5: {  	s26 =	simm.s32 $execute0_lowered;
	[smem:$0x3FD2] =	sst s25  }
0xa6: {  	s5 =	sshll.u32 s26, $0x1;
	_ =	strace $0x80000046;
	[dreg:$0x1] =	wrdreg $0xFFFFFFFF  }
0xa7: {  	s28 =	simm.s32 $_size_execute0_lowered;
	s3 =	sadd.s32 s3, s5;
	[dreg:$0x0] =	wrdreg $0x0  }
0xa8: {  	s5 =	sshll.u32 s28, $0x1;
	[dreg:$0x2] =	wrdreg s3  }
0xa9: {  	[dreg:$0x3] =	wrdreg s5  }
0xaa: {  	[dreg:$0x4] =	wrdreg $0xC0  }
0xab: {  	_ =	task [dreg:s7], $0x5FFFF  }
0xac: {  	[dreg:$0x1] =	wrdreg $0xFFFFFFFF  }
0xad: {  	[dreg:$0x0] =	wrdreg $0x60  }
0xae: {  	[dreg:$0x2] =	wrdreg s24  }
0xaf: {  	[dreg:$0x3] =	wrdreg s2  }
0xb0: {  	[dreg:$0x4] =	wrdreg $0x8800  }
0xb1: {  	[dreg:$0x5] =	wrdreg $0x9  }
0xb2: {  	_ =	task.clear_ibuf [dreg:s7], $0x6FFFF;
	_ =	strace $0x90000046  }
0xb3: {  	s29 =	simm.s32 $0x9;
	_ =	strace $0x80000048  }
0xb4: {  	_ =	swait.ge [sflag:s29], $0x1  }
0xb5: {  	[sflag:s29] =	ssyncadd.s32 $0xFFFFFFFF  }
0xb6: {  	_ =	strace $0x90000048  }
0xb7: {  	_ =	sfence  }
0xb8: {  	s30 =	sld [smem:$0x0];
	_ =	sdelay $0x2  }
0xb9: {  	s31 =	sshll.u32 s1, $0xD;
	s1 =	sshrl.u32 s1, $0x2  }
0xba: {  	s3 =	sand.u32 $0x4000, s31;
	s1 =	sadd.s32 s1, s30  }
0xbb: {  	s0 =	sor.u32 s3, s0;
	s1 =	sshll.u32 s1, $0x11  }
0xbc: {  	s0 =	sor.u32 s1, s0  }
0xbd: {  	s0 =	sadd.s32 $0x8F2B, s0  }
0xbe: {  	[sflag:s0] =	ssyncadd.remote.s32 $0x1  }
0xbf: {  	_ =	sfence.sel $0xFFFF  }
0xc0: {  	[dreg:$0x0] =	wrdreg $0xFFFFFFFF;
	(pc) =	sbr.abs _section_cstart, $3  }
0xc1: {  	[dreg:$0x1] =	wrdreg $0xFFFFFFFF  }
0xc2: {  	_ =	task.clear_ibuf [dreg:s7], $0x2FFFF;
	_ =	strace $0x9FFFFFFF  }
0xc3: {  	(tm) =	ssettm $0x7FFFFFFF  }
tec
execute0_lowered:
.L_overlay_start_1:
0x0: {  	(tag) =	ssettag $0x1  }
0x1: {  	s0 =	srdreg.scid;
	s1 =	rddreg [dreg:$0x0]  }
0x2: {  	s12 =	stileid.u32;
	s7 =	rddreg [dreg:$0x1]  }
0x3: {  	s2 =	rddreg [dreg:$0x2];
	s3 =	simm.s32 $0x0;
	s13 =	simm.s32 $0x80  }
0x4: {  	s14 =	simm.s32 $0x100;
	s15 =	simm.s32 $0x180;
	s16 =	simm.s32 $0x200  }
0x5: {  	s17 =	simm.s32 $0x280;
	s18 =	simm.s32 $0x300;
	s19 =	simm.s32 $0x380  }
0x6: {  	s20 =	simm.s32 $0x400;
	s21 =	simm.s32 $0x480;
	s22 =	simm.s32 $0x500  }
0x7: {  	s23 =	simm.s32 $0x580;
	s28 =	simm.s32 $0x780;
	s5 =	smul.u32 $0x18800, s12  }
0x8: {  	s29 =	simm.s32 $0x1;
	s0 =	sand.u32 $0x1, s0;
	s8 =	smul.u32 $0x3100, s12  }
0x9: {  	[smem:$0x7FF] =	sst s3;
	s24 =	sadd.s32 $0xC6A00, s1;
	s11 =	smul.u32 $0x6200, s12  }
0xa: {  	s30 =	sshll.u32 s12, $0x6;
	s12 =	simm.s32 $0x800;
	s4 =	smul.u32 $0x188000, s0  }
0xb: {  	_ =	strace $0x80000047;
	[dreg:$0x4] =	wrdreg s24;
	s6 =	ssub.s32 $0x2, s0  }
0xc: {  	s0 =	sshll.u32 s0, $0x7;
	s24 =	simm.s32 $0x600;
	s10 =	sshrl.u32 s6, $0x1  }
0xd: {  	s0 =	sor.u32 s0, s8;
	s26 =	sshrl.u32 s11, $0x2;
	s11 =	simm.s32 $0x2  }
0xe: {  	s4 =	sadd.s32 s5, s4;
	s5 =	sadd.s32 $0xC6E00, s1;
	s25 =	ssub.s32 s6, s10  }
0xf: {  	s0 =	sshrl.u32 s0, $0x3;
	s31 =	sadd.s32 s26, s2;
	s6 =	sor.u32 $0x1C02, s30  }
0x10: {  	s26 =	simm.s32 $0x700;
	s4 =	sshrl.u32 s4, $0x3;
	s7 =	sadd.s32 s7, s0  }
0x11: {  	s8 =	smax.u32 s25, $0x1;
	s10 =	sshrl.u32 s31, $0x3;
	s9 =	sadd.s32 s4, s1  }
0x12: {  	s25 =	simm.s32 $0x680;
	s1 =	simm.s32 $0x0;
	s9 =	sadd.s32 $0x2A00, s9  }
.LBB2_1:
0x13: {  	s0 =	rddreg [dreg:$0x4]  }
0x14: {  	[spmem:s10], [sflag:s6] =	dma.local [hbm:s0], $0x310  }
0x15: {  	_ =	swait.ge [sflag:s11], $0x310  }
0x16: {  	[sflag:s11] =	ssyncset.done $0x0  }
0x17: {  	[sflag:s11] =	ssyncadd.s32 $0xFFFFFCF0  }
0x18: {  	[tilespmem:s12], [sflag:$0x2] =	stream.linear.gather [hbm4b:s5+s3], $0x80, $0x38;
	[tilespmem:$0x2100] =	vst v63  }
0x19: {  	_ =	swait.ge [sflag:s11], $0x80  }
0x1a: {  	[sflag:s11] =	ssyncset.done $0x0  }
0x1b: {  	[sflag:s11] =	ssyncadd.s32 $0xFFFFFF80  }
0x1c: {  	s31 =	sadd.s32 $0x0, s9;
	[bflag:$0x0] =	sbarrier.arrive $0xFFFF  }
0x1d: {  	[tilespmem:s3], [sflag:$0x2] =	stream.linear.gather [hbm4b:s31+s3], $0x800, $0x38;
	[tilespmem:$0x2100] =	vst v63  }
0x1e: {  	_ =	swait.ge [sflag:s11], $0x800  }
0x1f: {  	[sflag:s11] =	ssyncset.done $0x0  }
0x20: {  	[sflag:s11] =	ssyncadd.s32 $0xFFFFF800  }
0x21: {  	[spmem:s2] =	stream.indirect.scatter.add.f32 [tilespmem:s12], [sflag:$0x1], $0x1, s3, s13, $0xb8;
	[tilespmem:$0x2100] =	vst v63  }
0x22: {  	_ = 	snop  }
0x23: {  	[spmem:s2] =	stream.indirect.scatter.add.f32 [tilespmem:s12], [sflag:$0x1], $0x1, s13, s13, $0xb8;
	[tilespmem:$0x2100] =	vst v63  }
0x24: {  	_ = 	snop  }
0x25: {  	[spmem:s2] =	stream.indirect.scatter.add.f32 [tilespmem:s12], [sflag:$0x1], $0x1, s14, s13, $0xb8;
	[tilespmem:$0x2100] =	vst v63  }
0x26: {  	_ = 	snop  }
0x27: {  	[spmem:s2] =	stream.indirect.scatter.add.f32 [tilespmem:s12], [sflag:$0x1], $0x1, s15, s13, $0xb8;
	[tilespmem:$0x2100] =	vst v63  }
0x28: {  	_ = 	snop  }
0x29: {  	[spmem:s2] =	stream.indirect.scatter.add.f32 [tilespmem:s12], [sflag:$0x1], $0x1, s16, s13, $0xb8;
	[tilespmem:$0x2100] =	vst v63  }
0x2a: {  	_ = 	snop  }
0x2b: {  	[spmem:s2] =	stream.indirect.scatter.add.f32 [tilespmem:s12], [sflag:$0x1], $0x1, s17, s13, $0xb8;
	[tilespmem:$0x2100] =	vst v63  }
0x2c: {  	_ = 	snop  }
0x2d: {  	[spmem:s2] =	stream.indirect.scatter.add.f32 [tilespmem:s12], [sflag:$0x1], $0x1, s18, s13, $0xb8;
	[tilespmem:$0x2100] =	vst v63  }
0x2e: {  	_ = 	snop  }
0x2f: {  	[spmem:s2] =	stream.indirect.scatter.add.f32 [tilespmem:s12], [sflag:$0x1], $0x1, s19, s13, $0xb8;
	[tilespmem:$0x2100] =	vst v63  }
0x30: {  	_ = 	snop  }
0x31: {  	[spmem:s2] =	stream.indirect.scatter.add.f32 [tilespmem:s12], [sflag:$0x1], $0x1, s20, s13, $0xb8;
	[tilespmem:$0x2100] =	vst v63  }
0x32: {  	_ = 	snop  }
0x33: {  	[spmem:s2] =	stream.indirect.scatter.add.f32 [tilespmem:s12], [sflag:$0x1], $0x1, s21, s13, $0xb8;
	[tilespmem:$0x2100] =	vst v63  }
0x34: {  	_ = 	snop  }
0x35: {  	[spmem:s2] =	stream.indirect.scatter.add.f32 [tilespmem:s12], [sflag:$0x1], $0x1, s22, s13, $0xb8;
	[tilespmem:$0x2100] =	vst v63  }
0x36: {  	_ = 	snop  }
0x37: {  	[spmem:s2] =	stream.indirect.scatter.add.f32 [tilespmem:s12], [sflag:$0x1], $0x1, s23, s13, $0xb8;
	[tilespmem:$0x2100] =	vst v63  }
0x38: {  	_ = 	snop  }
0x39: {  	[spmem:s2] =	stream.indirect.scatter.add.f32 [tilespmem:s12], [sflag:$0x1], $0x1, s24, s13, $0xb8;
	[tilespmem:$0x2100] =	vst v63  }
0x3a: {  	_ = 	snop  }
0x3b: {  	[spmem:s2] =	stream.indirect.scatter.add.f32 [tilespmem:s12], [sflag:$0x1], $0x1, s25, s13, $0xb8;
	[tilespmem:$0x2100] =	vst v63  }
0x3c: {  	_ = 	snop  }
0x3d: {  	[spmem:s2] =	stream.indirect.scatter.add.f32 [tilespmem:s12], [sflag:$0x1], $0x1, s26, s13, $0xb8;
	[tilespmem:$0x2100] =	vst v63  }
0x3e: {  	_ = 	snop  }
0x3f: {  	[spmem:s2] =	stream.indirect.scatter.add.f32 [tilespmem:s12], [sflag:$0x1], $0x1, s28, s13, $0xb8;
	[tilespmem:$0x2100] =	vst v63  }
0x40: {  	_ =	swait.ge [sflag:s29], $0x80  }
0x41: {  	[sflag:s29] =	ssyncset.done $0x0  }
0x42: {  	[sflag:s29] =	ssyncadd.s32 $0xFFFFFF80  }
0x43: {  	_ =	swait.ge [sflag:s29], $0x80  }
0x44: {  	[sflag:s29] =	ssyncset.done $0x0  }
0x45: {  	[sflag:s29] =	ssyncadd.s32 $0xFFFFFF80  }
0x46: {  	_ =	swait.ge [sflag:s29], $0x80  }
0x47: {  	[sflag:s29] =	ssyncset.done $0x0  }
0x48: {  	[sflag:s29] =	ssyncadd.s32 $0xFFFFFF80  }
0x49: {  	_ =	swait.ge [sflag:s29], $0x80  }
0x4a: {  	[sflag:s29] =	ssyncset.done $0x0  }
0x4b: {  	[sflag:s29] =	ssyncadd.s32 $0xFFFFFF80  }
0x4c: {  	_ =	swait.ge [sflag:s29], $0x80  }
0x4d: {  	[sflag:s29] =	ssyncset.done $0x0  }
0x4e: {  	[sflag:s29] =	ssyncadd.s32 $0xFFFFFF80  }
0x4f: {  	_ =	swait.ge [sflag:s29], $0x80  }
0x50: {  	[sflag:s29] =	ssyncset.done $0x0  }
0x51: {  	[sflag:s29] =	ssyncadd.s32 $0xFFFFFF80  }
0x52: {  	_ =	swait.ge [sflag:s29], $0x80  }
0x53: {  	[sflag:s29] =	ssyncset.done $0x0  }
0x54: {  	[sflag:s29] =	ssyncadd.s32 $0xFFFFFF80  }
0x55: {  	_ =	swait.ge [sflag:s29], $0x80  }
0x56: {  	[sflag:s29] =	ssyncset.done $0x0  }
0x57: {  	[sflag:s29] =	ssyncadd.s32 $0xFFFFFF80  }
0x58: {  	_ =	swait.ge [sflag:s29], $0x80  }
0x59: {  	[sflag:s29] =	ssyncset.done $0x0  }
0x5a: {  	[sflag:s29] =	ssyncadd.s32 $0xFFFFFF80  }
0x5b: {  	_ =	swait.ge [sflag:s29], $0x80  }
0x5c: {  	[sflag:s29] =	ssyncset.done $0x0  }
0x5d: {  	[sflag:s29] =	ssyncadd.s32 $0xFFFFFF80  }
0x5e: {  	_ =	swait.ge [sflag:s29], $0x80  }
0x5f: {  	[sflag:s29] =	ssyncset.done $0x0  }
0x60: {  	[sflag:s29] =	ssyncadd.s32 $0xFFFFFF80  }
0x61: {  	_ =	swait.ge [sflag:s29], $0x80  }
0x62: {  	[sflag:s29] =	ssyncset.done $0x0  }
0x63: {  	[sflag:s29] =	ssyncadd.s32 $0xFFFFFF80  }
0x64: {  	_ =	swait.ge [sflag:s29], $0x80  }
0x65: {  	[sflag:s29] =	ssyncset.done $0x0  }
0x66: {  	[sflag:s29] =	ssyncadd.s32 $0xFFFFFF80  }
0x67: {  	_ =	swait.ge [sflag:s29], $0x80  }
0x68: {  	[sflag:s29] =	ssyncset.done $0x0  }
0x69: {  	[sflag:s29] =	ssyncadd.s32 $0xFFFFFF80  }
0x6a: {  	_ =	swait.ge [sflag:s29], $0x80  }
0x6b: {  	[sflag:s29] =	ssyncset.done $0x0  }
0x6c: {  	[sflag:s29] =	ssyncadd.s32 $0xFFFFFF80  }
0x6d: {  	_ =	swait.ge [sflag:s29], $0x80  }
0x6e: {  	s30 =	simm.s32 $0x200;
	s0 =	simm.s32 $0x100;
	[sflag:s29] =	ssyncset.done $0x0  }
.LBB2_2:
0x6f: {  	s4 =	sadd.s32 s0, s9  }
0x70: {  	[sflag:s29] =	ssyncadd.s32 $0xFFFFFF80;
	s0 =	smov.u32 s30;
	s31 =	sadd.s32 $0x100, s30  }
0x71: {  	[tilespmem:s3], [sflag:$0x2] =	stream.linear.gather [hbm4b:s4+s3], $0x800, $0x38;
	[tilespmem:$0x2100] =	vst v63  }
0x72: {  	p0 =	sne.s32 s30, $0x3000;
	_ =	swait.ge [sflag:s11], $0x800  }
0x73: {  	[sflag:s11] =	ssyncset.done $0x0  }
0x74: {  	[sflag:s11] =	ssyncadd.s32 $0xFFFFF800  }
0x75: {  	[spmem:s2] =	stream.indirect.scatter.add.f32 [tilespmem:s12], [sflag:$0x1], $0x1, s3, s13, $0xb8;
	[tilespmem:$0x2100] =	vst v63  }
0x76: {  	_ = 	snop  }
0x77: {  	[spmem:s2] =	stream.indirect.scatter.add.f32 [tilespmem:s12], [sflag:$0x1], $0x1, s13, s13, $0xb8;
	[tilespmem:$0x2100] =	vst v63  }
0x78: {  	_ = 	snop  }
0x79: {  	[spmem:s2] =	stream.indirect.scatter.add.f32 [tilespmem:s12], [sflag:$0x1], $0x1, s14, s13, $0xb8;
	[tilespmem:$0x2100] =	vst v63  }
0x7a: {  	_ = 	snop  }
0x7b: {  	[spmem:s2] =	stream.indirect.scatter.add.f32 [tilespmem:s12], [sflag:$0x1], $0x1, s15, s13, $0xb8;
	[tilespmem:$0x2100] =	vst v63  }
0x7c: {  	_ = 	snop  }
0x7d: {  	[spmem:s2] =	stream.indirect.scatter.add.f32 [tilespmem:s12], [sflag:$0x1], $0x1, s16, s13, $0xb8;
	[tilespmem:$0x2100] =	vst v63  }
0x7e: {  	_ = 	snop  }
0x7f: {  	[spmem:s2] =	stream.indirect.scatter.add.f32 [tilespmem:s12], [sflag:$0x1], $0x1, s17, s13, $0xb8;
	[tilespmem:$0x2100] =	vst v63  }
0x80: {  	_ = 	snop  }
0x81: {  	[spmem:s2] =	stream.indirect.scatter.add.f32 [tilespmem:s12], [sflag:$0x1], $0x1, s18, s13, $0xb8;
	[tilespmem:$0x2100] =	vst v63  }
0x82: {  	_ = 	snop  }
0x83: {  	[spmem:s2] =	stream.indirect.scatter.add.f32 [tilespmem:s12], [sflag:$0x1], $0x1, s19, s13, $0xb8;
	[tilespmem:$0x2100] =	vst v63  }
0x84: {  	_ = 	snop  }
0x85: {  	[spmem:s2] =	stream.indirect.scatter.add.f32 [tilespmem:s12], [sflag:$0x1], $0x1, s20, s13, $0xb8;
	[tilespmem:$0x2100] =	vst v63  }
0x86: {  	_ = 	snop  }
0x87: {  	[spmem:s2] =	stream.indirect.scatter.add.f32 [tilespmem:s12], [sflag:$0x1], $0x1, s21, s13, $0xb8;
	[tilespmem:$0x2100] =	vst v63  }
0x88: {  	_ = 	snop  }
0x89: {  	[spmem:s2] =	stream.indirect.scatter.add.f32 [tilespmem:s12], [sflag:$0x1], $0x1, s22, s13, $0xb8;
	[tilespmem:$0x2100] =	vst v63  }
0x8a: {  	_ = 	snop  }
0x8b: {  	[spmem:s2] =	stream.indirect.scatter.add.f32 [tilespmem:s12], [sflag:$0x1], $0x1, s23, s13, $0xb8;
	[tilespmem:$0x2100] =	vst v63  }
0x8c: {  	_ = 	snop  }
0x8d: {  	[spmem:s2] =	stream.indirect.scatter.add.f32 [tilespmem:s12], [sflag:$0x1], $0x1, s24, s13, $0xb8;
	[tilespmem:$0x2100] =	vst v63  }
0x8e: {  	_ = 	snop  }
0x8f: {  	[spmem:s2] =	stream.indirect.scatter.add.f32 [tilespmem:s12], [sflag:$0x1], $0x1, s25, s13, $0xb8;
	[tilespmem:$0x2100] =	vst v63  }
0x90: {  	_ = 	snop  }
0x91: {  	[spmem:s2] =	stream.indirect.scatter.add.f32 [tilespmem:s12], [sflag:$0x1], $0x1, s26, s13, $0xb8;
	[tilespmem:$0x2100] =	vst v63  }
0x92: {  	_ = 	snop  }
0x93: {  	[spmem:s2] =	stream.indirect.scatter.add.f32 [tilespmem:s12], [sflag:$0x1], $0x1, s28, s13, $0xb8;
	[tilespmem:$0x2100] =	vst v63  }
0x94: {  	_ =	swait.ge [sflag:s29], $0x80  }
0x95: {  	[sflag:s29] =	ssyncset.done $0x0  }
0x96: {  	[sflag:s29] =	ssyncadd.s32 $0xFFFFFF80  }
0x97: {  	_ =	swait.ge [sflag:s29], $0x80  }
0x98: {  	[sflag:s29] =	ssyncset.done $0x0  }
0x99: {  	[sflag:s29] =	ssyncadd.s32 $0xFFFFFF80  }
0x9a: {  	_ =	swait.ge [sflag:s29], $0x80  }
0x9b: {  	[sflag:s29] =	ssyncset.done $0x0  }
0x9c: {  	[sflag:s29] =	ssyncadd.s32 $0xFFFFFF80  }
0x9d: {  	_ =	swait.ge [sflag:s29], $0x80  }
0x9e: {  	[sflag:s29] =	ssyncset.done $0x0  }
0x9f: {  	[sflag:s29] =	ssyncadd.s32 $0xFFFFFF80  }
0xa0: {  	_ =	swait.ge [sflag:s29], $0x80  }
0xa1: {  	[sflag:s29] =	ssyncset.done $0x0  }
0xa2: {  	[sflag:s29] =	ssyncadd.s32 $0xFFFFFF80  }
0xa3: {  	_ =	swait.ge [sflag:s29], $0x80  }
0xa4: {  	[sflag:s29] =	ssyncset.done $0x0  }
0xa5: {  	[sflag:s29] =	ssyncadd.s32 $0xFFFFFF80  }
0xa6: {  	_ =	swait.ge [sflag:s29], $0x80  }
0xa7: {  	[sflag:s29] =	ssyncset.done $0x0  }
0xa8: {  	[sflag:s29] =	ssyncadd.s32 $0xFFFFFF80  }
0xa9: {  	_ =	swait.ge [sflag:s29], $0x80  }
0xaa: {  	[sflag:s29] =	ssyncset.done $0x0  }
0xab: {  	[sflag:s29] =	ssyncadd.s32 $0xFFFFFF80  }
0xac: {  	_ =	swait.ge [sflag:s29], $0x80  }
0xad: {  	[sflag:s29] =	ssyncset.done $0x0  }
0xae: {  	[sflag:s29] =	ssyncadd.s32 $0xFFFFFF80  }
0xaf: {  	_ =	swait.ge [sflag:s29], $0x80  }
0xb0: {  	[sflag:s29] =	ssyncset.done $0x0  }
0xb1: {  	[sflag:s29] =	ssyncadd.s32 $0xFFFFFF80  }
0xb2: {  	_ =	swait.ge [sflag:s29], $0x80  }
0xb3: {  	[sflag:s29] =	ssyncset.done $0x0  }
0xb4: {  	[sflag:s29] =	ssyncadd.s32 $0xFFFFFF80  }
0xb5: {  	_ =	swait.ge [sflag:s29], $0x80  }
0xb6: {  	[sflag:s29] =	ssyncset.done $0x0  }
0xb7: {  	[sflag:s29] =	ssyncadd.s32 $0xFFFFFF80  }
0xb8: {  	_ =	swait.ge [sflag:s29], $0x80  }
0xb9: {  	[sflag:s29] =	ssyncset.done $0x0  }
0xba: {  	[sflag:s29] =	ssyncadd.s32 $0xFFFFFF80  }
0xbb: {  	_ =	swait.ge [sflag:s29], $0x80  }
0xbc: {  	[sflag:s29] =	ssyncset.done $0x0  }
0xbd: {  	[sflag:s29] =	ssyncadd.s32 $0xFFFFFF80  }
.Ltmp0:
0xbe: {  	_ =	swait.ge [sflag:s29], $0x80;
	(pc) =	sbr.rel @p0 .LBB2_2-.Ltmp0, $4  }
0xbf: {  	[sflag:s29] =	ssyncset.done $0x0  }
0xc0: {  	[sflag:s29] =	ssyncadd.s32 $0xFFFFFF80  }
0xc1: {  	_ =	swait.ge [sflag:s29], $0x80  }
0xc2: {  	s30 =	smov.u32 s31;
	[sflag:s29] =	ssyncset.done $0x0  }
0xc3: {  	s0 =	sadd.s32 s0, s9;
	[sflag:s29] =	ssyncadd.s32 $0xFFFFFF80  }
0xc4: {  	[tilespmem:s3], [sflag:$0x2] =	stream.linear.gather [hbm4b:s0+s3], $0x800, $0x38;
	[tilespmem:$0x2100] =	vst v63  }
0xc5: {  	_ =	swait.ge [sflag:s11], $0x800  }
0xc6: {  	[sflag:s11] =	ssyncset.done $0x0  }
0xc7: {  	[sflag:s11] =	ssyncadd.s32 $0xFFFFF800  }
0xc8: {  	[spmem:s2] =	stream.indirect.scatter.add.f32 [tilespmem:s12], [sflag:$0x1], $0x1, s3, s13, $0xb8;
	[tilespmem:$0x2100] =	vst v63  }
0xc9: {  	_ = 	snop  }
0xca: {  	[spmem:s2] =	stream.indirect.scatter.add.f32 [tilespmem:s12], [sflag:$0x1], $0x1, s13, s13, $0xb8;
	[tilespmem:$0x2100] =	vst v63  }
0xcb: {  	_ = 	snop  }
0xcc: {  	[spmem:s2] =	stream.indirect.scatter.add.f32 [tilespmem:s12], [sflag:$0x1], $0x1, s14, s13, $0xb8;
	[tilespmem:$0x2100] =	vst v63  }
0xcd: {  	_ = 	snop  }
0xce: {  	[spmem:s2] =	stream.indirect.scatter.add.f32 [tilespmem:s12], [sflag:$0x1], $0x1, s15, s13, $0xb8;
	[tilespmem:$0x2100] =	vst v63  }
0xcf: {  	_ = 	snop  }
0xd0: {  	[spmem:s2] =	stream.indirect.scatter.add.f32 [tilespmem:s12], [sflag:$0x1], $0x1, s16, s13, $0xb8;
	[tilespmem:$0x2100] =	vst v63  }
0xd1: {  	_ = 	snop  }
0xd2: {  	[spmem:s2] =	stream.indirect.scatter.add.f32 [tilespmem:s12], [sflag:$0x1], $0x1, s17, s13, $0xb8;
	[tilespmem:$0x2100] =	vst v63  }
0xd3: {  	_ = 	snop  }
0xd4: {  	[spmem:s2] =	stream.indirect.scatter.add.f32 [tilespmem:s12], [sflag:$0x1], $0x1, s18, s13, $0xb8;
	[tilespmem:$0x2100] =	vst v63  }
0xd5: {  	_ = 	snop  }
0xd6: {  	[spmem:s2] =	stream.indirect.scatter.add.f32 [tilespmem:s12], [sflag:$0x1], $0x1, s19, s13, $0xb8;
	[tilespmem:$0x2100] =	vst v63  }
0xd7: {  	_ = 	snop  }
0xd8: {  	[spmem:s2] =	stream.indirect.scatter.add.f32 [tilespmem:s12], [sflag:$0x1], $0x1, s20, s13, $0xb8;
	[tilespmem:$0x2100] =	vst v63  }
0xd9: {  	_ = 	snop  }
0xda: {  	[spmem:s2] =	stream.indirect.scatter.add.f32 [tilespmem:s12], [sflag:$0x1], $0x1, s21, s13, $0xb8;
	[tilespmem:$0x2100] =	vst v63  }
0xdb: {  	_ = 	snop  }
0xdc: {  	[spmem:s2] =	stream.indirect.scatter.add.f32 [tilespmem:s12], [sflag:$0x1], $0x1, s22, s13, $0xb8;
	[tilespmem:$0x2100] =	vst v63  }
0xdd: {  	_ = 	snop  }
0xde: {  	[spmem:s2] =	stream.indirect.scatter.add.f32 [tilespmem:s12], [sflag:$0x1], $0x1, s23, s13, $0xb8;
	[tilespmem:$0x2100] =	vst v63  }
0xdf: {  	_ = 	snop  }
0xe0: {  	[spmem:s2] =	stream.indirect.scatter.add.f32 [tilespmem:s12], [sflag:$0x1], $0x1, s24, s13, $0xb8;
	[tilespmem:$0x2100] =	vst v63  }
0xe1: {  	_ = 	snop  }
0xe2: {  	[spmem:s2] =	stream.indirect.scatter.add.f32 [tilespmem:s12], [sflag:$0x1], $0x1, s25, s13, $0xb8;
	[tilespmem:$0x2100] =	vst v63  }
0xe3: {  	_ = 	snop  }
0xe4: {  	[spmem:s2] =	stream.indirect.scatter.add.f32 [tilespmem:s12], [sflag:$0x1], $0x1, s26, s13, $0xb8;
	[tilespmem:$0x2100] =	vst v63  }
0xe5: {  	_ = 	snop  }
0xe6: {  	[spmem:s2] =	stream.indirect.scatter.add.f32 [tilespmem:s12], [sflag:$0x1], $0x1, s28, s13, $0xb8;
	[tilespmem:$0x2100] =	vst v63  }
0xe7: {  	_ =	swait.ge [sflag:s29], $0x80  }
0xe8: {  	[sflag:s29] =	ssyncset.done $0x0  }
0xe9: {  	[sflag:s29] =	ssyncadd.s32 $0xFFFFFF80  }
0xea: {  	_ =	swait.ge [sflag:s29], $0x80  }
0xeb: {  	[sflag:s29] =	ssyncset.done $0x0  }
0xec: {  	[sflag:s29] =	ssyncadd.s32 $0xFFFFFF80  }
0xed: {  	_ =	swait.ge [sflag:s29], $0x80  }
0xee: {  	[sflag:s29] =	ssyncset.done $0x0  }
0xef: {  	[sflag:s29] =	ssyncadd.s32 $0xFFFFFF80  }
0xf0: {  	_ =	swait.ge [sflag:s29], $0x80  }
0xf1: {  	[sflag:s29] =	ssyncset.done $0x0  }
0xf2: {  	[sflag:s29] =	ssyncadd.s32 $0xFFFFFF80  }
0xf3: {  	_ =	swait.ge [sflag:s29], $0x80  }
0xf4: {  	[sflag:s29] =	ssyncset.done $0x0  }
0xf5: {  	[sflag:s29] =	ssyncadd.s32 $0xFFFFFF80  }
0xf6: {  	_ =	swait.ge [sflag:s29], $0x80  }
0xf7: {  	[sflag:s29] =	ssyncset.done $0x0  }
0xf8: {  	[sflag:s29] =	ssyncadd.s32 $0xFFFFFF80  }
0xf9: {  	_ =	swait.ge [sflag:s29], $0x80  }
0xfa: {  	[sflag:s29] =	ssyncset.done $0x0  }
0xfb: {  	[sflag:s29] =	ssyncadd.s32 $0xFFFFFF80  }
0xfc: {  	_ =	swait.ge [sflag:s29], $0x80  }
0xfd: {  	[sflag:s29] =	ssyncset.done $0x0  }
0xfe: {  	[sflag:s29] =	ssyncadd.s32 $0xFFFFFF80  }
0xff: {  	_ =	swait.ge [sflag:s29], $0x80  }
0x100: {  	[sflag:s29] =	ssyncset.done $0x0  }
0x101: {  	[sflag:s29] =	ssyncadd.s32 $0xFFFFFF80  }
0x102: {  	_ =	swait.ge [sflag:s29], $0x80  }
0x103: {  	[sflag:s29] =	ssyncset.done $0x0  }
0x104: {  	[sflag:s29] =	ssyncadd.s32 $0xFFFFFF80  }
0x105: {  	_ =	swait.ge [sflag:s29], $0x80  }
0x106: {  	[sflag:s29] =	ssyncset.done $0x0  }
0x107: {  	[sflag:s29] =	ssyncadd.s32 $0xFFFFFF80  }
0x108: {  	_ =	swait.ge [sflag:s29], $0x80  }
0x109: {  	[sflag:s29] =	ssyncset.done $0x0  }
0x10a: {  	[sflag:s29] =	ssyncadd.s32 $0xFFFFFF80  }
0x10b: {  	_ =	swait.ge [sflag:s29], $0x80  }
0x10c: {  	[sflag:s29] =	ssyncset.done $0x0  }
0x10d: {  	[sflag:s29] =	ssyncadd.s32 $0xFFFFFF80  }
0x10e: {  	_ =	swait.ge [sflag:s29], $0x80  }
0x10f: {  	[sflag:s29] =	ssyncset.done $0x0  }
0x110: {  	[sflag:s29] =	ssyncadd.s32 $0xFFFFFF80  }
0x111: {  	_ =	swait.ge [sflag:s29], $0x80  }
0x112: {  	[sflag:s29] =	ssyncset.done $0x0  }
0x113: {  	[sflag:s29] =	ssyncadd.s32 $0xFFFFFF80  }
0x114: {  	_ =	swait.ge [sflag:s29], $0x80  }
0x115: {  	s1 =	sadd.s32 $0x1, s1;
	[sflag:s29] =	ssyncset.done $0x0  }
0x116: {  	s31 =	simm.s32 $0x20;
	p0 =	sne.s32 s1, s8;
	[sflag:s29] =	ssyncadd.s32 $0xFFFFFF80  }
.Ltmp1:
0x117: {  	s4 =	simm.s32 $0x10;
	[bflag:$0x0] =	sbarrier.arrive $0xFFFF;
	(pc) =	sbr.rel @p0 .LBB2_1-.Ltmp1, $4  }
0x118: {  	[hbm:s7@s31], [sflag:s6] =	dma.strided [spmem:s10@s4], $0x310, s29, $0x10   }
0x119: {  	_ =	swait.ge [sflag:s11], $0x310  }
0x11a: {  	[sflag:s11] =	ssyncset.done $0x0  }
0x11b: {  	[sflag:s11] =	ssyncadd.s32 $0xFFFFFCF0  }
0x11c: {  	_ =	sfence.sel $0x180000  }
0x11d: {  	[bflag:$0x0] =	sbarrier.arrive $0xFFFF  }
0x11e: {  	_ =	strace $0x90000047  }
0x11f: {  	s0 =	stileid.u32;
	[bflag:$0x2] =	sbarrier.arrive $0xFFFF  }
0x120: {  	p0 =	sne.s32 s0, $0x0;
	s0 =	rddreg [dreg:$0x3]  }
0x121: {  	s0 =	sadd.s32 @!p0 $0x100000, s0  }
0x122: {  	[sflag:s0] =	ssyncadd.tile.s32 @!p0 $0x1;
	_ =	shalt  }
.Lfunc_end2:
_tile_overlayer_lowered:
.L_overlay_start_2:
0x123: {  	(tag) =	ssettag $0x2  }
0x124: {  	s0 =	rddreg [dreg:$0x0];
	s2 =	stileid.u32  }
0x125: {  	s1 =	rddreg [dreg:$0x1];
	p0 =	sne.s32 s2, $0x0  }
0x126: {  	s3 =	rddreg [dreg:$0x2];
	[bflag:$0x3] =	sbarrier.arrive $0xFFFF;
	s2 =	simm.s32 @!p0 $0x1C02  }
0x127: {  	[timem:s3], [sflag:s2] =	dma.local @!p0 [hbm:s0], s1  }
0x128: {  	s0 =	simm.s32 @!p0 $0x2  }
0x129: {  	_ =	swait.ge @!p0 [sflag:s0], s1  }
0x12a: {  	s1 =	ssub.s32 @!p0 $0x0, s1;
	[sflag:s0] =	ssyncset.done @!p0 $0x0  }
0x12b: {  	[sflag:s0] =	ssyncadd.s32 @!p0 s1  }
0x12c: {  	[bflag:$0x3] =	sbarrier.arrive $0xFFFF  }
0x12d: {  	_ =	shalt  }

</sc_bundles>
